<compile_context>
chip_gen: v7x
topology: tpu7x:2x2x1
jax: 0.10.2.dev20260603
libtpu: 0.0.44.dev20260713+nightly
codegen_flags: <defaults>
</compile_context>

<pallas_src>
import jax
import jax.numpy as jnp
from jax import lax
from jax.experimental import pallas as pl
from jax.experimental.pallas import tpu as pltpu
from jax.experimental.pallas import tpu_sc as plsc

N = 100000
E = 1600000
IN = 28
HID = 128
G = 128
EDIM = 20

NC, NS, L = 2, 16, 16
KB = 8
KE = KB * 128
NBLK = (E // 128) // KB
TROW = (E // 128) - NBLK * KB
NSTRIPE = N // NS
NP = 102400

BR = 2000
EG = (E // 8) // BR


def _edge_body(ex_ref, w_ref, b_ref, out_ref):
    v = (jnp.dot(ex_ref[...], w_ref[...], preferred_element_type=jnp.float32)
         + b_ref[...])
    out_ref[0, :, :] = v[:, 0:128]
    out_ref[1, :, :] = v[:, 128:256]


def _edge_mlp(ex_r8, wb, bb):
    return pl.pallas_call(
        _edge_body,
        grid=(EG,),
        in_specs=[
            pl.BlockSpec((BR, 8 * EDIM), lambda i: (i, 0)),
            pl.BlockSpec((8 * EDIM, 256), lambda i: (0, 0)),
            pl.BlockSpec((1, 256), lambda i: (0, 0)),
        ],
        out_specs=pl.BlockSpec((2, BR, 128), lambda i: (0, i, 0)),
        out_shape=jax.ShapeDtypeStruct((2, E // 8, 128), jnp.float32),
    )(ex_r8, wb, bb)


def _sc_body(tab, src2, dstm, e2, out,
             idx_s2, idx_d2, xg, eb, aggr_sh, sem, sem_i, sem_w):
    c = lax.axis_index("c")
    s = lax.axis_index("s")

    def _z(i, _):
        xg[i, :] = jnp.zeros((L,), jnp.float32)
        return 0
    lax.fori_loop(0, KE, _z, 0)
    for k in range(NSTRIPE // KE):
        pltpu.sync_copy(xg.at[pl.ds(0, KE)],
                        aggr_sh.at[pl.ds(s * NSTRIPE + k * KE, KE)])
    rem = NSTRIPE - (NSTRIPE // KE) * KE
    pltpu.sync_copy(xg.at[pl.ds(0, rem)],
                    aggr_sh.at[pl.ds(s * NSTRIPE + NSTRIPE - rem, rem)])

    plsc.subcore_barrier()

    nit = (NBLK - s + NS - 1) // NS
    maxrow = (E // 128) - KB

    pltpu.sync_copy(src2.at[c, pl.ds(s * KB, KB)], idx_s2.at[0])
    pltpu.sync_copy(dstm.at[pl.ds(s * KB, KB)], idx_d2.at[0])

    def _blk(i, _):
        par = lax.rem(i, 2)
        nxt = 1 - par
        row0 = (s + i * NS) * KB

        @pl.when(i > 0)
        def _drain():
            pltpu.make_async_copy(tab.at[pl.ds(0, KE)], xg, sem_w).wait()

        descs = [
            pltpu.async_copy(tab.at[idx_s2.at[par, j]],
                             xg.at[pl.ds(j * 128, 128)], sem)
            for j in range(KB)
        ]
        rown = jnp.minimum(row0 + NS * KB, maxrow)
        dp1 = pltpu.async_copy(src2.at[c, pl.ds(rown, KB)],
                               idx_s2.at[nxt], sem_i)
        dp2 = pltpu.async_copy(dstm.at[pl.ds(rown, KB)],
                               idx_d2.at[nxt], sem_i)
        for h in range(2):
            erh = (KB // 2) * 16
            pltpu.sync_copy(e2.at[c, pl.ds(row0 * 16 + h * erh, erh)],
                            eb.at[pl.ds(0, erh)])
            for j in range(h * KB // 2, (h + 1) * KB // 2):
                descs[j].wait()
            base = h * (KB // 2) * 128

            def _m(r, _):
                for j in range(8):
                    v = xg[base + r * 8 + j, :] + eb[r, pl.ds(j * 16, 16)]
                    xg[base + r * 8 + j, :] = jnp.maximum(v, 0.0)
                return 0
            lax.fori_loop(0, erh, _m, 0)

            for j in range(h * KB // 2, (h + 1) * KB // 2):
                pltpu.async_copy(xg.at[pl.ds(j * 128, 128)],
                                 aggr_sh.at[idx_d2.at[par, j]], sem_w,
                                 add=True)
        dp1.wait()
        dp2.wait()
        return 0
    lax.fori_loop(0, nit, _blk, 0)
    pltpu.make_async_copy(tab.at[pl.ds(0, KE)], xg, sem_w).wait()

    @pl.when(s == NS - 1)
    def _tail():
        pltpu.sync_copy(src2.at[c, pl.ds(NBLK * KB, TROW)],
                        idx_s2.at[0, pl.ds(0, TROW)])
        pltpu.sync_copy(dstm.at[pl.ds(NBLK * KB, TROW)],
                        idx_d2.at[0, pl.ds(0, TROW)])
        tdescs = [
            pltpu.async_copy(tab.at[idx_s2.at[0, j]],
                             xg.at[pl.ds(j * 128, 128)], sem)
            for j in range(TROW)
        ]
        pltpu.sync_copy(e2.at[c, pl.ds(NBLK * KB * 16, TROW * 16)],
                        eb.at[pl.ds(0, TROW * 16)])
        for d in tdescs:
            d.wait()

        def _mt(r, _):
            for j in range(8):
                v = xg[r * 8 + j, :] + eb[r, pl.ds(j * 16, 16)]
                xg[r * 8 + j, :] = jnp.maximum(v, 0.0)
            return 0
        lax.fori_loop(0, TROW * 16, _mt, 0)
        for j in range(TROW):
            pltpu.sync_copy(xg.at[pl.ds(j * 128, 128)],
                            aggr_sh.at[idx_d2.at[0, j]], add=True)

    plsc.subcore_barrier()

    pltpu.sync_copy(aggr_sh.at[pl.ds(s * NSTRIPE, NSTRIPE)],
                    out.at[c, pl.ds(s * NSTRIPE, NSTRIPE)])


def _sc_aggregate(tab, src2, dstm, e2):
    mesh = plsc.VectorSubcoreMesh(core_axis_name="c", subcore_axis_name="s",
                                  num_cores=NC, num_subcores=NS)
    f = pl.kernel(
        _sc_body,
        out_type=jax.ShapeDtypeStruct((NC, N, L), jnp.float32),
        mesh=mesh,
        compiler_params=pltpu.CompilerParams(use_tc_tiling_on_sc=False),
        scratch_types=[
            pltpu.VMEM((2, KB, 128), jnp.int32),
            pltpu.VMEM((2, KB, 128), jnp.int32),
            pltpu.VMEM((KE, L), jnp.float32),
            pltpu.VMEM((KE * 16 // 256, 128), jnp.float32),
            pltpu.VMEM_SHARED((N, L), jnp.float32),
            pltpu.SemaphoreType.DMA,
            pltpu.SemaphoreType.DMA,
            pltpu.SemaphoreType.DMA,
        ],
    )
    return f(tab, src2, dstm, e2)


BN = 4000
NG = N // BN


def _node_body(x_ref, ag_ref, bt_ref, w1_ref, b1_ref, w2_ref, b2_ref,
               gm_ref, bt2_ref, wp_ref, bp_ref, wm_ref, bm_ref,
               out_ref, s_acc, c_acc, st_acc):
    i = pl.program_id(0)

    @pl.when(i == 0)
    def _init():
        s_acc[...] = jnp.zeros((G, HID), jnp.float32)
        c_acc[...] = jnp.zeros((G, HID), jnp.float32)
        st_acc[...] = jnp.zeros((8, HID), jnp.float32)

    xb = x_ref[...]
    h0 = 2.0 * xb + jnp.concatenate(
        [ag_ref[0, :, 0:14], ag_ref[1, :, 0:14]], axis=1)
    h1 = jnp.maximum(
        jnp.dot(h0, w1_ref[...], preferred_element_type=jnp.float32)
        + b1_ref[...], 0.0)
    h2 = (jnp.dot(h1, w2_ref[...], preferred_element_type=jnp.float32)
          + b2_ref[...])
    h3 = jnp.maximum(h2, 0.0)

    bb = bt_ref[0, 0, :]
    oh = (bb[:, None] == lax.broadcasted_iota(jnp.int32, (1, G), 1)
          ).astype(jnp.float32)
    dn = (((0,), (0,)), ((), ()))
    s_acc[...] += lax.dot_general(oh, h3, dn,
                                  preferred_element_type=jnp.float32)
    c_acc[...] += lax.dot_general(oh, jnp.ones((BN, HID), jnp.float32), dn,
                                  preferred_element_type=jnp.float32)
    st_acc[0:1, :] += jnp.sum(h3, axis=0, keepdims=True)
    st_acc[1:2, :] += jnp.sum(h3 * h3, axis=0, keepdims=True)

    @pl.when(i == NG - 1)
    def _fin():
        nf = jnp.float32(N)
        mean = st_acc[0:1, :] / nf
        var = st_acc[1:2, :] / nf - mean * mean
        sf = gm_ref[...] * lax.rsqrt(var + 1e-5)
        tf = bt2_ref[...] - mean * sf
        g = s_acc[...] * sf + c_acc[...] * tf
        q = (jnp.dot(g, wp_ref[...], preferred_element_type=jnp.float32)
             + bp_ref[...])
        q = jnp.where(q > 0, q, 0.01 * q)
        o = (jnp.dot(q, wm_ref[...], preferred_element_type=jnp.float32)
             + bm_ref[...])
        out_ref[...] = 1.0 / (1.0 + jnp.exp(-o))


def _node_pipeline(x, aggr2, batch3, w1, b1, w2, b2, gm, bt, wp, bp, wm, bm):
    return pl.pallas_call(
        _node_body,
        grid=(NG,),
        in_specs=[
            pl.BlockSpec((BN, IN), lambda i: (i, 0)),
            pl.BlockSpec((2, BN, L), lambda i: (0, i, 0)),
            pl.BlockSpec((1, 1, BN), lambda i: (i, 0, 0)),
            pl.BlockSpec((IN, HID), lambda i: (0, 0)),
            pl.BlockSpec((1, HID), lambda i: (0, 0)),
            pl.BlockSpec((HID, HID), lambda i: (0, 0)),
            pl.BlockSpec((1, HID), lambda i: (0, 0)),
            pl.BlockSpec((1, HID), lambda i: (0, 0)),
            pl.BlockSpec((1, HID), lambda i: (0, 0)),
            pl.BlockSpec((HID, HID), lambda i: (0, 0)),
            pl.BlockSpec((1, HID), lambda i: (0, 0)),
            pl.BlockSpec((HID, HID), lambda i: (0, 0)),
            pl.BlockSpec((1, HID), lambda i: (0, 0)),
        ],
        out_specs=pl.BlockSpec((G, HID), lambda i: (0, 0)),
        out_shape=jax.ShapeDtypeStruct((G, HID), jnp.float32),
        scratch_shapes=[
            pltpu.VMEM((G, HID), jnp.float32),
            pltpu.VMEM((G, HID), jnp.float32),
            pltpu.VMEM((8, HID), jnp.float32),
        ],
    )(x, aggr2, batch3, w1, b1, w2, b2, gm, bt, wp, bp, wm, bm)


def kernel(x, edge_index, edge_x, batch, W_edge, b_edge, W1, b1, W2, b2,
           gamma, beta, Wp, bp, Wm, bm):
    src = edge_index[0].astype(jnp.int32)
    dst = edge_index[1].astype(jnp.int32)
    src2 = jnp.stack([src, src + NP]).reshape(NC, E // 128, 128)
    dstm = dst.reshape(E // 128, 128)
    ex_r8 = edge_x.reshape(E // 8, 8 * EDIM)
    w30 = jnp.zeros((EDIM, 30), jnp.float32).at[:, :IN].set(W_edge)
    b30 = jnp.zeros((30,), jnp.float32).at[:IN].set(b_edge)
    wb = jnp.zeros((8 * EDIM, 256), jnp.float32)
    bb = jnp.zeros((1, 256), jnp.float32)
    for a in range(8):
        for cc in range(NC):
            col = 128 * cc + 16 * a
            wb = wb.at[20 * a:20 * a + 20, col:col + 16].set(
                w30[:, 14 * cc:14 * cc + 16])
            bb = bb.at[0, col:col + 16].set(b30[14 * cc:14 * cc + 16])
    batch3 = batch.astype(jnp.int32).reshape(NG, 1, BN)

    tab = jnp.concatenate(
        [jnp.pad(x[:, 0:16], ((0, NP - N), (0, 0))),
         jnp.pad(x[:, 14:28], ((0, NP - N), (0, 2)))], axis=0)

    e2 = _edge_mlp(ex_r8, wb, bb)
    aggr2 = _sc_aggregate(tab, src2, dstm, e2)
    return _node_pipeline(
        x, aggr2, batch3, W1, b1.reshape(1, HID), W2, b2.reshape(1, HID),
        gamma.reshape(1, HID), beta.reshape(1, HID), Wp, bp.reshape(1, HID),
        Wm, bm.reshape(1, HID))

# --- scband reference (transcript-rebuilt; emitter-appended) ---
"""Pipeline reference for scband-matching-network-31026843746841 (READ-ONLY COPY).

The authoritative reference and input builder live on the scoring server;
editing this copy changes nothing except your own understanding.
"""

import jax, jax.numpy as jnp
import numpy as np

N = 100000
E = 1600000
IN = 28
HID = 128
PROJ = 128
OUT = 128
G = 128
EDIM = 20
EPS_GINE = 1.0  # module passes eps=True -> float(True) == 1.0


def setup_inputs(seed: int = 0) -> dict:
    key = jax.random.key(seed)
    ks = jax.random.split(key, 12)
    x = jax.random.normal(ks[0], (N, IN), dtype=jnp.float32)
    edge_index = jax.random.randint(ks[1], (2, E), 0, N, dtype=jnp.int64)
    edge_x = jax.random.normal(ks[2], (E, EDIM), dtype=jnp.float32)
    batch = jnp.sort(jax.random.randint(ks[3], (N,), 0, G, dtype=jnp.int64))
    def lin(k, fan_in, shape):
        return (jax.random.normal(k, shape, dtype=jnp.float32) / np.sqrt(fan_in)).astype(jnp.float32)
    # GINEConv edge embedding: Linear(edge_dim=20 -> in_channels=28)
    W_edge = lin(ks[4], EDIM, (EDIM, IN)); b_edge = jnp.zeros((IN,), jnp.float32)
    # GINEConv nn: Linear(28->128), ReLU, Dropout(eval=identity), Linear(128->128)
    W1 = lin(ks[5], IN, (IN, HID)); b1 = jnp.zeros((HID,), jnp.float32)
    W2 = lin(ks[6], HID, (HID, HID)); b2 = jnp.zeros((HID,), jnp.float32)
    gamma = jnp.ones((HID,), jnp.float32); beta = jnp.zeros((HID,), jnp.float32)
    Wp = lin(ks[7], HID, (HID, PROJ)); bp = jnp.zeros((PROJ,), jnp.float32)
    Wm = lin(ks[8], PROJ, (PROJ, OUT)); bm = jnp.zeros((OUT,), jnp.float32)
    return {"x": x, "edge_index": edge_index, "edge_x": edge_x, "batch": batch,
            "W_edge": W_edge, "b_edge": b_edge, "W1": W1, "b1": b1, "W2": W2, "b2": b2,
            "gamma": gamma, "beta": beta, "Wp": Wp, "bp": bp, "Wm": Wm, "bm": bm}


def reference(x, edge_index, edge_x, batch, W_edge, b_edge, W1, b1, W2, b2, gamma, beta, Wp, bp, Wm, bm):
    src = edge_index[0]
    dst = edge_index[1]
    # GINEConv message: relu(x_j + Linear(edge_attr)), aggregated by sum at dst
    e = edge_x @ W_edge + b_edge
    m = jax.nn.relu(x[src] + e)
    aggr = jax.ops.segment_sum(m, dst, num_segments=N)
    h = (1.0 + EPS_GINE) * x + aggr
    # nn MLP (dropout is identity in eval)
    h = jax.nn.relu(h @ W1 + b1)
    h = h @ W2 + b2
    # forward: relu then BatchNorm1d (training-mode batch stats, biased variance)
    h = jax.nn.relu(h)
    mean = jnp.mean(h, axis=0)
    var = jnp.var(h, axis=0)
    h = (h - mean) / jnp.sqrt(var + 1e-5) * gamma + beta
    # global_add_pool over graph ids
    g = jax.ops.segment_sum(h, batch, num_segments=G)
    # q_num_layers == 1 -> cat is identity; project
    q = g @ Wp + bp
    q = jax.nn.leaky_relu(q, 0.01)
    # q_num == 1 -> outer cat is identity; matcher + sigmoid
    out = q @ Wm + bm
    return jax.nn.sigmoid(out)

if __name__ == "__main__":
    import jax
    _d = setup_inputs()
    print(jax.jit(kernel)(*tuple(_d.values())))

</pallas_src>

<mosaic_0001>
#map = affine_map<(d0, d1) -> (0, 0)>
#map1 = affine_map<(d0, d1) -> (0, 0, 0)>
module attributes {stable_mosaic.version = 14 : i64} {
  func.func @_sc_body(%arg0: i32, %arg1: i32, %arg2: memref<204800x16xf32, #tpu.memory_space<hbm>>, %arg3: memref<2x12500x128xi32, #tpu.memory_space<hbm>>, %arg4: memref<12500x128xi32, #tpu.memory_space<hbm>>, %arg5: memref<2x200000x128xf32, #tpu.memory_space<hbm>>, %arg6: memref<2x100000x16xf32, #tpu.memory_space<hbm>>, %arg7: memref<2x8x128xi32, #tpu.memory_space<vmem>>, %arg8: memref<2x8x128xi32, #tpu.memory_space<vmem>>, %arg9: memref<1024x16xf32, #tpu.memory_space<vmem>>, %arg10: memref<64x128xf32, #tpu.memory_space<vmem>>, %arg11: memref<100000x16xf32, #tpu.memory_space<vmem_shared>>, %arg12: memref<!tpu.dma_semaphore, #tpu.memory_space<semaphore_mem>>, %arg13: memref<!tpu.dma_semaphore, #tpu.memory_space<semaphore_mem>>, %arg14: memref<!tpu.dma_semaphore, #tpu.memory_space<semaphore_mem>>) attributes {dimension_semantics = [#tpu.dimension_semantics<core_parallel>, #tpu.dimension_semantics<subcore_parallel>], iteration_bounds = array<i64: 2, 16>, scalar_prefetch = 0 : i64, scratch_operands = 8 : i64, tpu.core_type = #tpu.core_type<sc_vector_subcore>, window_params = [{transform_indices = #map}, {transform_indices = #map1}, {transform_indices = #map}, {transform_indices = #map1}, {transform_indices = #map1}]} {
    %scan3A = arith.constant 0 : i32
    %scan3A_0 = arith.constant 0 : i32
    %scan3A_1 = arith.constant 1024 : i32
    %scan3A_2 = arith.addi %scan3A_0, %scan3A_1 : i32
    %scan3A_3 = arith.constant 1 : i32
    %scan3A_4 = scf.for %scan3A_84 = %scan3A_0 to %scan3A_2 step %scan3A_3 iter_args(%scan3A_85 = %scan3A) -> (i32)  : i32 {
      %broadcast_in_dim3A = arith.constant 0.000000e+00 : f32
      %broadcast_in_dim3A_86 = vector.broadcast %broadcast_in_dim3A : f32 to vector<16xf32>
      %swap3A = arith.index_cast %scan3A_84 : i32 to index
      %swap3A_87 = arith.constant 0 : index
      %swap3A_88 = tpu.vector_load %arg9[%swap3A, %swap3A_87] {strides = array<i32>} : memref<1024x16xf32, #tpu.memory_space<vmem>>, vector<1x16xf32>,
      %swap3A_89 = vector.shape_cast %swap3A_88 : vector<1x16xf32> to vector<16xf32>
      %swap3A_90 = vector.shape_cast %broadcast_in_dim3A_86 : vector<16xf32> to vector<1x16xf32>
      tpu.vector_store %arg9[%swap3A, %swap3A_87], %swap3A_90 {strides = array<i32>} : memref<1024x16xf32, #tpu.memory_space<vmem>>, vector<1x16xf32>,
      %scan3A_91 = arith.constant 0 : i32
      scf.yield %scan3A_91 : i32
    }
    %scan3A_5 = arith.constant 1024 : i32
    %mul3A = arith.constant 6250 : i32
    %mul3A_6 = arith.muli %arg1, %mul3A : i32
    %add3A = arith.constant 0 : i32
    %add3A_7 = arith.addi %mul3A_6, %add3A : i32
    "tpu.region"() ({
      %run_scoped3A_84 = tpu.sem_alloc : memref<!tpu.dma_semaphore, #tpu.memory_space<semaphore_mem>>
      %dma_start3A = arith.constant 0 : i32
      %dma_start3A_85 = arith.constant 0 : i32
      %dma_start3A_86 = tpu.memref_slice %arg9[%dma_start3A, %dma_start3A_85] : memref<1024x16xf32, #tpu.memory_space<vmem>> -> memref<1024x16xf32, #tpu.memory_space<vmem>>
      %dma_start3A_87 = arith.constant 0 : i32
      %dma_start3A_88 = tpu.memref_slice %arg11[%add3A_7, %dma_start3A_87] : memref<100000x16xf32, #tpu.memory_space<vmem_shared>> -> memref<1024x16xf32, #tpu.memory_space<vmem_shared>>
      %dma_start3A_89 = arith.constant 0 : i32
      %dma_start3A_90 = tpu.memref_slice %arg11[%add3A_7, %dma_start3A_89] : memref<100000x16xf32, #tpu.memory_space<vmem_shared>> -> memref<1024x16xf32, #tpu.memory_space<vmem_shared>>
      %dma_start3A_91 = arith.constant 0 : i32
      %dma_start3A_92 = arith.constant 0 : i32
      %dma_start3A_93 = tpu.memref_slice %arg9[%dma_start3A_91, %dma_start3A_92] : memref<1024x16xf32, #tpu.memory_space<vmem>> -> memref<1024x16xf32, #tpu.memory_space<vmem>>
      tpu.enqueue_dma source(%dma_start3A_93 : memref<1024x16xf32, #tpu.memory_space<vmem>>) target(%dma_start3A_90 : memref<1024x16xf32, #tpu.memory_space<vmem_shared>>) target_semaphore(%run_scoped3A_84 : memref<!tpu.dma_semaphore, #tpu.memory_space<semaphore_mem>>)
      %dma_wait3A_94 = arith.constant 0 : i32
      %dma_wait3A_95 = arith.constant 0 : i32
      %dma_wait3A_96 = tpu.memref_slice %arg9[%dma_wait3A_94, %dma_wait3A_95] : memref<1024x16xf32, #tpu.memory_space<vmem>> -> memref<1024x16xf32, #tpu.memory_space<vmem>>
      %dma_wait3A_97 = arith.constant 0 : i32
      %dma_wait3A_98 = tpu.memref_slice %arg11[%add3A_7, %dma_wait3A_97] : memref<100000x16xf32, #tpu.memory_space<vmem_shared>> -> memref<1024x16xf32, #tpu.memory_space<vmem_shared>>
      %dma_wait3A_99 = arith.constant 0 : i32
      %dma_wait3A_100 = tpu.memref_slice %arg11[%add3A_7, %dma_wait3A_99] : memref<100000x16xf32, #tpu.memory_space<vmem_shared>> -> memref<1024x16xf32, #tpu.memory_space<vmem_shared>>
      %dma_wait3A_101 = arith.constant 0 : i32
      %dma_wait3A_102 = arith.constant 0 : i32
      %dma_wait3A_103 = tpu.memref_slice %arg9[%dma_wait3A_101, %dma_wait3A_102] : memref<1024x16xf32, #tpu.memory_space<vmem>> -> memref<1024x16xf32, #tpu.memory_space<vmem>>
      tpu.wait_dma2 semaphore(%run_scoped3A_84 : memref<!tpu.dma_semaphore, #tpu.memory_space<semaphore_mem>>) src(%dma_wait3A_103 : memref<1024x16xf32, #tpu.memory_space<vmem>>) dst(%dma_wait3A_100 : memref<1024x16xf32, #tpu.memory_space<vmem_shared>>)
      tpu.yield
    }) : () -> ()
    %mul3A_8 = arith.constant 6250 : i32
    %mul3A_9 = arith.muli %arg1, %mul3A_8 : i32
    %add3A_10 = arith.constant 1024 : i32
    %add3A_11 = arith.addi %mul3A_9, %add3A_10 : i32
    "tpu.region"() ({
      %run_scoped3A_84 = tpu.sem_alloc : memref<!tpu.dma_semaphore, #tpu.memory_space<semaphore_mem>>
      %dma_start3A = arith.constant 0 : i32
      %dma_start3A_85 = arith.constant 0 : i32
      %dma_start3A_86 = tpu.memref_slice %arg9[%dma_start3A, %dma_start3A_85] : memref<1024x16xf32, #tpu.memory_space<vmem>> -> memref<1024x16xf32, #tpu.memory_space<vmem>>
      %dma_start3A_87 = arith.constant 0 : i32
      %dma_start3A_88 = tpu.memref_slice %arg11[%add3A_11, %dma_start3A_87] : memref<100000x16xf32, #tpu.memory_space<vmem_shared>> -> memref<1024x16xf32, #tpu.memory_space<vmem_shared>>
      %dma_start3A_89 = arith.constant 0 : i32
      %dma_start3A_90 = tpu.memref_slice %arg11[%add3A_11, %dma_start3A_89] : memref<100000x16xf32, #tpu.memory_space<vmem_shared>> -> memref<1024x16xf32, #tpu.memory_space<vmem_shared>>
      %dma_start3A_91 = arith.constant 0 : i32
      %dma_start3A_92 = arith.constant 0 : i32
      %dma_start3A_93 = tpu.memref_slice %arg9[%dma_start3A_91, %dma_start3A_92] : memref<1024x16xf32, #tpu.memory_space<vmem>> -> memref<1024x16xf32, #tpu.memory_space<vmem>>
      tpu.enqueue_dma source(%dma_start3A_93 : memref<1024x16xf32, #tpu.memory_space<vmem>>) target(%dma_start3A_90 : memref<1024x16xf32, #tpu.memory_space<vmem_shared>>) target_semaphore(%run_scoped3A_84 : memref<!tpu.dma_semaphore, #tpu.memory_space<semaphore_mem>>)
      %dma_wait3A_94 = arith.constant 0 : i32
      %dma_wait3A_95 = arith.constant 0 : i32
      %dma_wait3A_96 = tpu.memref_slice %arg9[%dma_wait3A_94, %dma_wait3A_95] : memref<1024x16xf32, #tpu.memory_space<vmem>> -> memref<1024x16xf32, #tpu.memory_space<vmem>>
      %dma_wait3A_97 = arith.constant 0 : i32
      %dma_wait3A_98 = tpu.memref_slice %arg11[%add3A_11, %dma_wait3A_97] : memref<100000x16xf32, #tpu.memory_space<vmem_shared>> -> memref<1024x16xf32, #tpu.memory_space<vmem_shared>>
      %dma_wait3A_99 = arith.constant 0 : i32
      %dma_wait3A_100 = tpu.memref_slice %arg11[%add3A_11, %dma_wait3A_99] : memref<100000x16xf32, #tpu.memory_space<vmem_shared>> -> memref<1024x16xf32, #tpu.memory_space<vmem_shared>>
      %dma_wait3A_101 = arith.constant 0 : i32
      %dma_wait3A_102 = arith.constant 0 : i32
      %dma_wait3A_103 = tpu.memref_slice %arg9[%dma_wait3A_101, %dma_wait3A_102] : memref<1024x16xf32, #tpu.memory_space<vmem>> -> memref<1024x16xf32, #tpu.memory_space<vmem>>
      tpu.wait_dma2 semaphore(%run_scoped3A_84 : memref<!tpu.dma_semaphore, #tpu.memory_space<semaphore_mem>>) src(%dma_wait3A_103 : memref<1024x16xf32, #tpu.memory_space<vmem>>) dst(%dma_wait3A_100 : memref<1024x16xf32, #tpu.memory_space<vmem_shared>>)
      tpu.yield
    }) : () -> ()
    %mul3A_12 = arith.constant 6250 : i32
    %mul3A_13 = arith.muli %arg1, %mul3A_12 : i32
    %add3A_14 = arith.constant 2048 : i32
    %add3A_15 = arith.addi %mul3A_13, %add3A_14 : i32
    "tpu.region"() ({
      %run_scoped3A_84 = tpu.sem_alloc : memref<!tpu.dma_semaphore, #tpu.memory_space<semaphore_mem>>
      %dma_start3A = arith.constant 0 : i32
      %dma_start3A_85 = arith.constant 0 : i32
      %dma_start3A_86 = tpu.memref_slice %arg9[%dma_start3A, %dma_start3A_85] : memref<1024x16xf32, #tpu.memory_space<vmem>> -> memref<1024x16xf32, #tpu.memory_space<vmem>>
      %dma_start3A_87 = arith.constant 0 : i32
      %dma_start3A_88 = tpu.memref_slice %arg11[%add3A_15, %dma_start3A_87] : memref<100000x16xf32, #tpu.memory_space<vmem_shared>> -> memref<1024x16xf32, #tpu.memory_space<vmem_shared>>
      %dma_start3A_89 = arith.constant 0 : i32
      %dma_start3A_90 = tpu.memref_slice %arg11[%add3A_15, %dma_start3A_89] : memref<100000x16xf32, #tpu.memory_space<vmem_shared>> -> memref<1024x16xf32, #tpu.memory_space<vmem_shared>>
      %dma_start3A_91 = arith.constant 0 : i32
      %dma_start3A_92 = arith.constant 0 : i32
      %dma_start3A_93 = tpu.memref_slice %arg9[%dma_start3A_91, %dma_start3A_92] : memref<1024x16xf32, #tpu.memory_space<vmem>> -> memref<1024x16xf32, #tpu.memory_space<vmem>>
      tpu.enqueue_dma source(%dma_start3A_93 : memref<1024x16xf32, #tpu.memory_space<vmem>>) target(%dma_start3A_90 : memref<1024x16xf32, #tpu.memory_space<vmem_shared>>) target_semaphore(%run_scoped3A_84 : memref<!tpu.dma_semaphore, #tpu.memory_space<semaphore_mem>>)
      %dma_wait3A_94 = arith.constant 0 : i32
      %dma_wait3A_95 = arith.constant 0 : i32
      %dma_wait3A_96 = tpu.memref_slice %arg9[%dma_wait3A_94, %dma_wait3A_95] : memref<1024x16xf32, #tpu.memory_space<vmem>> -> memref<1024x16xf32, #tpu.memory_space<vmem>>
      %dma_wait3A_97 = arith.constant 0 : i32
      %dma_wait3A_98 = tpu.memref_slice %arg11[%add3A_15, %dma_wait3A_97] : memref<100000x16xf32, #tpu.memory_space<vmem_shared>> -> memref<1024x16xf32, #tpu.memory_space<vmem_shared>>
      %dma_wait3A_99 = arith.constant 0 : i32
      %dma_wait3A_100 = tpu.memref_slice %arg11[%add3A_15, %dma_wait3A_99] : memref<100000x16xf32, #tpu.memory_space<vmem_shared>> -> memref<1024x16xf32, #tpu.memory_space<vmem_shared>>
      %dma_wait3A_101 = arith.constant 0 : i32
      %dma_wait3A_102 = arith.constant 0 : i32
      %dma_wait3A_103 = tpu.memref_slice %arg9[%dma_wait3A_101, %dma_wait3A_102] : memref<1024x16xf32, #tpu.memory_space<vmem>> -> memref<1024x16xf32, #tpu.memory_space<vmem>>
      tpu.wait_dma2 semaphore(%run_scoped3A_84 : memref<!tpu.dma_semaphore, #tpu.memory_space<semaphore_mem>>) src(%dma_wait3A_103 : memref<1024x16xf32, #tpu.memory_space<vmem>>) dst(%dma_wait3A_100 : memref<1024x16xf32, #tpu.memory_space<vmem_shared>>)
      tpu.yield
    }) : () -> ()
    %mul3A_16 = arith.constant 6250 : i32
    %mul3A_17 = arith.muli %arg1, %mul3A_16 : i32
    %add3A_18 = arith.constant 3072 : i32
    %add3A_19 = arith.addi %mul3A_17, %add3A_18 : i32
    "tpu.region"() ({
      %run_scoped3A_84 = tpu.sem_alloc : memref<!tpu.dma_semaphore, #tpu.memory_space<semaphore_mem>>
      %dma_start3A = arith.constant 0 : i32
      %dma_start3A_85 = arith.constant 0 : i32
      %dma_start3A_86 = tpu.memref_slice %arg9[%dma_start3A, %dma_start3A_85] : memref<1024x16xf32, #tpu.memory_space<vmem>> -> memref<1024x16xf32, #tpu.memory_space<vmem>>
      %dma_start3A_87 = arith.constant 0 : i32
      %dma_start3A_88 = tpu.memref_slice %arg11[%add3A_19, %dma_start3A_87] : memref<100000x16xf32, #tpu.memory_space<vmem_shared>> -> memref<1024x16xf32, #tpu.memory_space<vmem_shared>>
      %dma_start3A_89 = arith.constant 0 : i32
      %dma_start3A_90 = tpu.memref_slice %arg11[%add3A_19, %dma_start3A_89] : memref<100000x16xf32, #tpu.memory_space<vmem_shared>> -> memref<1024x16xf32, #tpu.memory_space<vmem_shared>>
      %dma_start3A_91 = arith.constant 0 : i32
      %dma_start3A_92 = arith.constant 0 : i32
      %dma_start3A_93 = tpu.memref_slice %arg9[%dma_start3A_91, %dma_start3A_92] : memref<1024x16xf32, #tpu.memory_space<vmem>> -> memref<1024x16xf32, #tpu.memory_space<vmem>>
      tpu.enqueue_dma source(%dma_start3A_93 : memref<1024x16xf32, #tpu.memory_space<vmem>>) target(%dma_start3A_90 : memref<1024x16xf32, #tpu.memory_space<vmem_shared>>) target_semaphore(%run_scoped3A_84 : memref<!tpu.dma_semaphore, #tpu.memory_space<semaphore_mem>>)
      %dma_wait3A_94 = arith.constant 0 : i32
      %dma_wait3A_95 = arith.constant 0 : i32
      %dma_wait3A_96 = tpu.memref_slice %arg9[%dma_wait3A_94, %dma_wait3A_95] : memref<1024x16xf32, #tpu.memory_space<vmem>> -> memref<1024x16xf32, #tpu.memory_space<vmem>>
      %dma_wait3A_97 = arith.constant 0 : i32
      %dma_wait3A_98 = tpu.memref_slice %arg11[%add3A_19, %dma_wait3A_97] : memref<100000x16xf32, #tpu.memory_space<vmem_shared>> -> memref<1024x16xf32, #tpu.memory_space<vmem_shared>>
      %dma_wait3A_99 = arith.constant 0 : i32
      %dma_wait3A_100 = tpu.memref_slice %arg11[%add3A_19, %dma_wait3A_99] : memref<100000x16xf32, #tpu.memory_space<vmem_shared>> -> memref<1024x16xf32, #tpu.memory_space<vmem_shared>>
      %dma_wait3A_101 = arith.constant 0 : i32
      %dma_wait3A_102 = arith.constant 0 : i32
      %dma_wait3A_103 = tpu.memref_slice %arg9[%dma_wait3A_101, %dma_wait3A_102] : memref<1024x16xf32, #tpu.memory_space<vmem>> -> memref<1024x16xf32, #tpu.memory_space<vmem>>
      tpu.wait_dma2 semaphore(%run_scoped3A_84 : memref<!tpu.dma_semaphore, #tpu.memory_space<semaphore_mem>>) src(%dma_wait3A_103 : memref<1024x16xf32, #tpu.memory_space<vmem>>) dst(%dma_wait3A_100 : memref<1024x16xf32, #tpu.memory_space<vmem_shared>>)
      tpu.yield
    }) : () -> ()
    %mul3A_20 = arith.constant 6250 : i32
    %mul3A_21 = arith.muli %arg1, %mul3A_20 : i32
    %add3A_22 = arith.constant 4096 : i32
    %add3A_23 = arith.addi %mul3A_21, %add3A_22 : i32
    "tpu.region"() ({
      %run_scoped3A_84 = tpu.sem_alloc : memref<!tpu.dma_semaphore, #tpu.memory_space<semaphore_mem>>
      %dma_start3A = arith.constant 0 : i32
      %dma_start3A_85 = arith.constant 0 : i32
      %dma_start3A_86 = tpu.memref_slice %arg9[%dma_start3A, %dma_start3A_85] : memref<1024x16xf32, #tpu.memory_space<vmem>> -> memref<1024x16xf32, #tpu.memory_space<vmem>>
      %dma_start3A_87 = arith.constant 0 : i32
      %dma_start3A_88 = tpu.memref_slice %arg11[%add3A_23, %dma_start3A_87] : memref<100000x16xf32, #tpu.memory_space<vmem_shared>> -> memref<1024x16xf32, #tpu.memory_space<vmem_shared>>
      %dma_start3A_89 = arith.constant 0 : i32
      %dma_start3A_90 = tpu.memref_slice %arg11[%add3A_23, %dma_start3A_89] : memref<100000x16xf32, #tpu.memory_space<vmem_shared>> -> memref<1024x16xf32, #tpu.memory_space<vmem_shared>>
      %dma_start3A_91 = arith.constant 0 : i32
      %dma_start3A_92 = arith.constant 0 : i32
      %dma_start3A_93 = tpu.memref_slice %arg9[%dma_start3A_91, %dma_start3A_92] : memref<1024x16xf32, #tpu.memory_space<vmem>> -> memref<1024x16xf32, #tpu.memory_space<vmem>>
      tpu.enqueue_dma source(%dma_start3A_93 : memref<1024x16xf32, #tpu.memory_space<vmem>>) target(%dma_start3A_90 : memref<1024x16xf32, #tpu.memory_space<vmem_shared>>) target_semaphore(%run_scoped3A_84 : memref<!tpu.dma_semaphore, #tpu.memory_space<semaphore_mem>>)
      %dma_wait3A_94 = arith.constant 0 : i32
      %dma_wait3A_95 = arith.constant 0 : i32
      %dma_wait3A_96 = tpu.memref_slice %arg9[%dma_wait3A_94, %dma_wait3A_95] : memref<1024x16xf32, #tpu.memory_space<vmem>> -> memref<1024x16xf32, #tpu.memory_space<vmem>>
      %dma_wait3A_97 = arith.constant 0 : i32
      %dma_wait3A_98 = tpu.memref_slice %arg11[%add3A_23, %dma_wait3A_97] : memref<100000x16xf32, #tpu.memory_space<vmem_shared>> -> memref<1024x16xf32, #tpu.memory_space<vmem_shared>>
      %dma_wait3A_99 = arith.constant 0 : i32
      %dma_wait3A_100 = tpu.memref_slice %arg11[%add3A_23, %dma_wait3A_99] : memref<100000x16xf32, #tpu.memory_space<vmem_shared>> -> memref<1024x16xf32, #tpu.memory_space<vmem_shared>>
      %dma_wait3A_101 = arith.constant 0 : i32
      %dma_wait3A_102 = arith.constant 0 : i32
      %dma_wait3A_103 = tpu.memref_slice %arg9[%dma_wait3A_101, %dma_wait3A_102] : memref<1024x16xf32, #tpu.memory_space<vmem>> -> memref<1024x16xf32, #tpu.memory_space<vmem>>
      tpu.wait_dma2 semaphore(%run_scoped3A_84 : memref<!tpu.dma_semaphore, #tpu.memory_space<semaphore_mem>>) src(%dma_wait3A_103 : memref<1024x16xf32, #tpu.memory_space<vmem>>) dst(%dma_wait3A_100 : memref<1024x16xf32, #tpu.memory_space<vmem_shared>>)
      tpu.yield
    }) : () -> ()
    %mul3A_24 = arith.constant 6250 : i32
    %mul3A_25 = arith.muli %arg1, %mul3A_24 : i32
    %add3A_26 = arith.constant 5120 : i32
    %add3A_27 = arith.addi %mul3A_25, %add3A_26 : i32
    "tpu.region"() ({
      %run_scoped3A_84 = tpu.sem_alloc : memref<!tpu.dma_semaphore, #tpu.memory_space<semaphore_mem>>
      %dma_start3A = arith.constant 0 : i32
      %dma_start3A_85 = arith.constant 0 : i32
      %dma_start3A_86 = tpu.memref_slice %arg9[%dma_start3A, %dma_start3A_85] : memref<1024x16xf32, #tpu.memory_space<vmem>> -> memref<1024x16xf32, #tpu.memory_space<vmem>>
      %dma_start3A_87 = arith.constant 0 : i32
      %dma_start3A_88 = tpu.memref_slice %arg11[%add3A_27, %dma_start3A_87] : memref<100000x16xf32, #tpu.memory_space<vmem_shared>> -> memref<1024x16xf32, #tpu.memory_space<vmem_shared>>
      %dma_start3A_89 = arith.constant 0 : i32
      %dma_start3A_90 = tpu.memref_slice %arg11[%add3A_27, %dma_start3A_89] : memref<100000x16xf32, #tpu.memory_space<vmem_shared>> -> memref<1024x16xf32, #tpu.memory_space<vmem_shared>>
      %dma_start3A_91 = arith.constant 0 : i32
      %dma_start3A_92 = arith.constant 0 : i32
      %dma_start3A_93 = tpu.memref_slice %arg9[%dma_start3A_91, %dma_start3A_92] : memref<1024x16xf32, #tpu.memory_space<vmem>> -> memref<1024x16xf32, #tpu.memory_space<vmem>>
      tpu.enqueue_dma source(%dma_start3A_93 : memref<1024x16xf32, #tpu.memory_space<vmem>>) target(%dma_start3A_90 : memref<1024x16xf32, #tpu.memory_space<vmem_shared>>) target_semaphore(%run_scoped3A_84 : memref<!tpu.dma_semaphore, #tpu.memory_space<semaphore_mem>>)
      %dma_wait3A_94 = arith.constant 0 : i32
      %dma_wait3A_95 = arith.constant 0 : i32
      %dma_wait3A_96 = tpu.memref_slice %arg9[%dma_wait3A_94, %dma_wait3A_95] : memref<1024x16xf32, #tpu.memory_space<vmem>> -> memref<1024x16xf32, #tpu.memory_space<vmem>>
      %dma_wait3A_97 = arith.constant 0 : i32
      %dma_wait3A_98 = tpu.memref_slice %arg11[%add3A_27, %dma_wait3A_97] : memref<100000x16xf32, #tpu.memory_space<vmem_shared>> -> memref<1024x16xf32, #tpu.memory_space<vmem_shared>>
      %dma_wait3A_99 = arith.constant 0 : i32
      %dma_wait3A_100 = tpu.memref_slice %arg11[%add3A_27, %dma_wait3A_99] : memref<100000x16xf32, #tpu.memory_space<vmem_shared>> -> memref<1024x16xf32, #tpu.memory_space<vmem_shared>>
      %dma_wait3A_101 = arith.constant 0 : i32
      %dma_wait3A_102 = arith.constant 0 : i32
      %dma_wait3A_103 = tpu.memref_slice %arg9[%dma_wait3A_101, %dma_wait3A_102] : memref<1024x16xf32, #tpu.memory_space<vmem>> -> memref<1024x16xf32, #tpu.memory_space<vmem>>
      tpu.wait_dma2 semaphore(%run_scoped3A_84 : memref<!tpu.dma_semaphore, #tpu.memory_space<semaphore_mem>>) src(%dma_wait3A_103 : memref<1024x16xf32, #tpu.memory_space<vmem>>) dst(%dma_wait3A_100 : memref<1024x16xf32, #tpu.memory_space<vmem_shared>>)
      tpu.yield
    }) : () -> ()
    %mul3A_28 = arith.constant 6250 : i32
    %mul3A_29 = arith.muli %arg1, %mul3A_28 : i32
    %add3A_30 = arith.constant 6250 : i32
    %add3A_31 = arith.addi %mul3A_29, %add3A_30 : i32
    %sub3A = arith.constant 106 : i32
    %sub3A_32 = arith.subi %add3A_31, %sub3A : i32
    "tpu.region"() ({
      %run_scoped3A_84 = tpu.sem_alloc : memref<!tpu.dma_semaphore, #tpu.memory_space<semaphore_mem>>
      %dma_start3A = arith.constant 0 : i32
      %dma_start3A_85 = arith.constant 0 : i32
      %dma_start3A_86 = tpu.memref_slice %arg9[%dma_start3A, %dma_start3A_85] : memref<1024x16xf32, #tpu.memory_space<vmem>> -> memref<106x16xf32, #tpu.memory_space<vmem>>
      %dma_start3A_87 = arith.constant 0 : i32
      %dma_start3A_88 = tpu.memref_slice %arg11[%sub3A_32, %dma_start3A_87] : memref<100000x16xf32, #tpu.memory_space<vmem_shared>> -> memref<106x16xf32, #tpu.memory_space<vmem_shared>>
      %dma_start3A_89 = arith.constant 0 : i32
      %dma_start3A_90 = tpu.memref_slice %arg11[%sub3A_32, %dma_start3A_89] : memref<100000x16xf32, #tpu.memory_space<vmem_shared>> -> memref<106x16xf32, #tpu.memory_space<vmem_shared>>
      %dma_start3A_91 = arith.constant 0 : i32
      %dma_start3A_92 = arith.constant 0 : i32
      %dma_start3A_93 = tpu.memref_slice %arg9[%dma_start3A_91, %dma_start3A_92] : memref<1024x16xf32, #tpu.memory_space<vmem>> -> memref<106x16xf32, #tpu.memory_space<vmem>>
      tpu.enqueue_dma source(%dma_start3A_93 : memref<106x16xf32, #tpu.memory_space<vmem>>) target(%dma_start3A_90 : memref<106x16xf32, #tpu.memory_space<vmem_shared>>) target_semaphore(%run_scoped3A_84 : memref<!tpu.dma_semaphore, #tpu.memory_space<semaphore_mem>>)
      %dma_wait3A_94 = arith.constant 0 : i32
      %dma_wait3A_95 = arith.constant 0 : i32
      %dma_wait3A_96 = tpu.memref_slice %arg9[%dma_wait3A_94, %dma_wait3A_95] : memref<1024x16xf32, #tpu.memory_space<vmem>> -> memref<106x16xf32, #tpu.memory_space<vmem>>
      %dma_wait3A_97 = arith.constant 0 : i32
      %dma_wait3A_98 = tpu.memref_slice %arg11[%sub3A_32, %dma_wait3A_97] : memref<100000x16xf32, #tpu.memory_space<vmem_shared>> -> memref<106x16xf32, #tpu.memory_space<vmem_shared>>
      %dma_wait3A_99 = arith.constant 0 : i32
      %dma_wait3A_100 = tpu.memref_slice %arg11[%sub3A_32, %dma_wait3A_99] : memref<100000x16xf32, #tpu.memory_space<vmem_shared>> -> memref<106x16xf32, #tpu.memory_space<vmem_shared>>
      %dma_wait3A_101 = arith.constant 0 : i32
      %dma_wait3A_102 = arith.constant 0 : i32
      %dma_wait3A_103 = tpu.memref_slice %arg9[%dma_wait3A_101, %dma_wait3A_102] : memref<1024x16xf32, #tpu.memory_space<vmem>> -> memref<106x16xf32, #tpu.memory_space<vmem>>
      tpu.wait_dma2 semaphore(%run_scoped3A_84 : memref<!tpu.dma_semaphore, #tpu.memory_space<semaphore_mem>>) src(%dma_wait3A_103 : memref<106x16xf32, #tpu.memory_space<vmem>>) dst(%dma_wait3A_100 : memref<106x16xf32, #tpu.memory_space<vmem_shared>>)
      tpu.yield
    }) : () -> ()
    %barrier3A = arith.constant 0 : index
    tpu.barrier barrier_id(%barrier3A)
    %sub3A_33 = arith.constant 1562 : i32
    %sub3A_34 = arith.subi %sub3A_33, %arg1 : i32
    %add3A_35 = arith.constant 16 : i32
    %add3A_36 = arith.addi %sub3A_34, %add3A_35 : i32
    %sub3A_37 = arith.constant 1 : i32
    %sub3A_38 = arith.subi %add3A_36, %sub3A_37 : i32
    %jit3A = arith.constant 16 : i32
    %div3A = arith.divsi %sub3A_38, %jit3A : i32
    %sign3A = arith.constant 0 : i32
    %sign3A_39 = arith.cmpi sgt, %sub3A_38, %sign3A : i32
    %sign3A_40 = arith.extui %sign3A_39 : i1 to i32
    %sign3A_41 = arith.constant 0 : i32
    %sign3A_42 = arith.cmpi slt, %sub3A_38, %sign3A_41 : i32
    %sign3A_43 = arith.extui %sign3A_42 : i1 to i32
    %sign3A_44 = arith.subi %sign3A_40, %sign3A_43 : i32
    %sign3A_45 = arith.constant 0 : i32
    %sign3A_46 = arith.cmpi sgt, %jit3A, %sign3A_45 : i32
    %sign3A_47 = arith.extui %sign3A_46 : i1 to i32
    %sign3A_48 = arith.constant 0 : i32
    %sign3A_49 = arith.cmpi slt, %jit3A, %sign3A_48 : i32
    %sign3A_50 = arith.extui %sign3A_49 : i1 to i32
    %sign3A_51 = arith.subi %sign3A_47, %sign3A_50 : i32
    %ne3A = arith.cmpi ne, %sign3A_44, %sign3A_51 : i32
    %rem3A = arith.remsi %sub3A_38, %jit3A : i32
    %ne3A_52 = arith.constant 0 : i32
    %ne3A_53 = arith.cmpi ne, %rem3A, %ne3A_52 : i32
    %and3A = arith.andi %ne3A, %ne3A_53 : i1
    %sub3A_54 = arith.constant 1 : i32
    %sub3A_55 = arith.subi %div3A, %sub3A_54 : i32
    %select_n3A = arith.select %and3A, %sub3A_55, %div3A : i32
    %mul3A_56 = arith.constant 8 : i32
    %mul3A_57 = arith.muli %arg1, %mul3A_56 : i32
    %run_scoped3A = arith.constant 0 : i32
    "tpu.region"() ({
      %run_scoped3A_84 = tpu.sem_alloc : memref<!tpu.dma_semaphore, #tpu.memory_space<semaphore_mem>>
      %dma_start3A = arith.constant 0 : i32
      %dma_start3A_85 = arith.constant 0 : i32
      %dma_start3A_86 = tpu.memref_slice %arg7[%run_scoped3A, %dma_start3A, %dma_start3A_85] : memref<2x8x128xi32, #tpu.memory_space<vmem>> -> memref<1x8x128xi32, #tpu.memory_space<vmem>>
      %dma_start3A_87 = tpu.memref_squeeze %dma_start3A_86 : memref<1x8x128xi32, #tpu.memory_space<vmem>> -> memref<8x128xi32, #tpu.memory_space<vmem>>
      %dma_start3A_88 = arith.constant 0 : i32
      %dma_start3A_89 = tpu.memref_slice %arg3[%arg0, %mul3A_57, %dma_start3A_88] : memref<2x12500x128xi32, #tpu.memory_space<hbm>> -> memref<1x8x128xi32, #tpu.memory_space<hbm>>
      %dma_start3A_90 = tpu.memref_squeeze %dma_start3A_89 : memref<1x8x128xi32, #tpu.memory_space<hbm>> -> memref<8x128xi32, #tpu.memory_space<hbm>>
      %dma_start3A_91 = arith.constant 0 : i32
      %dma_start3A_92 = arith.constant 0 : i32
      %dma_start3A_93 = tpu.memref_slice %arg7[%run_scoped3A, %dma_start3A_91, %dma_start3A_92] : memref<2x8x128xi32, #tpu.memory_space<vmem>> -> memref<1x8x128xi32, #tpu.memory_space<vmem>>
      %dma_start3A_94 = tpu.memref_squeeze %dma_start3A_93 : memref<1x8x128xi32, #tpu.memory_space<vmem>> -> memref<8x128xi32, #tpu.memory_space<vmem>>
      %dma_start3A_95 = arith.constant 0 : i32
      %dma_start3A_96 = tpu.memref_slice %arg3[%arg0, %mul3A_57, %dma_start3A_95] : memref<2x12500x128xi32, #tpu.memory_space<hbm>> -> memref<1x8x128xi32, #tpu.memory_space<hbm>>
      %dma_start3A_97 = tpu.memref_squeeze %dma_start3A_96 : memref<1x8x128xi32, #tpu.memory_space<hbm>> -> memref<8x128xi32, #tpu.memory_space<hbm>>
      tpu.enqueue_dma source(%dma_start3A_97 : memref<8x128xi32, #tpu.memory_space<hbm>>) target(%dma_start3A_94 : memref<8x128xi32, #tpu.memory_space<vmem>>) target_semaphore(%run_scoped3A_84 : memref<!tpu.dma_semaphore, #tpu.memory_space<semaphore_mem>>)
      %dma_wait3A_98 = arith.constant 0 : i32
      %dma_wait3A_99 = arith.constant 0 : i32
      %dma_wait3A_100 = tpu.memref_slice %arg7[%run_scoped3A, %dma_wait3A_98, %dma_wait3A_99] : memref<2x8x128xi32, #tpu.memory_space<vmem>> -> memref<1x8x128xi32, #tpu.memory_space<vmem>>
      %dma_wait3A_101 = tpu.memref_squeeze %dma_wait3A_100 : memref<1x8x128xi32, #tpu.memory_space<vmem>> -> memref<8x128xi32, #tpu.memory_space<vmem>>
      %dma_wait3A_102 = arith.constant 0 : i32
      %dma_wait3A_103 = tpu.memref_slice %arg3[%arg0, %mul3A_57, %dma_wait3A_102] : memref<2x12500x128xi32, #tpu.memory_space<hbm>> -> memref<1x8x128xi32, #tpu.memory_space<hbm>>
      %dma_wait3A_104 = tpu.memref_squeeze %dma_wait3A_103 : memref<1x8x128xi32, #tpu.memory_space<hbm>> -> memref<8x128xi32, #tpu.memory_space<hbm>>
      %dma_wait3A_105 = arith.constant 0 : i32
      %dma_wait3A_106 = arith.constant 0 : i32
      %dma_wait3A_107 = tpu.memref_slice %arg7[%run_scoped3A, %dma_wait3A_105, %dma_wait3A_106] : memref<2x8x128xi32, #tpu.memory_space<vmem>> -> memref<1x8x128xi32, #tpu.memory_space<vmem>>
      %dma_wait3A_108 = tpu.memref_squeeze %dma_wait3A_107 : memref<1x8x128xi32, #tpu.memory_space<vmem>> -> memref<8x128xi32, #tpu.memory_space<vmem>>
      %dma_wait3A_109 = arith.constant 0 : i32
      %dma_wait3A_110 = tpu.memref_slice %arg3[%arg0, %mul3A_57, %dma_wait3A_109] : memref<2x12500x128xi32, #tpu.memory_space<hbm>> -> memref<1x8x128xi32, #tpu.memory_space<hbm>>
      %dma_wait3A_111 = tpu.memref_squeeze %dma_wait3A_110 : memref<1x8x128xi32, #tpu.memory_space<hbm>> -> memref<8x128xi32, #tpu.memory_space<hbm>>
      tpu.wait_dma2 semaphore(%run_scoped3A_84 : memref<!tpu.dma_semaphore, #tpu.memory_space<semaphore_mem>>) src(%dma_wait3A_111 : memref<8x128xi32, #tpu.memory_space<hbm>>) dst(%dma_wait3A_108 : memref<8x128xi32, #tpu.memory_space<vmem>>)
      tpu.yield
    }) : () -> ()
    %mul3A_58 = arith.constant 8 : i32
    %mul3A_59 = arith.muli %arg1, %mul3A_58 : i32
    %run_scoped3A_60 = arith.constant 0 : i32
    "tpu.region"() ({
      %run_scoped3A_84 = tpu.sem_alloc : memref<!tpu.dma_semaphore, #tpu.memory_space<semaphore_mem>>
      %dma_start3A = arith.constant 0 : i32
      %dma_start3A_85 = arith.constant 0 : i32
      %dma_start3A_86 = tpu.memref_slice %arg8[%run_scoped3A_60, %dma_start3A, %dma_start3A_85] : memref<2x8x128xi32, #tpu.memory_space<vmem>> -> memref<1x8x128xi32, #tpu.memory_space<vmem>>
      %dma_start3A_87 = tpu.memref_squeeze %dma_start3A_86 : memref<1x8x128xi32, #tpu.memory_space<vmem>> -> memref<8x128xi32, #tpu.memory_space<vmem>>
      %dma_start3A_88 = arith.constant 0 : i32
      %dma_start3A_89 = tpu.memref_slice %arg4[%mul3A_59, %dma_start3A_88] : memref<12500x128xi32, #tpu.memory_space<hbm>> -> memref<8x128xi32, #tpu.memory_space<hbm>>
      %dma_start3A_90 = arith.constant 0 : i32
      %dma_start3A_91 = arith.constant 0 : i32
      %dma_start3A_92 = tpu.memref_slice %arg8[%run_scoped3A_60, %dma_start3A_90, %dma_start3A_91] : memref<2x8x128xi32, #tpu.memory_space<vmem>> -> memref<1x8x128xi32, #tpu.memory_space<vmem>>
      %dma_start3A_93 = tpu.memref_squeeze %dma_start3A_92 : memref<1x8x128xi32, #tpu.memory_space<vmem>> -> memref<8x128xi32, #tpu.memory_space<vmem>>
      %dma_start3A_94 = arith.constant 0 : i32
      %dma_start3A_95 = tpu.memref_slice %arg4[%mul3A_59, %dma_start3A_94] : memref<12500x128xi32, #tpu.memory_space<hbm>> -> memref<8x128xi32, #tpu.memory_space<hbm>>
      tpu.enqueue_dma source(%dma_start3A_95 : memref<8x128xi32, #tpu.memory_space<hbm>>) target(%dma_start3A_93 : memref<8x128xi32, #tpu.memory_space<vmem>>) target_semaphore(%run_scoped3A_84 : memref<!tpu.dma_semaphore, #tpu.memory_space<semaphore_mem>>)
      %dma_wait3A_96 = arith.constant 0 : i32
      %dma_wait3A_97 = arith.constant 0 : i32
      %dma_wait3A_98 = tpu.memref_slice %arg8[%run_scoped3A_60, %dma_wait3A_96, %dma_wait3A_97] : memref<2x8x128xi32, #tpu.memory_space<vmem>> -> memref<1x8x128xi32, #tpu.memory_space<vmem>>
      %dma_wait3A_99 = tpu.memref_squeeze %dma_wait3A_98 : memref<1x8x128xi32, #tpu.memory_space<vmem>> -> memref<8x128xi32, #tpu.memory_space<vmem>>
      %dma_wait3A_100 = arith.constant 0 : i32
      %dma_wait3A_101 = tpu.memref_slice %arg4[%mul3A_59, %dma_wait3A_100] : memref<12500x128xi32, #tpu.memory_space<hbm>> -> memref<8x128xi32, #tpu.memory_space<hbm>>
      %dma_wait3A_102 = arith.constant 0 : i32
      %dma_wait3A_103 = arith.constant 0 : i32
      %dma_wait3A_104 = tpu.memref_slice %arg8[%run_scoped3A_60, %dma_wait3A_102, %dma_wait3A_103] : memref<2x8x128xi32, #tpu.memory_space<vmem>> -> memref<1x8x128xi32, #tpu.memory_space<vmem>>
      %dma_wait3A_105 = tpu.memref_squeeze %dma_wait3A_104 : memref<1x8x128xi32, #tpu.memory_space<vmem>> -> memref<8x128xi32, #tpu.memory_space<vmem>>
      %dma_wait3A_106 = arith.constant 0 : i32
      %dma_wait3A_107 = tpu.memref_slice %arg4[%mul3A_59, %dma_wait3A_106] : memref<12500x128xi32, #tpu.memory_space<hbm>> -> memref<8x128xi32, #tpu.memory_space<hbm>>
      tpu.wait_dma2 semaphore(%run_scoped3A_84 : memref<!tpu.dma_semaphore, #tpu.memory_space<semaphore_mem>>) src(%dma_wait3A_107 : memref<8x128xi32, #tpu.memory_space<hbm>>) dst(%dma_wait3A_105 : memref<8x128xi32, #tpu.memory_space<vmem>>)
      tpu.yield
    }) : () -> ()
    %while3A = arith.constant 0 : i32
    %while3A_61 = arith.constant 0 : i32
    %while3A_62 = arith.subi %select_n3A, %while3A : i32
    %while3A_63 = arith.addi %while3A, %while3A_62 : i32
    %while3A_64 = arith.constant 1 : i32
    %while3A_65 = arith.divsi %while3A_62, %while3A_64 : i32
    %while3A_66 = arith.muli %while3A_65, %while3A_64 : i32
    %while3A_67 = arith.addi %while3A, %while3A_66 : i32
    %while3A_68 = arith.constant 1 : i32
    %while3A_69 = scf.for %while3A_84 = %while3A to %while3A_67 step %while3A_68 iter_args(%while3A_85 = %while3A_61) -> (i32)  : i32 {
      %rem3A_86 = arith.constant 2 : i32
      %rem3A_87 = arith.remsi %while3A_84, %rem3A_86 : i32
      %sub3A_88 = arith.constant 1 : i32
      %sub3A_89 = arith.subi %sub3A_88, %rem3A_87 : i32
      %mul3A_90 = arith.constant 16 : i32
      %mul3A_91 = arith.muli %while3A_84, %mul3A_90 : i32
      %add3A_92 = arith.addi %arg1, %mul3A_91 : i32
      %mul3A_93 = arith.constant 8 : i32
      %mul3A_94 = arith.muli %add3A_92, %mul3A_93 : i32
      %gt3A = arith.constant 0 : i32
      %gt3A_95 = arith.cmpi sgt, %while3A_84, %gt3A : i32
      %convert_element_type3A_96 = arith.extui %gt3A_95 : i1 to i32
      %cond3A_97 = arith.constant 0 : i32
      %cond3A_98 = arith.cmpi ne, %convert_element_type3A_96, %cond3A_97 : i32
      scf.if %cond3A_98 {
        %dma_wait3A_416 = arith.constant 0 : i32
        %dma_wait3A_417 = arith.constant 0 : i32
        %dma_wait3A_418 = tpu.memref_slice %arg2[%dma_wait3A_416, %dma_wait3A_417] : memref<204800x16xf32, #tpu.memory_space<hbm>> -> memref<1024x16xf32, #tpu.memory_space<hbm>>
        %dma_wait3A_419 = arith.constant 0 : i32
        %dma_wait3A_420 = arith.constant 0 : i32
        %dma_wait3A_421 = tpu.memref_slice %arg2[%dma_wait3A_419, %dma_wait3A_420] : memref<204800x16xf32, #tpu.memory_space<hbm>> -> memref<1024x16xf32, #tpu.memory_space<hbm>>
        tpu.wait_dma2 semaphore(%arg14 : memref<!tpu.dma_semaphore, #tpu.memory_space<semaphore_mem>>) src(%dma_wait3A_421 : memref<1024x16xf32, #tpu.memory_space<hbm>>) dst(%arg9 : memref<1024x16xf32, #tpu.memory_space<vmem>>)
      } else {
      }
      %dma_start3A = arith.constant 0 : i32
      %dma_start3A_99 = arith.constant 0 : i32
      %dma_start3A_100 = arith.constant 0 : i32
      %dma_start3A_101 = tpu.memref_slice %arg9[%dma_start3A_99, %dma_start3A_100] : memref<1024x16xf32, #tpu.memory_space<vmem>> -> memref<128x16xf32, #tpu.memory_space<vmem>>
      %dma_start3A_102 = arith.constant 0 : i32
      %dma_start3A_103 = tpu.memref_slice %arg7[%rem3A_87, %dma_start3A, %dma_start3A_102] : memref<2x8x128xi32, #tpu.memory_space<vmem>> -> memref<1x1x128xi32, #tpu.memory_space<vmem>>
      %dma_start3A_104 = tpu.memref_squeeze %dma_start3A_103 : memref<1x1x128xi32, #tpu.memory_space<vmem>> -> memref<128xi32, #tpu.memory_space<vmem>>
      %dma_start3A_105 = arith.constant 0 : i32
      %dma_start3A_106 = arith.constant 0 : i32
      %dma_start3A_107 = tpu.memref_slice %arg2[%dma_start3A_105, %dma_start3A_106] : memref<204800x16xf32, #tpu.memory_space<hbm>> -> memref<204800x16xf32, #tpu.memory_space<hbm>>
      tpu.enqueue_indirect_dma source(%dma_start3A_107 : memref<204800x16xf32, #tpu.memory_space<hbm>>) target(%dma_start3A_101 : memref<128x16xf32, #tpu.memory_space<vmem>>) offsets(%dma_start3A_104 : memref<128xi32, #tpu.memory_space<vmem>>) semaphore(%arg12 : memref<!tpu.dma_semaphore, #tpu.memory_space<semaphore_mem>>)
      %dma_start3A_108 = arith.constant 1 : i32
      %dma_start3A_109 = arith.constant 128 : i32
      %dma_start3A_110 = arith.constant 0 : i32
      %dma_start3A_111 = tpu.memref_slice %arg9[%dma_start3A_109, %dma_start3A_110] : memref<1024x16xf32, #tpu.memory_space<vmem>> -> memref<128x16xf32, #tpu.memory_space<vmem>>
      %dma_start3A_112 = arith.constant 0 : i32
      %dma_start3A_113 = tpu.memref_slice %arg7[%rem3A_87, %dma_start3A_108, %dma_start3A_112] : memref<2x8x128xi32, #tpu.memory_space<vmem>> -> memref<1x1x128xi32, #tpu.memory_space<vmem>>
      %dma_start3A_114 = tpu.memref_squeeze %dma_start3A_113 : memref<1x1x128xi32, #tpu.memory_space<vmem>> -> memref<128xi32, #tpu.memory_space<vmem>>
      %dma_start3A_115 = arith.constant 0 : i32
      %dma_start3A_116 = arith.constant 0 : i32
      %dma_start3A_117 = tpu.memref_slice %arg2[%dma_start3A_115, %dma_start3A_116] : memref<204800x16xf32, #tpu.memory_space<hbm>> -> memref<204800x16xf32, #tpu.memory_space<hbm>>
      tpu.enqueue_indirect_dma source(%dma_start3A_117 : memref<204800x16xf32, #tpu.memory_space<hbm>>) target(%dma_start3A_111 : memref<128x16xf32, #tpu.memory_space<vmem>>) offsets(%dma_start3A_114 : memref<128xi32, #tpu.memory_space<vmem>>) semaphore(%arg12 : memref<!tpu.dma_semaphore, #tpu.memory_space<semaphore_mem>>)
      %dma_start3A_118 = arith.constant 2 : i32
      %dma_start3A_119 = arith.constant 256 : i32
      %dma_start3A_120 = arith.constant 0 : i32
      %dma_start3A_121 = tpu.memref_slice %arg9[%dma_start3A_119, %dma_start3A_120] : memref<1024x16xf32, #tpu.memory_space<vmem>> -> memref<128x16xf32, #tpu.memory_space<vmem>>
      %dma_start3A_122 = arith.constant 0 : i32
      %dma_start3A_123 = tpu.memref_slice %arg7[%rem3A_87, %dma_start3A_118, %dma_start3A_122] : memref<2x8x128xi32, #tpu.memory_space<vmem>> -> memref<1x1x128xi32, #tpu.memory_space<vmem>>
      %dma_start3A_124 = tpu.memref_squeeze %dma_start3A_123 : memref<1x1x128xi32, #tpu.memory_space<vmem>> -> memref<128xi32, #tpu.memory_space<vmem>>
      %dma_start3A_125 = arith.constant 0 : i32
      %dma_start3A_126 = arith.constant 0 : i32
      %dma_start3A_127 = tpu.memref_slice %arg2[%dma_start3A_125, %dma_start3A_126] : memref<204800x16xf32, #tpu.memory_space<hbm>> -> memref<204800x16xf32, #tpu.memory_space<hbm>>
      tpu.enqueue_indirect_dma source(%dma_start3A_127 : memref<204800x16xf32, #tpu.memory_space<hbm>>) target(%dma_start3A_121 : memref<128x16xf32, #tpu.memory_space<vmem>>) offsets(%dma_start3A_124 : memref<128xi32, #tpu.memory_space<vmem>>) semaphore(%arg12 : memref<!tpu.dma_semaphore, #tpu.memory_space<semaphore_mem>>)
      %dma_start3A_128 = arith.constant 3 : i32
      %dma_start3A_129 = arith.constant 384 : i32
      %dma_start3A_130 = arith.constant 0 : i32
      %dma_start3A_131 = tpu.memref_slice %arg9[%dma_start3A_129, %dma_start3A_130] : memref<1024x16xf32, #tpu.memory_space<vmem>> -> memref<128x16xf32, #tpu.memory_space<vmem>>
      %dma_start3A_132 = arith.constant 0 : i32
      %dma_start3A_133 = tpu.memref_slice %arg7[%rem3A_87, %dma_start3A_128, %dma_start3A_132] : memref<2x8x128xi32, #tpu.memory_space<vmem>> -> memref<1x1x128xi32, #tpu.memory_space<vmem>>
      %dma_start3A_134 = tpu.memref_squeeze %dma_start3A_133 : memref<1x1x128xi32, #tpu.memory_space<vmem>> -> memref<128xi32, #tpu.memory_space<vmem>>
      %dma_start3A_135 = arith.constant 0 : i32
      %dma_start3A_136 = arith.constant 0 : i32
      %dma_start3A_137 = tpu.memref_slice %arg2[%dma_start3A_135, %dma_start3A_136] : memref<204800x16xf32, #tpu.memory_space<hbm>> -> memref<204800x16xf32, #tpu.memory_space<hbm>>
      tpu.enqueue_indirect_dma source(%dma_start3A_137 : memref<204800x16xf32, #tpu.memory_space<hbm>>) target(%dma_start3A_131 : memref<128x16xf32, #tpu.memory_space<vmem>>) offsets(%dma_start3A_134 : memref<128xi32, #tpu.memory_space<vmem>>) semaphore(%arg12 : memref<!tpu.dma_semaphore, #tpu.memory_space<semaphore_mem>>)
      %dma_start3A_138 = arith.constant 4 : i32
      %dma_start3A_139 = arith.constant 512 : i32
      %dma_start3A_140 = arith.constant 0 : i32
      %dma_start3A_141 = tpu.memref_slice %arg9[%dma_start3A_139, %dma_start3A_140] : memref<1024x16xf32, #tpu.memory_space<vmem>> -> memref<128x16xf32, #tpu.memory_space<vmem>>
      %dma_start3A_142 = arith.constant 0 : i32
      %dma_start3A_143 = tpu.memref_slice %arg7[%rem3A_87, %dma_start3A_138, %dma_start3A_142] : memref<2x8x128xi32, #tpu.memory_space<vmem>> -> memref<1x1x128xi32, #tpu.memory_space<vmem>>
      %dma_start3A_144 = tpu.memref_squeeze %dma_start3A_143 : memref<1x1x128xi32, #tpu.memory_space<vmem>> -> memref<128xi32, #tpu.memory_space<vmem>>
      %dma_start3A_145 = arith.constant 0 : i32
      %dma_start3A_146 = arith.constant 0 : i32
      %dma_start3A_147 = tpu.memref_slice %arg2[%dma_start3A_145, %dma_start3A_146] : memref<204800x16xf32, #tpu.memory_space<hbm>> -> memref<204800x16xf32, #tpu.memory_space<hbm>>
      tpu.enqueue_indirect_dma source(%dma_start3A_147 : memref<204800x16xf32, #tpu.memory_space<hbm>>) target(%dma_start3A_141 : memref<128x16xf32, #tpu.memory_space<vmem>>) offsets(%dma_start3A_144 : memref<128xi32, #tpu.memory_space<vmem>>) semaphore(%arg12 : memref<!tpu.dma_semaphore, #tpu.memory_space<semaphore_mem>>)
      %dma_start3A_148 = arith.constant 5 : i32
      %dma_start3A_149 = arith.constant 640 : i32
      %dma_start3A_150 = arith.constant 0 : i32
      %dma_start3A_151 = tpu.memref_slice %arg9[%dma_start3A_149, %dma_start3A_150] : memref<1024x16xf32, #tpu.memory_space<vmem>> -> memref<128x16xf32, #tpu.memory_space<vmem>>
      %dma_start3A_152 = arith.constant 0 : i32
      %dma_start3A_153 = tpu.memref_slice %arg7[%rem3A_87, %dma_start3A_148, %dma_start3A_152] : memref<2x8x128xi32, #tpu.memory_space<vmem>> -> memref<1x1x128xi32, #tpu.memory_space<vmem>>
      %dma_start3A_154 = tpu.memref_squeeze %dma_start3A_153 : memref<1x1x128xi32, #tpu.memory_space<vmem>> -> memref<128xi32, #tpu.memory_space<vmem>>
      %dma_start3A_155 = arith.constant 0 : i32
      %dma_start3A_156 = arith.constant 0 : i32
      %dma_start3A_157 = tpu.memref_slice %arg2[%dma_start3A_155, %dma_start3A_156] : memref<204800x16xf32, #tpu.memory_space<hbm>> -> memref<204800x16xf32, #tpu.memory_space<hbm>>
      tpu.enqueue_indirect_dma source(%dma_start3A_157 : memref<204800x16xf32, #tpu.memory_space<hbm>>) target(%dma_start3A_151 : memref<128x16xf32, #tpu.memory_space<vmem>>) offsets(%dma_start3A_154 : memref<128xi32, #tpu.memory_space<vmem>>) semaphore(%arg12 : memref<!tpu.dma_semaphore, #tpu.memory_space<semaphore_mem>>)
      %dma_start3A_158 = arith.constant 6 : i32
      %dma_start3A_159 = arith.constant 768 : i32
      %dma_start3A_160 = arith.constant 0 : i32
      %dma_start3A_161 = tpu.memref_slice %arg9[%dma_start3A_159, %dma_start3A_160] : memref<1024x16xf32, #tpu.memory_space<vmem>> -> memref<128x16xf32, #tpu.memory_space<vmem>>
      %dma_start3A_162 = arith.constant 0 : i32
      %dma_start3A_163 = tpu.memref_slice %arg7[%rem3A_87, %dma_start3A_158, %dma_start3A_162] : memref<2x8x128xi32, #tpu.memory_space<vmem>> -> memref<1x1x128xi32, #tpu.memory_space<vmem>>
      %dma_start3A_164 = tpu.memref_squeeze %dma_start3A_163 : memref<1x1x128xi32, #tpu.memory_space<vmem>> -> memref<128xi32, #tpu.memory_space<vmem>>
      %dma_start3A_165 = arith.constant 0 : i32
      %dma_start3A_166 = arith.constant 0 : i32
      %dma_start3A_167 = tpu.memref_slice %arg2[%dma_start3A_165, %dma_start3A_166] : memref<204800x16xf32, #tpu.memory_space<hbm>> -> memref<204800x16xf32, #tpu.memory_space<hbm>>
      tpu.enqueue_indirect_dma source(%dma_start3A_167 : memref<204800x16xf32, #tpu.memory_space<hbm>>) target(%dma_start3A_161 : memref<128x16xf32, #tpu.memory_space<vmem>>) offsets(%dma_start3A_164 : memref<128xi32, #tpu.memory_space<vmem>>) semaphore(%arg12 : memref<!tpu.dma_semaphore, #tpu.memory_space<semaphore_mem>>)
      %dma_start3A_168 = arith.constant 7 : i32
      %dma_start3A_169 = arith.constant 896 : i32
      %dma_start3A_170 = arith.constant 0 : i32
      %dma_start3A_171 = tpu.memref_slice %arg9[%dma_start3A_169, %dma_start3A_170] : memref<1024x16xf32, #tpu.memory_space<vmem>> -> memref<128x16xf32, #tpu.memory_space<vmem>>
      %dma_start3A_172 = arith.constant 0 : i32
      %dma_start3A_173 = tpu.memref_slice %arg7[%rem3A_87, %dma_start3A_168, %dma_start3A_172] : memref<2x8x128xi32, #tpu.memory_space<vmem>> -> memref<1x1x128xi32, #tpu.memory_space<vmem>>
      %dma_start3A_174 = tpu.memref_squeeze %dma_start3A_173 : memref<1x1x128xi32, #tpu.memory_space<vmem>> -> memref<128xi32, #tpu.memory_space<vmem>>
      %dma_start3A_175 = arith.constant 0 : i32
      %dma_start3A_176 = arith.constant 0 : i32
      %dma_start3A_177 = tpu.memref_slice %arg2[%dma_start3A_175, %dma_start3A_176] : memref<204800x16xf32, #tpu.memory_space<hbm>> -> memref<204800x16xf32, #tpu.memory_space<hbm>>
      tpu.enqueue_indirect_dma source(%dma_start3A_177 : memref<204800x16xf32, #tpu.memory_space<hbm>>) target(%dma_start3A_171 : memref<128x16xf32, #tpu.memory_space<vmem>>) offsets(%dma_start3A_174 : memref<128xi32, #tpu.memory_space<vmem>>) semaphore(%arg12 : memref<!tpu.dma_semaphore, #tpu.memory_space<semaphore_mem>>)
      %add3A_178 = arith.constant 128 : i32
      %add3A_179 = arith.addi %mul3A_94, %add3A_178 : i32
      %min3A = arith.constant 12492 : i32
      %min3A_180 = arith.minsi %add3A_179, %min3A : i32
      %dma_start3A_181 = arith.constant 0 : i32
      %dma_start3A_182 = arith.constant 0 : i32
      %dma_start3A_183 = tpu.memref_slice %arg7[%sub3A_89, %dma_start3A_181, %dma_start3A_182] : memref<2x8x128xi32, #tpu.memory_space<vmem>> -> memref<1x8x128xi32, #tpu.memory_space<vmem>>
      %dma_start3A_184 = tpu.memref_squeeze %dma_start3A_183 : memref<1x8x128xi32, #tpu.memory_space<vmem>> -> memref<8x128xi32, #tpu.memory_space<vmem>>
      %dma_start3A_185 = arith.constant 0 : i32
      %dma_start3A_186 = tpu.memref_slice %arg3[%arg0, %min3A_180, %dma_start3A_185] : memref<2x12500x128xi32, #tpu.memory_space<hbm>> -> memref<1x8x128xi32, #tpu.memory_space<hbm>>
      %dma_start3A_187 = tpu.memref_squeeze %dma_start3A_186 : memref<1x8x128xi32, #tpu.memory_space<hbm>> -> memref<8x128xi32, #tpu.memory_space<hbm>>
      %dma_start3A_188 = arith.constant 0 : i32
      %dma_start3A_189 = arith.constant 0 : i32
      %dma_start3A_190 = tpu.memref_slice %arg7[%sub3A_89, %dma_start3A_188, %dma_start3A_189] : memref<2x8x128xi32, #tpu.memory_space<vmem>> -> memref<1x8x128xi32, #tpu.memory_space<vmem>>
      %dma_start3A_191 = tpu.memref_squeeze %dma_start3A_190 : memref<1x8x128xi32, #tpu.memory_space<vmem>> -> memref<8x128xi32, #tpu.memory_space<vmem>>
      %dma_start3A_192 = arith.constant 0 : i32
      %dma_start3A_193 = tpu.memref_slice %arg3[%arg0, %min3A_180, %dma_start3A_192] : memref<2x12500x128xi32, #tpu.memory_space<hbm>> -> memref<1x8x128xi32, #tpu.memory_space<hbm>>
      %dma_start3A_194 = tpu.memref_squeeze %dma_start3A_193 : memref<1x8x128xi32, #tpu.memory_space<hbm>> -> memref<8x128xi32, #tpu.memory_space<hbm>>
      tpu.enqueue_dma source(%dma_start3A_194 : memref<8x128xi32, #tpu.memory_space<hbm>>) target(%dma_start3A_191 : memref<8x128xi32, #tpu.memory_space<vmem>>) target_semaphore(%arg13 : memref<!tpu.dma_semaphore, #tpu.memory_space<semaphore_mem>>)
      %dma_start3A_195 = arith.constant 0 : i32
      %dma_start3A_196 = arith.constant 0 : i32
      %dma_start3A_197 = tpu.memref_slice %arg8[%sub3A_89, %dma_start3A_195, %dma_start3A_196] : memref<2x8x128xi32, #tpu.memory_space<vmem>> -> memref<1x8x128xi32, #tpu.memory_space<vmem>>
      %dma_start3A_198 = tpu.memref_squeeze %dma_start3A_197 : memref<1x8x128xi32, #tpu.memory_space<vmem>> -> memref<8x128xi32, #tpu.memory_space<vmem>>
      %dma_start3A_199 = arith.constant 0 : i32
      %dma_start3A_200 = tpu.memref_slice %arg4[%min3A_180, %dma_start3A_199] : memref<12500x128xi32, #tpu.memory_space<hbm>> -> memref<8x128xi32, #tpu.memory_space<hbm>>
      %dma_start3A_201 = arith.constant 0 : i32
      %dma_start3A_202 = arith.constant 0 : i32
      %dma_start3A_203 = tpu.memref_slice %arg8[%sub3A_89, %dma_start3A_201, %dma_start3A_202] : memref<2x8x128xi32, #tpu.memory_space<vmem>> -> memref<1x8x128xi32, #tpu.memory_space<vmem>>
      %dma_start3A_204 = tpu.memref_squeeze %dma_start3A_203 : memref<1x8x128xi32, #tpu.memory_space<vmem>> -> memref<8x128xi32, #tpu.memory_space<vmem>>
      %dma_start3A_205 = arith.constant 0 : i32
      %dma_start3A_206 = tpu.memref_slice %arg4[%min3A_180, %dma_start3A_205] : memref<12500x128xi32, #tpu.memory_space<hbm>> -> memref<8x128xi32, #tpu.memory_space<hbm>>
      tpu.enqueue_dma source(%dma_start3A_206 : memref<8x128xi32, #tpu.memory_space<hbm>>) target(%dma_start3A_204 : memref<8x128xi32, #tpu.memory_space<vmem>>) target_semaphore(%arg13 : memref<!tpu.dma_semaphore, #tpu.memory_space<semaphore_mem>>)
      %mul3A_207 = arith.constant 16 : i32
      %mul3A_208 = arith.muli %mul3A_94, %mul3A_207 : i32
      %add3A_209 = arith.constant 0 : i32
      %add3A_210 = arith.addi %mul3A_208, %add3A_209 : i32
      "tpu.region"() ({
        %run_scoped3A_416 = tpu.sem_alloc : memref<!tpu.dma_semaphore, #tpu.memory_space<semaphore_mem>>
        %dma_start3A_417 = arith.constant 0 : i32
        %dma_start3A_418 = arith.constant 0 : i32
        %dma_start3A_419 = tpu.memref_slice %arg10[%dma_start3A_417, %dma_start3A_418] : memref<64x128xf32, #tpu.memory_space<vmem>> -> memref<64x128xf32, #tpu.memory_space<vmem>>
        %dma_start3A_420 = arith.constant 0 : i32
        %dma_start3A_421 = tpu.memref_slice %arg5[%arg0, %add3A_210, %dma_start3A_420] : memref<2x200000x128xf32, #tpu.memory_space<hbm>> -> memref<1x64x128xf32, #tpu.memory_space<hbm>>
        %dma_start3A_422 = tpu.memref_squeeze %dma_start3A_421 : memref<1x64x128xf32, #tpu.memory_space<hbm>> -> memref<64x128xf32, #tpu.memory_space<hbm>>
        %dma_start3A_423 = arith.constant 0 : i32
        %dma_start3A_424 = arith.constant 0 : i32
        %dma_start3A_425 = tpu.memref_slice %arg10[%dma_start3A_423, %dma_start3A_424] : memref<64x128xf32, #tpu.memory_space<vmem>> -> memref<64x128xf32, #tpu.memory_space<vmem>>
        %dma_start3A_426 = arith.constant 0 : i32
        %dma_start3A_427 = tpu.memref_slice %arg5[%arg0, %add3A_210, %dma_start3A_426] : memref<2x200000x128xf32, #tpu.memory_space<hbm>> -> memref<1x64x128xf32, #tpu.memory_space<hbm>>
        %dma_start3A_428 = tpu.memref_squeeze %dma_start3A_427 : memref<1x64x128xf32, #tpu.memory_space<hbm>> -> memref<64x128xf32, #tpu.memory_space<hbm>>
        tpu.enqueue_dma source(%dma_start3A_428 : memref<64x128xf32, #tpu.memory_space<hbm>>) target(%dma_start3A_425 : memref<64x128xf32, #tpu.memory_space<vmem>>) target_semaphore(%run_scoped3A_416 : memref<!tpu.dma_semaphore, #tpu.memory_space<semaphore_mem>>)
        %dma_wait3A_429 = arith.constant 0 : i32
        %dma_wait3A_430 = arith.constant 0 : i32
        %dma_wait3A_431 = tpu.memref_slice %arg10[%dma_wait3A_429, %dma_wait3A_430] : memref<64x128xf32, #tpu.memory_space<vmem>> -> memref<64x128xf32, #tpu.memory_space<vmem>>
        %dma_wait3A_432 = arith.constant 0 : i32
        %dma_wait3A_433 = tpu.memref_slice %arg5[%arg0, %add3A_210, %dma_wait3A_432] : memref<2x200000x128xf32, #tpu.memory_space<hbm>> -> memref<1x64x128xf32, #tpu.memory_space<hbm>>
        %dma_wait3A_434 = tpu.memref_squeeze %dma_wait3A_433 : memref<1x64x128xf32, #tpu.memory_space<hbm>> -> memref<64x128xf32, #tpu.memory_space<hbm>>
        %dma_wait3A_435 = arith.constant 0 : i32
        %dma_wait3A_436 = arith.constant 0 : i32
        %dma_wait3A_437 = tpu.memref_slice %arg10[%dma_wait3A_435, %dma_wait3A_436] : memref<64x128xf32, #tpu.memory_space<vmem>> -> memref<64x128xf32, #tpu.memory_space<vmem>>
        %dma_wait3A_438 = arith.constant 0 : i32
        %dma_wait3A_439 = tpu.memref_slice %arg5[%arg0, %add3A_210, %dma_wait3A_438] : memref<2x200000x128xf32, #tpu.memory_space<hbm>> -> memref<1x64x128xf32, #tpu.memory_space<hbm>>
        %dma_wait3A_440 = tpu.memref_squeeze %dma_wait3A_439 : memref<1x64x128xf32, #tpu.memory_space<hbm>> -> memref<64x128xf32, #tpu.memory_space<hbm>>
        tpu.wait_dma2 semaphore(%run_scoped3A_416 : memref<!tpu.dma_semaphore, #tpu.memory_space<semaphore_mem>>) src(%dma_wait3A_440 : memref<64x128xf32, #tpu.memory_space<hbm>>) dst(%dma_wait3A_437 : memref<64x128xf32, #tpu.memory_space<vmem>>)
        tpu.yield
      }) : () -> ()
      %dma_wait3A_211 = arith.constant 0 : i32
      %dma_wait3A_212 = arith.constant 0 : i32
      %dma_wait3A_213 = arith.constant 0 : i32
      %dma_wait3A_214 = tpu.memref_slice %arg9[%dma_wait3A_212, %dma_wait3A_213] : memref<1024x16xf32, #tpu.memory_space<vmem>> -> memref<128x16xf32, #tpu.memory_space<vmem>>
      %dma_wait3A_215 = arith.constant 0 : i32
      %dma_wait3A_216 = tpu.memref_slice %arg7[%rem3A_87, %dma_wait3A_211, %dma_wait3A_215] : memref<2x8x128xi32, #tpu.memory_space<vmem>> -> memref<1x1x128xi32, #tpu.memory_space<vmem>>
      %dma_wait3A_217 = tpu.memref_squeeze %dma_wait3A_216 : memref<1x1x128xi32, #tpu.memory_space<vmem>> -> memref<128xi32, #tpu.memory_space<vmem>>
      %dma_wait3A_218 = arith.constant 0 : i32
      %dma_wait3A_219 = arith.constant 0 : i32
      %dma_wait3A_220 = tpu.memref_slice %arg2[%dma_wait3A_218, %dma_wait3A_219] : memref<204800x16xf32, #tpu.memory_space<hbm>> -> memref<204800x16xf32, #tpu.memory_space<hbm>>
      tpu.wait_indirect_dma semaphore(%arg12 : memref<!tpu.dma_semaphore, #tpu.memory_space<semaphore_mem>>) src(%dma_wait3A_220 : memref<204800x16xf32, #tpu.memory_space<hbm>>) dst(%dma_wait3A_214 : memref<128x16xf32, #tpu.memory_space<vmem>>)
      %dma_wait3A_221 = arith.constant 1 : i32
      %dma_wait3A_222 = arith.constant 128 : i32
      %dma_wait3A_223 = arith.constant 0 : i32
      %dma_wait3A_224 = tpu.memref_slice %arg9[%dma_wait3A_222, %dma_wait3A_223] : memref<1024x16xf32, #tpu.memory_space<vmem>> -> memref<128x16xf32, #tpu.memory_space<vmem>>
      %dma_wait3A_225 = arith.constant 0 : i32
      %dma_wait3A_226 = tpu.memref_slice %arg7[%rem3A_87, %dma_wait3A_221, %dma_wait3A_225] : memref<2x8x128xi32, #tpu.memory_space<vmem>> -> memref<1x1x128xi32, #tpu.memory_space<vmem>>
      %dma_wait3A_227 = tpu.memref_squeeze %dma_wait3A_226 : memref<1x1x128xi32, #tpu.memory_space<vmem>> -> memref<128xi32, #tpu.memory_space<vmem>>
      %dma_wait3A_228 = arith.constant 0 : i32
      %dma_wait3A_229 = arith.constant 0 : i32
      %dma_wait3A_230 = tpu.memref_slice %arg2[%dma_wait3A_228, %dma_wait3A_229] : memref<204800x16xf32, #tpu.memory_space<hbm>> -> memref<204800x16xf32, #tpu.memory_space<hbm>>
      tpu.wait_indirect_dma semaphore(%arg12 : memref<!tpu.dma_semaphore, #tpu.memory_space<semaphore_mem>>) src(%dma_wait3A_230 : memref<204800x16xf32, #tpu.memory_space<hbm>>) dst(%dma_wait3A_224 : memref<128x16xf32, #tpu.memory_space<vmem>>)
      %dma_wait3A_231 = arith.constant 2 : i32
      %dma_wait3A_232 = arith.constant 256 : i32
      %dma_wait3A_233 = arith.constant 0 : i32
      %dma_wait3A_234 = tpu.memref_slice %arg9[%dma_wait3A_232, %dma_wait3A_233] : memref<1024x16xf32, #tpu.memory_space<vmem>> -> memref<128x16xf32, #tpu.memory_space<vmem>>
      %dma_wait3A_235 = arith.constant 0 : i32
      %dma_wait3A_236 = tpu.memref_slice %arg7[%rem3A_87, %dma_wait3A_231, %dma_wait3A_235] : memref<2x8x128xi32, #tpu.memory_space<vmem>> -> memref<1x1x128xi32, #tpu.memory_space<vmem>>
      %dma_wait3A_237 = tpu.memref_squeeze %dma_wait3A_236 : memref<1x1x128xi32, #tpu.memory_space<vmem>> -> memref<128xi32, #tpu.memory_space<vmem>>
      %dma_wait3A_238 = arith.constant 0 : i32
      %dma_wait3A_239 = arith.constant 0 : i32
      %dma_wait3A_240 = tpu.memref_slice %arg2[%dma_wait3A_238, %dma_wait3A_239] : memref<204800x16xf32, #tpu.memory_space<hbm>> -> memref<204800x16xf32, #tpu.memory_space<hbm>>
      tpu.wait_indirect_dma semaphore(%arg12 : memref<!tpu.dma_semaphore, #tpu.memory_space<semaphore_mem>>) src(%dma_wait3A_240 : memref<204800x16xf32, #tpu.memory_space<hbm>>) dst(%dma_wait3A_234 : memref<128x16xf32, #tpu.memory_space<vmem>>)
      %dma_wait3A_241 = arith.constant 3 : i32
      %dma_wait3A_242 = arith.constant 384 : i32
      %dma_wait3A_243 = arith.constant 0 : i32
      %dma_wait3A_244 = tpu.memref_slice %arg9[%dma_wait3A_242, %dma_wait3A_243] : memref<1024x16xf32, #tpu.memory_space<vmem>> -> memref<128x16xf32, #tpu.memory_space<vmem>>
      %dma_wait3A_245 = arith.constant 0 : i32
      %dma_wait3A_246 = tpu.memref_slice %arg7[%rem3A_87, %dma_wait3A_241, %dma_wait3A_245] : memref<2x8x128xi32, #tpu.memory_space<vmem>> -> memref<1x1x128xi32, #tpu.memory_space<vmem>>
      %dma_wait3A_247 = tpu.memref_squeeze %dma_wait3A_246 : memref<1x1x128xi32, #tpu.memory_space<vmem>> -> memref<128xi32, #tpu.memory_space<vmem>>
      %dma_wait3A_248 = arith.constant 0 : i32
      %dma_wait3A_249 = arith.constant 0 : i32
      %dma_wait3A_250 = tpu.memref_slice %arg2[%dma_wait3A_248, %dma_wait3A_249] : memref<204800x16xf32, #tpu.memory_space<hbm>> -> memref<204800x16xf32, #tpu.memory_space<hbm>>
      tpu.wait_indirect_dma semaphore(%arg12 : memref<!tpu.dma_semaphore, #tpu.memory_space<semaphore_mem>>) src(%dma_wait3A_250 : memref<204800x16xf32, #tpu.memory_space<hbm>>) dst(%dma_wait3A_244 : memref<128x16xf32, #tpu.memory_space<vmem>>)
      %scan3A_251 = arith.constant 0 : i32
      %scan3A_252 = arith.constant 0 : i32
      %scan3A_253 = arith.constant 64 : i32
      %scan3A_254 = arith.addi %scan3A_252, %scan3A_253 : i32
      %scan3A_255 = arith.constant 1 : i32
      %scan3A_256 = scf.for %scan3A_416 = %scan3A_252 to %scan3A_254 step %scan3A_255 iter_args(%scan3A_417 = %scan3A_251) -> (i32)  : i32 {
        %mul3A_418 = arith.constant 8 : i32
        %mul3A_419 = arith.muli %scan3A_416, %mul3A_418 : i32
        %add3A_420 = arith.constant 0 : i32
        %add3A_421 = arith.addi %add3A_420, %mul3A_419 : i32
        %add3A_422 = arith.constant 0 : i32
        %add3A_423 = arith.addi %add3A_421, %add3A_422 : i32
        %get3A = arith.index_cast %add3A_423 : i32 to index
        %get3A_424 = arith.constant 0 : index
        %get3A_425 = tpu.vector_load %arg9[%get3A, %get3A_424] {strides = array<i32>} : memref<1024x16xf32, #tpu.memory_space<vmem>>, vector<1x16xf32>,
        %get3A_426 = vector.shape_cast %get3A_425 : vector<1x16xf32> to vector<16xf32>
        %get3A_427 = arith.index_cast %scan3A_416 : i32 to index
        %get3A_428 = arith.constant 0 : index
        %get3A_429 = tpu.vector_load %arg10[%get3A_427, %get3A_428] {strides = array<i32>} : memref<64x128xf32, #tpu.memory_space<vmem>>, vector<1x16xf32>,
        %get3A_430 = vector.shape_cast %get3A_429 : vector<1x16xf32> to vector<16xf32>
        %add3A_431 = arith.addf %get3A_426, %get3A_430 : vector<16xf32>
        %max3A = arith.constant 0.000000e+00 : f32
        %max3A_432 = vector.broadcast %max3A : f32 to vector<16xf32>
        %max3A_433 = arith.maximumf %add3A_431, %max3A_432 : vector<16xf32>
        %mul3A_434 = arith.constant 8 : i32
        %mul3A_435 = arith.muli %scan3A_416, %mul3A_434 : i32
        %add3A_436 = arith.constant 0 : i32
        %add3A_437 = arith.addi %add3A_436, %mul3A_435 : i32
        %add3A_438 = arith.constant 0 : i32
        %add3A_439 = arith.addi %add3A_437, %add3A_438 : i32
        %swap3A = arith.index_cast %add3A_439 : i32 to index
        %swap3A_440 = arith.constant 0 : index
        %swap3A_441 = tpu.vector_load %arg9[%swap3A, %swap3A_440] {strides = array<i32>} : memref<1024x16xf32, #tpu.memory_space<vmem>>, vector<1x16xf32>,
        %swap3A_442 = vector.shape_cast %swap3A_441 : vector<1x16xf32> to vector<16xf32>
        %swap3A_443 = vector.shape_cast %max3A_433 : vector<16xf32> to vector<1x16xf32>
        tpu.vector_store %arg9[%swap3A, %swap3A_440], %swap3A_443 {strides = array<i32>} : memref<1024x16xf32, #tpu.memory_space<vmem>>, vector<1x16xf32>,
        %mul3A_444 = arith.constant 8 : i32
        %mul3A_445 = arith.muli %scan3A_416, %mul3A_444 : i32
        %add3A_446 = arith.constant 0 : i32
        %add3A_447 = arith.addi %add3A_446, %mul3A_445 : i32
        %add3A_448 = arith.constant 1 : i32
        %add3A_449 = arith.addi %add3A_447, %add3A_448 : i32
        %get3A_450 = arith.index_cast %add3A_449 : i32 to index
        %get3A_451 = arith.constant 0 : index
        %get3A_452 = tpu.vector_load %arg9[%get3A_450, %get3A_451] {strides = array<i32>} : memref<1024x16xf32, #tpu.memory_space<vmem>>, vector<1x16xf32>,
        %get3A_453 = vector.shape_cast %get3A_452 : vector<1x16xf32> to vector<16xf32>
        %get3A_454 = arith.index_cast %scan3A_416 : i32 to index
        %get3A_455 = arith.constant 16 : index
        %get3A_456 = tpu.vector_load %arg10[%get3A_454, %get3A_455] {strides = array<i32>} : memref<64x128xf32, #tpu.memory_space<vmem>>, vector<1x16xf32>,
        %get3A_457 = vector.shape_cast %get3A_456 : vector<1x16xf32> to vector<16xf32>
        %add3A_458 = arith.addf %get3A_453, %get3A_457 : vector<16xf32>
        %max3A_459 = arith.constant 0.000000e+00 : f32
        %max3A_460 = vector.broadcast %max3A_459 : f32 to vector<16xf32>
        %max3A_461 = arith.maximumf %add3A_458, %max3A_460 : vector<16xf32>
        %mul3A_462 = arith.constant 8 : i32
        %mul3A_463 = arith.muli %scan3A_416, %mul3A_462 : i32
        %add3A_464 = arith.constant 0 : i32
        %add3A_465 = arith.addi %add3A_464, %mul3A_463 : i32
        %add3A_466 = arith.constant 1 : i32
        %add3A_467 = arith.addi %add3A_465, %add3A_466 : i32
        %swap3A_468 = arith.index_cast %add3A_467 : i32 to index
        %swap3A_469 = arith.constant 0 : index
        %swap3A_470 = tpu.vector_load %arg9[%swap3A_468, %swap3A_469] {strides = array<i32>} : memref<1024x16xf32, #tpu.memory_space<vmem>>, vector<1x16xf32>,
        %swap3A_471 = vector.shape_cast %swap3A_470 : vector<1x16xf32> to vector<16xf32>
        %swap3A_472 = vector.shape_cast %max3A_461 : vector<16xf32> to vector<1x16xf32>
        tpu.vector_store %arg9[%swap3A_468, %swap3A_469], %swap3A_472 {strides = array<i32>} : memref<1024x16xf32, #tpu.memory_space<vmem>>, vector<1x16xf32>,
        %mul3A_473 = arith.constant 8 : i32
        %mul3A_474 = arith.muli %scan3A_416, %mul3A_473 : i32
        %add3A_475 = arith.constant 0 : i32
        %add3A_476 = arith.addi %add3A_475, %mul3A_474 : i32
        %add3A_477 = arith.constant 2 : i32
        %add3A_478 = arith.addi %add3A_476, %add3A_477 : i32
        %get3A_479 = arith.index_cast %add3A_478 : i32 to index
        %get3A_480 = arith.constant 0 : index
        %get3A_481 = tpu.vector_load %arg9[%get3A_479, %get3A_480] {strides = array<i32>} : memref<1024x16xf32, #tpu.memory_space<vmem>>, vector<1x16xf32>,
        %get3A_482 = vector.shape_cast %get3A_481 : vector<1x16xf32> to vector<16xf32>
        %get3A_483 = arith.index_cast %scan3A_416 : i32 to index
        %get3A_484 = arith.constant 32 : index
        %get3A_485 = tpu.vector_load %arg10[%get3A_483, %get3A_484] {strides = array<i32>} : memref<64x128xf32, #tpu.memory_space<vmem>>, vector<1x16xf32>,
        %get3A_486 = vector.shape_cast %get3A_485 : vector<1x16xf32> to vector<16xf32>
        %add3A_487 = arith.addf %get3A_482, %get3A_486 : vector<16xf32>
        %max3A_488 = arith.constant 0.000000e+00 : f32
        %max3A_489 = vector.broadcast %max3A_488 : f32 to vector<16xf32>
        %max3A_490 = arith.maximumf %add3A_487, %max3A_489 : vector<16xf32>
        %mul3A_491 = arith.constant 8 : i32
        %mul3A_492 = arith.muli %scan3A_416, %mul3A_491 : i32
        %add3A_493 = arith.constant 0 : i32
        %add3A_494 = arith.addi %add3A_493, %mul3A_492 : i32
        %add3A_495 = arith.constant 2 : i32
        %add3A_496 = arith.addi %add3A_494, %add3A_495 : i32
        %swap3A_497 = arith.index_cast %add3A_496 : i32 to index
        %swap3A_498 = arith.constant 0 : index
        %swap3A_499 = tpu.vector_load %arg9[%swap3A_497, %swap3A_498] {strides = array<i32>} : memref<1024x16xf32, #tpu.memory_space<vmem>>, vector<1x16xf32>,
        %swap3A_500 = vector.shape_cast %swap3A_499 : vector<1x16xf32> to vector<16xf32>
        %swap3A_501 = vector.shape_cast %max3A_490 : vector<16xf32> to vector<1x16xf32>
        tpu.vector_store %arg9[%swap3A_497, %swap3A_498], %swap3A_501 {strides = array<i32>} : memref<1024x16xf32, #tpu.memory_space<vmem>>, vector<1x16xf32>,
        %mul3A_502 = arith.constant 8 : i32
        %mul3A_503 = arith.muli %scan3A_416, %mul3A_502 : i32
        %add3A_504 = arith.constant 0 : i32
        %add3A_505 = arith.addi %add3A_504, %mul3A_503 : i32
        %add3A_506 = arith.constant 3 : i32
        %add3A_507 = arith.addi %add3A_505, %add3A_506 : i32
        %get3A_508 = arith.index_cast %add3A_507 : i32 to index
        %get3A_509 = arith.constant 0 : index
        %get3A_510 = tpu.vector_load %arg9[%get3A_508, %get3A_509] {strides = array<i32>} : memref<1024x16xf32, #tpu.memory_space<vmem>>, vector<1x16xf32>,
        %get3A_511 = vector.shape_cast %get3A_510 : vector<1x16xf32> to vector<16xf32>
        %get3A_512 = arith.index_cast %scan3A_416 : i32 to index
        %get3A_513 = arith.constant 48 : index
        %get3A_514 = tpu.vector_load %arg10[%get3A_512, %get3A_513] {strides = array<i32>} : memref<64x128xf32, #tpu.memory_space<vmem>>, vector<1x16xf32>,
        %get3A_515 = vector.shape_cast %get3A_514 : vector<1x16xf32> to vector<16xf32>
        %add3A_516 = arith.addf %get3A_511, %get3A_515 : vector<16xf32>
        %max3A_517 = arith.constant 0.000000e+00 : f32
        %max3A_518 = vector.broadcast %max3A_517 : f32 to vector<16xf32>
        %max3A_519 = arith.maximumf %add3A_516, %max3A_518 : vector<16xf32>
        %mul3A_520 = arith.constant 8 : i32
        %mul3A_521 = arith.muli %scan3A_416, %mul3A_520 : i32
        %add3A_522 = arith.constant 0 : i32
        %add3A_523 = arith.addi %add3A_522, %mul3A_521 : i32
        %add3A_524 = arith.constant 3 : i32
        %add3A_525 = arith.addi %add3A_523, %add3A_524 : i32
        %swap3A_526 = arith.index_cast %add3A_525 : i32 to index
        %swap3A_527 = arith.constant 0 : index
        %swap3A_528 = tpu.vector_load %arg9[%swap3A_526, %swap3A_527] {strides = array<i32>} : memref<1024x16xf32, #tpu.memory_space<vmem>>, vector<1x16xf32>,
        %swap3A_529 = vector.shape_cast %swap3A_528 : vector<1x16xf32> to vector<16xf32>
        %swap3A_530 = vector.shape_cast %max3A_519 : vector<16xf32> to vector<1x16xf32>
        tpu.vector_store %arg9[%swap3A_526, %swap3A_527], %swap3A_530 {strides = array<i32>} : memref<1024x16xf32, #tpu.memory_space<vmem>>, vector<1x16xf32>,
        %mul3A_531 = arith.constant 8 : i32
        %mul3A_532 = arith.muli %scan3A_416, %mul3A_531 : i32
        %add3A_533 = arith.constant 0 : i32
        %add3A_534 = arith.addi %add3A_533, %mul3A_532 : i32
        %add3A_535 = arith.constant 4 : i32
        %add3A_536 = arith.addi %add3A_534, %add3A_535 : i32
        %get3A_537 = arith.index_cast %add3A_536 : i32 to index
        %get3A_538 = arith.constant 0 : index
        %get3A_539 = tpu.vector_load %arg9[%get3A_537, %get3A_538] {strides = array<i32>} : memref<1024x16xf32, #tpu.memory_space<vmem>>, vector<1x16xf32>,
        %get3A_540 = vector.shape_cast %get3A_539 : vector<1x16xf32> to vector<16xf32>
        %get3A_541 = arith.index_cast %scan3A_416 : i32 to index
        %get3A_542 = arith.constant 64 : index
        %get3A_543 = tpu.vector_load %arg10[%get3A_541, %get3A_542] {strides = array<i32>} : memref<64x128xf32, #tpu.memory_space<vmem>>, vector<1x16xf32>,
        %get3A_544 = vector.shape_cast %get3A_543 : vector<1x16xf32> to vector<16xf32>
        %add3A_545 = arith.addf %get3A_540, %get3A_544 : vector<16xf32>
        %max3A_546 = arith.constant 0.000000e+00 : f32
        %max3A_547 = vector.broadcast %max3A_546 : f32 to vector<16xf32>
        %max3A_548 = arith.maximumf %add3A_545, %max3A_547 : vector<16xf32>
        %mul3A_549 = arith.constant 8 : i32
        %mul3A_550 = arith.muli %scan3A_416, %mul3A_549 : i32
        %add3A_551 = arith.constant 0 : i32
        %add3A_552 = arith.addi %add3A_551, %mul3A_550 : i32
        %add3A_553 = arith.constant 4 : i32
        %add3A_554 = arith.addi %add3A_552, %add3A_553 : i32
        %swap3A_555 = arith.index_cast %add3A_554 : i32 to index
        %swap3A_556 = arith.constant 0 : index
        %swap3A_557 = tpu.vector_load %arg9[%swap3A_555, %swap3A_556] {strides = array<i32>} : memref<1024x16xf32, #tpu.memory_space<vmem>>, vector<1x16xf32>,
        %swap3A_558 = vector.shape_cast %swap3A_557 : vector<1x16xf32> to vector<16xf32>
        %swap3A_559 = vector.shape_cast %max3A_548 : vector<16xf32> to vector<1x16xf32>
        tpu.vector_store %arg9[%swap3A_555, %swap3A_556], %swap3A_559 {strides = array<i32>} : memref<1024x16xf32, #tpu.memory_space<vmem>>, vector<1x16xf32>,
        %mul3A_560 = arith.constant 8 : i32
        %mul3A_561 = arith.muli %scan3A_416, %mul3A_560 : i32
        %add3A_562 = arith.constant 0 : i32
        %add3A_563 = arith.addi %add3A_562, %mul3A_561 : i32
        %add3A_564 = arith.constant 5 : i32
        %add3A_565 = arith.addi %add3A_563, %add3A_564 : i32
        %get3A_566 = arith.index_cast %add3A_565 : i32 to index
        %get3A_567 = arith.constant 0 : index
        %get3A_568 = tpu.vector_load %arg9[%get3A_566, %get3A_567] {strides = array<i32>} : memref<1024x16xf32, #tpu.memory_space<vmem>>, vector<1x16xf32>,
        %get3A_569 = vector.shape_cast %get3A_568 : vector<1x16xf32> to vector<16xf32>
        %get3A_570 = arith.index_cast %scan3A_416 : i32 to index
        %get3A_571 = arith.constant 80 : index
        %get3A_572 = tpu.vector_load %arg10[%get3A_570, %get3A_571] {strides = array<i32>} : memref<64x128xf32, #tpu.memory_space<vmem>>, vector<1x16xf32>,
        %get3A_573 = vector.shape_cast %get3A_572 : vector<1x16xf32> to vector<16xf32>
        %add3A_574 = arith.addf %get3A_569, %get3A_573 : vector<16xf32>
        %max3A_575 = arith.constant 0.000000e+00 : f32
        %max3A_576 = vector.broadcast %max3A_575 : f32 to vector<16xf32>
        %max3A_577 = arith.maximumf %add3A_574, %max3A_576 : vector<16xf32>
        %mul3A_578 = arith.constant 8 : i32
        %mul3A_579 = arith.muli %scan3A_416, %mul3A_578 : i32
        %add3A_580 = arith.constant 0 : i32
        %add3A_581 = arith.addi %add3A_580, %mul3A_579 : i32
        %add3A_582 = arith.constant 5 : i32
        %add3A_583 = arith.addi %add3A_581, %add3A_582 : i32
        %swap3A_584 = arith.index_cast %add3A_583 : i32 to index
        %swap3A_585 = arith.constant 0 : index
        %swap3A_586 = tpu.vector_load %arg9[%swap3A_584, %swap3A_585] {strides = array<i32>} : memref<1024x16xf32, #tpu.memory_space<vmem>>, vector<1x16xf32>,
        %swap3A_587 = vector.shape_cast %swap3A_586 : vector<1x16xf32> to vector<16xf32>
        %swap3A_588 = vector.shape_cast %max3A_577 : vector<16xf32> to vector<1x16xf32>
        tpu.vector_store %arg9[%swap3A_584, %swap3A_585], %swap3A_588 {strides = array<i32>} : memref<1024x16xf32, #tpu.memory_space<vmem>>, vector<1x16xf32>,
        %mul3A_589 = arith.constant 8 : i32
        %mul3A_590 = arith.muli %scan3A_416, %mul3A_589 : i32
        %add3A_591 = arith.constant 0 : i32
        %add3A_592 = arith.addi %add3A_591, %mul3A_590 : i32
        %add3A_593 = arith.constant 6 : i32
        %add3A_594 = arith.addi %add3A_592, %add3A_593 : i32
        %get3A_595 = arith.index_cast %add3A_594 : i32 to index
        %get3A_596 = arith.constant 0 : index
        %get3A_597 = tpu.vector_load %arg9[%get3A_595, %get3A_596] {strides = array<i32>} : memref<1024x16xf32, #tpu.memory_space<vmem>>, vector<1x16xf32>,
        %get3A_598 = vector.shape_cast %get3A_597 : vector<1x16xf32> to vector<16xf32>
        %get3A_599 = arith.index_cast %scan3A_416 : i32 to index
        %get3A_600 = arith.constant 96 : index
        %get3A_601 = tpu.vector_load %arg10[%get3A_599, %get3A_600] {strides = array<i32>} : memref<64x128xf32, #tpu.memory_space<vmem>>, vector<1x16xf32>,
        %get3A_602 = vector.shape_cast %get3A_601 : vector<1x16xf32> to vector<16xf32>
        %add3A_603 = arith.addf %get3A_598, %get3A_602 : vector<16xf32>
        %max3A_604 = arith.constant 0.000000e+00 : f32
        %max3A_605 = vector.broadcast %max3A_604 : f32 to vector<16xf32>
        %max3A_606 = arith.maximumf %add3A_603, %max3A_605 : vector<16xf32>
        %mul3A_607 = arith.constant 8 : i32
        %mul3A_608 = arith.muli %scan3A_416, %mul3A_607 : i32
        %add3A_609 = arith.constant 0 : i32
        %add3A_610 = arith.addi %add3A_609, %mul3A_608 : i32
        %add3A_611 = arith.constant 6 : i32
        %add3A_612 = arith.addi %add3A_610, %add3A_611 : i32
        %swap3A_613 = arith.index_cast %add3A_612 : i32 to index
        %swap3A_614 = arith.constant 0 : index
        %swap3A_615 = tpu.vector_load %arg9[%swap3A_613, %swap3A_614] {strides = array<i32>} : memref<1024x16xf32, #tpu.memory_space<vmem>>, vector<1x16xf32>,
        %swap3A_616 = vector.shape_cast %swap3A_615 : vector<1x16xf32> to vector<16xf32>
        %swap3A_617 = vector.shape_cast %max3A_606 : vector<16xf32> to vector<1x16xf32>
        tpu.vector_store %arg9[%swap3A_613, %swap3A_614], %swap3A_617 {strides = array<i32>} : memref<1024x16xf32, #tpu.memory_space<vmem>>, vector<1x16xf32>,
        %mul3A_618 = arith.constant 8 : i32
        %mul3A_619 = arith.muli %scan3A_416, %mul3A_618 : i32
        %add3A_620 = arith.constant 0 : i32
        %add3A_621 = arith.addi %add3A_620, %mul3A_619 : i32
        %add3A_622 = arith.constant 7 : i32
        %add3A_623 = arith.addi %add3A_621, %add3A_622 : i32
        %get3A_624 = arith.index_cast %add3A_623 : i32 to index
        %get3A_625 = arith.constant 0 : index
        %get3A_626 = tpu.vector_load %arg9[%get3A_624, %get3A_625] {strides = array<i32>} : memref<1024x16xf32, #tpu.memory_space<vmem>>, vector<1x16xf32>,
        %get3A_627 = vector.shape_cast %get3A_626 : vector<1x16xf32> to vector<16xf32>
        %get3A_628 = arith.index_cast %scan3A_416 : i32 to index
        %get3A_629 = arith.constant 112 : index
        %get3A_630 = tpu.vector_load %arg10[%get3A_628, %get3A_629] {strides = array<i32>} : memref<64x128xf32, #tpu.memory_space<vmem>>, vector<1x16xf32>,
        %get3A_631 = vector.shape_cast %get3A_630 : vector<1x16xf32> to vector<16xf32>
        %add3A_632 = arith.addf %get3A_627, %get3A_631 : vector<16xf32>
        %max3A_633 = arith.constant 0.000000e+00 : f32
        %max3A_634 = vector.broadcast %max3A_633 : f32 to vector<16xf32>
        %max3A_635 = arith.maximumf %add3A_632, %max3A_634 : vector<16xf32>
        %mul3A_636 = arith.constant 8 : i32
        %mul3A_637 = arith.muli %scan3A_416, %mul3A_636 : i32
        %add3A_638 = arith.constant 0 : i32
        %add3A_639 = arith.addi %add3A_638, %mul3A_637 : i32
        %add3A_640 = arith.constant 7 : i32
        %add3A_641 = arith.addi %add3A_639, %add3A_640 : i32
        %swap3A_642 = arith.index_cast %add3A_641 : i32 to index
        %swap3A_643 = arith.constant 0 : index
        %swap3A_644 = tpu.vector_load %arg9[%swap3A_642, %swap3A_643] {strides = array<i32>} : memref<1024x16xf32, #tpu.memory_space<vmem>>, vector<1x16xf32>,
        %swap3A_645 = vector.shape_cast %swap3A_644 : vector<1x16xf32> to vector<16xf32>
        %swap3A_646 = vector.shape_cast %max3A_635 : vector<16xf32> to vector<1x16xf32>
        tpu.vector_store %arg9[%swap3A_642, %swap3A_643], %swap3A_646 {strides = array<i32>} : memref<1024x16xf32, #tpu.memory_space<vmem>>, vector<1x16xf32>,
        %scan3A_647 = arith.constant 0 : i32
        scf.yield %scan3A_647 : i32
      }
      %scan3A_257 = arith.constant 64 : i32
      %dma_start3A_258 = arith.constant 0 : i32
      %dma_start3A_259 = arith.constant 0 : i32
      %dma_start3A_260 = arith.constant 0 : i32
      %dma_start3A_261 = tpu.memref_slice %arg9[%dma_start3A_259, %dma_start3A_260] : memref<1024x16xf32, #tpu.memory_space<vmem>> -> memref<128x16xf32, #tpu.memory_space<vmem>>
      %dma_start3A_262 = arith.constant 0 : i32
      %dma_start3A_263 = tpu.memref_slice %arg8[%rem3A_87, %dma_start3A_258, %dma_start3A_262] : memref<2x8x128xi32, #tpu.memory_space<vmem>> -> memref<1x1x128xi32, #tpu.memory_space<vmem>>
      %dma_start3A_264 = tpu.memref_squeeze %dma_start3A_263 : memref<1x1x128xi32, #tpu.memory_space<vmem>> -> memref<128xi32, #tpu.memory_space<vmem>>
      %dma_start3A_265 = arith.constant 0 : i32
      %dma_start3A_266 = arith.constant 0 : i32
      %dma_start3A_267 = tpu.memref_slice %arg11[%dma_start3A_265, %dma_start3A_266] : memref<100000x16xf32, #tpu.memory_space<vmem_shared>> -> memref<100000x16xf32, #tpu.memory_space<vmem_shared>>
      tpu.enqueue_indirect_dma source(%dma_start3A_261 : memref<128x16xf32, #tpu.memory_space<vmem>>) target(%dma_start3A_267 : memref<100000x16xf32, #tpu.memory_space<vmem_shared>>) offsets(%dma_start3A_264 : memref<128xi32, #tpu.memory_space<vmem>>) semaphore(%arg14 : memref<!tpu.dma_semaphore, #tpu.memory_space<semaphore_mem>>) {add = true}
      %dma_start3A_268 = arith.constant 1 : i32
      %dma_start3A_269 = arith.constant 128 : i32
      %dma_start3A_270 = arith.constant 0 : i32
      %dma_start3A_271 = tpu.memref_slice %arg9[%dma_start3A_269, %dma_start3A_270] : memref<1024x16xf32, #tpu.memory_space<vmem>> -> memref<128x16xf32, #tpu.memory_space<vmem>>
      %dma_start3A_272 = arith.constant 0 : i32
      %dma_start3A_273 = tpu.memref_slice %arg8[%rem3A_87, %dma_start3A_268, %dma_start3A_272] : memref<2x8x128xi32, #tpu.memory_space<vmem>> -> memref<1x1x128xi32, #tpu.memory_space<vmem>>
      %dma_start3A_274 = tpu.memref_squeeze %dma_start3A_273 : memref<1x1x128xi32, #tpu.memory_space<vmem>> -> memref<128xi32, #tpu.memory_space<vmem>>
      %dma_start3A_275 = arith.constant 0 : i32
      %dma_start3A_276 = arith.constant 0 : i32
      %dma_start3A_277 = tpu.memref_slice %arg11[%dma_start3A_275, %dma_start3A_276] : memref<100000x16xf32, #tpu.memory_space<vmem_shared>> -> memref<100000x16xf32, #tpu.memory_space<vmem_shared>>
      tpu.enqueue_indirect_dma source(%dma_start3A_271 : memref<128x16xf32, #tpu.memory_space<vmem>>) target(%dma_start3A_277 : memref<100000x16xf32, #tpu.memory_space<vmem_shared>>) offsets(%dma_start3A_274 : memref<128xi32, #tpu.memory_space<vmem>>) semaphore(%arg14 : memref<!tpu.dma_semaphore, #tpu.memory_space<semaphore_mem>>) {add = true}
      %dma_start3A_278 = arith.constant 2 : i32
      %dma_start3A_279 = arith.constant 256 : i32
      %dma_start3A_280 = arith.constant 0 : i32
      %dma_start3A_281 = tpu.memref_slice %arg9[%dma_start3A_279, %dma_start3A_280] : memref<1024x16xf32, #tpu.memory_space<vmem>> -> memref<128x16xf32, #tpu.memory_space<vmem>>
      %dma_start3A_282 = arith.constant 0 : i32
      %dma_start3A_283 = tpu.memref_slice %arg8[%rem3A_87, %dma_start3A_278, %dma_start3A_282] : memref<2x8x128xi32, #tpu.memory_space<vmem>> -> memref<1x1x128xi32, #tpu.memory_space<vmem>>
      %dma_start3A_284 = tpu.memref_squeeze %dma_start3A_283 : memref<1x1x128xi32, #tpu.memory_space<vmem>> -> memref<128xi32, #tpu.memory_space<vmem>>
      %dma_start3A_285 = arith.constant 0 : i32
      %dma_start3A_286 = arith.constant 0 : i32
      %dma_start3A_287 = tpu.memref_slice %arg11[%dma_start3A_285, %dma_start3A_286] : memref<100000x16xf32, #tpu.memory_space<vmem_shared>> -> memref<100000x16xf32, #tpu.memory_space<vmem_shared>>
      tpu.enqueue_indirect_dma source(%dma_start3A_281 : memref<128x16xf32, #tpu.memory_space<vmem>>) target(%dma_start3A_287 : memref<100000x16xf32, #tpu.memory_space<vmem_shared>>) offsets(%dma_start3A_284 : memref<128xi32, #tpu.memory_space<vmem>>) semaphore(%arg14 : memref<!tpu.dma_semaphore, #tpu.memory_space<semaphore_mem>>) {add = true}
      %dma_start3A_288 = arith.constant 3 : i32
      %dma_start3A_289 = arith.constant 384 : i32
      %dma_start3A_290 = arith.constant 0 : i32
      %dma_start3A_291 = tpu.memref_slice %arg9[%dma_start3A_289, %dma_start3A_290] : memref<1024x16xf32, #tpu.memory_space<vmem>> -> memref<128x16xf32, #tpu.memory_space<vmem>>
      %dma_start3A_292 = arith.constant 0 : i32
      %dma_start3A_293 = tpu.memref_slice %arg8[%rem3A_87, %dma_start3A_288, %dma_start3A_292] : memref<2x8x128xi32, #tpu.memory_space<vmem>> -> memref<1x1x128xi32, #tpu.memory_space<vmem>>
      %dma_start3A_294 = tpu.memref_squeeze %dma_start3A_293 : memref<1x1x128xi32, #tpu.memory_space<vmem>> -> memref<128xi32, #tpu.memory_space<vmem>>
      %dma_start3A_295 = arith.constant 0 : i32
      %dma_start3A_296 = arith.constant 0 : i32
      %dma_start3A_297 = tpu.memref_slice %arg11[%dma_start3A_295, %dma_start3A_296] : memref<100000x16xf32, #tpu.memory_space<vmem_shared>> -> memref<100000x16xf32, #tpu.memory_space<vmem_shared>>
      tpu.enqueue_indirect_dma source(%dma_start3A_291 : memref<128x16xf32, #tpu.memory_space<vmem>>) target(%dma_start3A_297 : memref<100000x16xf32, #tpu.memory_space<vmem_shared>>) offsets(%dma_start3A_294 : memref<128xi32, #tpu.memory_space<vmem>>) semaphore(%arg14 : memref<!tpu.dma_semaphore, #tpu.memory_space<semaphore_mem>>) {add = true}
      %mul3A_298 = arith.constant 16 : i32
      %mul3A_299 = arith.muli %mul3A_94, %mul3A_298 : i32
      %add3A_300 = arith.constant 64 : i32
      %add3A_301 = arith.addi %mul3A_299, %add3A_300 : i32
      "tpu.region"() ({
        %run_scoped3A_416 = tpu.sem_alloc : memref<!tpu.dma_semaphore, #tpu.memory_space<semaphore_mem>>
        %dma_start3A_417 = arith.constant 0 : i32
        %dma_start3A_418 = arith.constant 0 : i32
        %dma_start3A_419 = tpu.memref_slice %arg10[%dma_start3A_417, %dma_start3A_418] : memref<64x128xf32, #tpu.memory_space<vmem>> -> memref<64x128xf32, #tpu.memory_space<vmem>>
        %dma_start3A_420 = arith.constant 0 : i32
        %dma_start3A_421 = tpu.memref_slice %arg5[%arg0, %add3A_301, %dma_start3A_420] : memref<2x200000x128xf32, #tpu.memory_space<hbm>> -> memref<1x64x128xf32, #tpu.memory_space<hbm>>
        %dma_start3A_422 = tpu.memref_squeeze %dma_start3A_421 : memref<1x64x128xf32, #tpu.memory_space<hbm>> -> memref<64x128xf32, #tpu.memory_space<hbm>>
        %dma_start3A_423 = arith.constant 0 : i32
        %dma_start3A_424 = arith.constant 0 : i32
        %dma_start3A_425 = tpu.memref_slice %arg10[%dma_start3A_423, %dma_start3A_424] : memref<64x128xf32, #tpu.memory_space<vmem>> -> memref<64x128xf32, #tpu.memory_space<vmem>>
        %dma_start3A_426 = arith.constant 0 : i32
        %dma_start3A_427 = tpu.memref_slice %arg5[%arg0, %add3A_301, %dma_start3A_426] : memref<2x200000x128xf32, #tpu.memory_space<hbm>> -> memref<1x64x128xf32, #tpu.memory_space<hbm>>
        %dma_start3A_428 = tpu.memref_squeeze %dma_start3A_427 : memref<1x64x128xf32, #tpu.memory_space<hbm>> -> memref<64x128xf32, #tpu.memory_space<hbm>>
        tpu.enqueue_dma source(%dma_start3A_428 : memref<64x128xf32, #tpu.memory_space<hbm>>) target(%dma_start3A_425 : memref<64x128xf32, #tpu.memory_space<vmem>>) target_semaphore(%run_scoped3A_416 : memref<!tpu.dma_semaphore, #tpu.memory_space<semaphore_mem>>)
        %dma_wait3A_429 = arith.constant 0 : i32
        %dma_wait3A_430 = arith.constant 0 : i32
        %dma_wait3A_431 = tpu.memref_slice %arg10[%dma_wait3A_429, %dma_wait3A_430] : memref<64x128xf32, #tpu.memory_space<vmem>> -> memref<64x128xf32, #tpu.memory_space<vmem>>
        %dma_wait3A_432 = arith.constant 0 : i32
        %dma_wait3A_433 = tpu.memref_slice %arg5[%arg0, %add3A_301, %dma_wait3A_432] : memref<2x200000x128xf32, #tpu.memory_space<hbm>> -> memref<1x64x128xf32, #tpu.memory_space<hbm>>
        %dma_wait3A_434 = tpu.memref_squeeze %dma_wait3A_433 : memref<1x64x128xf32, #tpu.memory_space<hbm>> -> memref<64x128xf32, #tpu.memory_space<hbm>>
        %dma_wait3A_435 = arith.constant 0 : i32
        %dma_wait3A_436 = arith.constant 0 : i32
        %dma_wait3A_437 = tpu.memref_slice %arg10[%dma_wait3A_435, %dma_wait3A_436] : memref<64x128xf32, #tpu.memory_space<vmem>> -> memref<64x128xf32, #tpu.memory_space<vmem>>
        %dma_wait3A_438 = arith.constant 0 : i32
        %dma_wait3A_439 = tpu.memref_slice %arg5[%arg0, %add3A_301, %dma_wait3A_438] : memref<2x200000x128xf32, #tpu.memory_space<hbm>> -> memref<1x64x128xf32, #tpu.memory_space<hbm>>
        %dma_wait3A_440 = tpu.memref_squeeze %dma_wait3A_439 : memref<1x64x128xf32, #tpu.memory_space<hbm>> -> memref<64x128xf32, #tpu.memory_space<hbm>>
        tpu.wait_dma2 semaphore(%run_scoped3A_416 : memref<!tpu.dma_semaphore, #tpu.memory_space<semaphore_mem>>) src(%dma_wait3A_440 : memref<64x128xf32, #tpu.memory_space<hbm>>) dst(%dma_wait3A_437 : memref<64x128xf32, #tpu.memory_space<vmem>>)
        tpu.yield
      }) : () -> ()
      %dma_wait3A_302 = arith.constant 4 : i32
      %dma_wait3A_303 = arith.constant 512 : i32
      %dma_wait3A_304 = arith.constant 0 : i32
      %dma_wait3A_305 = tpu.memref_slice %arg9[%dma_wait3A_303, %dma_wait3A_304] : memref<1024x16xf32, #tpu.memory_space<vmem>> -> memref<128x16xf32, #tpu.memory_space<vmem>>
      %dma_wait3A_306 = arith.constant 0 : i32
      %dma_wait3A_307 = tpu.memref_slice %arg7[%rem3A_87, %dma_wait3A_302, %dma_wait3A_306] : memref<2x8x128xi32, #tpu.memory_space<vmem>> -> memref<1x1x128xi32, #tpu.memory_space<vmem>>
      %dma_wait3A_308 = tpu.memref_squeeze %dma_wait3A_307 : memref<1x1x128xi32, #tpu.memory_space<vmem>> -> memref<128xi32, #tpu.memory_space<vmem>>
      %dma_wait3A_309 = arith.constant 0 : i32
      %dma_wait3A_310 = arith.constant 0 : i32
      %dma_wait3A_311 = tpu.memref_slice %arg2[%dma_wait3A_309, %dma_wait3A_310] : memref<204800x16xf32, #tpu.memory_space<hbm>> -> memref<204800x16xf32, #tpu.memory_space<hbm>>
      tpu.wait_indirect_dma semaphore(%arg12 : memref<!tpu.dma_semaphore, #tpu.memory_space<semaphore_mem>>) src(%dma_wait3A_311 : memref<204800x16xf32, #tpu.memory_space<hbm>>) dst(%dma_wait3A_305 : memref<128x16xf32, #tpu.memory_space<vmem>>)
      %dma_wait3A_312 = arith.constant 5 : i32
      %dma_wait3A_313 = arith.constant 640 : i32
      %dma_wait3A_314 = arith.constant 0 : i32
      %dma_wait3A_315 = tpu.memref_slice %arg9[%dma_wait3A_313, %dma_wait3A_314] : memref<1024x16xf32, #tpu.memory_space<vmem>> -> memref<128x16xf32, #tpu.memory_space<vmem>>
      %dma_wait3A_316 = arith.constant 0 : i32
      %dma_wait3A_317 = tpu.memref_slice %arg7[%rem3A_87, %dma_wait3A_312, %dma_wait3A_316] : memref<2x8x128xi32, #tpu.memory_space<vmem>> -> memref<1x1x128xi32, #tpu.memory_space<vmem>>
      %dma_wait3A_318 = tpu.memref_squeeze %dma_wait3A_317 : memref<1x1x128xi32, #tpu.memory_space<vmem>> -> memref<128xi32, #tpu.memory_space<vmem>>
      %dma_wait3A_319 = arith.constant 0 : i32
      %dma_wait3A_320 = arith.constant 0 : i32
      %dma_wait3A_321 = tpu.memref_slice %arg2[%dma_wait3A_319, %dma_wait3A_320] : memref<204800x16xf32, #tpu.memory_space<hbm>> -> memref<204800x16xf32, #tpu.memory_space<hbm>>
      tpu.wait_indirect_dma semaphore(%arg12 : memref<!tpu.dma_semaphore, #tpu.memory_space<semaphore_mem>>) src(%dma_wait3A_321 : memref<204800x16xf32, #tpu.memory_space<hbm>>) dst(%dma_wait3A_315 : memref<128x16xf32, #tpu.memory_space<vmem>>)
      %dma_wait3A_322 = arith.constant 6 : i32
      %dma_wait3A_323 = arith.constant 768 : i32
      %dma_wait3A_324 = arith.constant 0 : i32
      %dma_wait3A_325 = tpu.memref_slice %arg9[%dma_wait3A_323, %dma_wait3A_324] : memref<1024x16xf32, #tpu.memory_space<vmem>> -> memref<128x16xf32, #tpu.memory_space<vmem>>
      %dma_wait3A_326 = arith.constant 0 : i32
      %dma_wait3A_327 = tpu.memref_slice %arg7[%rem3A_87, %dma_wait3A_322, %dma_wait3A_326] : memref<2x8x128xi32, #tpu.memory_space<vmem>> -> memref<1x1x128xi32, #tpu.memory_space<vmem>>
      %dma_wait3A_328 = tpu.memref_squeeze %dma_wait3A_327 : memref<1x1x128xi32, #tpu.memory_space<vmem>> -> memref<128xi32, #tpu.memory_space<vmem>>
      %dma_wait3A_329 = arith.constant 0 : i32
      %dma_wait3A_330 = arith.constant 0 : i32
      %dma_wait3A_331 = tpu.memref_slice %arg2[%dma_wait3A_329, %dma_wait3A_330] : memref<204800x16xf32, #tpu.memory_space<hbm>> -> memref<204800x16xf32, #tpu.memory_space<hbm>>
      tpu.wait_indirect_dma semaphore(%arg12 : memref<!tpu.dma_semaphore, #tpu.memory_space<semaphore_mem>>) src(%dma_wait3A_331 : memref<204800x16xf32, #tpu.memory_space<hbm>>) dst(%dma_wait3A_325 : memref<128x16xf32, #tpu.memory_space<vmem>>)
      %dma_wait3A_332 = arith.constant 7 : i32
      %dma_wait3A_333 = arith.constant 896 : i32
      %dma_wait3A_334 = arith.constant 0 : i32
      %dma_wait3A_335 = tpu.memref_slice %arg9[%dma_wait3A_333, %dma_wait3A_334] : memref<1024x16xf32, #tpu.memory_space<vmem>> -> memref<128x16xf32, #tpu.memory_space<vmem>>
      %dma_wait3A_336 = arith.constant 0 : i32
      %dma_wait3A_337 = tpu.memref_slice %arg7[%rem3A_87, %dma_wait3A_332, %dma_wait3A_336] : memref<2x8x128xi32, #tpu.memory_space<vmem>> -> memref<1x1x128xi32, #tpu.memory_space<vmem>>
      %dma_wait3A_338 = tpu.memref_squeeze %dma_wait3A_337 : memref<1x1x128xi32, #tpu.memory_space<vmem>> -> memref<128xi32, #tpu.memory_space<vmem>>
      %dma_wait3A_339 = arith.constant 0 : i32
      %dma_wait3A_340 = arith.constant 0 : i32
      %dma_wait3A_341 = tpu.memref_slice %arg2[%dma_wait3A_339, %dma_wait3A_340] : memref<204800x16xf32, #tpu.memory_space<hbm>> -> memref<204800x16xf32, #tpu.memory_space<hbm>>
      tpu.wait_indirect_dma semaphore(%arg12 : memref<!tpu.dma_semaphore, #tpu.memory_space<semaphore_mem>>) src(%dma_wait3A_341 : memref<204800x16xf32, #tpu.memory_space<hbm>>) dst(%dma_wait3A_335 : memref<128x16xf32, #tpu.memory_space<vmem>>)
      %scan3A_342 = arith.constant 0 : i32
      %scan3A_343 = arith.constant 0 : i32
      %scan3A_344 = arith.constant 64 : i32
      %scan3A_345 = arith.addi %scan3A_343, %scan3A_344 : i32
      %scan3A_346 = arith.constant 1 : i32
      %scan3A_347 = scf.for %scan3A_416 = %scan3A_343 to %scan3A_345 step %scan3A_346 iter_args(%scan3A_417 = %scan3A_342) -> (i32)  : i32 {
        %mul3A_418 = arith.constant 8 : i32
        %mul3A_419 = arith.muli %scan3A_416, %mul3A_418 : i32
        %add3A_420 = arith.constant 512 : i32
        %add3A_421 = arith.addi %add3A_420, %mul3A_419 : i32
        %add3A_422 = arith.constant 0 : i32
        %add3A_423 = arith.addi %add3A_421, %add3A_422 : i32
        %get3A = arith.index_cast %add3A_423 : i32 to index
        %get3A_424 = arith.constant 0 : index
        %get3A_425 = tpu.vector_load %arg9[%get3A, %get3A_424] {strides = array<i32>} : memref<1024x16xf32, #tpu.memory_space<vmem>>, vector<1x16xf32>,
        %get3A_426 = vector.shape_cast %get3A_425 : vector<1x16xf32> to vector<16xf32>
        %get3A_427 = arith.index_cast %scan3A_416 : i32 to index
        %get3A_428 = arith.constant 0 : index
        %get3A_429 = tpu.vector_load %arg10[%get3A_427, %get3A_428] {strides = array<i32>} : memref<64x128xf32, #tpu.memory_space<vmem>>, vector<1x16xf32>,
        %get3A_430 = vector.shape_cast %get3A_429 : vector<1x16xf32> to vector<16xf32>
        %add3A_431 = arith.addf %get3A_426, %get3A_430 : vector<16xf32>
        %max3A = arith.constant 0.000000e+00 : f32
        %max3A_432 = vector.broadcast %max3A : f32 to vector<16xf32>
        %max3A_433 = arith.maximumf %add3A_431, %max3A_432 : vector<16xf32>
        %mul3A_434 = arith.constant 8 : i32
        %mul3A_435 = arith.muli %scan3A_416, %mul3A_434 : i32
        %add3A_436 = arith.constant 512 : i32
        %add3A_437 = arith.addi %add3A_436, %mul3A_435 : i32
        %add3A_438 = arith.constant 0 : i32
        %add3A_439 = arith.addi %add3A_437, %add3A_438 : i32
        %swap3A = arith.index_cast %add3A_439 : i32 to index
        %swap3A_440 = arith.constant 0 : index
        %swap3A_441 = tpu.vector_load %arg9[%swap3A, %swap3A_440] {strides = array<i32>} : memref<1024x16xf32, #tpu.memory_space<vmem>>, vector<1x16xf32>,
        %swap3A_442 = vector.shape_cast %swap3A_441 : vector<1x16xf32> to vector<16xf32>
        %swap3A_443 = vector.shape_cast %max3A_433 : vector<16xf32> to vector<1x16xf32>
        tpu.vector_store %arg9[%swap3A, %swap3A_440], %swap3A_443 {strides = array<i32>} : memref<1024x16xf32, #tpu.memory_space<vmem>>, vector<1x16xf32>,
        %mul3A_444 = arith.constant 8 : i32
        %mul3A_445 = arith.muli %scan3A_416, %mul3A_444 : i32
        %add3A_446 = arith.constant 512 : i32
        %add3A_447 = arith.addi %add3A_446, %mul3A_445 : i32
        %add3A_448 = arith.constant 1 : i32
        %add3A_449 = arith.addi %add3A_447, %add3A_448 : i32
        %get3A_450 = arith.index_cast %add3A_449 : i32 to index
        %get3A_451 = arith.constant 0 : index
        %get3A_452 = tpu.vector_load %arg9[%get3A_450, %get3A_451] {strides = array<i32>} : memref<1024x16xf32, #tpu.memory_space<vmem>>, vector<1x16xf32>,
        %get3A_453 = vector.shape_cast %get3A_452 : vector<1x16xf32> to vector<16xf32>
        %get3A_454 = arith.index_cast %scan3A_416 : i32 to index
        %get3A_455 = arith.constant 16 : index
        %get3A_456 = tpu.vector_load %arg10[%get3A_454, %get3A_455] {strides = array<i32>} : memref<64x128xf32, #tpu.memory_space<vmem>>, vector<1x16xf32>,
        %get3A_457 = vector.shape_cast %get3A_456 : vector<1x16xf32> to vector<16xf32>
        %add3A_458 = arith.addf %get3A_453, %get3A_457 : vector<16xf32>
        %max3A_459 = arith.constant 0.000000e+00 : f32
        %max3A_460 = vector.broadcast %max3A_459 : f32 to vector<16xf32>
        %max3A_461 = arith.maximumf %add3A_458, %max3A_460 : vector<16xf32>
        %mul3A_462 = arith.constant 8 : i32
        %mul3A_463 = arith.muli %scan3A_416, %mul3A_462 : i32
        %add3A_464 = arith.constant 512 : i32
        %add3A_465 = arith.addi %add3A_464, %mul3A_463 : i32
        %add3A_466 = arith.constant 1 : i32
        %add3A_467 = arith.addi %add3A_465, %add3A_466 : i32
        %swap3A_468 = arith.index_cast %add3A_467 : i32 to index
        %swap3A_469 = arith.constant 0 : index
        %swap3A_470 = tpu.vector_load %arg9[%swap3A_468, %swap3A_469] {strides = array<i32>} : memref<1024x16xf32, #tpu.memory_space<vmem>>, vector<1x16xf32>,
        %swap3A_471 = vector.shape_cast %swap3A_470 : vector<1x16xf32> to vector<16xf32>
        %swap3A_472 = vector.shape_cast %max3A_461 : vector<16xf32> to vector<1x16xf32>
        tpu.vector_store %arg9[%swap3A_468, %swap3A_469], %swap3A_472 {strides = array<i32>} : memref<1024x16xf32, #tpu.memory_space<vmem>>, vector<1x16xf32>,
        %mul3A_473 = arith.constant 8 : i32
        %mul3A_474 = arith.muli %scan3A_416, %mul3A_473 : i32
        %add3A_475 = arith.constant 512 : i32
        %add3A_476 = arith.addi %add3A_475, %mul3A_474 : i32
        %add3A_477 = arith.constant 2 : i32
        %add3A_478 = arith.addi %add3A_476, %add3A_477 : i32
        %get3A_479 = arith.index_cast %add3A_478 : i32 to index
        %get3A_480 = arith.constant 0 : index
        %get3A_481 = tpu.vector_load %arg9[%get3A_479, %get3A_480] {strides = array<i32>} : memref<1024x16xf32, #tpu.memory_space<vmem>>, vector<1x16xf32>,
        %get3A_482 = vector.shape_cast %get3A_481 : vector<1x16xf32> to vector<16xf32>
        %get3A_483 = arith.index_cast %scan3A_416 : i32 to index
        %get3A_484 = arith.constant 32 : index
        %get3A_485 = tpu.vector_load %arg10[%get3A_483, %get3A_484] {strides = array<i32>} : memref<64x128xf32, #tpu.memory_space<vmem>>, vector<1x16xf32>,
        %get3A_486 = vector.shape_cast %get3A_485 : vector<1x16xf32> to vector<16xf32>
        %add3A_487 = arith.addf %get3A_482, %get3A_486 : vector<16xf32>
        %max3A_488 = arith.constant 0.000000e+00 : f32
        %max3A_489 = vector.broadcast %max3A_488 : f32 to vector<16xf32>
        %max3A_490 = arith.maximumf %add3A_487, %max3A_489 : vector<16xf32>
        %mul3A_491 = arith.constant 8 : i32
        %mul3A_492 = arith.muli %scan3A_416, %mul3A_491 : i32
        %add3A_493 = arith.constant 512 : i32
        %add3A_494 = arith.addi %add3A_493, %mul3A_492 : i32
        %add3A_495 = arith.constant 2 : i32
        %add3A_496 = arith.addi %add3A_494, %add3A_495 : i32
        %swap3A_497 = arith.index_cast %add3A_496 : i32 to index
        %swap3A_498 = arith.constant 0 : index
        %swap3A_499 = tpu.vector_load %arg9[%swap3A_497, %swap3A_498] {strides = array<i32>} : memref<1024x16xf32, #tpu.memory_space<vmem>>, vector<1x16xf32>,
        %swap3A_500 = vector.shape_cast %swap3A_499 : vector<1x16xf32> to vector<16xf32>
        %swap3A_501 = vector.shape_cast %max3A_490 : vector<16xf32> to vector<1x16xf32>
        tpu.vector_store %arg9[%swap3A_497, %swap3A_498], %swap3A_501 {strides = array<i32>} : memref<1024x16xf32, #tpu.memory_space<vmem>>, vector<1x16xf32>,
        %mul3A_502 = arith.constant 8 : i32
        %mul3A_503 = arith.muli %scan3A_416, %mul3A_502 : i32
        %add3A_504 = arith.constant 512 : i32
        %add3A_505 = arith.addi %add3A_504, %mul3A_503 : i32
        %add3A_506 = arith.constant 3 : i32
        %add3A_507 = arith.addi %add3A_505, %add3A_506 : i32
        %get3A_508 = arith.index_cast %add3A_507 : i32 to index
        %get3A_509 = arith.constant 0 : index
        %get3A_510 = tpu.vector_load %arg9[%get3A_508, %get3A_509] {strides = array<i32>} : memref<1024x16xf32, #tpu.memory_space<vmem>>, vector<1x16xf32>,
        %get3A_511 = vector.shape_cast %get3A_510 : vector<1x16xf32> to vector<16xf32>
        %get3A_512 = arith.index_cast %scan3A_416 : i32 to index
        %get3A_513 = arith.constant 48 : index
        %get3A_514 = tpu.vector_load %arg10[%get3A_512, %get3A_513] {strides = array<i32>} : memref<64x128xf32, #tpu.memory_space<vmem>>, vector<1x16xf32>,
        %get3A_515 = vector.shape_cast %get3A_514 : vector<1x16xf32> to vector<16xf32>
        %add3A_516 = arith.addf %get3A_511, %get3A_515 : vector<16xf32>
        %max3A_517 = arith.constant 0.000000e+00 : f32
        %max3A_518 = vector.broadcast %max3A_517 : f32 to vector<16xf32>
        %max3A_519 = arith.maximumf %add3A_516, %max3A_518 : vector<16xf32>
        %mul3A_520 = arith.constant 8 : i32
        %mul3A_521 = arith.muli %scan3A_416, %mul3A_520 : i32
        %add3A_522 = arith.constant 512 : i32
        %add3A_523 = arith.addi %add3A_522, %mul3A_521 : i32
        %add3A_524 = arith.constant 3 : i32
        %add3A_525 = arith.addi %add3A_523, %add3A_524 : i32
        %swap3A_526 = arith.index_cast %add3A_525 : i32 to index
        %swap3A_527 = arith.constant 0 : index
        %swap3A_528 = tpu.vector_load %arg9[%swap3A_526, %swap3A_527] {strides = array<i32>} : memref<1024x16xf32, #tpu.memory_space<vmem>>, vector<1x16xf32>,
        %swap3A_529 = vector.shape_cast %swap3A_528 : vector<1x16xf32> to vector<16xf32>
        %swap3A_530 = vector.shape_cast %max3A_519 : vector<16xf32> to vector<1x16xf32>
        tpu.vector_store %arg9[%swap3A_526, %swap3A_527], %swap3A_530 {strides = array<i32>} : memref<1024x16xf32, #tpu.memory_space<vmem>>, vector<1x16xf32>,
        %mul3A_531 = arith.constant 8 : i32
        %mul3A_532 = arith.muli %scan3A_416, %mul3A_531 : i32
        %add3A_533 = arith.constant 512 : i32
        %add3A_534 = arith.addi %add3A_533, %mul3A_532 : i32
        %add3A_535 = arith.constant 4 : i32
        %add3A_536 = arith.addi %add3A_534, %add3A_535 : i32
        %get3A_537 = arith.index_cast %add3A_536 : i32 to index
        %get3A_538 = arith.constant 0 : index
        %get3A_539 = tpu.vector_load %arg9[%get3A_537, %get3A_538] {strides = array<i32>} : memref<1024x16xf32, #tpu.memory_space<vmem>>, vector<1x16xf32>,
        %get3A_540 = vector.shape_cast %get3A_539 : vector<1x16xf32> to vector<16xf32>
        %get3A_541 = arith.index_cast %scan3A_416 : i32 to index
        %get3A_542 = arith.constant 64 : index
        %get3A_543 = tpu.vector_load %arg10[%get3A_541, %get3A_542] {strides = array<i32>} : memref<64x128xf32, #tpu.memory_space<vmem>>, vector<1x16xf32>,
        %get3A_544 = vector.shape_cast %get3A_543 : vector<1x16xf32> to vector<16xf32>
        %add3A_545 = arith.addf %get3A_540, %get3A_544 : vector<16xf32>
        %max3A_546 = arith.constant 0.000000e+00 : f32
        %max3A_547 = vector.broadcast %max3A_546 : f32 to vector<16xf32>
        %max3A_548 = arith.maximumf %add3A_545, %max3A_547 : vector<16xf32>
        %mul3A_549 = arith.constant 8 : i32
        %mul3A_550 = arith.muli %scan3A_416, %mul3A_549 : i32
        %add3A_551 = arith.constant 512 : i32
        %add3A_552 = arith.addi %add3A_551, %mul3A_550 : i32
        %add3A_553 = arith.constant 4 : i32
        %add3A_554 = arith.addi %add3A_552, %add3A_553 : i32
        %swap3A_555 = arith.index_cast %add3A_554 : i32 to index
        %swap3A_556 = arith.constant 0 : index
        %swap3A_557 = tpu.vector_load %arg9[%swap3A_555, %swap3A_556] {strides = array<i32>} : memref<1024x16xf32, #tpu.memory_space<vmem>>, vector<1x16xf32>,
        %swap3A_558 = vector.shape_cast %swap3A_557 : vector<1x16xf32> to vector<16xf32>
        %swap3A_559 = vector.shape_cast %max3A_548 : vector<16xf32> to vector<1x16xf32>
        tpu.vector_store %arg9[%swap3A_555, %swap3A_556], %swap3A_559 {strides = array<i32>} : memref<1024x16xf32, #tpu.memory_space<vmem>>, vector<1x16xf32>,
        %mul3A_560 = arith.constant 8 : i32
        %mul3A_561 = arith.muli %scan3A_416, %mul3A_560 : i32
        %add3A_562 = arith.constant 512 : i32
        %add3A_563 = arith.addi %add3A_562, %mul3A_561 : i32
        %add3A_564 = arith.constant 5 : i32
        %add3A_565 = arith.addi %add3A_563, %add3A_564 : i32
        %get3A_566 = arith.index_cast %add3A_565 : i32 to index
        %get3A_567 = arith.constant 0 : index
        %get3A_568 = tpu.vector_load %arg9[%get3A_566, %get3A_567] {strides = array<i32>} : memref<1024x16xf32, #tpu.memory_space<vmem>>, vector<1x16xf32>,
        %get3A_569 = vector.shape_cast %get3A_568 : vector<1x16xf32> to vector<16xf32>
        %get3A_570 = arith.index_cast %scan3A_416 : i32 to index
        %get3A_571 = arith.constant 80 : index
        %get3A_572 = tpu.vector_load %arg10[%get3A_570, %get3A_571] {strides = array<i32>} : memref<64x128xf32, #tpu.memory_space<vmem>>, vector<1x16xf32>,
        %get3A_573 = vector.shape_cast %get3A_572 : vector<1x16xf32> to vector<16xf32>
        %add3A_574 = arith.addf %get3A_569, %get3A_573 : vector<16xf32>
        %max3A_575 = arith.constant 0.000000e+00 : f32
        %max3A_576 = vector.broadcast %max3A_575 : f32 to vector<16xf32>
        %max3A_577 = arith.maximumf %add3A_574, %max3A_576 : vector<16xf32>
        %mul3A_578 = arith.constant 8 : i32
        %mul3A_579 = arith.muli %scan3A_416, %mul3A_578 : i32
        %add3A_580 = arith.constant 512 : i32
        %add3A_581 = arith.addi %add3A_580, %mul3A_579 : i32
        %add3A_582 = arith.constant 5 : i32
        %add3A_583 = arith.addi %add3A_581, %add3A_582 : i32
        %swap3A_584 = arith.index_cast %add3A_583 : i32 to index
        %swap3A_585 = arith.constant 0 : index
        %swap3A_586 = tpu.vector_load %arg9[%swap3A_584, %swap3A_585] {strides = array<i32>} : memref<1024x16xf32, #tpu.memory_space<vmem>>, vector<1x16xf32>,
        %swap3A_587 = vector.shape_cast %swap3A_586 : vector<1x16xf32> to vector<16xf32>
        %swap3A_588 = vector.shape_cast %max3A_577 : vector<16xf32> to vector<1x16xf32>
        tpu.vector_store %arg9[%swap3A_584, %swap3A_585], %swap3A_588 {strides = array<i32>} : memref<1024x16xf32, #tpu.memory_space<vmem>>, vector<1x16xf32>,
        %mul3A_589 = arith.constant 8 : i32
        %mul3A_590 = arith.muli %scan3A_416, %mul3A_589 : i32
        %add3A_591 = arith.constant 512 : i32
        %add3A_592 = arith.addi %add3A_591, %mul3A_590 : i32
        %add3A_593 = arith.constant 6 : i32
        %add3A_594 = arith.addi %add3A_592, %add3A_593 : i32
        %get3A_595 = arith.index_cast %add3A_594 : i32 to index
        %get3A_596 = arith.constant 0 : index
        %get3A_597 = tpu.vector_load %arg9[%get3A_595, %get3A_596] {strides = array<i32>} : memref<1024x16xf32, #tpu.memory_space<vmem>>, vector<1x16xf32>,
        %get3A_598 = vector.shape_cast %get3A_597 : vector<1x16xf32> to vector<16xf32>
        %get3A_599 = arith.index_cast %scan3A_416 : i32 to index
        %get3A_600 = arith.constant 96 : index
        %get3A_601 = tpu.vector_load %arg10[%get3A_599, %get3A_600] {strides = array<i32>} : memref<64x128xf32, #tpu.memory_space<vmem>>, vector<1x16xf32>,
        %get3A_602 = vector.shape_cast %get3A_601 : vector<1x16xf32> to vector<16xf32>
        %add3A_603 = arith.addf %get3A_598, %get3A_602 : vector<16xf32>
        %max3A_604 = arith.constant 0.000000e+00 : f32
        %max3A_605 = vector.broadcast %max3A_604 : f32 to vector<16xf32>
        %max3A_606 = arith.maximumf %add3A_603, %max3A_605 : vector<16xf32>
        %mul3A_607 = arith.constant 8 : i32
        %mul3A_608 = arith.muli %scan3A_416, %mul3A_607 : i32
        %add3A_609 = arith.constant 512 : i32
        %add3A_610 = arith.addi %add3A_609, %mul3A_608 : i32
        %add3A_611 = arith.constant 6 : i32
        %add3A_612 = arith.addi %add3A_610, %add3A_611 : i32
        %swap3A_613 = arith.index_cast %add3A_612 : i32 to index
        %swap3A_614 = arith.constant 0 : index
        %swap3A_615 = tpu.vector_load %arg9[%swap3A_613, %swap3A_614] {strides = array<i32>} : memref<1024x16xf32, #tpu.memory_space<vmem>>, vector<1x16xf32>,
        %swap3A_616 = vector.shape_cast %swap3A_615 : vector<1x16xf32> to vector<16xf32>
        %swap3A_617 = vector.shape_cast %max3A_606 : vector<16xf32> to vector<1x16xf32>
        tpu.vector_store %arg9[%swap3A_613, %swap3A_614], %swap3A_617 {strides = array<i32>} : memref<1024x16xf32, #tpu.memory_space<vmem>>, vector<1x16xf32>,
        %mul3A_618 = arith.constant 8 : i32
        %mul3A_619 = arith.muli %scan3A_416, %mul3A_618 : i32
        %add3A_620 = arith.constant 512 : i32
        %add3A_621 = arith.addi %add3A_620, %mul3A_619 : i32
        %add3A_622 = arith.constant 7 : i32
        %add3A_623 = arith.addi %add3A_621, %add3A_622 : i32
        %get3A_624 = arith.index_cast %add3A_623 : i32 to index
        %get3A_625 = arith.constant 0 : index
        %get3A_626 = tpu.vector_load %arg9[%get3A_624, %get3A_625] {strides = array<i32>} : memref<1024x16xf32, #tpu.memory_space<vmem>>, vector<1x16xf32>,
        %get3A_627 = vector.shape_cast %get3A_626 : vector<1x16xf32> to vector<16xf32>
        %get3A_628 = arith.index_cast %scan3A_416 : i32 to index
        %get3A_629 = arith.constant 112 : index
        %get3A_630 = tpu.vector_load %arg10[%get3A_628, %get3A_629] {strides = array<i32>} : memref<64x128xf32, #tpu.memory_space<vmem>>, vector<1x16xf32>,
        %get3A_631 = vector.shape_cast %get3A_630 : vector<1x16xf32> to vector<16xf32>
        %add3A_632 = arith.addf %get3A_627, %get3A_631 : vector<16xf32>
        %max3A_633 = arith.constant 0.000000e+00 : f32
        %max3A_634 = vector.broadcast %max3A_633 : f32 to vector<16xf32>
        %max3A_635 = arith.maximumf %add3A_632, %max3A_634 : vector<16xf32>
        %mul3A_636 = arith.constant 8 : i32
        %mul3A_637 = arith.muli %scan3A_416, %mul3A_636 : i32
        %add3A_638 = arith.constant 512 : i32
        %add3A_639 = arith.addi %add3A_638, %mul3A_637 : i32
        %add3A_640 = arith.constant 7 : i32
        %add3A_641 = arith.addi %add3A_639, %add3A_640 : i32
        %swap3A_642 = arith.index_cast %add3A_641 : i32 to index
        %swap3A_643 = arith.constant 0 : index
        %swap3A_644 = tpu.vector_load %arg9[%swap3A_642, %swap3A_643] {strides = array<i32>} : memref<1024x16xf32, #tpu.memory_space<vmem>>, vector<1x16xf32>,
        %swap3A_645 = vector.shape_cast %swap3A_644 : vector<1x16xf32> to vector<16xf32>
        %swap3A_646 = vector.shape_cast %max3A_635 : vector<16xf32> to vector<1x16xf32>
        tpu.vector_store %arg9[%swap3A_642, %swap3A_643], %swap3A_646 {strides = array<i32>} : memref<1024x16xf32, #tpu.memory_space<vmem>>, vector<1x16xf32>,
        %scan3A_647 = arith.constant 0 : i32
        scf.yield %scan3A_647 : i32
      }
      %scan3A_348 = arith.constant 64 : i32
      %dma_start3A_349 = arith.constant 4 : i32
      %dma_start3A_350 = arith.constant 512 : i32
      %dma_start3A_351 = arith.constant 0 : i32
      %dma_start3A_352 = tpu.memref_slice %arg9[%dma_start3A_350, %dma_start3A_351] : memref<1024x16xf32, #tpu.memory_space<vmem>> -> memref<128x16xf32, #tpu.memory_space<vmem>>
      %dma_start3A_353 = arith.constant 0 : i32
      %dma_start3A_354 = tpu.memref_slice %arg8[%rem3A_87, %dma_start3A_349, %dma_start3A_353] : memref<2x8x128xi32, #tpu.memory_space<vmem>> -> memref<1x1x128xi32, #tpu.memory_space<vmem>>
      %dma_start3A_355 = tpu.memref_squeeze %dma_start3A_354 : memref<1x1x128xi32, #tpu.memory_space<vmem>> -> memref<128xi32, #tpu.memory_space<vmem>>
      %dma_start3A_356 = arith.constant 0 : i32
      %dma_start3A_357 = arith.constant 0 : i32
      %dma_start3A_358 = tpu.memref_slice %arg11[%dma_start3A_356, %dma_start3A_357] : memref<100000x16xf32, #tpu.memory_space<vmem_shared>> -> memref<100000x16xf32, #tpu.memory_space<vmem_shared>>
      tpu.enqueue_indirect_dma source(%dma_start3A_352 : memref<128x16xf32, #tpu.memory_space<vmem>>) target(%dma_start3A_358 : memref<100000x16xf32, #tpu.memory_space<vmem_shared>>) offsets(%dma_start3A_355 : memref<128xi32, #tpu.memory_space<vmem>>) semaphore(%arg14 : memref<!tpu.dma_semaphore, #tpu.memory_space<semaphore_mem>>) {add = true}
      %dma_start3A_359 = arith.constant 5 : i32
      %dma_start3A_360 = arith.constant 640 : i32
      %dma_start3A_361 = arith.constant 0 : i32
      %dma_start3A_362 = tpu.memref_slice %arg9[%dma_start3A_360, %dma_start3A_361] : memref<1024x16xf32, #tpu.memory_space<vmem>> -> memref<128x16xf32, #tpu.memory_space<vmem>>
      %dma_start3A_363 = arith.constant 0 : i32
      %dma_start3A_364 = tpu.memref_slice %arg8[%rem3A_87, %dma_start3A_359, %dma_start3A_363] : memref<2x8x128xi32, #tpu.memory_space<vmem>> -> memref<1x1x128xi32, #tpu.memory_space<vmem>>
      %dma_start3A_365 = tpu.memref_squeeze %dma_start3A_364 : memref<1x1x128xi32, #tpu.memory_space<vmem>> -> memref<128xi32, #tpu.memory_space<vmem>>
      %dma_start3A_366 = arith.constant 0 : i32
      %dma_start3A_367 = arith.constant 0 : i32
      %dma_start3A_368 = tpu.memref_slice %arg11[%dma_start3A_366, %dma_start3A_367] : memref<100000x16xf32, #tpu.memory_space<vmem_shared>> -> memref<100000x16xf32, #tpu.memory_space<vmem_shared>>
      tpu.enqueue_indirect_dma source(%dma_start3A_362 : memref<128x16xf32, #tpu.memory_space<vmem>>) target(%dma_start3A_368 : memref<100000x16xf32, #tpu.memory_space<vmem_shared>>) offsets(%dma_start3A_365 : memref<128xi32, #tpu.memory_space<vmem>>) semaphore(%arg14 : memref<!tpu.dma_semaphore, #tpu.memory_space<semaphore_mem>>) {add = true}
      %dma_start3A_369 = arith.constant 6 : i32
      %dma_start3A_370 = arith.constant 768 : i32
      %dma_start3A_371 = arith.constant 0 : i32
      %dma_start3A_372 = tpu.memref_slice %arg9[%dma_start3A_370, %dma_start3A_371] : memref<1024x16xf32, #tpu.memory_space<vmem>> -> memref<128x16xf32, #tpu.memory_space<vmem>>
      %dma_start3A_373 = arith.constant 0 : i32
      %dma_start3A_374 = tpu.memref_slice %arg8[%rem3A_87, %dma_start3A_369, %dma_start3A_373] : memref<2x8x128xi32, #tpu.memory_space<vmem>> -> memref<1x1x128xi32, #tpu.memory_space<vmem>>
      %dma_start3A_375 = tpu.memref_squeeze %dma_start3A_374 : memref<1x1x128xi32, #tpu.memory_space<vmem>> -> memref<128xi32, #tpu.memory_space<vmem>>
      %dma_start3A_376 = arith.constant 0 : i32
      %dma_start3A_377 = arith.constant 0 : i32
      %dma_start3A_378 = tpu.memref_slice %arg11[%dma_start3A_376, %dma_start3A_377] : memref<100000x16xf32, #tpu.memory_space<vmem_shared>> -> memref<100000x16xf32, #tpu.memory_space<vmem_shared>>
      tpu.enqueue_indirect_dma source(%dma_start3A_372 : memref<128x16xf32, #tpu.memory_space<vmem>>) target(%dma_start3A_378 : memref<100000x16xf32, #tpu.memory_space<vmem_shared>>) offsets(%dma_start3A_375 : memref<128xi32, #tpu.memory_space<vmem>>) semaphore(%arg14 : memref<!tpu.dma_semaphore, #tpu.memory_space<semaphore_mem>>) {add = true}
      %dma_start3A_379 = arith.constant 7 : i32
      %dma_start3A_380 = arith.constant 896 : i32
      %dma_start3A_381 = arith.constant 0 : i32
      %dma_start3A_382 = tpu.memref_slice %arg9[%dma_start3A_380, %dma_start3A_381] : memref<1024x16xf32, #tpu.memory_space<vmem>> -> memref<128x16xf32, #tpu.memory_space<vmem>>
      %dma_start3A_383 = arith.constant 0 : i32
      %dma_start3A_384 = tpu.memref_slice %arg8[%rem3A_87, %dma_start3A_379, %dma_start3A_383] : memref<2x8x128xi32, #tpu.memory_space<vmem>> -> memref<1x1x128xi32, #tpu.memory_space<vmem>>
      %dma_start3A_385 = tpu.memref_squeeze %dma_start3A_384 : memref<1x1x128xi32, #tpu.memory_space<vmem>> -> memref<128xi32, #tpu.memory_space<vmem>>
      %dma_start3A_386 = arith.constant 0 : i32
      %dma_start3A_387 = arith.constant 0 : i32
      %dma_start3A_388 = tpu.memref_slice %arg11[%dma_start3A_386, %dma_start3A_387] : memref<100000x16xf32, #tpu.memory_space<vmem_shared>> -> memref<100000x16xf32, #tpu.memory_space<vmem_shared>>
      tpu.enqueue_indirect_dma source(%dma_start3A_382 : memref<128x16xf32, #tpu.memory_space<vmem>>) target(%dma_start3A_388 : memref<100000x16xf32, #tpu.memory_space<vmem_shared>>) offsets(%dma_start3A_385 : memref<128xi32, #tpu.memory_space<vmem>>) semaphore(%arg14 : memref<!tpu.dma_semaphore, #tpu.memory_space<semaphore_mem>>) {add = true}
      %dma_wait3A_389 = arith.constant 0 : i32
      %dma_wait3A_390 = arith.constant 0 : i32
      %dma_wait3A_391 = tpu.memref_slice %arg7[%sub3A_89, %dma_wait3A_389, %dma_wait3A_390] : memref<2x8x128xi32, #tpu.memory_space<vmem>> -> memref<1x8x128xi32, #tpu.memory_space<vmem>>
      %dma_wait3A_392 = tpu.memref_squeeze %dma_wait3A_391 : memref<1x8x128xi32, #tpu.memory_space<vmem>> -> memref<8x128xi32, #tpu.memory_space<vmem>>
      %dma_wait3A_393 = arith.constant 0 : i32
      %dma_wait3A_394 = tpu.memref_slice %arg3[%arg0, %min3A_180, %dma_wait3A_393] : memref<2x12500x128xi32, #tpu.memory_space<hbm>> -> memref<1x8x128xi32, #tpu.memory_space<hbm>>
      %dma_wait3A_395 = tpu.memref_squeeze %dma_wait3A_394 : memref<1x8x128xi32, #tpu.memory_space<hbm>> -> memref<8x128xi32, #tpu.memory_space<hbm>>
      %dma_wait3A_396 = arith.constant 0 : i32
      %dma_wait3A_397 = arith.constant 0 : i32
      %dma_wait3A_398 = tpu.memref_slice %arg7[%sub3A_89, %dma_wait3A_396, %dma_wait3A_397] : memref<2x8x128xi32, #tpu.memory_space<vmem>> -> memref<1x8x128xi32, #tpu.memory_space<vmem>>
      %dma_wait3A_399 = tpu.memref_squeeze %dma_wait3A_398 : memref<1x8x128xi32, #tpu.memory_space<vmem>> -> memref<8x128xi32, #tpu.memory_space<vmem>>
      %dma_wait3A_400 = arith.constant 0 : i32
      %dma_wait3A_401 = tpu.memref_slice %arg3[%arg0, %min3A_180, %dma_wait3A_400] : memref<2x12500x128xi32, #tpu.memory_space<hbm>> -> memref<1x8x128xi32, #tpu.memory_space<hbm>>
      %dma_wait3A_402 = tpu.memref_squeeze %dma_wait3A_401 : memref<1x8x128xi32, #tpu.memory_space<hbm>> -> memref<8x128xi32, #tpu.memory_space<hbm>>
      tpu.wait_dma2 semaphore(%arg13 : memref<!tpu.dma_semaphore, #tpu.memory_space<semaphore_mem>>) src(%dma_wait3A_402 : memref<8x128xi32, #tpu.memory_space<hbm>>) dst(%dma_wait3A_399 : memref<8x128xi32, #tpu.memory_space<vmem>>)
      %dma_wait3A_403 = arith.constant 0 : i32
      %dma_wait3A_404 = arith.constant 0 : i32
      %dma_wait3A_405 = tpu.memref_slice %arg8[%sub3A_89, %dma_wait3A_403, %dma_wait3A_404] : memref<2x8x128xi32, #tpu.memory_space<vmem>> -> memref<1x8x128xi32, #tpu.memory_space<vmem>>
      %dma_wait3A_406 = tpu.memref_squeeze %dma_wait3A_405 : memref<1x8x128xi32, #tpu.memory_space<vmem>> -> memref<8x128xi32, #tpu.memory_space<vmem>>
      %dma_wait3A_407 = arith.constant 0 : i32
      %dma_wait3A_408 = tpu.memref_slice %arg4[%min3A_180, %dma_wait3A_407] : memref<12500x128xi32, #tpu.memory_space<hbm>> -> memref<8x128xi32, #tpu.memory_space<hbm>>
      %dma_wait3A_409 = arith.constant 0 : i32
      %dma_wait3A_410 = arith.constant 0 : i32
      %dma_wait3A_411 = tpu.memref_slice %arg8[%sub3A_89, %dma_wait3A_409, %dma_wait3A_410] : memref<2x8x128xi32, #tpu.memory_space<vmem>> -> memref<1x8x128xi32, #tpu.memory_space<vmem>>
      %dma_wait3A_412 = tpu.memref_squeeze %dma_wait3A_411 : memref<1x8x128xi32, #tpu.memory_space<vmem>> -> memref<8x128xi32, #tpu.memory_space<vmem>>
      %dma_wait3A_413 = arith.constant 0 : i32
      %dma_wait3A_414 = tpu.memref_slice %arg4[%min3A_180, %dma_wait3A_413] : memref<12500x128xi32, #tpu.memory_space<hbm>> -> memref<8x128xi32, #tpu.memory_space<hbm>>
      tpu.wait_dma2 semaphore(%arg13 : memref<!tpu.dma_semaphore, #tpu.memory_space<semaphore_mem>>) src(%dma_wait3A_414 : memref<8x128xi32, #tpu.memory_space<hbm>>) dst(%dma_wait3A_412 : memref<8x128xi32, #tpu.memory_space<vmem>>)
      %while3A_415 = arith.constant 0 : i32
      scf.yield %while3A_415 : i32
    }
    %while3A_70 = arith.constant 1 : i32
    %while3A_71 = scf.for %while3A_84 = %while3A_67 to %while3A_63 step %while3A_70 iter_args(%while3A_85 = %while3A_69) -> (i32)  : i32 {
      %rem3A_86 = arith.constant 2 : i32
      %rem3A_87 = arith.remsi %while3A_84, %rem3A_86 : i32
      %sub3A_88 = arith.constant 1 : i32
      %sub3A_89 = arith.subi %sub3A_88, %rem3A_87 : i32
      %mul3A_90 = arith.constant 16 : i32
      %mul3A_91 = arith.muli %while3A_84, %mul3A_90 : i32
      %add3A_92 = arith.addi %arg1, %mul3A_91 : i32
      %mul3A_93 = arith.constant 8 : i32
      %mul3A_94 = arith.muli %add3A_92, %mul3A_93 : i32
      %gt3A = arith.constant 0 : i32
      %gt3A_95 = arith.cmpi sgt, %while3A_84, %gt3A : i32
      %convert_element_type3A_96 = arith.extui %gt3A_95 : i1 to i32
      %cond3A_97 = arith.constant 0 : i32
      %cond3A_98 = arith.cmpi ne, %convert_element_type3A_96, %cond3A_97 : i32
      scf.if %cond3A_98 {
        %dma_wait3A_416 = arith.constant 0 : i32
        %dma_wait3A_417 = arith.constant 0 : i32
        %dma_wait3A_418 = tpu.memref_slice %arg2[%dma_wait3A_416, %dma_wait3A_417] : memref<204800x16xf32, #tpu.memory_space<hbm>> -> memref<1024x16xf32, #tpu.memory_space<hbm>>
        %dma_wait3A_419 = arith.constant 0 : i32
        %dma_wait3A_420 = arith.constant 0 : i32
        %dma_wait3A_421 = tpu.memref_slice %arg2[%dma_wait3A_419, %dma_wait3A_420] : memref<204800x16xf32, #tpu.memory_space<hbm>> -> memref<1024x16xf32, #tpu.memory_space<hbm>>
        tpu.wait_dma2 semaphore(%arg14 : memref<!tpu.dma_semaphore, #tpu.memory_space<semaphore_mem>>) src(%dma_wait3A_421 : memref<1024x16xf32, #tpu.memory_space<hbm>>) dst(%arg9 : memref<1024x16xf32, #tpu.memory_space<vmem>>)
      } else {
      }
      %dma_start3A = arith.constant 0 : i32
      %dma_start3A_99 = arith.constant 0 : i32
      %dma_start3A_100 = arith.constant 0 : i32
      %dma_start3A_101 = tpu.memref_slice %arg9[%dma_start3A_99, %dma_start3A_100] : memref<1024x16xf32, #tpu.memory_space<vmem>> -> memref<128x16xf32, #tpu.memory_space<vmem>>
      %dma_start3A_102 = arith.constant 0 : i32
      %dma_start3A_103 = tpu.memref_slice %arg7[%rem3A_87, %dma_start3A, %dma_start3A_102] : memref<2x8x128xi32, #tpu.memory_space<vmem>> -> memref<1x1x128xi32, #tpu.memory_space<vmem>>
      %dma_start3A_104 = tpu.memref_squeeze %dma_start3A_103 : memref<1x1x128xi32, #tpu.memory_space<vmem>> -> memref<128xi32, #tpu.memory_space<vmem>>
      %dma_start3A_105 = arith.constant 0 : i32
      %dma_start3A_106 = arith.constant 0 : i32
      %dma_start3A_107 = tpu.memref_slice %arg2[%dma_start3A_105, %dma_start3A_106] : memref<204800x16xf32, #tpu.memory_space<hbm>> -> memref<204800x16xf32, #tpu.memory_space<hbm>>
      tpu.enqueue_indirect_dma source(%dma_start3A_107 : memref<204800x16xf32, #tpu.memory_space<hbm>>) target(%dma_start3A_101 : memref<128x16xf32, #tpu.memory_space<vmem>>) offsets(%dma_start3A_104 : memref<128xi32, #tpu.memory_space<vmem>>) semaphore(%arg12 : memref<!tpu.dma_semaphore, #tpu.memory_space<semaphore_mem>>)
      %dma_start3A_108 = arith.constant 1 : i32
      %dma_start3A_109 = arith.constant 128 : i32
      %dma_start3A_110 = arith.constant 0 : i32
      %dma_start3A_111 = tpu.memref_slice %arg9[%dma_start3A_109, %dma_start3A_110] : memref<1024x16xf32, #tpu.memory_space<vmem>> -> memref<128x16xf32, #tpu.memory_space<vmem>>
      %dma_start3A_112 = arith.constant 0 : i32
      %dma_start3A_113 = tpu.memref_slice %arg7[%rem3A_87, %dma_start3A_108, %dma_start3A_112] : memref<2x8x128xi32, #tpu.memory_space<vmem>> -> memref<1x1x128xi32, #tpu.memory_space<vmem>>
      %dma_start3A_114 = tpu.memref_squeeze %dma_start3A_113 : memref<1x1x128xi32, #tpu.memory_space<vmem>> -> memref<128xi32, #tpu.memory_space<vmem>>
      %dma_start3A_115 = arith.constant 0 : i32
      %dma_start3A_116 = arith.constant 0 : i32
      %dma_start3A_117 = tpu.memref_slice %arg2[%dma_start3A_115, %dma_start3A_116] : memref<204800x16xf32, #tpu.memory_space<hbm>> -> memref<204800x16xf32, #tpu.memory_space<hbm>>
      tpu.enqueue_indirect_dma source(%dma_start3A_117 : memref<204800x16xf32, #tpu.memory_space<hbm>>) target(%dma_start3A_111 : memref<128x16xf32, #tpu.memory_space<vmem>>) offsets(%dma_start3A_114 : memref<128xi32, #tpu.memory_space<vmem>>) semaphore(%arg12 : memref<!tpu.dma_semaphore, #tpu.memory_space<semaphore_mem>>)
      %dma_start3A_118 = arith.constant 2 : i32
      %dma_start3A_119 = arith.constant 256 : i32
      %dma_start3A_120 = arith.constant 0 : i32
      %dma_start3A_121 = tpu.memref_slice %arg9[%dma_start3A_119, %dma_start3A_120] : memref<1024x16xf32, #tpu.memory_space<vmem>> -> memref<128x16xf32, #tpu.memory_space<vmem>>
      %dma_start3A_122 = arith.constant 0 : i32
      %dma_start3A_123 = tpu.memref_slice %arg7[%rem3A_87, %dma_start3A_118, %dma_start3A_122] : memref<2x8x128xi32, #tpu.memory_space<vmem>> -> memref<1x1x128xi32, #tpu.memory_space<vmem>>
      %dma_start3A_124 = tpu.memref_squeeze %dma_start3A_123 : memref<1x1x128xi32, #tpu.memory_space<vmem>> -> memref<128xi32, #tpu.memory_space<vmem>>
      %dma_start3A_125 = arith.constant 0 : i32
      %dma_start3A_126 = arith.constant 0 : i32
      %dma_start3A_127 = tpu.memref_slice %arg2[%dma_start3A_125, %dma_start3A_126] : memref<204800x16xf32, #tpu.memory_space<hbm>> -> memref<204800x16xf32, #tpu.memory_space<hbm>>
      tpu.enqueue_indirect_dma source(%dma_start3A_127 : memref<204800x16xf32, #tpu.memory_space<hbm>>) target(%dma_start3A_121 : memref<128x16xf32, #tpu.memory_space<vmem>>) offsets(%dma_start3A_124 : memref<128xi32, #tpu.memory_space<vmem>>) semaphore(%arg12 : memref<!tpu.dma_semaphore, #tpu.memory_space<semaphore_mem>>)
      %dma_start3A_128 = arith.constant 3 : i32
      %dma_start3A_129 = arith.constant 384 : i32
      %dma_start3A_130 = arith.constant 0 : i32
      %dma_start3A_131 = tpu.memref_slice %arg9[%dma_start3A_129, %dma_start3A_130] : memref<1024x16xf32, #tpu.memory_space<vmem>> -> memref<128x16xf32, #tpu.memory_space<vmem>>
      %dma_start3A_132 = arith.constant 0 : i32
      %dma_start3A_133 = tpu.memref_slice %arg7[%rem3A_87, %dma_start3A_128, %dma_start3A_132] : memref<2x8x128xi32, #tpu.memory_space<vmem>> -> memref<1x1x128xi32, #tpu.memory_space<vmem>>
      %dma_start3A_134 = tpu.memref_squeeze %dma_start3A_133 : memref<1x1x128xi32, #tpu.memory_space<vmem>> -> memref<128xi32, #tpu.memory_space<vmem>>
      %dma_start3A_135 = arith.constant 0 : i32
      %dma_start3A_136 = arith.constant 0 : i32
      %dma_start3A_137 = tpu.memref_slice %arg2[%dma_start3A_135, %dma_start3A_136] : memref<204800x16xf32, #tpu.memory_space<hbm>> -> memref<204800x16xf32, #tpu.memory_space<hbm>>
      tpu.enqueue_indirect_dma source(%dma_start3A_137 : memref<204800x16xf32, #tpu.memory_space<hbm>>) target(%dma_start3A_131 : memref<128x16xf32, #tpu.memory_space<vmem>>) offsets(%dma_start3A_134 : memref<128xi32, #tpu.memory_space<vmem>>) semaphore(%arg12 : memref<!tpu.dma_semaphore, #tpu.memory_space<semaphore_mem>>)
      %dma_start3A_138 = arith.constant 4 : i32
      %dma_start3A_139 = arith.constant 512 : i32
      %dma_start3A_140 = arith.constant 0 : i32
      %dma_start3A_141 = tpu.memref_slice %arg9[%dma_start3A_139, %dma_start3A_140] : memref<1024x16xf32, #tpu.memory_space<vmem>> -> memref<128x16xf32, #tpu.memory_space<vmem>>
      %dma_start3A_142 = arith.constant 0 : i32
      %dma_start3A_143 = tpu.memref_slice %arg7[%rem3A_87, %dma_start3A_138, %dma_start3A_142] : memref<2x8x128xi32, #tpu.memory_space<vmem>> -> memref<1x1x128xi32, #tpu.memory_space<vmem>>
      %dma_start3A_144 = tpu.memref_squeeze %dma_start3A_143 : memref<1x1x128xi32, #tpu.memory_space<vmem>> -> memref<128xi32, #tpu.memory_space<vmem>>
      %dma_start3A_145 = arith.constant 0 : i32
      %dma_start3A_146 = arith.constant 0 : i32
      %dma_start3A_147 = tpu.memref_slice %arg2[%dma_start3A_145, %dma_start3A_146] : memref<204800x16xf32, #tpu.memory_space<hbm>> -> memref<204800x16xf32, #tpu.memory_space<hbm>>
      tpu.enqueue_indirect_dma source(%dma_start3A_147 : memref<204800x16xf32, #tpu.memory_space<hbm>>) target(%dma_start3A_141 : memref<128x16xf32, #tpu.memory_space<vmem>>) offsets(%dma_start3A_144 : memref<128xi32, #tpu.memory_space<vmem>>) semaphore(%arg12 : memref<!tpu.dma_semaphore, #tpu.memory_space<semaphore_mem>>)
      %dma_start3A_148 = arith.constant 5 : i32
      %dma_start3A_149 = arith.constant 640 : i32
      %dma_start3A_150 = arith.constant 0 : i32
      %dma_start3A_151 = tpu.memref_slice %arg9[%dma_start3A_149, %dma_start3A_150] : memref<1024x16xf32, #tpu.memory_space<vmem>> -> memref<128x16xf32, #tpu.memory_space<vmem>>
      %dma_start3A_152 = arith.constant 0 : i32
      %dma_start3A_153 = tpu.memref_slice %arg7[%rem3A_87, %dma_start3A_148, %dma_start3A_152] : memref<2x8x128xi32, #tpu.memory_space<vmem>> -> memref<1x1x128xi32, #tpu.memory_space<vmem>>
      %dma_start3A_154 = tpu.memref_squeeze %dma_start3A_153 : memref<1x1x128xi32, #tpu.memory_space<vmem>> -> memref<128xi32, #tpu.memory_space<vmem>>
      %dma_start3A_155 = arith.constant 0 : i32
      %dma_start3A_156 = arith.constant 0 : i32
      %dma_start3A_157 = tpu.memref_slice %arg2[%dma_start3A_155, %dma_start3A_156] : memref<204800x16xf32, #tpu.memory_space<hbm>> -> memref<204800x16xf32, #tpu.memory_space<hbm>>
      tpu.enqueue_indirect_dma source(%dma_start3A_157 : memref<204800x16xf32, #tpu.memory_space<hbm>>) target(%dma_start3A_151 : memref<128x16xf32, #tpu.memory_space<vmem>>) offsets(%dma_start3A_154 : memref<128xi32, #tpu.memory_space<vmem>>) semaphore(%arg12 : memref<!tpu.dma_semaphore, #tpu.memory_space<semaphore_mem>>)
      %dma_start3A_158 = arith.constant 6 : i32
      %dma_start3A_159 = arith.constant 768 : i32
      %dma_start3A_160 = arith.constant 0 : i32
      %dma_start3A_161 = tpu.memref_slice %arg9[%dma_start3A_159, %dma_start3A_160] : memref<1024x16xf32, #tpu.memory_space<vmem>> -> memref<128x16xf32, #tpu.memory_space<vmem>>
      %dma_start3A_162 = arith.constant 0 : i32
      %dma_start3A_163 = tpu.memref_slice %arg7[%rem3A_87, %dma_start3A_158, %dma_start3A_162] : memref<2x8x128xi32, #tpu.memory_space<vmem>> -> memref<1x1x128xi32, #tpu.memory_space<vmem>>
      %dma_start3A_164 = tpu.memref_squeeze %dma_start3A_163 : memref<1x1x128xi32, #tpu.memory_space<vmem>> -> memref<128xi32, #tpu.memory_space<vmem>>
      %dma_start3A_165 = arith.constant 0 : i32
      %dma_start3A_166 = arith.constant 0 : i32
      %dma_start3A_167 = tpu.memref_slice %arg2[%dma_start3A_165, %dma_start3A_166] : memref<204800x16xf32, #tpu.memory_space<hbm>> -> memref<204800x16xf32, #tpu.memory_space<hbm>>
      tpu.enqueue_indirect_dma source(%dma_start3A_167 : memref<204800x16xf32, #tpu.memory_space<hbm>>) target(%dma_start3A_161 : memref<128x16xf32, #tpu.memory_space<vmem>>) offsets(%dma_start3A_164 : memref<128xi32, #tpu.memory_space<vmem>>) semaphore(%arg12 : memref<!tpu.dma_semaphore, #tpu.memory_space<semaphore_mem>>)
      %dma_start3A_168 = arith.constant 7 : i32
      %dma_start3A_169 = arith.constant 896 : i32
      %dma_start3A_170 = arith.constant 0 : i32
      %dma_start3A_171 = tpu.memref_slice %arg9[%dma_start3A_169, %dma_start3A_170] : memref<1024x16xf32, #tpu.memory_space<vmem>> -> memref<128x16xf32, #tpu.memory_space<vmem>>
      %dma_start3A_172 = arith.constant 0 : i32
      %dma_start3A_173 = tpu.memref_slice %arg7[%rem3A_87, %dma_start3A_168, %dma_start3A_172] : memref<2x8x128xi32, #tpu.memory_space<vmem>> -> memref<1x1x128xi32, #tpu.memory_space<vmem>>
      %dma_start3A_174 = tpu.memref_squeeze %dma_start3A_173 : memref<1x1x128xi32, #tpu.memory_space<vmem>> -> memref<128xi32, #tpu.memory_space<vmem>>
      %dma_start3A_175 = arith.constant 0 : i32
      %dma_start3A_176 = arith.constant 0 : i32
      %dma_start3A_177 = tpu.memref_slice %arg2[%dma_start3A_175, %dma_start3A_176] : memref<204800x16xf32, #tpu.memory_space<hbm>> -> memref<204800x16xf32, #tpu.memory_space<hbm>>
      tpu.enqueue_indirect_dma source(%dma_start3A_177 : memref<204800x16xf32, #tpu.memory_space<hbm>>) target(%dma_start3A_171 : memref<128x16xf32, #tpu.memory_space<vmem>>) offsets(%dma_start3A_174 : memref<128xi32, #tpu.memory_space<vmem>>) semaphore(%arg12 : memref<!tpu.dma_semaphore, #tpu.memory_space<semaphore_mem>>)
      %add3A_178 = arith.constant 128 : i32
      %add3A_179 = arith.addi %mul3A_94, %add3A_178 : i32
      %min3A = arith.constant 12492 : i32
      %min3A_180 = arith.minsi %add3A_179, %min3A : i32
      %dma_start3A_181 = arith.constant 0 : i32
      %dma_start3A_182 = arith.constant 0 : i32
      %dma_start3A_183 = tpu.memref_slice %arg7[%sub3A_89, %dma_start3A_181, %dma_start3A_182] : memref<2x8x128xi32, #tpu.memory_space<vmem>> -> memref<1x8x128xi32, #tpu.memory_space<vmem>>
      %dma_start3A_184 = tpu.memref_squeeze %dma_start3A_183 : memref<1x8x128xi32, #tpu.memory_space<vmem>> -> memref<8x128xi32, #tpu.memory_space<vmem>>
      %dma_start3A_185 = arith.constant 0 : i32
      %dma_start3A_186 = tpu.memref_slice %arg3[%arg0, %min3A_180, %dma_start3A_185] : memref<2x12500x128xi32, #tpu.memory_space<hbm>> -> memref<1x8x128xi32, #tpu.memory_space<hbm>>
      %dma_start3A_187 = tpu.memref_squeeze %dma_start3A_186 : memref<1x8x128xi32, #tpu.memory_space<hbm>> -> memref<8x128xi32, #tpu.memory_space<hbm>>
      %dma_start3A_188 = arith.constant 0 : i32
      %dma_start3A_189 = arith.constant 0 : i32
      %dma_start3A_190 = tpu.memref_slice %arg7[%sub3A_89, %dma_start3A_188, %dma_start3A_189] : memref<2x8x128xi32, #tpu.memory_space<vmem>> -> memref<1x8x128xi32, #tpu.memory_space<vmem>>
      %dma_start3A_191 = tpu.memref_squeeze %dma_start3A_190 : memref<1x8x128xi32, #tpu.memory_space<vmem>> -> memref<8x128xi32, #tpu.memory_space<vmem>>
      %dma_start3A_192 = arith.constant 0 : i32
      %dma_start3A_193 = tpu.memref_slice %arg3[%arg0, %min3A_180, %dma_start3A_192] : memref<2x12500x128xi32, #tpu.memory_space<hbm>> -> memref<1x8x128xi32, #tpu.memory_space<hbm>>
      %dma_start3A_194 = tpu.memref_squeeze %dma_start3A_193 : memref<1x8x128xi32, #tpu.memory_space<hbm>> -> memref<8x128xi32, #tpu.memory_space<hbm>>
      tpu.enqueue_dma source(%dma_start3A_194 : memref<8x128xi32, #tpu.memory_space<hbm>>) target(%dma_start3A_191 : memref<8x128xi32, #tpu.memory_space<vmem>>) target_semaphore(%arg13 : memref<!tpu.dma_semaphore, #tpu.memory_space<semaphore_mem>>)
      %dma_start3A_195 = arith.constant 0 : i32
      %dma_start3A_196 = arith.constant 0 : i32
      %dma_start3A_197 = tpu.memref_slice %arg8[%sub3A_89, %dma_start3A_195, %dma_start3A_196] : memref<2x8x128xi32, #tpu.memory_space<vmem>> -> memref<1x8x128xi32, #tpu.memory_space<vmem>>
      %dma_start3A_198 = tpu.memref_squeeze %dma_start3A_197 : memref<1x8x128xi32, #tpu.memory_space<vmem>> -> memref<8x128xi32, #tpu.memory_space<vmem>>
      %dma_start3A_199 = arith.constant 0 : i32
      %dma_start3A_200 = tpu.memref_slice %arg4[%min3A_180, %dma_start3A_199] : memref<12500x128xi32, #tpu.memory_space<hbm>> -> memref<8x128xi32, #tpu.memory_space<hbm>>
      %dma_start3A_201 = arith.constant 0 : i32
      %dma_start3A_202 = arith.constant 0 : i32
      %dma_start3A_203 = tpu.memref_slice %arg8[%sub3A_89, %dma_start3A_201, %dma_start3A_202] : memref<2x8x128xi32, #tpu.memory_space<vmem>> -> memref<1x8x128xi32, #tpu.memory_space<vmem>>
      %dma_start3A_204 = tpu.memref_squeeze %dma_start3A_203 : memref<1x8x128xi32, #tpu.memory_space<vmem>> -> memref<8x128xi32, #tpu.memory_space<vmem>>
      %dma_start3A_205 = arith.constant 0 : i32
      %dma_start3A_206 = tpu.memref_slice %arg4[%min3A_180, %dma_start3A_205] : memref<12500x128xi32, #tpu.memory_space<hbm>> -> memref<8x128xi32, #tpu.memory_space<hbm>>
      tpu.enqueue_dma source(%dma_start3A_206 : memref<8x128xi32, #tpu.memory_space<hbm>>) target(%dma_start3A_204 : memref<8x128xi32, #tpu.memory_space<vmem>>) target_semaphore(%arg13 : memref<!tpu.dma_semaphore, #tpu.memory_space<semaphore_mem>>)
      %mul3A_207 = arith.constant 16 : i32
      %mul3A_208 = arith.muli %mul3A_94, %mul3A_207 : i32
      %add3A_209 = arith.constant 0 : i32
      %add3A_210 = arith.addi %mul3A_208, %add3A_209 : i32
      "tpu.region"() ({
        %run_scoped3A_416 = tpu.sem_alloc : memref<!tpu.dma_semaphore, #tpu.memory_space<semaphore_mem>>
        %dma_start3A_417 = arith.constant 0 : i32
        %dma_start3A_418 = arith.constant 0 : i32
        %dma_start3A_419 = tpu.memref_slice %arg10[%dma_start3A_417, %dma_start3A_418] : memref<64x128xf32, #tpu.memory_space<vmem>> -> memref<64x128xf32, #tpu.memory_space<vmem>>
        %dma_start3A_420 = arith.constant 0 : i32
        %dma_start3A_421 = tpu.memref_slice %arg5[%arg0, %add3A_210, %dma_start3A_420] : memref<2x200000x128xf32, #tpu.memory_space<hbm>> -> memref<1x64x128xf32, #tpu.memory_space<hbm>>
        %dma_start3A_422 = tpu.memref_squeeze %dma_start3A_421 : memref<1x64x128xf32, #tpu.memory_space<hbm>> -> memref<64x128xf32, #tpu.memory_space<hbm>>
        %dma_start3A_423 = arith.constant 0 : i32
        %dma_start3A_424 = arith.constant 0 : i32
        %dma_start3A_425 = tpu.memref_slice %arg10[%dma_start3A_423, %dma_start3A_424] : memref<64x128xf32, #tpu.memory_space<vmem>> -> memref<64x128xf32, #tpu.memory_space<vmem>>
        %dma_start3A_426 = arith.constant 0 : i32
        %dma_start3A_427 = tpu.memref_slice %arg5[%arg0, %add3A_210, %dma_start3A_426] : memref<2x200000x128xf32, #tpu.memory_space<hbm>> -> memref<1x64x128xf32, #tpu.memory_space<hbm>>
        %dma_start3A_428 = tpu.memref_squeeze %dma_start3A_427 : memref<1x64x128xf32, #tpu.memory_space<hbm>> -> memref<64x128xf32, #tpu.memory_space<hbm>>
        tpu.enqueue_dma source(%dma_start3A_428 : memref<64x128xf32, #tpu.memory_space<hbm>>) target(%dma_start3A_425 : memref<64x128xf32, #tpu.memory_space<vmem>>) target_semaphore(%run_scoped3A_416 : memref<!tpu.dma_semaphore, #tpu.memory_space<semaphore_mem>>)
        %dma_wait3A_429 = arith.constant 0 : i32
        %dma_wait3A_430 = arith.constant 0 : i32
        %dma_wait3A_431 = tpu.memref_slice %arg10[%dma_wait3A_429, %dma_wait3A_430] : memref<64x128xf32, #tpu.memory_space<vmem>> -> memref<64x128xf32, #tpu.memory_space<vmem>>
        %dma_wait3A_432 = arith.constant 0 : i32
        %dma_wait3A_433 = tpu.memref_slice %arg5[%arg0, %add3A_210, %dma_wait3A_432] : memref<2x200000x128xf32, #tpu.memory_space<hbm>> -> memref<1x64x128xf32, #tpu.memory_space<hbm>>
        %dma_wait3A_434 = tpu.memref_squeeze %dma_wait3A_433 : memref<1x64x128xf32, #tpu.memory_space<hbm>> -> memref<64x128xf32, #tpu.memory_space<hbm>>
        %dma_wait3A_435 = arith.constant 0 : i32
        %dma_wait3A_436 = arith.constant 0 : i32
        %dma_wait3A_437 = tpu.memref_slice %arg10[%dma_wait3A_435, %dma_wait3A_436] : memref<64x128xf32, #tpu.memory_space<vmem>> -> memref<64x128xf32, #tpu.memory_space<vmem>>
        %dma_wait3A_438 = arith.constant 0 : i32
        %dma_wait3A_439 = tpu.memref_slice %arg5[%arg0, %add3A_210, %dma_wait3A_438] : memref<2x200000x128xf32, #tpu.memory_space<hbm>> -> memref<1x64x128xf32, #tpu.memory_space<hbm>>
        %dma_wait3A_440 = tpu.memref_squeeze %dma_wait3A_439 : memref<1x64x128xf32, #tpu.memory_space<hbm>> -> memref<64x128xf32, #tpu.memory_space<hbm>>
        tpu.wait_dma2 semaphore(%run_scoped3A_416 : memref<!tpu.dma_semaphore, #tpu.memory_space<semaphore_mem>>) src(%dma_wait3A_440 : memref<64x128xf32, #tpu.memory_space<hbm>>) dst(%dma_wait3A_437 : memref<64x128xf32, #tpu.memory_space<vmem>>)
        tpu.yield
      }) : () -> ()
      %dma_wait3A_211 = arith.constant 0 : i32
      %dma_wait3A_212 = arith.constant 0 : i32
      %dma_wait3A_213 = arith.constant 0 : i32
      %dma_wait3A_214 = tpu.memref_slice %arg9[%dma_wait3A_212, %dma_wait3A_213] : memref<1024x16xf32, #tpu.memory_space<vmem>> -> memref<128x16xf32, #tpu.memory_space<vmem>>
      %dma_wait3A_215 = arith.constant 0 : i32
      %dma_wait3A_216 = tpu.memref_slice %arg7[%rem3A_87, %dma_wait3A_211, %dma_wait3A_215] : memref<2x8x128xi32, #tpu.memory_space<vmem>> -> memref<1x1x128xi32, #tpu.memory_space<vmem>>
      %dma_wait3A_217 = tpu.memref_squeeze %dma_wait3A_216 : memref<1x1x128xi32, #tpu.memory_space<vmem>> -> memref<128xi32, #tpu.memory_space<vmem>>
      %dma_wait3A_218 = arith.constant 0 : i32
      %dma_wait3A_219 = arith.constant 0 : i32
      %dma_wait3A_220 = tpu.memref_slice %arg2[%dma_wait3A_218, %dma_wait3A_219] : memref<204800x16xf32, #tpu.memory_space<hbm>> -> memref<204800x16xf32, #tpu.memory_space<hbm>>
      tpu.wait_indirect_dma semaphore(%arg12 : memref<!tpu.dma_semaphore, #tpu.memory_space<semaphore_mem>>) src(%dma_wait3A_220 : memref<204800x16xf32, #tpu.memory_space<hbm>>) dst(%dma_wait3A_214 : memref<128x16xf32, #tpu.memory_space<vmem>>)
      %dma_wait3A_221 = arith.constant 1 : i32
      %dma_wait3A_222 = arith.constant 128 : i32
      %dma_wait3A_223 = arith.constant 0 : i32
      %dma_wait3A_224 = tpu.memref_slice %arg9[%dma_wait3A_222, %dma_wait3A_223] : memref<1024x16xf32, #tpu.memory_space<vmem>> -> memref<128x16xf32, #tpu.memory_space<vmem>>
      %dma_wait3A_225 = arith.constant 0 : i32
      %dma_wait3A_226 = tpu.memref_slice %arg7[%rem3A_87, %dma_wait3A_221, %dma_wait3A_225] : memref<2x8x128xi32, #tpu.memory_space<vmem>> -> memref<1x1x128xi32, #tpu.memory_space<vmem>>
      %dma_wait3A_227 = tpu.memref_squeeze %dma_wait3A_226 : memref<1x1x128xi32, #tpu.memory_space<vmem>> -> memref<128xi32, #tpu.memory_space<vmem>>
      %dma_wait3A_228 = arith.constant 0 : i32
      %dma_wait3A_229 = arith.constant 0 : i32
      %dma_wait3A_230 = tpu.memref_slice %arg2[%dma_wait3A_228, %dma_wait3A_229] : memref<204800x16xf32, #tpu.memory_space<hbm>> -> memref<204800x16xf32, #tpu.memory_space<hbm>>
      tpu.wait_indirect_dma semaphore(%arg12 : memref<!tpu.dma_semaphore, #tpu.memory_space<semaphore_mem>>) src(%dma_wait3A_230 : memref<204800x16xf32, #tpu.memory_space<hbm>>) dst(%dma_wait3A_224 : memref<128x16xf32, #tpu.memory_space<vmem>>)
      %dma_wait3A_231 = arith.constant 2 : i32
      %dma_wait3A_232 = arith.constant 256 : i32
      %dma_wait3A_233 = arith.constant 0 : i32
      %dma_wait3A_234 = tpu.memref_slice %arg9[%dma_wait3A_232, %dma_wait3A_233] : memref<1024x16xf32, #tpu.memory_space<vmem>> -> memref<128x16xf32, #tpu.memory_space<vmem>>
      %dma_wait3A_235 = arith.constant 0 : i32
      %dma_wait3A_236 = tpu.memref_slice %arg7[%rem3A_87, %dma_wait3A_231, %dma_wait3A_235] : memref<2x8x128xi32, #tpu.memory_space<vmem>> -> memref<1x1x128xi32, #tpu.memory_space<vmem>>
      %dma_wait3A_237 = tpu.memref_squeeze %dma_wait3A_236 : memref<1x1x128xi32, #tpu.memory_space<vmem>> -> memref<128xi32, #tpu.memory_space<vmem>>
      %dma_wait3A_238 = arith.constant 0 : i32
      %dma_wait3A_239 = arith.constant 0 : i32
      %dma_wait3A_240 = tpu.memref_slice %arg2[%dma_wait3A_238, %dma_wait3A_239] : memref<204800x16xf32, #tpu.memory_space<hbm>> -> memref<204800x16xf32, #tpu.memory_space<hbm>>
      tpu.wait_indirect_dma semaphore(%arg12 : memref<!tpu.dma_semaphore, #tpu.memory_space<semaphore_mem>>) src(%dma_wait3A_240 : memref<204800x16xf32, #tpu.memory_space<hbm>>) dst(%dma_wait3A_234 : memref<128x16xf32, #tpu.memory_space<vmem>>)
      %dma_wait3A_241 = arith.constant 3 : i32
      %dma_wait3A_242 = arith.constant 384 : i32
      %dma_wait3A_243 = arith.constant 0 : i32
      %dma_wait3A_244 = tpu.memref_slice %arg9[%dma_wait3A_242, %dma_wait3A_243] : memref<1024x16xf32, #tpu.memory_space<vmem>> -> memref<128x16xf32, #tpu.memory_space<vmem>>
      %dma_wait3A_245 = arith.constant 0 : i32
      %dma_wait3A_246 = tpu.memref_slice %arg7[%rem3A_87, %dma_wait3A_241, %dma_wait3A_245] : memref<2x8x128xi32, #tpu.memory_space<vmem>> -> memref<1x1x128xi32, #tpu.memory_space<vmem>>
      %dma_wait3A_247 = tpu.memref_squeeze %dma_wait3A_246 : memref<1x1x128xi32, #tpu.memory_space<vmem>> -> memref<128xi32, #tpu.memory_space<vmem>>
      %dma_wait3A_248 = arith.constant 0 : i32
      %dma_wait3A_249 = arith.constant 0 : i32
      %dma_wait3A_250 = tpu.memref_slice %arg2[%dma_wait3A_248, %dma_wait3A_249] : memref<204800x16xf32, #tpu.memory_space<hbm>> -> memref<204800x16xf32, #tpu.memory_space<hbm>>
      tpu.wait_indirect_dma semaphore(%arg12 : memref<!tpu.dma_semaphore, #tpu.memory_space<semaphore_mem>>) src(%dma_wait3A_250 : memref<204800x16xf32, #tpu.memory_space<hbm>>) dst(%dma_wait3A_244 : memref<128x16xf32, #tpu.memory_space<vmem>>)
      %scan3A_251 = arith.constant 0 : i32
      %scan3A_252 = arith.constant 0 : i32
      %scan3A_253 = arith.constant 64 : i32
      %scan3A_254 = arith.addi %scan3A_252, %scan3A_253 : i32
      %scan3A_255 = arith.constant 1 : i32
      %scan3A_256 = scf.for %scan3A_416 = %scan3A_252 to %scan3A_254 step %scan3A_255 iter_args(%scan3A_417 = %scan3A_251) -> (i32)  : i32 {
        %mul3A_418 = arith.constant 8 : i32
        %mul3A_419 = arith.muli %scan3A_416, %mul3A_418 : i32
        %add3A_420 = arith.constant 0 : i32
        %add3A_421 = arith.addi %add3A_420, %mul3A_419 : i32
        %add3A_422 = arith.constant 0 : i32
        %add3A_423 = arith.addi %add3A_421, %add3A_422 : i32
        %get3A = arith.index_cast %add3A_423 : i32 to index
        %get3A_424 = arith.constant 0 : index
        %get3A_425 = tpu.vector_load %arg9[%get3A, %get3A_424] {strides = array<i32>} : memref<1024x16xf32, #tpu.memory_space<vmem>>, vector<1x16xf32>,
        %get3A_426 = vector.shape_cast %get3A_425 : vector<1x16xf32> to vector<16xf32>
        %get3A_427 = arith.index_cast %scan3A_416 : i32 to index
        %get3A_428 = arith.constant 0 : index
        %get3A_429 = tpu.vector_load %arg10[%get3A_427, %get3A_428] {strides = array<i32>} : memref<64x128xf32, #tpu.memory_space<vmem>>, vector<1x16xf32>,
        %get3A_430 = vector.shape_cast %get3A_429 : vector<1x16xf32> to vector<16xf32>
        %add3A_431 = arith.addf %get3A_426, %get3A_430 : vector<16xf32>
        %max3A = arith.constant 0.000000e+00 : f32
        %max3A_432 = vector.broadcast %max3A : f32 to vector<16xf32>
        %max3A_433 = arith.maximumf %add3A_431, %max3A_432 : vector<16xf32>
        %mul3A_434 = arith.constant 8 : i32
        %mul3A_435 = arith.muli %scan3A_416, %mul3A_434 : i32
        %add3A_436 = arith.constant 0 : i32
        %add3A_437 = arith.addi %add3A_436, %mul3A_435 : i32
        %add3A_438 = arith.constant 0 : i32
        %add3A_439 = arith.addi %add3A_437, %add3A_438 : i32
        %swap3A = arith.index_cast %add3A_439 : i32 to index
        %swap3A_440 = arith.constant 0 : index
        %swap3A_441 = tpu.vector_load %arg9[%swap3A, %swap3A_440] {strides = array<i32>} : memref<1024x16xf32, #tpu.memory_space<vmem>>, vector<1x16xf32>,
        %swap3A_442 = vector.shape_cast %swap3A_441 : vector<1x16xf32> to vector<16xf32>
        %swap3A_443 = vector.shape_cast %max3A_433 : vector<16xf32> to vector<1x16xf32>
        tpu.vector_store %arg9[%swap3A, %swap3A_440], %swap3A_443 {strides = array<i32>} : memref<1024x16xf32, #tpu.memory_space<vmem>>, vector<1x16xf32>,
        %mul3A_444 = arith.constant 8 : i32
        %mul3A_445 = arith.muli %scan3A_416, %mul3A_444 : i32
        %add3A_446 = arith.constant 0 : i32
        %add3A_447 = arith.addi %add3A_446, %mul3A_445 : i32
        %add3A_448 = arith.constant 1 : i32
        %add3A_449 = arith.addi %add3A_447, %add3A_448 : i32
        %get3A_450 = arith.index_cast %add3A_449 : i32 to index
        %get3A_451 = arith.constant 0 : index
        %get3A_452 = tpu.vector_load %arg9[%get3A_450, %get3A_451] {strides = array<i32>} : memref<1024x16xf32, #tpu.memory_space<vmem>>, vector<1x16xf32>,
        %get3A_453 = vector.shape_cast %get3A_452 : vector<1x16xf32> to vector<16xf32>
        %get3A_454 = arith.index_cast %scan3A_416 : i32 to index
        %get3A_455 = arith.constant 16 : index
        %get3A_456 = tpu.vector_load %arg10[%get3A_454, %get3A_455] {strides = array<i32>} : memref<64x128xf32, #tpu.memory_space<vmem>>, vector<1x16xf32>,
        %get3A_457 = vector.shape_cast %get3A_456 : vector<1x16xf32> to vector<16xf32>
        %add3A_458 = arith.addf %get3A_453, %get3A_457 : vector<16xf32>
        %max3A_459 = arith.constant 0.000000e+00 : f32
        %max3A_460 = vector.broadcast %max3A_459 : f32 to vector<16xf32>
        %max3A_461 = arith.maximumf %add3A_458, %max3A_460 : vector<16xf32>
        %mul3A_462 = arith.constant 8 : i32
        %mul3A_463 = arith.muli %scan3A_416, %mul3A_462 : i32
        %add3A_464 = arith.constant 0 : i32
        %add3A_465 = arith.addi %add3A_464, %mul3A_463 : i32
        %add3A_466 = arith.constant 1 : i32
        %add3A_467 = arith.addi %add3A_465, %add3A_466 : i32
        %swap3A_468 = arith.index_cast %add3A_467 : i32 to index
        %swap3A_469 = arith.constant 0 : index
        %swap3A_470 = tpu.vector_load %arg9[%swap3A_468, %swap3A_469] {strides = array<i32>} : memref<1024x16xf32, #tpu.memory_space<vmem>>, vector<1x16xf32>,
        %swap3A_471 = vector.shape_cast %swap3A_470 : vector<1x16xf32> to vector<16xf32>
        %swap3A_472 = vector.shape_cast %max3A_461 : vector<16xf32> to vector<1x16xf32>
        tpu.vector_store %arg9[%swap3A_468, %swap3A_469], %swap3A_472 {strides = array<i32>} : memref<1024x16xf32, #tpu.memory_space<vmem>>, vector<1x16xf32>,
        %mul3A_473 = arith.constant 8 : i32
        %mul3A_474 = arith.muli %scan3A_416, %mul3A_473 : i32
        %add3A_475 = arith.constant 0 : i32
        %add3A_476 = arith.addi %add3A_475, %mul3A_474 : i32
        %add3A_477 = arith.constant 2 : i32
        %add3A_478 = arith.addi %add3A_476, %add3A_477 : i32
        %get3A_479 = arith.index_cast %add3A_478 : i32 to index
        %get3A_480 = arith.constant 0 : index
        %get3A_481 = tpu.vector_load %arg9[%get3A_479, %get3A_480] {strides = array<i32>} : memref<1024x16xf32, #tpu.memory_space<vmem>>, vector<1x16xf32>,
        %get3A_482 = vector.shape_cast %get3A_481 : vector<1x16xf32> to vector<16xf32>
        %get3A_483 = arith.index_cast %scan3A_416 : i32 to index
        %get3A_484 = arith.constant 32 : index
        %get3A_485 = tpu.vector_load %arg10[%get3A_483, %get3A_484] {strides = array<i32>} : memref<64x128xf32, #tpu.memory_space<vmem>>, vector<1x16xf32>,
        %get3A_486 = vector.shape_cast %get3A_485 : vector<1x16xf32> to vector<16xf32>
        %add3A_487 = arith.addf %get3A_482, %get3A_486 : vector<16xf32>
        %max3A_488 = arith.constant 0.000000e+00 : f32
        %max3A_489 = vector.broadcast %max3A_488 : f32 to vector<16xf32>
        %max3A_490 = arith.maximumf %add3A_487, %max3A_489 : vector<16xf32>
        %mul3A_491 = arith.constant 8 : i32
        %mul3A_492 = arith.muli %scan3A_416, %mul3A_491 : i32
        %add3A_493 = arith.constant 0 : i32
        %add3A_494 = arith.addi %add3A_493, %mul3A_492 : i32
        %add3A_495 = arith.constant 2 : i32
        %add3A_496 = arith.addi %add3A_494, %add3A_495 : i32
        %swap3A_497 = arith.index_cast %add3A_496 : i32 to index
        %swap3A_498 = arith.constant 0 : index
        %swap3A_499 = tpu.vector_load %arg9[%swap3A_497, %swap3A_498] {strides = array<i32>} : memref<1024x16xf32, #tpu.memory_space<vmem>>, vector<1x16xf32>,
        %swap3A_500 = vector.shape_cast %swap3A_499 : vector<1x16xf32> to vector<16xf32>
        %swap3A_501 = vector.shape_cast %max3A_490 : vector<16xf32> to vector<1x16xf32>
        tpu.vector_store %arg9[%swap3A_497, %swap3A_498], %swap3A_501 {strides = array<i32>} : memref<1024x16xf32, #tpu.memory_space<vmem>>, vector<1x16xf32>,
        %mul3A_502 = arith.constant 8 : i32
        %mul3A_503 = arith.muli %scan3A_416, %mul3A_502 : i32
        %add3A_504 = arith.constant 0 : i32
        %add3A_505 = arith.addi %add3A_504, %mul3A_503 : i32
        %add3A_506 = arith.constant 3 : i32
        %add3A_507 = arith.addi %add3A_505, %add3A_506 : i32
        %get3A_508 = arith.index_cast %add3A_507 : i32 to index
        %get3A_509 = arith.constant 0 : index
        %get3A_510 = tpu.vector_load %arg9[%get3A_508, %get3A_509] {strides = array<i32>} : memref<1024x16xf32, #tpu.memory_space<vmem>>, vector<1x16xf32>,
        %get3A_511 = vector.shape_cast %get3A_510 : vector<1x16xf32> to vector<16xf32>
        %get3A_512 = arith.index_cast %scan3A_416 : i32 to index
        %get3A_513 = arith.constant 48 : index
        %get3A_514 = tpu.vector_load %arg10[%get3A_512, %get3A_513] {strides = array<i32>} : memref<64x128xf32, #tpu.memory_space<vmem>>, vector<1x16xf32>,
        %get3A_515 = vector.shape_cast %get3A_514 : vector<1x16xf32> to vector<16xf32>
        %add3A_516 = arith.addf %get3A_511, %get3A_515 : vector<16xf32>
        %max3A_517 = arith.constant 0.000000e+00 : f32
        %max3A_518 = vector.broadcast %max3A_517 : f32 to vector<16xf32>
        %max3A_519 = arith.maximumf %add3A_516, %max3A_518 : vector<16xf32>
        %mul3A_520 = arith.constant 8 : i32
        %mul3A_521 = arith.muli %scan3A_416, %mul3A_520 : i32
        %add3A_522 = arith.constant 0 : i32
        %add3A_523 = arith.addi %add3A_522, %mul3A_521 : i32
        %add3A_524 = arith.constant 3 : i32
        %add3A_525 = arith.addi %add3A_523, %add3A_524 : i32
        %swap3A_526 = arith.index_cast %add3A_525 : i32 to index
        %swap3A_527 = arith.constant 0 : index
        %swap3A_528 = tpu.vector_load %arg9[%swap3A_526, %swap3A_527] {strides = array<i32>} : memref<1024x16xf32, #tpu.memory_space<vmem>>, vector<1x16xf32>,
        %swap3A_529 = vector.shape_cast %swap3A_528 : vector<1x16xf32> to vector<16xf32>
        %swap3A_530 = vector.shape_cast %max3A_519 : vector<16xf32> to vector<1x16xf32>
        tpu.vector_store %arg9[%swap3A_526, %swap3A_527], %swap3A_530 {strides = array<i32>} : memref<1024x16xf32, #tpu.memory_space<vmem>>, vector<1x16xf32>,
        %mul3A_531 = arith.constant 8 : i32
        %mul3A_532 = arith.muli %scan3A_416, %mul3A_531 : i32
        %add3A_533 = arith.constant 0 : i32
        %add3A_534 = arith.addi %add3A_533, %mul3A_532 : i32
        %add3A_535 = arith.constant 4 : i32
        %add3A_536 = arith.addi %add3A_534, %add3A_535 : i32
        %get3A_537 = arith.index_cast %add3A_536 : i32 to index
        %get3A_538 = arith.constant 0 : index
        %get3A_539 = tpu.vector_load %arg9[%get3A_537, %get3A_538] {strides = array<i32>} : memref<1024x16xf32, #tpu.memory_space<vmem>>, vector<1x16xf32>,
        %get3A_540 = vector.shape_cast %get3A_539 : vector<1x16xf32> to vector<16xf32>
        %get3A_541 = arith.index_cast %scan3A_416 : i32 to index
        %get3A_542 = arith.constant 64 : index
        %get3A_543 = tpu.vector_load %arg10[%get3A_541, %get3A_542] {strides = array<i32>} : memref<64x128xf32, #tpu.memory_space<vmem>>, vector<1x16xf32>,
        %get3A_544 = vector.shape_cast %get3A_543 : vector<1x16xf32> to vector<16xf32>
        %add3A_545 = arith.addf %get3A_540, %get3A_544 : vector<16xf32>
        %max3A_546 = arith.constant 0.000000e+00 : f32
        %max3A_547 = vector.broadcast %max3A_546 : f32 to vector<16xf32>
        %max3A_548 = arith.maximumf %add3A_545, %max3A_547 : vector<16xf32>
        %mul3A_549 = arith.constant 8 : i32
        %mul3A_550 = arith.muli %scan3A_416, %mul3A_549 : i32
        %add3A_551 = arith.constant 0 : i32
        %add3A_552 = arith.addi %add3A_551, %mul3A_550 : i32
        %add3A_553 = arith.constant 4 : i32
        %add3A_554 = arith.addi %add3A_552, %add3A_553 : i32
        %swap3A_555 = arith.index_cast %add3A_554 : i32 to index
        %swap3A_556 = arith.constant 0 : index
        %swap3A_557 = tpu.vector_load %arg9[%swap3A_555, %swap3A_556] {strides = array<i32>} : memref<1024x16xf32, #tpu.memory_space<vmem>>, vector<1x16xf32>,
        %swap3A_558 = vector.shape_cast %swap3A_557 : vector<1x16xf32> to vector<16xf32>
        %swap3A_559 = vector.shape_cast %max3A_548 : vector<16xf32> to vector<1x16xf32>
        tpu.vector_store %arg9[%swap3A_555, %swap3A_556], %swap3A_559 {strides = array<i32>} : memref<1024x16xf32, #tpu.memory_space<vmem>>, vector<1x16xf32>,
        %mul3A_560 = arith.constant 8 : i32
        %mul3A_561 = arith.muli %scan3A_416, %mul3A_560 : i32
        %add3A_562 = arith.constant 0 : i32
        %add3A_563 = arith.addi %add3A_562, %mul3A_561 : i32
        %add3A_564 = arith.constant 5 : i32
        %add3A_565 = arith.addi %add3A_563, %add3A_564 : i32
        %get3A_566 = arith.index_cast %add3A_565 : i32 to index
        %get3A_567 = arith.constant 0 : index
        %get3A_568 = tpu.vector_load %arg9[%get3A_566, %get3A_567] {strides = array<i32>} : memref<1024x16xf32, #tpu.memory_space<vmem>>, vector<1x16xf32>,
        %get3A_569 = vector.shape_cast %get3A_568 : vector<1x16xf32> to vector<16xf32>
        %get3A_570 = arith.index_cast %scan3A_416 : i32 to index
        %get3A_571 = arith.constant 80 : index
        %get3A_572 = tpu.vector_load %arg10[%get3A_570, %get3A_571] {strides = array<i32>} : memref<64x128xf32, #tpu.memory_space<vmem>>, vector<1x16xf32>,
        %get3A_573 = vector.shape_cast %get3A_572 : vector<1x16xf32> to vector<16xf32>
        %add3A_574 = arith.addf %get3A_569, %get3A_573 : vector<16xf32>
        %max3A_575 = arith.constant 0.000000e+00 : f32
        %max3A_576 = vector.broadcast %max3A_575 : f32 to vector<16xf32>
        %max3A_577 = arith.maximumf %add3A_574, %max3A_576 : vector<16xf32>
        %mul3A_578 = arith.constant 8 : i32
        %mul3A_579 = arith.muli %scan3A_416, %mul3A_578 : i32
        %add3A_580 = arith.constant 0 : i32
        %add3A_581 = arith.addi %add3A_580, %mul3A_579 : i32
        %add3A_582 = arith.constant 5 : i32
        %add3A_583 = arith.addi %add3A_581, %add3A_582 : i32
        %swap3A_584 = arith.index_cast %add3A_583 : i32 to index
        %swap3A_585 = arith.constant 0 : index
        %swap3A_586 = tpu.vector_load %arg9[%swap3A_584, %swap3A_585] {strides = array<i32>} : memref<1024x16xf32, #tpu.memory_space<vmem>>, vector<1x16xf32>,
        %swap3A_587 = vector.shape_cast %swap3A_586 : vector<1x16xf32> to vector<16xf32>
        %swap3A_588 = vector.shape_cast %max3A_577 : vector<16xf32> to vector<1x16xf32>
        tpu.vector_store %arg9[%swap3A_584, %swap3A_585], %swap3A_588 {strides = array<i32>} : memref<1024x16xf32, #tpu.memory_space<vmem>>, vector<1x16xf32>,
        %mul3A_589 = arith.constant 8 : i32
        %mul3A_590 = arith.muli %scan3A_416, %mul3A_589 : i32
        %add3A_591 = arith.constant 0 : i32
        %add3A_592 = arith.addi %add3A_591, %mul3A_590 : i32
        %add3A_593 = arith.constant 6 : i32
        %add3A_594 = arith.addi %add3A_592, %add3A_593 : i32
        %get3A_595 = arith.index_cast %add3A_594 : i32 to index
        %get3A_596 = arith.constant 0 : index
        %get3A_597 = tpu.vector_load %arg9[%get3A_595, %get3A_596] {strides = array<i32>} : memref<1024x16xf32, #tpu.memory_space<vmem>>, vector<1x16xf32>,
        %get3A_598 = vector.shape_cast %get3A_597 : vector<1x16xf32> to vector<16xf32>
        %get3A_599 = arith.index_cast %scan3A_416 : i32 to index
        %get3A_600 = arith.constant 96 : index
        %get3A_601 = tpu.vector_load %arg10[%get3A_599, %get3A_600] {strides = array<i32>} : memref<64x128xf32, #tpu.memory_space<vmem>>, vector<1x16xf32>,
        %get3A_602 = vector.shape_cast %get3A_601 : vector<1x16xf32> to vector<16xf32>
        %add3A_603 = arith.addf %get3A_598, %get3A_602 : vector<16xf32>
        %max3A_604 = arith.constant 0.000000e+00 : f32
        %max3A_605 = vector.broadcast %max3A_604 : f32 to vector<16xf32>
        %max3A_606 = arith.maximumf %add3A_603, %max3A_605 : vector<16xf32>
        %mul3A_607 = arith.constant 8 : i32
        %mul3A_608 = arith.muli %scan3A_416, %mul3A_607 : i32
        %add3A_609 = arith.constant 0 : i32
        %add3A_610 = arith.addi %add3A_609, %mul3A_608 : i32
        %add3A_611 = arith.constant 6 : i32
        %add3A_612 = arith.addi %add3A_610, %add3A_611 : i32
        %swap3A_613 = arith.index_cast %add3A_612 : i32 to index
        %swap3A_614 = arith.constant 0 : index
        %swap3A_615 = tpu.vector_load %arg9[%swap3A_613, %swap3A_614] {strides = array<i32>} : memref<1024x16xf32, #tpu.memory_space<vmem>>, vector<1x16xf32>,
        %swap3A_616 = vector.shape_cast %swap3A_615 : vector<1x16xf32> to vector<16xf32>
        %swap3A_617 = vector.shape_cast %max3A_606 : vector<16xf32> to vector<1x16xf32>
        tpu.vector_store %arg9[%swap3A_613, %swap3A_614], %swap3A_617 {strides = array<i32>} : memref<1024x16xf32, #tpu.memory_space<vmem>>, vector<1x16xf32>,
        %mul3A_618 = arith.constant 8 : i32
        %mul3A_619 = arith.muli %scan3A_416, %mul3A_618 : i32
        %add3A_620 = arith.constant 0 : i32
        %add3A_621 = arith.addi %add3A_620, %mul3A_619 : i32
        %add3A_622 = arith.constant 7 : i32
        %add3A_623 = arith.addi %add3A_621, %add3A_622 : i32
        %get3A_624 = arith.index_cast %add3A_623 : i32 to index
        %get3A_625 = arith.constant 0 : index
        %get3A_626 = tpu.vector_load %arg9[%get3A_624, %get3A_625] {strides = array<i32>} : memref<1024x16xf32, #tpu.memory_space<vmem>>, vector<1x16xf32>,
        %get3A_627 = vector.shape_cast %get3A_626 : vector<1x16xf32> to vector<16xf32>
        %get3A_628 = arith.index_cast %scan3A_416 : i32 to index
        %get3A_629 = arith.constant 112 : index
        %get3A_630 = tpu.vector_load %arg10[%get3A_628, %get3A_629] {strides = array<i32>} : memref<64x128xf32, #tpu.memory_space<vmem>>, vector<1x16xf32>,
        %get3A_631 = vector.shape_cast %get3A_630 : vector<1x16xf32> to vector<16xf32>
        %add3A_632 = arith.addf %get3A_627, %get3A_631 : vector<16xf32>
        %max3A_633 = arith.constant 0.000000e+00 : f32
        %max3A_634 = vector.broadcast %max3A_633 : f32 to vector<16xf32>
        %max3A_635 = arith.maximumf %add3A_632, %max3A_634 : vector<16xf32>
        %mul3A_636 = arith.constant 8 : i32
        %mul3A_637 = arith.muli %scan3A_416, %mul3A_636 : i32
        %add3A_638 = arith.constant 0 : i32
        %add3A_639 = arith.addi %add3A_638, %mul3A_637 : i32
        %add3A_640 = arith.constant 7 : i32
        %add3A_641 = arith.addi %add3A_639, %add3A_640 : i32
        %swap3A_642 = arith.index_cast %add3A_641 : i32 to index
        %swap3A_643 = arith.constant 0 : index
        %swap3A_644 = tpu.vector_load %arg9[%swap3A_642, %swap3A_643] {strides = array<i32>} : memref<1024x16xf32, #tpu.memory_space<vmem>>, vector<1x16xf32>,
        %swap3A_645 = vector.shape_cast %swap3A_644 : vector<1x16xf32> to vector<16xf32>
        %swap3A_646 = vector.shape_cast %max3A_635 : vector<16xf32> to vector<1x16xf32>
        tpu.vector_store %arg9[%swap3A_642, %swap3A_643], %swap3A_646 {strides = array<i32>} : memref<1024x16xf32, #tpu.memory_space<vmem>>, vector<1x16xf32>,
        %scan3A_647 = arith.constant 0 : i32
        scf.yield %scan3A_647 : i32
      }
      %scan3A_257 = arith.constant 64 : i32
      %dma_start3A_258 = arith.constant 0 : i32
      %dma_start3A_259 = arith.constant 0 : i32
      %dma_start3A_260 = arith.constant 0 : i32
      %dma_start3A_261 = tpu.memref_slice %arg9[%dma_start3A_259, %dma_start3A_260] : memref<1024x16xf32, #tpu.memory_space<vmem>> -> memref<128x16xf32, #tpu.memory_space<vmem>>
      %dma_start3A_262 = arith.constant 0 : i32
      %dma_start3A_263 = tpu.memref_slice %arg8[%rem3A_87, %dma_start3A_258, %dma_start3A_262] : memref<2x8x128xi32, #tpu.memory_space<vmem>> -> memref<1x1x128xi32, #tpu.memory_space<vmem>>
      %dma_start3A_264 = tpu.memref_squeeze %dma_start3A_263 : memref<1x1x128xi32, #tpu.memory_space<vmem>> -> memref<128xi32, #tpu.memory_space<vmem>>
      %dma_start3A_265 = arith.constant 0 : i32
      %dma_start3A_266 = arith.constant 0 : i32
      %dma_start3A_267 = tpu.memref_slice %arg11[%dma_start3A_265, %dma_start3A_266] : memref<100000x16xf32, #tpu.memory_space<vmem_shared>> -> memref<100000x16xf32, #tpu.memory_space<vmem_shared>>
      tpu.enqueue_indirect_dma source(%dma_start3A_261 : memref<128x16xf32, #tpu.memory_space<vmem>>) target(%dma_start3A_267 : memref<100000x16xf32, #tpu.memory_space<vmem_shared>>) offsets(%dma_start3A_264 : memref<128xi32, #tpu.memory_space<vmem>>) semaphore(%arg14 : memref<!tpu.dma_semaphore, #tpu.memory_space<semaphore_mem>>) {add = true}
      %dma_start3A_268 = arith.constant 1 : i32
      %dma_start3A_269 = arith.constant 128 : i32
      %dma_start3A_270 = arith.constant 0 : i32
      %dma_start3A_271 = tpu.memref_slice %arg9[%dma_start3A_269, %dma_start3A_270] : memref<1024x16xf32, #tpu.memory_space<vmem>> -> memref<128x16xf32, #tpu.memory_space<vmem>>
      %dma_start3A_272 = arith.constant 0 : i32
      %dma_start3A_273 = tpu.memref_slice %arg8[%rem3A_87, %dma_start3A_268, %dma_start3A_272] : memref<2x8x128xi32, #tpu.memory_space<vmem>> -> memref<1x1x128xi32, #tpu.memory_space<vmem>>
      %dma_start3A_274 = tpu.memref_squeeze %dma_start3A_273 : memref<1x1x128xi32, #tpu.memory_space<vmem>> -> memref<128xi32, #tpu.memory_space<vmem>>
      %dma_start3A_275 = arith.constant 0 : i32
      %dma_start3A_276 = arith.constant 0 : i32
      %dma_start3A_277 = tpu.memref_slice %arg11[%dma_start3A_275, %dma_start3A_276] : memref<100000x16xf32, #tpu.memory_space<vmem_shared>> -> memref<100000x16xf32, #tpu.memory_space<vmem_shared>>
      tpu.enqueue_indirect_dma source(%dma_start3A_271 : memref<128x16xf32, #tpu.memory_space<vmem>>) target(%dma_start3A_277 : memref<100000x16xf32, #tpu.memory_space<vmem_shared>>) offsets(%dma_start3A_274 : memref<128xi32, #tpu.memory_space<vmem>>) semaphore(%arg14 : memref<!tpu.dma_semaphore, #tpu.memory_space<semaphore_mem>>) {add = true}
      %dma_start3A_278 = arith.constant 2 : i32
      %dma_start3A_279 = arith.constant 256 : i32
      %dma_start3A_280 = arith.constant 0 : i32
      %dma_start3A_281 = tpu.memref_slice %arg9[%dma_start3A_279, %dma_start3A_280] : memref<1024x16xf32, #tpu.memory_space<vmem>> -> memref<128x16xf32, #tpu.memory_space<vmem>>
      %dma_start3A_282 = arith.constant 0 : i32
      %dma_start3A_283 = tpu.memref_slice %arg8[%rem3A_87, %dma_start3A_278, %dma_start3A_282] : memref<2x8x128xi32, #tpu.memory_space<vmem>> -> memref<1x1x128xi32, #tpu.memory_space<vmem>>
      %dma_start3A_284 = tpu.memref_squeeze %dma_start3A_283 : memref<1x1x128xi32, #tpu.memory_space<vmem>> -> memref<128xi32, #tpu.memory_space<vmem>>
      %dma_start3A_285 = arith.constant 0 : i32
      %dma_start3A_286 = arith.constant 0 : i32
      %dma_start3A_287 = tpu.memref_slice %arg11[%dma_start3A_285, %dma_start3A_286] : memref<100000x16xf32, #tpu.memory_space<vmem_shared>> -> memref<100000x16xf32, #tpu.memory_space<vmem_shared>>
      tpu.enqueue_indirect_dma source(%dma_start3A_281 : memref<128x16xf32, #tpu.memory_space<vmem>>) target(%dma_start3A_287 : memref<100000x16xf32, #tpu.memory_space<vmem_shared>>) offsets(%dma_start3A_284 : memref<128xi32, #tpu.memory_space<vmem>>) semaphore(%arg14 : memref<!tpu.dma_semaphore, #tpu.memory_space<semaphore_mem>>) {add = true}
      %dma_start3A_288 = arith.constant 3 : i32
      %dma_start3A_289 = arith.constant 384 : i32
      %dma_start3A_290 = arith.constant 0 : i32
      %dma_start3A_291 = tpu.memref_slice %arg9[%dma_start3A_289, %dma_start3A_290] : memref<1024x16xf32, #tpu.memory_space<vmem>> -> memref<128x16xf32, #tpu.memory_space<vmem>>
      %dma_start3A_292 = arith.constant 0 : i32
      %dma_start3A_293 = tpu.memref_slice %arg8[%rem3A_87, %dma_start3A_288, %dma_start3A_292] : memref<2x8x128xi32, #tpu.memory_space<vmem>> -> memref<1x1x128xi32, #tpu.memory_space<vmem>>
      %dma_start3A_294 = tpu.memref_squeeze %dma_start3A_293 : memref<1x1x128xi32, #tpu.memory_space<vmem>> -> memref<128xi32, #tpu.memory_space<vmem>>
      %dma_start3A_295 = arith.constant 0 : i32
      %dma_start3A_296 = arith.constant 0 : i32
      %dma_start3A_297 = tpu.memref_slice %arg11[%dma_start3A_295, %dma_start3A_296] : memref<100000x16xf32, #tpu.memory_space<vmem_shared>> -> memref<100000x16xf32, #tpu.memory_space<vmem_shared>>
      tpu.enqueue_indirect_dma source(%dma_start3A_291 : memref<128x16xf32, #tpu.memory_space<vmem>>) target(%dma_start3A_297 : memref<100000x16xf32, #tpu.memory_space<vmem_shared>>) offsets(%dma_start3A_294 : memref<128xi32, #tpu.memory_space<vmem>>) semaphore(%arg14 : memref<!tpu.dma_semaphore, #tpu.memory_space<semaphore_mem>>) {add = true}
      %mul3A_298 = arith.constant 16 : i32
      %mul3A_299 = arith.muli %mul3A_94, %mul3A_298 : i32
      %add3A_300 = arith.constant 64 : i32
      %add3A_301 = arith.addi %mul3A_299, %add3A_300 : i32
      "tpu.region"() ({
        %run_scoped3A_416 = tpu.sem_alloc : memref<!tpu.dma_semaphore, #tpu.memory_space<semaphore_mem>>
        %dma_start3A_417 = arith.constant 0 : i32
        %dma_start3A_418 = arith.constant 0 : i32
        %dma_start3A_419 = tpu.memref_slice %arg10[%dma_start3A_417, %dma_start3A_418] : memref<64x128xf32, #tpu.memory_space<vmem>> -> memref<64x128xf32, #tpu.memory_space<vmem>>
        %dma_start3A_420 = arith.constant 0 : i32
        %dma_start3A_421 = tpu.memref_slice %arg5[%arg0, %add3A_301, %dma_start3A_420] : memref<2x200000x128xf32, #tpu.memory_space<hbm>> -> memref<1x64x128xf32, #tpu.memory_space<hbm>>
        %dma_start3A_422 = tpu.memref_squeeze %dma_start3A_421 : memref<1x64x128xf32, #tpu.memory_space<hbm>> -> memref<64x128xf32, #tpu.memory_space<hbm>>
        %dma_start3A_423 = arith.constant 0 : i32
        %dma_start3A_424 = arith.constant 0 : i32
        %dma_start3A_425 = tpu.memref_slice %arg10[%dma_start3A_423, %dma_start3A_424] : memref<64x128xf32, #tpu.memory_space<vmem>> -> memref<64x128xf32, #tpu.memory_space<vmem>>
        %dma_start3A_426 = arith.constant 0 : i32
        %dma_start3A_427 = tpu.memref_slice %arg5[%arg0, %add3A_301, %dma_start3A_426] : memref<2x200000x128xf32, #tpu.memory_space<hbm>> -> memref<1x64x128xf32, #tpu.memory_space<hbm>>
        %dma_start3A_428 = tpu.memref_squeeze %dma_start3A_427 : memref<1x64x128xf32, #tpu.memory_space<hbm>> -> memref<64x128xf32, #tpu.memory_space<hbm>>
        tpu.enqueue_dma source(%dma_start3A_428 : memref<64x128xf32, #tpu.memory_space<hbm>>) target(%dma_start3A_425 : memref<64x128xf32, #tpu.memory_space<vmem>>) target_semaphore(%run_scoped3A_416 : memref<!tpu.dma_semaphore, #tpu.memory_space<semaphore_mem>>)
        %dma_wait3A_429 = arith.constant 0 : i32
        %dma_wait3A_430 = arith.constant 0 : i32
        %dma_wait3A_431 = tpu.memref_slice %arg10[%dma_wait3A_429, %dma_wait3A_430] : memref<64x128xf32, #tpu.memory_space<vmem>> -> memref<64x128xf32, #tpu.memory_space<vmem>>
        %dma_wait3A_432 = arith.constant 0 : i32
        %dma_wait3A_433 = tpu.memref_slice %arg5[%arg0, %add3A_301, %dma_wait3A_432] : memref<2x200000x128xf32, #tpu.memory_space<hbm>> -> memref<1x64x128xf32, #tpu.memory_space<hbm>>
        %dma_wait3A_434 = tpu.memref_squeeze %dma_wait3A_433 : memref<1x64x128xf32, #tpu.memory_space<hbm>> -> memref<64x128xf32, #tpu.memory_space<hbm>>
        %dma_wait3A_435 = arith.constant 0 : i32
        %dma_wait3A_436 = arith.constant 0 : i32
        %dma_wait3A_437 = tpu.memref_slice %arg10[%dma_wait3A_435, %dma_wait3A_436] : memref<64x128xf32, #tpu.memory_space<vmem>> -> memref<64x128xf32, #tpu.memory_space<vmem>>
        %dma_wait3A_438 = arith.constant 0 : i32
        %dma_wait3A_439 = tpu.memref_slice %arg5[%arg0, %add3A_301, %dma_wait3A_438] : memref<2x200000x128xf32, #tpu.memory_space<hbm>> -> memref<1x64x128xf32, #tpu.memory_space<hbm>>
        %dma_wait3A_440 = tpu.memref_squeeze %dma_wait3A_439 : memref<1x64x128xf32, #tpu.memory_space<hbm>> -> memref<64x128xf32, #tpu.memory_space<hbm>>
        tpu.wait_dma2 semaphore(%run_scoped3A_416 : memref<!tpu.dma_semaphore, #tpu.memory_space<semaphore_mem>>) src(%dma_wait3A_440 : memref<64x128xf32, #tpu.memory_space<hbm>>) dst(%dma_wait3A_437 : memref<64x128xf32, #tpu.memory_space<vmem>>)
        tpu.yield
      }) : () -> ()
      %dma_wait3A_302 = arith.constant 4 : i32
      %dma_wait3A_303 = arith.constant 512 : i32
      %dma_wait3A_304 = arith.constant 0 : i32
      %dma_wait3A_305 = tpu.memref_slice %arg9[%dma_wait3A_303, %dma_wait3A_304] : memref<1024x16xf32, #tpu.memory_space<vmem>> -> memref<128x16xf32, #tpu.memory_space<vmem>>
      %dma_wait3A_306 = arith.constant 0 : i32
      %dma_wait3A_307 = tpu.memref_slice %arg7[%rem3A_87, %dma_wait3A_302, %dma_wait3A_306] : memref<2x8x128xi32, #tpu.memory_space<vmem>> -> memref<1x1x128xi32, #tpu.memory_space<vmem>>
      %dma_wait3A_308 = tpu.memref_squeeze %dma_wait3A_307 : memref<1x1x128xi32, #tpu.memory_space<vmem>> -> memref<128xi32, #tpu.memory_space<vmem>>
      %dma_wait3A_309 = arith.constant 0 : i32
      %dma_wait3A_310 = arith.constant 0 : i32
      %dma_wait3A_311 = tpu.memref_slice %arg2[%dma_wait3A_309, %dma_wait3A_310] : memref<204800x16xf32, #tpu.memory_space<hbm>> -> memref<204800x16xf32, #tpu.memory_space<hbm>>
      tpu.wait_indirect_dma semaphore(%arg12 : memref<!tpu.dma_semaphore, #tpu.memory_space<semaphore_mem>>) src(%dma_wait3A_311 : memref<204800x16xf32, #tpu.memory_space<hbm>>) dst(%dma_wait3A_305 : memref<128x16xf32, #tpu.memory_space<vmem>>)
      %dma_wait3A_312 = arith.constant 5 : i32
      %dma_wait3A_313 = arith.constant 640 : i32
      %dma_wait3A_314 = arith.constant 0 : i32
      %dma_wait3A_315 = tpu.memref_slice %arg9[%dma_wait3A_313, %dma_wait3A_314] : memref<1024x16xf32, #tpu.memory_space<vmem>> -> memref<128x16xf32, #tpu.memory_space<vmem>>
      %dma_wait3A_316 = arith.constant 0 : i32
      %dma_wait3A_317 = tpu.memref_slice %arg7[%rem3A_87, %dma_wait3A_312, %dma_wait3A_316] : memref<2x8x128xi32, #tpu.memory_space<vmem>> -> memref<1x1x128xi32, #tpu.memory_space<vmem>>
      %dma_wait3A_318 = tpu.memref_squeeze %dma_wait3A_317 : memref<1x1x128xi32, #tpu.memory_space<vmem>> -> memref<128xi32, #tpu.memory_space<vmem>>
      %dma_wait3A_319 = arith.constant 0 : i32
      %dma_wait3A_320 = arith.constant 0 : i32
      %dma_wait3A_321 = tpu.memref_slice %arg2[%dma_wait3A_319, %dma_wait3A_320] : memref<204800x16xf32, #tpu.memory_space<hbm>> -> memref<204800x16xf32, #tpu.memory_space<hbm>>
      tpu.wait_indirect_dma semaphore(%arg12 : memref<!tpu.dma_semaphore, #tpu.memory_space<semaphore_mem>>) src(%dma_wait3A_321 : memref<204800x16xf32, #tpu.memory_space<hbm>>) dst(%dma_wait3A_315 : memref<128x16xf32, #tpu.memory_space<vmem>>)
      %dma_wait3A_322 = arith.constant 6 : i32
      %dma_wait3A_323 = arith.constant 768 : i32
      %dma_wait3A_324 = arith.constant 0 : i32
      %dma_wait3A_325 = tpu.memref_slice %arg9[%dma_wait3A_323, %dma_wait3A_324] : memref<1024x16xf32, #tpu.memory_space<vmem>> -> memref<128x16xf32, #tpu.memory_space<vmem>>
      %dma_wait3A_326 = arith.constant 0 : i32
      %dma_wait3A_327 = tpu.memref_slice %arg7[%rem3A_87, %dma_wait3A_322, %dma_wait3A_326] : memref<2x8x128xi32, #tpu.memory_space<vmem>> -> memref<1x1x128xi32, #tpu.memory_space<vmem>>
      %dma_wait3A_328 = tpu.memref_squeeze %dma_wait3A_327 : memref<1x1x128xi32, #tpu.memory_space<vmem>> -> memref<128xi32, #tpu.memory_space<vmem>>
      %dma_wait3A_329 = arith.constant 0 : i32
      %dma_wait3A_330 = arith.constant 0 : i32
      %dma_wait3A_331 = tpu.memref_slice %arg2[%dma_wait3A_329, %dma_wait3A_330] : memref<204800x16xf32, #tpu.memory_space<hbm>> -> memref<204800x16xf32, #tpu.memory_space<hbm>>
      tpu.wait_indirect_dma semaphore(%arg12 : memref<!tpu.dma_semaphore, #tpu.memory_space<semaphore_mem>>) src(%dma_wait3A_331 : memref<204800x16xf32, #tpu.memory_space<hbm>>) dst(%dma_wait3A_325 : memref<128x16xf32, #tpu.memory_space<vmem>>)
      %dma_wait3A_332 = arith.constant 7 : i32
      %dma_wait3A_333 = arith.constant 896 : i32
      %dma_wait3A_334 = arith.constant 0 : i32
      %dma_wait3A_335 = tpu.memref_slice %arg9[%dma_wait3A_333, %dma_wait3A_334] : memref<1024x16xf32, #tpu.memory_space<vmem>> -> memref<128x16xf32, #tpu.memory_space<vmem>>
      %dma_wait3A_336 = arith.constant 0 : i32
      %dma_wait3A_337 = tpu.memref_slice %arg7[%rem3A_87, %dma_wait3A_332, %dma_wait3A_336] : memref<2x8x128xi32, #tpu.memory_space<vmem>> -> memref<1x1x128xi32, #tpu.memory_space<vmem>>
      %dma_wait3A_338 = tpu.memref_squeeze %dma_wait3A_337 : memref<1x1x128xi32, #tpu.memory_space<vmem>> -> memref<128xi32, #tpu.memory_space<vmem>>
      %dma_wait3A_339 = arith.constant 0 : i32
      %dma_wait3A_340 = arith.constant 0 : i32
      %dma_wait3A_341 = tpu.memref_slice %arg2[%dma_wait3A_339, %dma_wait3A_340] : memref<204800x16xf32, #tpu.memory_space<hbm>> -> memref<204800x16xf32, #tpu.memory_space<hbm>>
      tpu.wait_indirect_dma semaphore(%arg12 : memref<!tpu.dma_semaphore, #tpu.memory_space<semaphore_mem>>) src(%dma_wait3A_341 : memref<204800x16xf32, #tpu.memory_space<hbm>>) dst(%dma_wait3A_335 : memref<128x16xf32, #tpu.memory_space<vmem>>)
      %scan3A_342 = arith.constant 0 : i32
      %scan3A_343 = arith.constant 0 : i32
      %scan3A_344 = arith.constant 64 : i32
      %scan3A_345 = arith.addi %scan3A_343, %scan3A_344 : i32
      %scan3A_346 = arith.constant 1 : i32
      %scan3A_347 = scf.for %scan3A_416 = %scan3A_343 to %scan3A_345 step %scan3A_346 iter_args(%scan3A_417 = %scan3A_342) -> (i32)  : i32 {
        %mul3A_418 = arith.constant 8 : i32
        %mul3A_419 = arith.muli %scan3A_416, %mul3A_418 : i32
        %add3A_420 = arith.constant 512 : i32
        %add3A_421 = arith.addi %add3A_420, %mul3A_419 : i32
        %add3A_422 = arith.constant 0 : i32
        %add3A_423 = arith.addi %add3A_421, %add3A_422 : i32
        %get3A = arith.index_cast %add3A_423 : i32 to index
        %get3A_424 = arith.constant 0 : index
        %get3A_425 = tpu.vector_load %arg9[%get3A, %get3A_424] {strides = array<i32>} : memref<1024x16xf32, #tpu.memory_space<vmem>>, vector<1x16xf32>,
        %get3A_426 = vector.shape_cast %get3A_425 : vector<1x16xf32> to vector<16xf32>
        %get3A_427 = arith.index_cast %scan3A_416 : i32 to index
        %get3A_428 = arith.constant 0 : index
        %get3A_429 = tpu.vector_load %arg10[%get3A_427, %get3A_428] {strides = array<i32>} : memref<64x128xf32, #tpu.memory_space<vmem>>, vector<1x16xf32>,
        %get3A_430 = vector.shape_cast %get3A_429 : vector<1x16xf32> to vector<16xf32>
        %add3A_431 = arith.addf %get3A_426, %get3A_430 : vector<16xf32>
        %max3A = arith.constant 0.000000e+00 : f32
        %max3A_432 = vector.broadcast %max3A : f32 to vector<16xf32>
        %max3A_433 = arith.maximumf %add3A_431, %max3A_432 : vector<16xf32>
        %mul3A_434 = arith.constant 8 : i32
        %mul3A_435 = arith.muli %scan3A_416, %mul3A_434 : i32
        %add3A_436 = arith.constant 512 : i32
        %add3A_437 = arith.addi %add3A_436, %mul3A_435 : i32
        %add3A_438 = arith.constant 0 : i32
        %add3A_439 = arith.addi %add3A_437, %add3A_438 : i32
        %swap3A = arith.index_cast %add3A_439 : i32 to index
        %swap3A_440 = arith.constant 0 : index
        %swap3A_441 = tpu.vector_load %arg9[%swap3A, %swap3A_440] {strides = array<i32>} : memref<1024x16xf32, #tpu.memory_space<vmem>>, vector<1x16xf32>,
        %swap3A_442 = vector.shape_cast %swap3A_441 : vector<1x16xf32> to vector<16xf32>
        %swap3A_443 = vector.shape_cast %max3A_433 : vector<16xf32> to vector<1x16xf32>
        tpu.vector_store %arg9[%swap3A, %swap3A_440], %swap3A_443 {strides = array<i32>} : memref<1024x16xf32, #tpu.memory_space<vmem>>, vector<1x16xf32>,
        %mul3A_444 = arith.constant 8 : i32
        %mul3A_445 = arith.muli %scan3A_416, %mul3A_444 : i32
        %add3A_446 = arith.constant 512 : i32
        %add3A_447 = arith.addi %add3A_446, %mul3A_445 : i32
        %add3A_448 = arith.constant 1 : i32
        %add3A_449 = arith.addi %add3A_447, %add3A_448 : i32
        %get3A_450 = arith.index_cast %add3A_449 : i32 to index
        %get3A_451 = arith.constant 0 : index
        %get3A_452 = tpu.vector_load %arg9[%get3A_450, %get3A_451] {strides = array<i32>} : memref<1024x16xf32, #tpu.memory_space<vmem>>, vector<1x16xf32>,
        %get3A_453 = vector.shape_cast %get3A_452 : vector<1x16xf32> to vector<16xf32>
        %get3A_454 = arith.index_cast %scan3A_416 : i32 to index
        %get3A_455 = arith.constant 16 : index
        %get3A_456 = tpu.vector_load %arg10[%get3A_454, %get3A_455] {strides = array<i32>} : memref<64x128xf32, #tpu.memory_space<vmem>>, vector<1x16xf32>,
        %get3A_457 = vector.shape_cast %get3A_456 : vector<1x16xf32> to vector<16xf32>
        %add3A_458 = arith.addf %get3A_453, %get3A_457 : vector<16xf32>
        %max3A_459 = arith.constant 0.000000e+00 : f32
        %max3A_460 = vector.broadcast %max3A_459 : f32 to vector<16xf32>
        %max3A_461 = arith.maximumf %add3A_458, %max3A_460 : vector<16xf32>
        %mul3A_462 = arith.constant 8 : i32
        %mul3A_463 = arith.muli %scan3A_416, %mul3A_462 : i32
        %add3A_464 = arith.constant 512 : i32
        %add3A_465 = arith.addi %add3A_464, %mul3A_463 : i32
        %add3A_466 = arith.constant 1 : i32
        %add3A_467 = arith.addi %add3A_465, %add3A_466 : i32
        %swap3A_468 = arith.index_cast %add3A_467 : i32 to index
        %swap3A_469 = arith.constant 0 : index
        %swap3A_470 = tpu.vector_load %arg9[%swap3A_468, %swap3A_469] {strides = array<i32>} : memref<1024x16xf32, #tpu.memory_space<vmem>>, vector<1x16xf32>,
        %swap3A_471 = vector.shape_cast %swap3A_470 : vector<1x16xf32> to vector<16xf32>
        %swap3A_472 = vector.shape_cast %max3A_461 : vector<16xf32> to vector<1x16xf32>
        tpu.vector_store %arg9[%swap3A_468, %swap3A_469], %swap3A_472 {strides = array<i32>} : memref<1024x16xf32, #tpu.memory_space<vmem>>, vector<1x16xf32>,
        %mul3A_473 = arith.constant 8 : i32
        %mul3A_474 = arith.muli %scan3A_416, %mul3A_473 : i32
        %add3A_475 = arith.constant 512 : i32
        %add3A_476 = arith.addi %add3A_475, %mul3A_474 : i32
        %add3A_477 = arith.constant 2 : i32
        %add3A_478 = arith.addi %add3A_476, %add3A_477 : i32
        %get3A_479 = arith.index_cast %add3A_478 : i32 to index
        %get3A_480 = arith.constant 0 : index
        %get3A_481 = tpu.vector_load %arg9[%get3A_479, %get3A_480] {strides = array<i32>} : memref<1024x16xf32, #tpu.memory_space<vmem>>, vector<1x16xf32>,
        %get3A_482 = vector.shape_cast %get3A_481 : vector<1x16xf32> to vector<16xf32>
        %get3A_483 = arith.index_cast %scan3A_416 : i32 to index
        %get3A_484 = arith.constant 32 : index
        %get3A_485 = tpu.vector_load %arg10[%get3A_483, %get3A_484] {strides = array<i32>} : memref<64x128xf32, #tpu.memory_space<vmem>>, vector<1x16xf32>,
        %get3A_486 = vector.shape_cast %get3A_485 : vector<1x16xf32> to vector<16xf32>
        %add3A_487 = arith.addf %get3A_482, %get3A_486 : vector<16xf32>
        %max3A_488 = arith.constant 0.000000e+00 : f32
        %max3A_489 = vector.broadcast %max3A_488 : f32 to vector<16xf32>
        %max3A_490 = arith.maximumf %add3A_487, %max3A_489 : vector<16xf32>
        %mul3A_491 = arith.constant 8 : i32
        %mul3A_492 = arith.muli %scan3A_416, %mul3A_491 : i32
        %add3A_493 = arith.constant 512 : i32
        %add3A_494 = arith.addi %add3A_493, %mul3A_492 : i32
        %add3A_495 = arith.constant 2 : i32
        %add3A_496 = arith.addi %add3A_494, %add3A_495 : i32
        %swap3A_497 = arith.index_cast %add3A_496 : i32 to index
        %swap3A_498 = arith.constant 0 : index
        %swap3A_499 = tpu.vector_load %arg9[%swap3A_497, %swap3A_498] {strides = array<i32>} : memref<1024x16xf32, #tpu.memory_space<vmem>>, vector<1x16xf32>,
        %swap3A_500 = vector.shape_cast %swap3A_499 : vector<1x16xf32> to vector<16xf32>
        %swap3A_501 = vector.shape_cast %max3A_490 : vector<16xf32> to vector<1x16xf32>
        tpu.vector_store %arg9[%swap3A_497, %swap3A_498], %swap3A_501 {strides = array<i32>} : memref<1024x16xf32, #tpu.memory_space<vmem>>, vector<1x16xf32>,
        %mul3A_502 = arith.constant 8 : i32
        %mul3A_503 = arith.muli %scan3A_416, %mul3A_502 : i32
        %add3A_504 = arith.constant 512 : i32
        %add3A_505 = arith.addi %add3A_504, %mul3A_503 : i32
        %add3A_506 = arith.constant 3 : i32
        %add3A_507 = arith.addi %add3A_505, %add3A_506 : i32
        %get3A_508 = arith.index_cast %add3A_507 : i32 to index
        %get3A_509 = arith.constant 0 : index
        %get3A_510 = tpu.vector_load %arg9[%get3A_508, %get3A_509] {strides = array<i32>} : memref<1024x16xf32, #tpu.memory_space<vmem>>, vector<1x16xf32>,
        %get3A_511 = vector.shape_cast %get3A_510 : vector<1x16xf32> to vector<16xf32>
        %get3A_512 = arith.index_cast %scan3A_416 : i32 to index
        %get3A_513 = arith.constant 48 : index
        %get3A_514 = tpu.vector_load %arg10[%get3A_512, %get3A_513] {strides = array<i32>} : memref<64x128xf32, #tpu.memory_space<vmem>>, vector<1x16xf32>,
        %get3A_515 = vector.shape_cast %get3A_514 : vector<1x16xf32> to vector<16xf32>
        %add3A_516 = arith.addf %get3A_511, %get3A_515 : vector<16xf32>
        %max3A_517 = arith.constant 0.000000e+00 : f32
        %max3A_518 = vector.broadcast %max3A_517 : f32 to vector<16xf32>
        %max3A_519 = arith.maximumf %add3A_516, %max3A_518 : vector<16xf32>
        %mul3A_520 = arith.constant 8 : i32
        %mul3A_521 = arith.muli %scan3A_416, %mul3A_520 : i32
        %add3A_522 = arith.constant 512 : i32
        %add3A_523 = arith.addi %add3A_522, %mul3A_521 : i32
        %add3A_524 = arith.constant 3 : i32
        %add3A_525 = arith.addi %add3A_523, %add3A_524 : i32
        %swap3A_526 = arith.index_cast %add3A_525 : i32 to index
        %swap3A_527 = arith.constant 0 : index
        %swap3A_528 = tpu.vector_load %arg9[%swap3A_526, %swap3A_527] {strides = array<i32>} : memref<1024x16xf32, #tpu.memory_space<vmem>>, vector<1x16xf32>,
        %swap3A_529 = vector.shape_cast %swap3A_528 : vector<1x16xf32> to vector<16xf32>
        %swap3A_530 = vector.shape_cast %max3A_519 : vector<16xf32> to vector<1x16xf32>
        tpu.vector_store %arg9[%swap3A_526, %swap3A_527], %swap3A_530 {strides = array<i32>} : memref<1024x16xf32, #tpu.memory_space<vmem>>, vector<1x16xf32>,
        %mul3A_531 = arith.constant 8 : i32
        %mul3A_532 = arith.muli %scan3A_416, %mul3A_531 : i32
        %add3A_533 = arith.constant 512 : i32
        %add3A_534 = arith.addi %add3A_533, %mul3A_532 : i32
        %add3A_535 = arith.constant 4 : i32
        %add3A_536 = arith.addi %add3A_534, %add3A_535 : i32
        %get3A_537 = arith.index_cast %add3A_536 : i32 to index
        %get3A_538 = arith.constant 0 : index
        %get3A_539 = tpu.vector_load %arg9[%get3A_537, %get3A_538] {strides = array<i32>} : memref<1024x16xf32, #tpu.memory_space<vmem>>, vector<1x16xf32>,
        %get3A_540 = vector.shape_cast %get3A_539 : vector<1x16xf32> to vector<16xf32>
        %get3A_541 = arith.index_cast %scan3A_416 : i32 to index
        %get3A_542 = arith.constant 64 : index
        %get3A_543 = tpu.vector_load %arg10[%get3A_541, %get3A_542] {strides = array<i32>} : memref<64x128xf32, #tpu.memory_space<vmem>>, vector<1x16xf32>,
        %get3A_544 = vector.shape_cast %get3A_543 : vector<1x16xf32> to vector<16xf32>
        %add3A_545 = arith.addf %get3A_540, %get3A_544 : vector<16xf32>
        %max3A_546 = arith.constant 0.000000e+00 : f32
        %max3A_547 = vector.broadcast %max3A_546 : f32 to vector<16xf32>
        %max3A_548 = arith.maximumf %add3A_545, %max3A_547 : vector<16xf32>
        %mul3A_549 = arith.constant 8 : i32
        %mul3A_550 = arith.muli %scan3A_416, %mul3A_549 : i32
        %add3A_551 = arith.constant 512 : i32
        %add3A_552 = arith.addi %add3A_551, %mul3A_550 : i32
        %add3A_553 = arith.constant 4 : i32
        %add3A_554 = arith.addi %add3A_552, %add3A_553 : i32
        %swap3A_555 = arith.index_cast %add3A_554 : i32 to index
        %swap3A_556 = arith.constant 0 : index
        %swap3A_557 = tpu.vector_load %arg9[%swap3A_555, %swap3A_556] {strides = array<i32>} : memref<1024x16xf32, #tpu.memory_space<vmem>>, vector<1x16xf32>,
        %swap3A_558 = vector.shape_cast %swap3A_557 : vector<1x16xf32> to vector<16xf32>
        %swap3A_559 = vector.shape_cast %max3A_548 : vector<16xf32> to vector<1x16xf32>
        tpu.vector_store %arg9[%swap3A_555, %swap3A_556], %swap3A_559 {strides = array<i32>} : memref<1024x16xf32, #tpu.memory_space<vmem>>, vector<1x16xf32>,
        %mul3A_560 = arith.constant 8 : i32
        %mul3A_561 = arith.muli %scan3A_416, %mul3A_560 : i32
        %add3A_562 = arith.constant 512 : i32
        %add3A_563 = arith.addi %add3A_562, %mul3A_561 : i32
        %add3A_564 = arith.constant 5 : i32
        %add3A_565 = arith.addi %add3A_563, %add3A_564 : i32
        %get3A_566 = arith.index_cast %add3A_565 : i32 to index
        %get3A_567 = arith.constant 0 : index
        %get3A_568 = tpu.vector_load %arg9[%get3A_566, %get3A_567] {strides = array<i32>} : memref<1024x16xf32, #tpu.memory_space<vmem>>, vector<1x16xf32>,
        %get3A_569 = vector.shape_cast %get3A_568 : vector<1x16xf32> to vector<16xf32>
        %get3A_570 = arith.index_cast %scan3A_416 : i32 to index
        %get3A_571 = arith.constant 80 : index
        %get3A_572 = tpu.vector_load %arg10[%get3A_570, %get3A_571] {strides = array<i32>} : memref<64x128xf32, #tpu.memory_space<vmem>>, vector<1x16xf32>,
        %get3A_573 = vector.shape_cast %get3A_572 : vector<1x16xf32> to vector<16xf32>
        %add3A_574 = arith.addf %get3A_569, %get3A_573 : vector<16xf32>
        %max3A_575 = arith.constant 0.000000e+00 : f32
        %max3A_576 = vector.broadcast %max3A_575 : f32 to vector<16xf32>
        %max3A_577 = arith.maximumf %add3A_574, %max3A_576 : vector<16xf32>
        %mul3A_578 = arith.constant 8 : i32
        %mul3A_579 = arith.muli %scan3A_416, %mul3A_578 : i32
        %add3A_580 = arith.constant 512 : i32
        %add3A_581 = arith.addi %add3A_580, %mul3A_579 : i32
        %add3A_582 = arith.constant 5 : i32
        %add3A_583 = arith.addi %add3A_581, %add3A_582 : i32
        %swap3A_584 = arith.index_cast %add3A_583 : i32 to index
        %swap3A_585 = arith.constant 0 : index
        %swap3A_586 = tpu.vector_load %arg9[%swap3A_584, %swap3A_585] {strides = array<i32>} : memref<1024x16xf32, #tpu.memory_space<vmem>>, vector<1x16xf32>,
        %swap3A_587 = vector.shape_cast %swap3A_586 : vector<1x16xf32> to vector<16xf32>
        %swap3A_588 = vector.shape_cast %max3A_577 : vector<16xf32> to vector<1x16xf32>
        tpu.vector_store %arg9[%swap3A_584, %swap3A_585], %swap3A_588 {strides = array<i32>} : memref<1024x16xf32, #tpu.memory_space<vmem>>, vector<1x16xf32>,
        %mul3A_589 = arith.constant 8 : i32
        %mul3A_590 = arith.muli %scan3A_416, %mul3A_589 : i32
        %add3A_591 = arith.constant 512 : i32
        %add3A_592 = arith.addi %add3A_591, %mul3A_590 : i32
        %add3A_593 = arith.constant 6 : i32
        %add3A_594 = arith.addi %add3A_592, %add3A_593 : i32
        %get3A_595 = arith.index_cast %add3A_594 : i32 to index
        %get3A_596 = arith.constant 0 : index
        %get3A_597 = tpu.vector_load %arg9[%get3A_595, %get3A_596] {strides = array<i32>} : memref<1024x16xf32, #tpu.memory_space<vmem>>, vector<1x16xf32>,
        %get3A_598 = vector.shape_cast %get3A_597 : vector<1x16xf32> to vector<16xf32>
        %get3A_599 = arith.index_cast %scan3A_416 : i32 to index
        %get3A_600 = arith.constant 96 : index
        %get3A_601 = tpu.vector_load %arg10[%get3A_599, %get3A_600] {strides = array<i32>} : memref<64x128xf32, #tpu.memory_space<vmem>>, vector<1x16xf32>,
        %get3A_602 = vector.shape_cast %get3A_601 : vector<1x16xf32> to vector<16xf32>
        %add3A_603 = arith.addf %get3A_598, %get3A_602 : vector<16xf32>
        %max3A_604 = arith.constant 0.000000e+00 : f32
        %max3A_605 = vector.broadcast %max3A_604 : f32 to vector<16xf32>
        %max3A_606 = arith.maximumf %add3A_603, %max3A_605 : vector<16xf32>
        %mul3A_607 = arith.constant 8 : i32
        %mul3A_608 = arith.muli %scan3A_416, %mul3A_607 : i32
        %add3A_609 = arith.constant 512 : i32
        %add3A_610 = arith.addi %add3A_609, %mul3A_608 : i32
        %add3A_611 = arith.constant 6 : i32
        %add3A_612 = arith.addi %add3A_610, %add3A_611 : i32
        %swap3A_613 = arith.index_cast %add3A_612 : i32 to index
        %swap3A_614 = arith.constant 0 : index
        %swap3A_615 = tpu.vector_load %arg9[%swap3A_613, %swap3A_614] {strides = array<i32>} : memref<1024x16xf32, #tpu.memory_space<vmem>>, vector<1x16xf32>,
        %swap3A_616 = vector.shape_cast %swap3A_615 : vector<1x16xf32> to vector<16xf32>
        %swap3A_617 = vector.shape_cast %max3A_606 : vector<16xf32> to vector<1x16xf32>
        tpu.vector_store %arg9[%swap3A_613, %swap3A_614], %swap3A_617 {strides = array<i32>} : memref<1024x16xf32, #tpu.memory_space<vmem>>, vector<1x16xf32>,
        %mul3A_618 = arith.constant 8 : i32
        %mul3A_619 = arith.muli %scan3A_416, %mul3A_618 : i32
        %add3A_620 = arith.constant 512 : i32
        %add3A_621 = arith.addi %add3A_620, %mul3A_619 : i32
        %add3A_622 = arith.constant 7 : i32
        %add3A_623 = arith.addi %add3A_621, %add3A_622 : i32
        %get3A_624 = arith.index_cast %add3A_623 : i32 to index
        %get3A_625 = arith.constant 0 : index
        %get3A_626 = tpu.vector_load %arg9[%get3A_624, %get3A_625] {strides = array<i32>} : memref<1024x16xf32, #tpu.memory_space<vmem>>, vector<1x16xf32>,
        %get3A_627 = vector.shape_cast %get3A_626 : vector<1x16xf32> to vector<16xf32>
        %get3A_628 = arith.index_cast %scan3A_416 : i32 to index
        %get3A_629 = arith.constant 112 : index
        %get3A_630 = tpu.vector_load %arg10[%get3A_628, %get3A_629] {strides = array<i32>} : memref<64x128xf32, #tpu.memory_space<vmem>>, vector<1x16xf32>,
        %get3A_631 = vector.shape_cast %get3A_630 : vector<1x16xf32> to vector<16xf32>
        %add3A_632 = arith.addf %get3A_627, %get3A_631 : vector<16xf32>
        %max3A_633 = arith.constant 0.000000e+00 : f32
        %max3A_634 = vector.broadcast %max3A_633 : f32 to vector<16xf32>
        %max3A_635 = arith.maximumf %add3A_632, %max3A_634 : vector<16xf32>
        %mul3A_636 = arith.constant 8 : i32
        %mul3A_637 = arith.muli %scan3A_416, %mul3A_636 : i32
        %add3A_638 = arith.constant 512 : i32
        %add3A_639 = arith.addi %add3A_638, %mul3A_637 : i32
        %add3A_640 = arith.constant 7 : i32
        %add3A_641 = arith.addi %add3A_639, %add3A_640 : i32
        %swap3A_642 = arith.index_cast %add3A_641 : i32 to index
        %swap3A_643 = arith.constant 0 : index
        %swap3A_644 = tpu.vector_load %arg9[%swap3A_642, %swap3A_643] {strides = array<i32>} : memref<1024x16xf32, #tpu.memory_space<vmem>>, vector<1x16xf32>,
        %swap3A_645 = vector.shape_cast %swap3A_644 : vector<1x16xf32> to vector<16xf32>
        %swap3A_646 = vector.shape_cast %max3A_635 : vector<16xf32> to vector<1x16xf32>
        tpu.vector_store %arg9[%swap3A_642, %swap3A_643], %swap3A_646 {strides = array<i32>} : memref<1024x16xf32, #tpu.memory_space<vmem>>, vector<1x16xf32>,
        %scan3A_647 = arith.constant 0 : i32
        scf.yield %scan3A_647 : i32
      }
      %scan3A_348 = arith.constant 64 : i32
      %dma_start3A_349 = arith.constant 4 : i32
      %dma_start3A_350 = arith.constant 512 : i32
      %dma_start3A_351 = arith.constant 0 : i32
      %dma_start3A_352 = tpu.memref_slice %arg9[%dma_start3A_350, %dma_start3A_351] : memref<1024x16xf32, #tpu.memory_space<vmem>> -> memref<128x16xf32, #tpu.memory_space<vmem>>
      %dma_start3A_353 = arith.constant 0 : i32
      %dma_start3A_354 = tpu.memref_slice %arg8[%rem3A_87, %dma_start3A_349, %dma_start3A_353] : memref<2x8x128xi32, #tpu.memory_space<vmem>> -> memref<1x1x128xi32, #tpu.memory_space<vmem>>
      %dma_start3A_355 = tpu.memref_squeeze %dma_start3A_354 : memref<1x1x128xi32, #tpu.memory_space<vmem>> -> memref<128xi32, #tpu.memory_space<vmem>>
      %dma_start3A_356 = arith.constant 0 : i32
      %dma_start3A_357 = arith.constant 0 : i32
      %dma_start3A_358 = tpu.memref_slice %arg11[%dma_start3A_356, %dma_start3A_357] : memref<100000x16xf32, #tpu.memory_space<vmem_shared>> -> memref<100000x16xf32, #tpu.memory_space<vmem_shared>>
      tpu.enqueue_indirect_dma source(%dma_start3A_352 : memref<128x16xf32, #tpu.memory_space<vmem>>) target(%dma_start3A_358 : memref<100000x16xf32, #tpu.memory_space<vmem_shared>>) offsets(%dma_start3A_355 : memref<128xi32, #tpu.memory_space<vmem>>) semaphore(%arg14 : memref<!tpu.dma_semaphore, #tpu.memory_space<semaphore_mem>>) {add = true}
      %dma_start3A_359 = arith.constant 5 : i32
      %dma_start3A_360 = arith.constant 640 : i32
      %dma_start3A_361 = arith.constant 0 : i32
      %dma_start3A_362 = tpu.memref_slice %arg9[%dma_start3A_360, %dma_start3A_361] : memref<1024x16xf32, #tpu.memory_space<vmem>> -> memref<128x16xf32, #tpu.memory_space<vmem>>
      %dma_start3A_363 = arith.constant 0 : i32
      %dma_start3A_364 = tpu.memref_slice %arg8[%rem3A_87, %dma_start3A_359, %dma_start3A_363] : memref<2x8x128xi32, #tpu.memory_space<vmem>> -> memref<1x1x128xi32, #tpu.memory_space<vmem>>
      %dma_start3A_365 = tpu.memref_squeeze %dma_start3A_364 : memref<1x1x128xi32, #tpu.memory_space<vmem>> -> memref<128xi32, #tpu.memory_space<vmem>>
      %dma_start3A_366 = arith.constant 0 : i32
      %dma_start3A_367 = arith.constant 0 : i32
      %dma_start3A_368 = tpu.memref_slice %arg11[%dma_start3A_366, %dma_start3A_367] : memref<100000x16xf32, #tpu.memory_space<vmem_shared>> -> memref<100000x16xf32, #tpu.memory_space<vmem_shared>>
      tpu.enqueue_indirect_dma source(%dma_start3A_362 : memref<128x16xf32, #tpu.memory_space<vmem>>) target(%dma_start3A_368 : memref<100000x16xf32, #tpu.memory_space<vmem_shared>>) offsets(%dma_start3A_365 : memref<128xi32, #tpu.memory_space<vmem>>) semaphore(%arg14 : memref<!tpu.dma_semaphore, #tpu.memory_space<semaphore_mem>>) {add = true}
      %dma_start3A_369 = arith.constant 6 : i32
      %dma_start3A_370 = arith.constant 768 : i32
      %dma_start3A_371 = arith.constant 0 : i32
      %dma_start3A_372 = tpu.memref_slice %arg9[%dma_start3A_370, %dma_start3A_371] : memref<1024x16xf32, #tpu.memory_space<vmem>> -> memref<128x16xf32, #tpu.memory_space<vmem>>
      %dma_start3A_373 = arith.constant 0 : i32
      %dma_start3A_374 = tpu.memref_slice %arg8[%rem3A_87, %dma_start3A_369, %dma_start3A_373] : memref<2x8x128xi32, #tpu.memory_space<vmem>> -> memref<1x1x128xi32, #tpu.memory_space<vmem>>
      %dma_start3A_375 = tpu.memref_squeeze %dma_start3A_374 : memref<1x1x128xi32, #tpu.memory_space<vmem>> -> memref<128xi32, #tpu.memory_space<vmem>>
      %dma_start3A_376 = arith.constant 0 : i32
      %dma_start3A_377 = arith.constant 0 : i32
      %dma_start3A_378 = tpu.memref_slice %arg11[%dma_start3A_376, %dma_start3A_377] : memref<100000x16xf32, #tpu.memory_space<vmem_shared>> -> memref<100000x16xf32, #tpu.memory_space<vmem_shared>>
      tpu.enqueue_indirect_dma source(%dma_start3A_372 : memref<128x16xf32, #tpu.memory_space<vmem>>) target(%dma_start3A_378 : memref<100000x16xf32, #tpu.memory_space<vmem_shared>>) offsets(%dma_start3A_375 : memref<128xi32, #tpu.memory_space<vmem>>) semaphore(%arg14 : memref<!tpu.dma_semaphore, #tpu.memory_space<semaphore_mem>>) {add = true}
      %dma_start3A_379 = arith.constant 7 : i32
      %dma_start3A_380 = arith.constant 896 : i32
      %dma_start3A_381 = arith.constant 0 : i32
      %dma_start3A_382 = tpu.memref_slice %arg9[%dma_start3A_380, %dma_start3A_381] : memref<1024x16xf32, #tpu.memory_space<vmem>> -> memref<128x16xf32, #tpu.memory_space<vmem>>
      %dma_start3A_383 = arith.constant 0 : i32
      %dma_start3A_384 = tpu.memref_slice %arg8[%rem3A_87, %dma_start3A_379, %dma_start3A_383] : memref<2x8x128xi32, #tpu.memory_space<vmem>> -> memref<1x1x128xi32, #tpu.memory_space<vmem>>
      %dma_start3A_385 = tpu.memref_squeeze %dma_start3A_384 : memref<1x1x128xi32, #tpu.memory_space<vmem>> -> memref<128xi32, #tpu.memory_space<vmem>>
      %dma_start3A_386 = arith.constant 0 : i32
      %dma_start3A_387 = arith.constant 0 : i32
      %dma_start3A_388 = tpu.memref_slice %arg11[%dma_start3A_386, %dma_start3A_387] : memref<100000x16xf32, #tpu.memory_space<vmem_shared>> -> memref<100000x16xf32, #tpu.memory_space<vmem_shared>>
      tpu.enqueue_indirect_dma source(%dma_start3A_382 : memref<128x16xf32, #tpu.memory_space<vmem>>) target(%dma_start3A_388 : memref<100000x16xf32, #tpu.memory_space<vmem_shared>>) offsets(%dma_start3A_385 : memref<128xi32, #tpu.memory_space<vmem>>) semaphore(%arg14 : memref<!tpu.dma_semaphore, #tpu.memory_space<semaphore_mem>>) {add = true}
      %dma_wait3A_389 = arith.constant 0 : i32
      %dma_wait3A_390 = arith.constant 0 : i32
      %dma_wait3A_391 = tpu.memref_slice %arg7[%sub3A_89, %dma_wait3A_389, %dma_wait3A_390] : memref<2x8x128xi32, #tpu.memory_space<vmem>> -> memref<1x8x128xi32, #tpu.memory_space<vmem>>
      %dma_wait3A_392 = tpu.memref_squeeze %dma_wait3A_391 : memref<1x8x128xi32, #tpu.memory_space<vmem>> -> memref<8x128xi32, #tpu.memory_space<vmem>>
      %dma_wait3A_393 = arith.constant 0 : i32
      %dma_wait3A_394 = tpu.memref_slice %arg3[%arg0, %min3A_180, %dma_wait3A_393] : memref<2x12500x128xi32, #tpu.memory_space<hbm>> -> memref<1x8x128xi32, #tpu.memory_space<hbm>>
      %dma_wait3A_395 = tpu.memref_squeeze %dma_wait3A_394 : memref<1x8x128xi32, #tpu.memory_space<hbm>> -> memref<8x128xi32, #tpu.memory_space<hbm>>
      %dma_wait3A_396 = arith.constant 0 : i32
      %dma_wait3A_397 = arith.constant 0 : i32
      %dma_wait3A_398 = tpu.memref_slice %arg7[%sub3A_89, %dma_wait3A_396, %dma_wait3A_397] : memref<2x8x128xi32, #tpu.memory_space<vmem>> -> memref<1x8x128xi32, #tpu.memory_space<vmem>>
      %dma_wait3A_399 = tpu.memref_squeeze %dma_wait3A_398 : memref<1x8x128xi32, #tpu.memory_space<vmem>> -> memref<8x128xi32, #tpu.memory_space<vmem>>
      %dma_wait3A_400 = arith.constant 0 : i32
      %dma_wait3A_401 = tpu.memref_slice %arg3[%arg0, %min3A_180, %dma_wait3A_400] : memref<2x12500x128xi32, #tpu.memory_space<hbm>> -> memref<1x8x128xi32, #tpu.memory_space<hbm>>
      %dma_wait3A_402 = tpu.memref_squeeze %dma_wait3A_401 : memref<1x8x128xi32, #tpu.memory_space<hbm>> -> memref<8x128xi32, #tpu.memory_space<hbm>>
      tpu.wait_dma2 semaphore(%arg13 : memref<!tpu.dma_semaphore, #tpu.memory_space<semaphore_mem>>) src(%dma_wait3A_402 : memref<8x128xi32, #tpu.memory_space<hbm>>) dst(%dma_wait3A_399 : memref<8x128xi32, #tpu.memory_space<vmem>>)
      %dma_wait3A_403 = arith.constant 0 : i32
      %dma_wait3A_404 = arith.constant 0 : i32
      %dma_wait3A_405 = tpu.memref_slice %arg8[%sub3A_89, %dma_wait3A_403, %dma_wait3A_404] : memref<2x8x128xi32, #tpu.memory_space<vmem>> -> memref<1x8x128xi32, #tpu.memory_space<vmem>>
      %dma_wait3A_406 = tpu.memref_squeeze %dma_wait3A_405 : memref<1x8x128xi32, #tpu.memory_space<vmem>> -> memref<8x128xi32, #tpu.memory_space<vmem>>
      %dma_wait3A_407 = arith.constant 0 : i32
      %dma_wait3A_408 = tpu.memref_slice %arg4[%min3A_180, %dma_wait3A_407] : memref<12500x128xi32, #tpu.memory_space<hbm>> -> memref<8x128xi32, #tpu.memory_space<hbm>>
      %dma_wait3A_409 = arith.constant 0 : i32
      %dma_wait3A_410 = arith.constant 0 : i32
      %dma_wait3A_411 = tpu.memref_slice %arg8[%sub3A_89, %dma_wait3A_409, %dma_wait3A_410] : memref<2x8x128xi32, #tpu.memory_space<vmem>> -> memref<1x8x128xi32, #tpu.memory_space<vmem>>
      %dma_wait3A_412 = tpu.memref_squeeze %dma_wait3A_411 : memref<1x8x128xi32, #tpu.memory_space<vmem>> -> memref<8x128xi32, #tpu.memory_space<vmem>>
      %dma_wait3A_413 = arith.constant 0 : i32
      %dma_wait3A_414 = tpu.memref_slice %arg4[%min3A_180, %dma_wait3A_413] : memref<12500x128xi32, #tpu.memory_space<hbm>> -> memref<8x128xi32, #tpu.memory_space<hbm>>
      tpu.wait_dma2 semaphore(%arg13 : memref<!tpu.dma_semaphore, #tpu.memory_space<semaphore_mem>>) src(%dma_wait3A_414 : memref<8x128xi32, #tpu.memory_space<hbm>>) dst(%dma_wait3A_412 : memref<8x128xi32, #tpu.memory_space<vmem>>)
      %while3A_415 = arith.constant 0 : i32
      scf.yield %while3A_415 : i32
    }
    %dma_wait3A = arith.constant 0 : i32
    %dma_wait3A_72 = arith.constant 0 : i32
    %dma_wait3A_73 = tpu.memref_slice %arg2[%dma_wait3A, %dma_wait3A_72] : memref<204800x16xf32, #tpu.memory_space<hbm>> -> memref<1024x16xf32, #tpu.memory_space<hbm>>
    %dma_wait3A_74 = arith.constant 0 : i32
    %dma_wait3A_75 = arith.constant 0 : i32
    %dma_wait3A_76 = tpu.memref_slice %arg2[%dma_wait3A_74, %dma_wait3A_75] : memref<204800x16xf32, #tpu.memory_space<hbm>> -> memref<1024x16xf32, #tpu.memory_space<hbm>>
    tpu.wait_dma2 semaphore(%arg14 : memref<!tpu.dma_semaphore, #tpu.memory_space<semaphore_mem>>) src(%dma_wait3A_76 : memref<1024x16xf32, #tpu.memory_space<hbm>>) dst(%arg9 : memref<1024x16xf32, #tpu.memory_space<vmem>>)
    %eq3A = arith.constant 15 : i32
    %eq3A_77 = arith.cmpi eq, %arg1, %eq3A : i32
    %convert_element_type3A = arith.extui %eq3A_77 : i1 to i32
    %cond3A = arith.constant 0 : i32
    %cond3A_78 = arith.cmpi ne, %convert_element_type3A, %cond3A : i32
    scf.if %cond3A_78 {
      %run_scoped3A_84 = arith.constant 0 : i32
      "tpu.region"() ({
        %run_scoped3A_188 = tpu.sem_alloc : memref<!tpu.dma_semaphore, #tpu.memory_space<semaphore_mem>>
        %dma_start3A_189 = arith.constant 0 : i32
        %dma_start3A_190 = arith.constant 0 : i32
        %dma_start3A_191 = tpu.memref_slice %arg7[%run_scoped3A_84, %dma_start3A_189, %dma_start3A_190] : memref<2x8x128xi32, #tpu.memory_space<vmem>> -> memref<1x4x128xi32, #tpu.memory_space<vmem>>
        %dma_start3A_192 = tpu.memref_squeeze %dma_start3A_191 : memref<1x4x128xi32, #tpu.memory_space<vmem>> -> memref<4x128xi32, #tpu.memory_space<vmem>>
        %dma_start3A_193 = arith.constant 12496 : i32
        %dma_start3A_194 = arith.constant 0 : i32
        %dma_start3A_195 = tpu.memref_slice %arg3[%arg0, %dma_start3A_193, %dma_start3A_194] : memref<2x12500x128xi32, #tpu.memory_space<hbm>> -> memref<1x4x128xi32, #tpu.memory_space<hbm>>
        %dma_start3A_196 = tpu.memref_squeeze %dma_start3A_195 : memref<1x4x128xi32, #tpu.memory_space<hbm>> -> memref<4x128xi32, #tpu.memory_space<hbm>>
        %dma_start3A_197 = arith.constant 0 : i32
        %dma_start3A_198 = arith.constant 0 : i32
        %dma_start3A_199 = tpu.memref_slice %arg7[%run_scoped3A_84, %dma_start3A_197, %dma_start3A_198] : memref<2x8x128xi32, #tpu.memory_space<vmem>> -> memref<1x4x128xi32, #tpu.memory_space<vmem>>
        %dma_start3A_200 = tpu.memref_squeeze %dma_start3A_199 : memref<1x4x128xi32, #tpu.memory_space<vmem>> -> memref<4x128xi32, #tpu.memory_space<vmem>>
        %dma_start3A_201 = arith.constant 12496 : i32
        %dma_start3A_202 = arith.constant 0 : i32
        %dma_start3A_203 = tpu.memref_slice %arg3[%arg0, %dma_start3A_201, %dma_start3A_202] : memref<2x12500x128xi32, #tpu.memory_space<hbm>> -> memref<1x4x128xi32, #tpu.memory_space<hbm>>
        %dma_start3A_204 = tpu.memref_squeeze %dma_start3A_203 : memref<1x4x128xi32, #tpu.memory_space<hbm>> -> memref<4x128xi32, #tpu.memory_space<hbm>>
        tpu.enqueue_dma source(%dma_start3A_204 : memref<4x128xi32, #tpu.memory_space<hbm>>) target(%dma_start3A_200 : memref<4x128xi32, #tpu.memory_space<vmem>>) target_semaphore(%run_scoped3A_188 : memref<!tpu.dma_semaphore, #tpu.memory_space<semaphore_mem>>)
        %dma_wait3A_205 = arith.constant 0 : i32
        %dma_wait3A_206 = arith.constant 0 : i32
        %dma_wait3A_207 = tpu.memref_slice %arg7[%run_scoped3A_84, %dma_wait3A_205, %dma_wait3A_206] : memref<2x8x128xi32, #tpu.memory_space<vmem>> -> memref<1x4x128xi32, #tpu.memory_space<vmem>>
        %dma_wait3A_208 = tpu.memref_squeeze %dma_wait3A_207 : memref<1x4x128xi32, #tpu.memory_space<vmem>> -> memref<4x128xi32, #tpu.memory_space<vmem>>
        %dma_wait3A_209 = arith.constant 12496 : i32
        %dma_wait3A_210 = arith.constant 0 : i32
        %dma_wait3A_211 = tpu.memref_slice %arg3[%arg0, %dma_wait3A_209, %dma_wait3A_210] : memref<2x12500x128xi32, #tpu.memory_space<hbm>> -> memref<1x4x128xi32, #tpu.memory_space<hbm>>
        %dma_wait3A_212 = tpu.memref_squeeze %dma_wait3A_211 : memref<1x4x128xi32, #tpu.memory_space<hbm>> -> memref<4x128xi32, #tpu.memory_space<hbm>>
        %dma_wait3A_213 = arith.constant 0 : i32
        %dma_wait3A_214 = arith.constant 0 : i32
        %dma_wait3A_215 = tpu.memref_slice %arg7[%run_scoped3A_84, %dma_wait3A_213, %dma_wait3A_214] : memref<2x8x128xi32, #tpu.memory_space<vmem>> -> memref<1x4x128xi32, #tpu.memory_space<vmem>>
        %dma_wait3A_216 = tpu.memref_squeeze %dma_wait3A_215 : memref<1x4x128xi32, #tpu.memory_space<vmem>> -> memref<4x128xi32, #tpu.memory_space<vmem>>
        %dma_wait3A_217 = arith.constant 12496 : i32
        %dma_wait3A_218 = arith.constant 0 : i32
        %dma_wait3A_219 = tpu.memref_slice %arg3[%arg0, %dma_wait3A_217, %dma_wait3A_218] : memref<2x12500x128xi32, #tpu.memory_space<hbm>> -> memref<1x4x128xi32, #tpu.memory_space<hbm>>
        %dma_wait3A_220 = tpu.memref_squeeze %dma_wait3A_219 : memref<1x4x128xi32, #tpu.memory_space<hbm>> -> memref<4x128xi32, #tpu.memory_space<hbm>>
        tpu.wait_dma2 semaphore(%run_scoped3A_188 : memref<!tpu.dma_semaphore, #tpu.memory_space<semaphore_mem>>) src(%dma_wait3A_220 : memref<4x128xi32, #tpu.memory_space<hbm>>) dst(%dma_wait3A_216 : memref<4x128xi32, #tpu.memory_space<vmem>>)
        tpu.yield
      }) : () -> ()
      %run_scoped3A_85 = arith.constant 0 : i32
      "tpu.region"() ({
        %run_scoped3A_188 = tpu.sem_alloc : memref<!tpu.dma_semaphore, #tpu.memory_space<semaphore_mem>>
        %dma_start3A_189 = arith.constant 0 : i32
        %dma_start3A_190 = arith.constant 0 : i32
        %dma_start3A_191 = tpu.memref_slice %arg8[%run_scoped3A_85, %dma_start3A_189, %dma_start3A_190] : memref<2x8x128xi32, #tpu.memory_space<vmem>> -> memref<1x4x128xi32, #tpu.memory_space<vmem>>
        %dma_start3A_192 = tpu.memref_squeeze %dma_start3A_191 : memref<1x4x128xi32, #tpu.memory_space<vmem>> -> memref<4x128xi32, #tpu.memory_space<vmem>>
        %dma_start3A_193 = arith.constant 12496 : i32
        %dma_start3A_194 = arith.constant 0 : i32
        %dma_start3A_195 = tpu.memref_slice %arg4[%dma_start3A_193, %dma_start3A_194] : memref<12500x128xi32, #tpu.memory_space<hbm>> -> memref<4x128xi32, #tpu.memory_space<hbm>>
        %dma_start3A_196 = arith.constant 0 : i32
        %dma_start3A_197 = arith.constant 0 : i32
        %dma_start3A_198 = tpu.memref_slice %arg8[%run_scoped3A_85, %dma_start3A_196, %dma_start3A_197] : memref<2x8x128xi32, #tpu.memory_space<vmem>> -> memref<1x4x128xi32, #tpu.memory_space<vmem>>
        %dma_start3A_199 = tpu.memref_squeeze %dma_start3A_198 : memref<1x4x128xi32, #tpu.memory_space<vmem>> -> memref<4x128xi32, #tpu.memory_space<vmem>>
        %dma_start3A_200 = arith.constant 12496 : i32
        %dma_start3A_201 = arith.constant 0 : i32
        %dma_start3A_202 = tpu.memref_slice %arg4[%dma_start3A_200, %dma_start3A_201] : memref<12500x128xi32, #tpu.memory_space<hbm>> -> memref<4x128xi32, #tpu.memory_space<hbm>>
        tpu.enqueue_dma source(%dma_start3A_202 : memref<4x128xi32, #tpu.memory_space<hbm>>) target(%dma_start3A_199 : memref<4x128xi32, #tpu.memory_space<vmem>>) target_semaphore(%run_scoped3A_188 : memref<!tpu.dma_semaphore, #tpu.memory_space<semaphore_mem>>)
        %dma_wait3A_203 = arith.constant 0 : i32
        %dma_wait3A_204 = arith.constant 0 : i32
        %dma_wait3A_205 = tpu.memref_slice %arg8[%run_scoped3A_85, %dma_wait3A_203, %dma_wait3A_204] : memref<2x8x128xi32, #tpu.memory_space<vmem>> -> memref<1x4x128xi32, #tpu.memory_space<vmem>>
        %dma_wait3A_206 = tpu.memref_squeeze %dma_wait3A_205 : memref<1x4x128xi32, #tpu.memory_space<vmem>> -> memref<4x128xi32, #tpu.memory_space<vmem>>
        %dma_wait3A_207 = arith.constant 12496 : i32
        %dma_wait3A_208 = arith.constant 0 : i32
        %dma_wait3A_209 = tpu.memref_slice %arg4[%dma_wait3A_207, %dma_wait3A_208] : memref<12500x128xi32, #tpu.memory_space<hbm>> -> memref<4x128xi32, #tpu.memory_space<hbm>>
        %dma_wait3A_210 = arith.constant 0 : i32
        %dma_wait3A_211 = arith.constant 0 : i32
        %dma_wait3A_212 = tpu.memref_slice %arg8[%run_scoped3A_85, %dma_wait3A_210, %dma_wait3A_211] : memref<2x8x128xi32, #tpu.memory_space<vmem>> -> memref<1x4x128xi32, #tpu.memory_space<vmem>>
        %dma_wait3A_213 = tpu.memref_squeeze %dma_wait3A_212 : memref<1x4x128xi32, #tpu.memory_space<vmem>> -> memref<4x128xi32, #tpu.memory_space<vmem>>
        %dma_wait3A_214 = arith.constant 12496 : i32
        %dma_wait3A_215 = arith.constant 0 : i32
        %dma_wait3A_216 = tpu.memref_slice %arg4[%dma_wait3A_214, %dma_wait3A_215] : memref<12500x128xi32, #tpu.memory_space<hbm>> -> memref<4x128xi32, #tpu.memory_space<hbm>>
        tpu.wait_dma2 semaphore(%run_scoped3A_188 : memref<!tpu.dma_semaphore, #tpu.memory_space<semaphore_mem>>) src(%dma_wait3A_216 : memref<4x128xi32, #tpu.memory_space<hbm>>) dst(%dma_wait3A_213 : memref<4x128xi32, #tpu.memory_space<vmem>>)
        tpu.yield
      }) : () -> ()
      %dma_start3A = arith.constant 0 : i32
      %dma_start3A_86 = arith.constant 0 : i32
      %dma_start3A_87 = arith.constant 0 : i32
      %dma_start3A_88 = arith.constant 0 : i32
      %dma_start3A_89 = tpu.memref_slice %arg9[%dma_start3A_87, %dma_start3A_88] : memref<1024x16xf32, #tpu.memory_space<vmem>> -> memref<128x16xf32, #tpu.memory_space<vmem>>
      %dma_start3A_90 = arith.constant 0 : i32
      %dma_start3A_91 = tpu.memref_slice %arg7[%dma_start3A, %dma_start3A_86, %dma_start3A_90] : memref<2x8x128xi32, #tpu.memory_space<vmem>> -> memref<1x1x128xi32, #tpu.memory_space<vmem>>
      %dma_start3A_92 = tpu.memref_squeeze %dma_start3A_91 : memref<1x1x128xi32, #tpu.memory_space<vmem>> -> memref<128xi32, #tpu.memory_space<vmem>>
      %dma_start3A_93 = arith.constant 0 : i32
      %dma_start3A_94 = arith.constant 0 : i32
      %dma_start3A_95 = tpu.memref_slice %arg2[%dma_start3A_93, %dma_start3A_94] : memref<204800x16xf32, #tpu.memory_space<hbm>> -> memref<204800x16xf32, #tpu.memory_space<hbm>>
      tpu.enqueue_indirect_dma source(%dma_start3A_95 : memref<204800x16xf32, #tpu.memory_space<hbm>>) target(%dma_start3A_89 : memref<128x16xf32, #tpu.memory_space<vmem>>) offsets(%dma_start3A_92 : memref<128xi32, #tpu.memory_space<vmem>>) semaphore(%arg12 : memref<!tpu.dma_semaphore, #tpu.memory_space<semaphore_mem>>)
      %dma_start3A_96 = arith.constant 0 : i32
      %dma_start3A_97 = arith.constant 1 : i32
      %dma_start3A_98 = arith.constant 128 : i32
      %dma_start3A_99 = arith.constant 0 : i32
      %dma_start3A_100 = tpu.memref_slice %arg9[%dma_start3A_98, %dma_start3A_99] : memref<1024x16xf32, #tpu.memory_space<vmem>> -> memref<128x16xf32, #tpu.memory_space<vmem>>
      %dma_start3A_101 = arith.constant 0 : i32
      %dma_start3A_102 = tpu.memref_slice %arg7[%dma_start3A_96, %dma_start3A_97, %dma_start3A_101] : memref<2x8x128xi32, #tpu.memory_space<vmem>> -> memref<1x1x128xi32, #tpu.memory_space<vmem>>
      %dma_start3A_103 = tpu.memref_squeeze %dma_start3A_102 : memref<1x1x128xi32, #tpu.memory_space<vmem>> -> memref<128xi32, #tpu.memory_space<vmem>>
      %dma_start3A_104 = arith.constant 0 : i32
      %dma_start3A_105 = arith.constant 0 : i32
      %dma_start3A_106 = tpu.memref_slice %arg2[%dma_start3A_104, %dma_start3A_105] : memref<204800x16xf32, #tpu.memory_space<hbm>> -> memref<204800x16xf32, #tpu.memory_space<hbm>>
      tpu.enqueue_indirect_dma source(%dma_start3A_106 : memref<204800x16xf32, #tpu.memory_space<hbm>>) target(%dma_start3A_100 : memref<128x16xf32, #tpu.memory_space<vmem>>) offsets(%dma_start3A_103 : memref<128xi32, #tpu.memory_space<vmem>>) semaphore(%arg12 : memref<!tpu.dma_semaphore, #tpu.memory_space<semaphore_mem>>)
      %dma_start3A_107 = arith.constant 0 : i32
      %dma_start3A_108 = arith.constant 2 : i32
      %dma_start3A_109 = arith.constant 256 : i32
      %dma_start3A_110 = arith.constant 0 : i32
      %dma_start3A_111 = tpu.memref_slice %arg9[%dma_start3A_109, %dma_start3A_110] : memref<1024x16xf32, #tpu.memory_space<vmem>> -> memref<128x16xf32, #tpu.memory_space<vmem>>
      %dma_start3A_112 = arith.constant 0 : i32
      %dma_start3A_113 = tpu.memref_slice %arg7[%dma_start3A_107, %dma_start3A_108, %dma_start3A_112] : memref<2x8x128xi32, #tpu.memory_space<vmem>> -> memref<1x1x128xi32, #tpu.memory_space<vmem>>
      %dma_start3A_114 = tpu.memref_squeeze %dma_start3A_113 : memref<1x1x128xi32, #tpu.memory_space<vmem>> -> memref<128xi32, #tpu.memory_space<vmem>>
      %dma_start3A_115 = arith.constant 0 : i32
      %dma_start3A_116 = arith.constant 0 : i32
      %dma_start3A_117 = tpu.memref_slice %arg2[%dma_start3A_115, %dma_start3A_116] : memref<204800x16xf32, #tpu.memory_space<hbm>> -> memref<204800x16xf32, #tpu.memory_space<hbm>>
      tpu.enqueue_indirect_dma source(%dma_start3A_117 : memref<204800x16xf32, #tpu.memory_space<hbm>>) target(%dma_start3A_111 : memref<128x16xf32, #tpu.memory_space<vmem>>) offsets(%dma_start3A_114 : memref<128xi32, #tpu.memory_space<vmem>>) semaphore(%arg12 : memref<!tpu.dma_semaphore, #tpu.memory_space<semaphore_mem>>)
      %dma_start3A_118 = arith.constant 0 : i32
      %dma_start3A_119 = arith.constant 3 : i32
      %dma_start3A_120 = arith.constant 384 : i32
      %dma_start3A_121 = arith.constant 0 : i32
      %dma_start3A_122 = tpu.memref_slice %arg9[%dma_start3A_120, %dma_start3A_121] : memref<1024x16xf32, #tpu.memory_space<vmem>> -> memref<128x16xf32, #tpu.memory_space<vmem>>
      %dma_start3A_123 = arith.constant 0 : i32
      %dma_start3A_124 = tpu.memref_slice %arg7[%dma_start3A_118, %dma_start3A_119, %dma_start3A_123] : memref<2x8x128xi32, #tpu.memory_space<vmem>> -> memref<1x1x128xi32, #tpu.memory_space<vmem>>
      %dma_start3A_125 = tpu.memref_squeeze %dma_start3A_124 : memref<1x1x128xi32, #tpu.memory_space<vmem>> -> memref<128xi32, #tpu.memory_space<vmem>>
      %dma_start3A_126 = arith.constant 0 : i32
      %dma_start3A_127 = arith.constant 0 : i32
      %dma_start3A_128 = tpu.memref_slice %arg2[%dma_start3A_126, %dma_start3A_127] : memref<204800x16xf32, #tpu.memory_space<hbm>> -> memref<204800x16xf32, #tpu.memory_space<hbm>>
      tpu.enqueue_indirect_dma source(%dma_start3A_128 : memref<204800x16xf32, #tpu.memory_space<hbm>>) target(%dma_start3A_122 : memref<128x16xf32, #tpu.memory_space<vmem>>) offsets(%dma_start3A_125 : memref<128xi32, #tpu.memory_space<vmem>>) semaphore(%arg12 : memref<!tpu.dma_semaphore, #tpu.memory_space<semaphore_mem>>)
      "tpu.region"() ({
        %run_scoped3A_188 = tpu.sem_alloc : memref<!tpu.dma_semaphore, #tpu.memory_space<semaphore_mem>>
        %dma_start3A_189 = arith.constant 0 : i32
        %dma_start3A_190 = arith.constant 0 : i32
        %dma_start3A_191 = tpu.memref_slice %arg10[%dma_start3A_189, %dma_start3A_190] : memref<64x128xf32, #tpu.memory_space<vmem>> -> memref<64x128xf32, #tpu.memory_space<vmem>>
        %dma_start3A_192 = arith.constant 199936 : i32
        %dma_start3A_193 = arith.constant 0 : i32
        %dma_start3A_194 = tpu.memref_slice %arg5[%arg0, %dma_start3A_192, %dma_start3A_193] : memref<2x200000x128xf32, #tpu.memory_space<hbm>> -> memref<1x64x128xf32, #tpu.memory_space<hbm>>
        %dma_start3A_195 = tpu.memref_squeeze %dma_start3A_194 : memref<1x64x128xf32, #tpu.memory_space<hbm>> -> memref<64x128xf32, #tpu.memory_space<hbm>>
        %dma_start3A_196 = arith.constant 0 : i32
        %dma_start3A_197 = arith.constant 0 : i32
        %dma_start3A_198 = tpu.memref_slice %arg10[%dma_start3A_196, %dma_start3A_197] : memref<64x128xf32, #tpu.memory_space<vmem>> -> memref<64x128xf32, #tpu.memory_space<vmem>>
        %dma_start3A_199 = arith.constant 199936 : i32
        %dma_start3A_200 = arith.constant 0 : i32
        %dma_start3A_201 = tpu.memref_slice %arg5[%arg0, %dma_start3A_199, %dma_start3A_200] : memref<2x200000x128xf32, #tpu.memory_space<hbm>> -> memref<1x64x128xf32, #tpu.memory_space<hbm>>
        %dma_start3A_202 = tpu.memref_squeeze %dma_start3A_201 : memref<1x64x128xf32, #tpu.memory_space<hbm>> -> memref<64x128xf32, #tpu.memory_space<hbm>>
        tpu.enqueue_dma source(%dma_start3A_202 : memref<64x128xf32, #tpu.memory_space<hbm>>) target(%dma_start3A_198 : memref<64x128xf32, #tpu.memory_space<vmem>>) target_semaphore(%run_scoped3A_188 : memref<!tpu.dma_semaphore, #tpu.memory_space<semaphore_mem>>)
        %dma_wait3A_203 = arith.constant 0 : i32
        %dma_wait3A_204 = arith.constant 0 : i32
        %dma_wait3A_205 = tpu.memref_slice %arg10[%dma_wait3A_203, %dma_wait3A_204] : memref<64x128xf32, #tpu.memory_space<vmem>> -> memref<64x128xf32, #tpu.memory_space<vmem>>
        %dma_wait3A_206 = arith.constant 199936 : i32
        %dma_wait3A_207 = arith.constant 0 : i32
        %dma_wait3A_208 = tpu.memref_slice %arg5[%arg0, %dma_wait3A_206, %dma_wait3A_207] : memref<2x200000x128xf32, #tpu.memory_space<hbm>> -> memref<1x64x128xf32, #tpu.memory_space<hbm>>
        %dma_wait3A_209 = tpu.memref_squeeze %dma_wait3A_208 : memref<1x64x128xf32, #tpu.memory_space<hbm>> -> memref<64x128xf32, #tpu.memory_space<hbm>>
        %dma_wait3A_210 = arith.constant 0 : i32
        %dma_wait3A_211 = arith.constant 0 : i32
        %dma_wait3A_212 = tpu.memref_slice %arg10[%dma_wait3A_210, %dma_wait3A_211] : memref<64x128xf32, #tpu.memory_space<vmem>> -> memref<64x128xf32, #tpu.memory_space<vmem>>
        %dma_wait3A_213 = arith.constant 199936 : i32
        %dma_wait3A_214 = arith.constant 0 : i32
        %dma_wait3A_215 = tpu.memref_slice %arg5[%arg0, %dma_wait3A_213, %dma_wait3A_214] : memref<2x200000x128xf32, #tpu.memory_space<hbm>> -> memref<1x64x128xf32, #tpu.memory_space<hbm>>
        %dma_wait3A_216 = tpu.memref_squeeze %dma_wait3A_215 : memref<1x64x128xf32, #tpu.memory_space<hbm>> -> memref<64x128xf32, #tpu.memory_space<hbm>>
        tpu.wait_dma2 semaphore(%run_scoped3A_188 : memref<!tpu.dma_semaphore, #tpu.memory_space<semaphore_mem>>) src(%dma_wait3A_216 : memref<64x128xf32, #tpu.memory_space<hbm>>) dst(%dma_wait3A_212 : memref<64x128xf32, #tpu.memory_space<vmem>>)
        tpu.yield
      }) : () -> ()
      %dma_wait3A_129 = arith.constant 0 : i32
      %dma_wait3A_130 = arith.constant 0 : i32
      %dma_wait3A_131 = arith.constant 0 : i32
      %dma_wait3A_132 = arith.constant 0 : i32
      %dma_wait3A_133 = tpu.memref_slice %arg9[%dma_wait3A_131, %dma_wait3A_132] : memref<1024x16xf32, #tpu.memory_space<vmem>> -> memref<128x16xf32, #tpu.memory_space<vmem>>
      %dma_wait3A_134 = arith.constant 0 : i32
      %dma_wait3A_135 = tpu.memref_slice %arg7[%dma_wait3A_129, %dma_wait3A_130, %dma_wait3A_134] : memref<2x8x128xi32, #tpu.memory_space<vmem>> -> memref<1x1x128xi32, #tpu.memory_space<vmem>>
      %dma_wait3A_136 = tpu.memref_squeeze %dma_wait3A_135 : memref<1x1x128xi32, #tpu.memory_space<vmem>> -> memref<128xi32, #tpu.memory_space<vmem>>
      %dma_wait3A_137 = arith.constant 0 : i32
      %dma_wait3A_138 = arith.constant 0 : i32
      %dma_wait3A_139 = tpu.memref_slice %arg2[%dma_wait3A_137, %dma_wait3A_138] : memref<204800x16xf32, #tpu.memory_space<hbm>> -> memref<204800x16xf32, #tpu.memory_space<hbm>>
      tpu.wait_indirect_dma semaphore(%arg12 : memref<!tpu.dma_semaphore, #tpu.memory_space<semaphore_mem>>) src(%dma_wait3A_139 : memref<204800x16xf32, #tpu.memory_space<hbm>>) dst(%dma_wait3A_133 : memref<128x16xf32, #tpu.memory_space<vmem>>)
      %dma_wait3A_140 = arith.constant 0 : i32
      %dma_wait3A_141 = arith.constant 1 : i32
      %dma_wait3A_142 = arith.constant 128 : i32
      %dma_wait3A_143 = arith.constant 0 : i32
      %dma_wait3A_144 = tpu.memref_slice %arg9[%dma_wait3A_142, %dma_wait3A_143] : memref<1024x16xf32, #tpu.memory_space<vmem>> -> memref<128x16xf32, #tpu.memory_space<vmem>>
      %dma_wait3A_145 = arith.constant 0 : i32
      %dma_wait3A_146 = tpu.memref_slice %arg7[%dma_wait3A_140, %dma_wait3A_141, %dma_wait3A_145] : memref<2x8x128xi32, #tpu.memory_space<vmem>> -> memref<1x1x128xi32, #tpu.memory_space<vmem>>
      %dma_wait3A_147 = tpu.memref_squeeze %dma_wait3A_146 : memref<1x1x128xi32, #tpu.memory_space<vmem>> -> memref<128xi32, #tpu.memory_space<vmem>>
      %dma_wait3A_148 = arith.constant 0 : i32
      %dma_wait3A_149 = arith.constant 0 : i32
      %dma_wait3A_150 = tpu.memref_slice %arg2[%dma_wait3A_148, %dma_wait3A_149] : memref<204800x16xf32, #tpu.memory_space<hbm>> -> memref<204800x16xf32, #tpu.memory_space<hbm>>
      tpu.wait_indirect_dma semaphore(%arg12 : memref<!tpu.dma_semaphore, #tpu.memory_space<semaphore_mem>>) src(%dma_wait3A_150 : memref<204800x16xf32, #tpu.memory_space<hbm>>) dst(%dma_wait3A_144 : memref<128x16xf32, #tpu.memory_space<vmem>>)
      %dma_wait3A_151 = arith.constant 0 : i32
      %dma_wait3A_152 = arith.constant 2 : i32
      %dma_wait3A_153 = arith.constant 256 : i32
      %dma_wait3A_154 = arith.constant 0 : i32
      %dma_wait3A_155 = tpu.memref_slice %arg9[%dma_wait3A_153, %dma_wait3A_154] : memref<1024x16xf32, #tpu.memory_space<vmem>> -> memref<128x16xf32, #tpu.memory_space<vmem>>
      %dma_wait3A_156 = arith.constant 0 : i32
      %dma_wait3A_157 = tpu.memref_slice %arg7[%dma_wait3A_151, %dma_wait3A_152, %dma_wait3A_156] : memref<2x8x128xi32, #tpu.memory_space<vmem>> -> memref<1x1x128xi32, #tpu.memory_space<vmem>>
      %dma_wait3A_158 = tpu.memref_squeeze %dma_wait3A_157 : memref<1x1x128xi32, #tpu.memory_space<vmem>> -> memref<128xi32, #tpu.memory_space<vmem>>
      %dma_wait3A_159 = arith.constant 0 : i32
      %dma_wait3A_160 = arith.constant 0 : i32
      %dma_wait3A_161 = tpu.memref_slice %arg2[%dma_wait3A_159, %dma_wait3A_160] : memref<204800x16xf32, #tpu.memory_space<hbm>> -> memref<204800x16xf32, #tpu.memory_space<hbm>>
      tpu.wait_indirect_dma semaphore(%arg12 : memref<!tpu.dma_semaphore, #tpu.memory_space<semaphore_mem>>) src(%dma_wait3A_161 : memref<204800x16xf32, #tpu.memory_space<hbm>>) dst(%dma_wait3A_155 : memref<128x16xf32, #tpu.memory_space<vmem>>)
      %dma_wait3A_162 = arith.constant 0 : i32
      %dma_wait3A_163 = arith.constant 3 : i32
      %dma_wait3A_164 = arith.constant 384 : i32
      %dma_wait3A_165 = arith.constant 0 : i32
      %dma_wait3A_166 = tpu.memref_slice %arg9[%dma_wait3A_164, %dma_wait3A_165] : memref<1024x16xf32, #tpu.memory_space<vmem>> -> memref<128x16xf32, #tpu.memory_space<vmem>>
      %dma_wait3A_167 = arith.constant 0 : i32
      %dma_wait3A_168 = tpu.memref_slice %arg7[%dma_wait3A_162, %dma_wait3A_163, %dma_wait3A_167] : memref<2x8x128xi32, #tpu.memory_space<vmem>> -> memref<1x1x128xi32, #tpu.memory_space<vmem>>
      %dma_wait3A_169 = tpu.memref_squeeze %dma_wait3A_168 : memref<1x1x128xi32, #tpu.memory_space<vmem>> -> memref<128xi32, #tpu.memory_space<vmem>>
      %dma_wait3A_170 = arith.constant 0 : i32
      %dma_wait3A_171 = arith.constant 0 : i32
      %dma_wait3A_172 = tpu.memref_slice %arg2[%dma_wait3A_170, %dma_wait3A_171] : memref<204800x16xf32, #tpu.memory_space<hbm>> -> memref<204800x16xf32, #tpu.memory_space<hbm>>
      tpu.wait_indirect_dma semaphore(%arg12 : memref<!tpu.dma_semaphore, #tpu.memory_space<semaphore_mem>>) src(%dma_wait3A_172 : memref<204800x16xf32, #tpu.memory_space<hbm>>) dst(%dma_wait3A_166 : memref<128x16xf32, #tpu.memory_space<vmem>>)
      %scan3A_173 = arith.constant 0 : i32
      %scan3A_174 = arith.constant 0 : i32
      %scan3A_175 = arith.constant 64 : i32
      %scan3A_176 = arith.addi %scan3A_174, %scan3A_175 : i32
      %scan3A_177 = arith.constant 1 : i32
      %scan3A_178 = scf.for %scan3A_188 = %scan3A_174 to %scan3A_176 step %scan3A_177 iter_args(%scan3A_189 = %scan3A_173) -> (i32)  : i32 {
        %mul3A_190 = arith.constant 8 : i32
        %mul3A_191 = arith.muli %scan3A_188, %mul3A_190 : i32
        %add3A_192 = arith.constant 0 : i32
        %add3A_193 = arith.addi %mul3A_191, %add3A_192 : i32
        %get3A = arith.index_cast %add3A_193 : i32 to index
        %get3A_194 = arith.constant 0 : index
        %get3A_195 = tpu.vector_load %arg9[%get3A, %get3A_194] {strides = array<i32>} : memref<1024x16xf32, #tpu.memory_space<vmem>>, vector<1x16xf32>,
        %get3A_196 = vector.shape_cast %get3A_195 : vector<1x16xf32> to vector<16xf32>
        %get3A_197 = arith.index_cast %scan3A_188 : i32 to index
        %get3A_198 = arith.constant 0 : index
        %get3A_199 = tpu.vector_load %arg10[%get3A_197, %get3A_198] {strides = array<i32>} : memref<64x128xf32, #tpu.memory_space<vmem>>, vector<1x16xf32>,
        %get3A_200 = vector.shape_cast %get3A_199 : vector<1x16xf32> to vector<16xf32>
        %add3A_201 = arith.addf %get3A_196, %get3A_200 : vector<16xf32>
        %max3A = arith.constant 0.000000e+00 : f32
        %max3A_202 = vector.broadcast %max3A : f32 to vector<16xf32>
        %max3A_203 = arith.maximumf %add3A_201, %max3A_202 : vector<16xf32>
        %mul3A_204 = arith.constant 8 : i32
        %mul3A_205 = arith.muli %scan3A_188, %mul3A_204 : i32
        %add3A_206 = arith.constant 0 : i32
        %add3A_207 = arith.addi %mul3A_205, %add3A_206 : i32
        %swap3A = arith.index_cast %add3A_207 : i32 to index
        %swap3A_208 = arith.constant 0 : index
        %swap3A_209 = tpu.vector_load %arg9[%swap3A, %swap3A_208] {strides = array<i32>} : memref<1024x16xf32, #tpu.memory_space<vmem>>, vector<1x16xf32>,
        %swap3A_210 = vector.shape_cast %swap3A_209 : vector<1x16xf32> to vector<16xf32>
        %swap3A_211 = vector.shape_cast %max3A_203 : vector<16xf32> to vector<1x16xf32>
        tpu.vector_store %arg9[%swap3A, %swap3A_208], %swap3A_211 {strides = array<i32>} : memref<1024x16xf32, #tpu.memory_space<vmem>>, vector<1x16xf32>,
        %mul3A_212 = arith.constant 8 : i32
        %mul3A_213 = arith.muli %scan3A_188, %mul3A_212 : i32
        %add3A_214 = arith.constant 1 : i32
        %add3A_215 = arith.addi %mul3A_213, %add3A_214 : i32
        %get3A_216 = arith.index_cast %add3A_215 : i32 to index
        %get3A_217 = arith.constant 0 : index
        %get3A_218 = tpu.vector_load %arg9[%get3A_216, %get3A_217] {strides = array<i32>} : memref<1024x16xf32, #tpu.memory_space<vmem>>, vector<1x16xf32>,
        %get3A_219 = vector.shape_cast %get3A_218 : vector<1x16xf32> to vector<16xf32>
        %get3A_220 = arith.index_cast %scan3A_188 : i32 to index
        %get3A_221 = arith.constant 16 : index
        %get3A_222 = tpu.vector_load %arg10[%get3A_220, %get3A_221] {strides = array<i32>} : memref<64x128xf32, #tpu.memory_space<vmem>>, vector<1x16xf32>,
        %get3A_223 = vector.shape_cast %get3A_222 : vector<1x16xf32> to vector<16xf32>
        %add3A_224 = arith.addf %get3A_219, %get3A_223 : vector<16xf32>
        %max3A_225 = arith.constant 0.000000e+00 : f32
        %max3A_226 = vector.broadcast %max3A_225 : f32 to vector<16xf32>
        %max3A_227 = arith.maximumf %add3A_224, %max3A_226 : vector<16xf32>
        %mul3A_228 = arith.constant 8 : i32
        %mul3A_229 = arith.muli %scan3A_188, %mul3A_228 : i32
        %add3A_230 = arith.constant 1 : i32
        %add3A_231 = arith.addi %mul3A_229, %add3A_230 : i32
        %swap3A_232 = arith.index_cast %add3A_231 : i32 to index
        %swap3A_233 = arith.constant 0 : index
        %swap3A_234 = tpu.vector_load %arg9[%swap3A_232, %swap3A_233] {strides = array<i32>} : memref<1024x16xf32, #tpu.memory_space<vmem>>, vector<1x16xf32>,
        %swap3A_235 = vector.shape_cast %swap3A_234 : vector<1x16xf32> to vector<16xf32>
        %swap3A_236 = vector.shape_cast %max3A_227 : vector<16xf32> to vector<1x16xf32>
        tpu.vector_store %arg9[%swap3A_232, %swap3A_233], %swap3A_236 {strides = array<i32>} : memref<1024x16xf32, #tpu.memory_space<vmem>>, vector<1x16xf32>,
        %mul3A_237 = arith.constant 8 : i32
        %mul3A_238 = arith.muli %scan3A_188, %mul3A_237 : i32
        %add3A_239 = arith.constant 2 : i32
        %add3A_240 = arith.addi %mul3A_238, %add3A_239 : i32
        %get3A_241 = arith.index_cast %add3A_240 : i32 to index
        %get3A_242 = arith.constant 0 : index
        %get3A_243 = tpu.vector_load %arg9[%get3A_241, %get3A_242] {strides = array<i32>} : memref<1024x16xf32, #tpu.memory_space<vmem>>, vector<1x16xf32>,
        %get3A_244 = vector.shape_cast %get3A_243 : vector<1x16xf32> to vector<16xf32>
        %get3A_245 = arith.index_cast %scan3A_188 : i32 to index
        %get3A_246 = arith.constant 32 : index
        %get3A_247 = tpu.vector_load %arg10[%get3A_245, %get3A_246] {strides = array<i32>} : memref<64x128xf32, #tpu.memory_space<vmem>>, vector<1x16xf32>,
        %get3A_248 = vector.shape_cast %get3A_247 : vector<1x16xf32> to vector<16xf32>
        %add3A_249 = arith.addf %get3A_244, %get3A_248 : vector<16xf32>
        %max3A_250 = arith.constant 0.000000e+00 : f32
        %max3A_251 = vector.broadcast %max3A_250 : f32 to vector<16xf32>
        %max3A_252 = arith.maximumf %add3A_249, %max3A_251 : vector<16xf32>
        %mul3A_253 = arith.constant 8 : i32
        %mul3A_254 = arith.muli %scan3A_188, %mul3A_253 : i32
        %add3A_255 = arith.constant 2 : i32
        %add3A_256 = arith.addi %mul3A_254, %add3A_255 : i32
        %swap3A_257 = arith.index_cast %add3A_256 : i32 to index
        %swap3A_258 = arith.constant 0 : index
        %swap3A_259 = tpu.vector_load %arg9[%swap3A_257, %swap3A_258] {strides = array<i32>} : memref<1024x16xf32, #tpu.memory_space<vmem>>, vector<1x16xf32>,
        %swap3A_260 = vector.shape_cast %swap3A_259 : vector<1x16xf32> to vector<16xf32>
        %swap3A_261 = vector.shape_cast %max3A_252 : vector<16xf32> to vector<1x16xf32>
        tpu.vector_store %arg9[%swap3A_257, %swap3A_258], %swap3A_261 {strides = array<i32>} : memref<1024x16xf32, #tpu.memory_space<vmem>>, vector<1x16xf32>,
        %mul3A_262 = arith.constant 8 : i32
        %mul3A_263 = arith.muli %scan3A_188, %mul3A_262 : i32
        %add3A_264 = arith.constant 3 : i32
        %add3A_265 = arith.addi %mul3A_263, %add3A_264 : i32
        %get3A_266 = arith.index_cast %add3A_265 : i32 to index
        %get3A_267 = arith.constant 0 : index
        %get3A_268 = tpu.vector_load %arg9[%get3A_266, %get3A_267] {strides = array<i32>} : memref<1024x16xf32, #tpu.memory_space<vmem>>, vector<1x16xf32>,
        %get3A_269 = vector.shape_cast %get3A_268 : vector<1x16xf32> to vector<16xf32>
        %get3A_270 = arith.index_cast %scan3A_188 : i32 to index
        %get3A_271 = arith.constant 48 : index
        %get3A_272 = tpu.vector_load %arg10[%get3A_270, %get3A_271] {strides = array<i32>} : memref<64x128xf32, #tpu.memory_space<vmem>>, vector<1x16xf32>,
        %get3A_273 = vector.shape_cast %get3A_272 : vector<1x16xf32> to vector<16xf32>
        %add3A_274 = arith.addf %get3A_269, %get3A_273 : vector<16xf32>
        %max3A_275 = arith.constant 0.000000e+00 : f32
        %max3A_276 = vector.broadcast %max3A_275 : f32 to vector<16xf32>
        %max3A_277 = arith.maximumf %add3A_274, %max3A_276 : vector<16xf32>
        %mul3A_278 = arith.constant 8 : i32
        %mul3A_279 = arith.muli %scan3A_188, %mul3A_278 : i32
        %add3A_280 = arith.constant 3 : i32
        %add3A_281 = arith.addi %mul3A_279, %add3A_280 : i32
        %swap3A_282 = arith.index_cast %add3A_281 : i32 to index
        %swap3A_283 = arith.constant 0 : index
        %swap3A_284 = tpu.vector_load %arg9[%swap3A_282, %swap3A_283] {strides = array<i32>} : memref<1024x16xf32, #tpu.memory_space<vmem>>, vector<1x16xf32>,
        %swap3A_285 = vector.shape_cast %swap3A_284 : vector<1x16xf32> to vector<16xf32>
        %swap3A_286 = vector.shape_cast %max3A_277 : vector<16xf32> to vector<1x16xf32>
        tpu.vector_store %arg9[%swap3A_282, %swap3A_283], %swap3A_286 {strides = array<i32>} : memref<1024x16xf32, #tpu.memory_space<vmem>>, vector<1x16xf32>,
        %mul3A_287 = arith.constant 8 : i32
        %mul3A_288 = arith.muli %scan3A_188, %mul3A_287 : i32
        %add3A_289 = arith.constant 4 : i32
        %add3A_290 = arith.addi %mul3A_288, %add3A_289 : i32
        %get3A_291 = arith.index_cast %add3A_290 : i32 to index
        %get3A_292 = arith.constant 0 : index
        %get3A_293 = tpu.vector_load %arg9[%get3A_291, %get3A_292] {strides = array<i32>} : memref<1024x16xf32, #tpu.memory_space<vmem>>, vector<1x16xf32>,
        %get3A_294 = vector.shape_cast %get3A_293 : vector<1x16xf32> to vector<16xf32>
        %get3A_295 = arith.index_cast %scan3A_188 : i32 to index
        %get3A_296 = arith.constant 64 : index
        %get3A_297 = tpu.vector_load %arg10[%get3A_295, %get3A_296] {strides = array<i32>} : memref<64x128xf32, #tpu.memory_space<vmem>>, vector<1x16xf32>,
        %get3A_298 = vector.shape_cast %get3A_297 : vector<1x16xf32> to vector<16xf32>
        %add3A_299 = arith.addf %get3A_294, %get3A_298 : vector<16xf32>
        %max3A_300 = arith.constant 0.000000e+00 : f32
        %max3A_301 = vector.broadcast %max3A_300 : f32 to vector<16xf32>
        %max3A_302 = arith.maximumf %add3A_299, %max3A_301 : vector<16xf32>
        %mul3A_303 = arith.constant 8 : i32
        %mul3A_304 = arith.muli %scan3A_188, %mul3A_303 : i32
        %add3A_305 = arith.constant 4 : i32
        %add3A_306 = arith.addi %mul3A_304, %add3A_305 : i32
        %swap3A_307 = arith.index_cast %add3A_306 : i32 to index
        %swap3A_308 = arith.constant 0 : index
        %swap3A_309 = tpu.vector_load %arg9[%swap3A_307, %swap3A_308] {strides = array<i32>} : memref<1024x16xf32, #tpu.memory_space<vmem>>, vector<1x16xf32>,
        %swap3A_310 = vector.shape_cast %swap3A_309 : vector<1x16xf32> to vector<16xf32>
        %swap3A_311 = vector.shape_cast %max3A_302 : vector<16xf32> to vector<1x16xf32>
        tpu.vector_store %arg9[%swap3A_307, %swap3A_308], %swap3A_311 {strides = array<i32>} : memref<1024x16xf32, #tpu.memory_space<vmem>>, vector<1x16xf32>,
        %mul3A_312 = arith.constant 8 : i32
        %mul3A_313 = arith.muli %scan3A_188, %mul3A_312 : i32
        %add3A_314 = arith.constant 5 : i32
        %add3A_315 = arith.addi %mul3A_313, %add3A_314 : i32
        %get3A_316 = arith.index_cast %add3A_315 : i32 to index
        %get3A_317 = arith.constant 0 : index
        %get3A_318 = tpu.vector_load %arg9[%get3A_316, %get3A_317] {strides = array<i32>} : memref<1024x16xf32, #tpu.memory_space<vmem>>, vector<1x16xf32>,
        %get3A_319 = vector.shape_cast %get3A_318 : vector<1x16xf32> to vector<16xf32>
        %get3A_320 = arith.index_cast %scan3A_188 : i32 to index
        %get3A_321 = arith.constant 80 : index
        %get3A_322 = tpu.vector_load %arg10[%get3A_320, %get3A_321] {strides = array<i32>} : memref<64x128xf32, #tpu.memory_space<vmem>>, vector<1x16xf32>,
        %get3A_323 = vector.shape_cast %get3A_322 : vector<1x16xf32> to vector<16xf32>
        %add3A_324 = arith.addf %get3A_319, %get3A_323 : vector<16xf32>
        %max3A_325 = arith.constant 0.000000e+00 : f32
        %max3A_326 = vector.broadcast %max3A_325 : f32 to vector<16xf32>
        %max3A_327 = arith.maximumf %add3A_324, %max3A_326 : vector<16xf32>
        %mul3A_328 = arith.constant 8 : i32
        %mul3A_329 = arith.muli %scan3A_188, %mul3A_328 : i32
        %add3A_330 = arith.constant 5 : i32
        %add3A_331 = arith.addi %mul3A_329, %add3A_330 : i32
        %swap3A_332 = arith.index_cast %add3A_331 : i32 to index
        %swap3A_333 = arith.constant 0 : index
        %swap3A_334 = tpu.vector_load %arg9[%swap3A_332, %swap3A_333] {strides = array<i32>} : memref<1024x16xf32, #tpu.memory_space<vmem>>, vector<1x16xf32>,
        %swap3A_335 = vector.shape_cast %swap3A_334 : vector<1x16xf32> to vector<16xf32>
        %swap3A_336 = vector.shape_cast %max3A_327 : vector<16xf32> to vector<1x16xf32>
        tpu.vector_store %arg9[%swap3A_332, %swap3A_333], %swap3A_336 {strides = array<i32>} : memref<1024x16xf32, #tpu.memory_space<vmem>>, vector<1x16xf32>,
        %mul3A_337 = arith.constant 8 : i32
        %mul3A_338 = arith.muli %scan3A_188, %mul3A_337 : i32
        %add3A_339 = arith.constant 6 : i32
        %add3A_340 = arith.addi %mul3A_338, %add3A_339 : i32
        %get3A_341 = arith.index_cast %add3A_340 : i32 to index
        %get3A_342 = arith.constant 0 : index
        %get3A_343 = tpu.vector_load %arg9[%get3A_341, %get3A_342] {strides = array<i32>} : memref<1024x16xf32, #tpu.memory_space<vmem>>, vector<1x16xf32>,
        %get3A_344 = vector.shape_cast %get3A_343 : vector<1x16xf32> to vector<16xf32>
        %get3A_345 = arith.index_cast %scan3A_188 : i32 to index
        %get3A_346 = arith.constant 96 : index
        %get3A_347 = tpu.vector_load %arg10[%get3A_345, %get3A_346] {strides = array<i32>} : memref<64x128xf32, #tpu.memory_space<vmem>>, vector<1x16xf32>,
        %get3A_348 = vector.shape_cast %get3A_347 : vector<1x16xf32> to vector<16xf32>
        %add3A_349 = arith.addf %get3A_344, %get3A_348 : vector<16xf32>
        %max3A_350 = arith.constant 0.000000e+00 : f32
        %max3A_351 = vector.broadcast %max3A_350 : f32 to vector<16xf32>
        %max3A_352 = arith.maximumf %add3A_349, %max3A_351 : vector<16xf32>
        %mul3A_353 = arith.constant 8 : i32
        %mul3A_354 = arith.muli %scan3A_188, %mul3A_353 : i32
        %add3A_355 = arith.constant 6 : i32
        %add3A_356 = arith.addi %mul3A_354, %add3A_355 : i32
        %swap3A_357 = arith.index_cast %add3A_356 : i32 to index
        %swap3A_358 = arith.constant 0 : index
        %swap3A_359 = tpu.vector_load %arg9[%swap3A_357, %swap3A_358] {strides = array<i32>} : memref<1024x16xf32, #tpu.memory_space<vmem>>, vector<1x16xf32>,
        %swap3A_360 = vector.shape_cast %swap3A_359 : vector<1x16xf32> to vector<16xf32>
        %swap3A_361 = vector.shape_cast %max3A_352 : vector<16xf32> to vector<1x16xf32>
        tpu.vector_store %arg9[%swap3A_357, %swap3A_358], %swap3A_361 {strides = array<i32>} : memref<1024x16xf32, #tpu.memory_space<vmem>>, vector<1x16xf32>,
        %mul3A_362 = arith.constant 8 : i32
        %mul3A_363 = arith.muli %scan3A_188, %mul3A_362 : i32
        %add3A_364 = arith.constant 7 : i32
        %add3A_365 = arith.addi %mul3A_363, %add3A_364 : i32
        %get3A_366 = arith.index_cast %add3A_365 : i32 to index
        %get3A_367 = arith.constant 0 : index
        %get3A_368 = tpu.vector_load %arg9[%get3A_366, %get3A_367] {strides = array<i32>} : memref<1024x16xf32, #tpu.memory_space<vmem>>, vector<1x16xf32>,
        %get3A_369 = vector.shape_cast %get3A_368 : vector<1x16xf32> to vector<16xf32>
        %get3A_370 = arith.index_cast %scan3A_188 : i32 to index
        %get3A_371 = arith.constant 112 : index
        %get3A_372 = tpu.vector_load %arg10[%get3A_370, %get3A_371] {strides = array<i32>} : memref<64x128xf32, #tpu.memory_space<vmem>>, vector<1x16xf32>,
        %get3A_373 = vector.shape_cast %get3A_372 : vector<1x16xf32> to vector<16xf32>
        %add3A_374 = arith.addf %get3A_369, %get3A_373 : vector<16xf32>
        %max3A_375 = arith.constant 0.000000e+00 : f32
        %max3A_376 = vector.broadcast %max3A_375 : f32 to vector<16xf32>
        %max3A_377 = arith.maximumf %add3A_374, %max3A_376 : vector<16xf32>
        %mul3A_378 = arith.constant 8 : i32
        %mul3A_379 = arith.muli %scan3A_188, %mul3A_378 : i32
        %add3A_380 = arith.constant 7 : i32
        %add3A_381 = arith.addi %mul3A_379, %add3A_380 : i32
        %swap3A_382 = arith.index_cast %add3A_381 : i32 to index
        %swap3A_383 = arith.constant 0 : index
        %swap3A_384 = tpu.vector_load %arg9[%swap3A_382, %swap3A_383] {strides = array<i32>} : memref<1024x16xf32, #tpu.memory_space<vmem>>, vector<1x16xf32>,
        %swap3A_385 = vector.shape_cast %swap3A_384 : vector<1x16xf32> to vector<16xf32>
        %swap3A_386 = vector.shape_cast %max3A_377 : vector<16xf32> to vector<1x16xf32>
        tpu.vector_store %arg9[%swap3A_382, %swap3A_383], %swap3A_386 {strides = array<i32>} : memref<1024x16xf32, #tpu.memory_space<vmem>>, vector<1x16xf32>,
        %scan3A_387 = arith.constant 0 : i32
        scf.yield %scan3A_387 : i32
      }
      %scan3A_179 = arith.constant 64 : i32
      %run_scoped3A_180 = arith.constant 0 : i32
      %run_scoped3A_181 = arith.constant 0 : i32
      "tpu.region"() ({
        %run_scoped3A_188 = tpu.sem_alloc : memref<!tpu.dma_semaphore, #tpu.memory_space<semaphore_mem>>
        %dma_start3A_189 = arith.constant 0 : i32
        %dma_start3A_190 = arith.constant 0 : i32
        %dma_start3A_191 = tpu.memref_slice %arg9[%dma_start3A_189, %dma_start3A_190] : memref<1024x16xf32, #tpu.memory_space<vmem>> -> memref<128x16xf32, #tpu.memory_space<vmem>>
        %dma_start3A_192 = arith.constant 0 : i32
        %dma_start3A_193 = tpu.memref_slice %arg8[%run_scoped3A_180, %run_scoped3A_181, %dma_start3A_192] : memref<2x8x128xi32, #tpu.memory_space<vmem>> -> memref<1x1x128xi32, #tpu.memory_space<vmem>>
        %dma_start3A_194 = tpu.memref_squeeze %dma_start3A_193 : memref<1x1x128xi32, #tpu.memory_space<vmem>> -> memref<128xi32, #tpu.memory_space<vmem>>
        %dma_start3A_195 = arith.constant 0 : i32
        %dma_start3A_196 = arith.constant 0 : i32
        %dma_start3A_197 = tpu.memref_slice %arg11[%dma_start3A_195, %dma_start3A_196] : memref<100000x16xf32, #tpu.memory_space<vmem_shared>> -> memref<100000x16xf32, #tpu.memory_space<vmem_shared>>
        tpu.enqueue_indirect_dma source(%dma_start3A_191 : memref<128x16xf32, #tpu.memory_space<vmem>>) target(%dma_start3A_197 : memref<100000x16xf32, #tpu.memory_space<vmem_shared>>) offsets(%dma_start3A_194 : memref<128xi32, #tpu.memory_space<vmem>>) semaphore(%run_scoped3A_188 : memref<!tpu.dma_semaphore, #tpu.memory_space<semaphore_mem>>) {add = true}
        %dma_wait3A_198 = arith.constant 0 : i32
        %dma_wait3A_199 = arith.constant 0 : i32
        %dma_wait3A_200 = tpu.memref_slice %arg9[%dma_wait3A_198, %dma_wait3A_199] : memref<1024x16xf32, #tpu.memory_space<vmem>> -> memref<128x16xf32, #tpu.memory_space<vmem>>
        %dma_wait3A_201 = arith.constant 0 : i32
        %dma_wait3A_202 = tpu.memref_slice %arg8[%run_scoped3A_180, %run_scoped3A_181, %dma_wait3A_201] : memref<2x8x128xi32, #tpu.memory_space<vmem>> -> memref<1x1x128xi32, #tpu.memory_space<vmem>>
        %dma_wait3A_203 = tpu.memref_squeeze %dma_wait3A_202 : memref<1x1x128xi32, #tpu.memory_space<vmem>> -> memref<128xi32, #tpu.memory_space<vmem>>
        %dma_wait3A_204 = arith.constant 0 : i32
        %dma_wait3A_205 = arith.constant 0 : i32
        %dma_wait3A_206 = tpu.memref_slice %arg11[%dma_wait3A_204, %dma_wait3A_205] : memref<100000x16xf32, #tpu.memory_space<vmem_shared>> -> memref<100000x16xf32, #tpu.memory_space<vmem_shared>>
        tpu.wait_indirect_dma semaphore(%run_scoped3A_188 : memref<!tpu.dma_semaphore, #tpu.memory_space<semaphore_mem>>) src(%dma_wait3A_200 : memref<128x16xf32, #tpu.memory_space<vmem>>) dst(%dma_wait3A_206 : memref<100000x16xf32, #tpu.memory_space<vmem_shared>>)
        tpu.yield
      }) : () -> ()
      %run_scoped3A_182 = arith.constant 0 : i32
      %run_scoped3A_183 = arith.constant 1 : i32
      "tpu.region"() ({
        %run_scoped3A_188 = tpu.sem_alloc : memref<!tpu.dma_semaphore, #tpu.memory_space<semaphore_mem>>
        %dma_start3A_189 = arith.constant 128 : i32
        %dma_start3A_190 = arith.constant 0 : i32
        %dma_start3A_191 = tpu.memref_slice %arg9[%dma_start3A_189, %dma_start3A_190] : memref<1024x16xf32, #tpu.memory_space<vmem>> -> memref<128x16xf32, #tpu.memory_space<vmem>>
        %dma_start3A_192 = arith.constant 0 : i32
        %dma_start3A_193 = tpu.memref_slice %arg8[%run_scoped3A_182, %run_scoped3A_183, %dma_start3A_192] : memref<2x8x128xi32, #tpu.memory_space<vmem>> -> memref<1x1x128xi32, #tpu.memory_space<vmem>>
        %dma_start3A_194 = tpu.memref_squeeze %dma_start3A_193 : memref<1x1x128xi32, #tpu.memory_space<vmem>> -> memref<128xi32, #tpu.memory_space<vmem>>
        %dma_start3A_195 = arith.constant 0 : i32
        %dma_start3A_196 = arith.constant 0 : i32
        %dma_start3A_197 = tpu.memref_slice %arg11[%dma_start3A_195, %dma_start3A_196] : memref<100000x16xf32, #tpu.memory_space<vmem_shared>> -> memref<100000x16xf32, #tpu.memory_space<vmem_shared>>
        tpu.enqueue_indirect_dma source(%dma_start3A_191 : memref<128x16xf32, #tpu.memory_space<vmem>>) target(%dma_start3A_197 : memref<100000x16xf32, #tpu.memory_space<vmem_shared>>) offsets(%dma_start3A_194 : memref<128xi32, #tpu.memory_space<vmem>>) semaphore(%run_scoped3A_188 : memref<!tpu.dma_semaphore, #tpu.memory_space<semaphore_mem>>) {add = true}
        %dma_wait3A_198 = arith.constant 128 : i32
        %dma_wait3A_199 = arith.constant 0 : i32
        %dma_wait3A_200 = tpu.memref_slice %arg9[%dma_wait3A_198, %dma_wait3A_199] : memref<1024x16xf32, #tpu.memory_space<vmem>> -> memref<128x16xf32, #tpu.memory_space<vmem>>
        %dma_wait3A_201 = arith.constant 0 : i32
        %dma_wait3A_202 = tpu.memref_slice %arg8[%run_scoped3A_182, %run_scoped3A_183, %dma_wait3A_201] : memref<2x8x128xi32, #tpu.memory_space<vmem>> -> memref<1x1x128xi32, #tpu.memory_space<vmem>>
        %dma_wait3A_203 = tpu.memref_squeeze %dma_wait3A_202 : memref<1x1x128xi32, #tpu.memory_space<vmem>> -> memref<128xi32, #tpu.memory_space<vmem>>
        %dma_wait3A_204 = arith.constant 0 : i32
        %dma_wait3A_205 = arith.constant 0 : i32
        %dma_wait3A_206 = tpu.memref_slice %arg11[%dma_wait3A_204, %dma_wait3A_205] : memref<100000x16xf32, #tpu.memory_space<vmem_shared>> -> memref<100000x16xf32, #tpu.memory_space<vmem_shared>>
        tpu.wait_indirect_dma semaphore(%run_scoped3A_188 : memref<!tpu.dma_semaphore, #tpu.memory_space<semaphore_mem>>) src(%dma_wait3A_200 : memref<128x16xf32, #tpu.memory_space<vmem>>) dst(%dma_wait3A_206 : memref<100000x16xf32, #tpu.memory_space<vmem_shared>>)
        tpu.yield
      }) : () -> ()
      %run_scoped3A_184 = arith.constant 0 : i32
      %run_scoped3A_185 = arith.constant 2 : i32
      "tpu.region"() ({
        %run_scoped3A_188 = tpu.sem_alloc : memref<!tpu.dma_semaphore, #tpu.memory_space<semaphore_mem>>
        %dma_start3A_189 = arith.constant 256 : i32
        %dma_start3A_190 = arith.constant 0 : i32
        %dma_start3A_191 = tpu.memref_slice %arg9[%dma_start3A_189, %dma_start3A_190] : memref<1024x16xf32, #tpu.memory_space<vmem>> -> memref<128x16xf32, #tpu.memory_space<vmem>>
        %dma_start3A_192 = arith.constant 0 : i32
        %dma_start3A_193 = tpu.memref_slice %arg8[%run_scoped3A_184, %run_scoped3A_185, %dma_start3A_192] : memref<2x8x128xi32, #tpu.memory_space<vmem>> -> memref<1x1x128xi32, #tpu.memory_space<vmem>>
        %dma_start3A_194 = tpu.memref_squeeze %dma_start3A_193 : memref<1x1x128xi32, #tpu.memory_space<vmem>> -> memref<128xi32, #tpu.memory_space<vmem>>
        %dma_start3A_195 = arith.constant 0 : i32
        %dma_start3A_196 = arith.constant 0 : i32
        %dma_start3A_197 = tpu.memref_slice %arg11[%dma_start3A_195, %dma_start3A_196] : memref<100000x16xf32, #tpu.memory_space<vmem_shared>> -> memref<100000x16xf32, #tpu.memory_space<vmem_shared>>
        tpu.enqueue_indirect_dma source(%dma_start3A_191 : memref<128x16xf32, #tpu.memory_space<vmem>>) target(%dma_start3A_197 : memref<100000x16xf32, #tpu.memory_space<vmem_shared>>) offsets(%dma_start3A_194 : memref<128xi32, #tpu.memory_space<vmem>>) semaphore(%run_scoped3A_188 : memref<!tpu.dma_semaphore, #tpu.memory_space<semaphore_mem>>) {add = true}
        %dma_wait3A_198 = arith.constant 256 : i32
        %dma_wait3A_199 = arith.constant 0 : i32
        %dma_wait3A_200 = tpu.memref_slice %arg9[%dma_wait3A_198, %dma_wait3A_199] : memref<1024x16xf32, #tpu.memory_space<vmem>> -> memref<128x16xf32, #tpu.memory_space<vmem>>
        %dma_wait3A_201 = arith.constant 0 : i32
        %dma_wait3A_202 = tpu.memref_slice %arg8[%run_scoped3A_184, %run_scoped3A_185, %dma_wait3A_201] : memref<2x8x128xi32, #tpu.memory_space<vmem>> -> memref<1x1x128xi32, #tpu.memory_space<vmem>>
        %dma_wait3A_203 = tpu.memref_squeeze %dma_wait3A_202 : memref<1x1x128xi32, #tpu.memory_space<vmem>> -> memref<128xi32, #tpu.memory_space<vmem>>
        %dma_wait3A_204 = arith.constant 0 : i32
        %dma_wait3A_205 = arith.constant 0 : i32
        %dma_wait3A_206 = tpu.memref_slice %arg11[%dma_wait3A_204, %dma_wait3A_205] : memref<100000x16xf32, #tpu.memory_space<vmem_shared>> -> memref<100000x16xf32, #tpu.memory_space<vmem_shared>>
        tpu.wait_indirect_dma semaphore(%run_scoped3A_188 : memref<!tpu.dma_semaphore, #tpu.memory_space<semaphore_mem>>) src(%dma_wait3A_200 : memref<128x16xf32, #tpu.memory_space<vmem>>) dst(%dma_wait3A_206 : memref<100000x16xf32, #tpu.memory_space<vmem_shared>>)
        tpu.yield
      }) : () -> ()
      %run_scoped3A_186 = arith.constant 0 : i32
      %run_scoped3A_187 = arith.constant 3 : i32
      "tpu.region"() ({
        %run_scoped3A_188 = tpu.sem_alloc : memref<!tpu.dma_semaphore, #tpu.memory_space<semaphore_mem>>
        %dma_start3A_189 = arith.constant 384 : i32
        %dma_start3A_190 = arith.constant 0 : i32
        %dma_start3A_191 = tpu.memref_slice %arg9[%dma_start3A_189, %dma_start3A_190] : memref<1024x16xf32, #tpu.memory_space<vmem>> -> memref<128x16xf32, #tpu.memory_space<vmem>>
        %dma_start3A_192 = arith.constant 0 : i32
        %dma_start3A_193 = tpu.memref_slice %arg8[%run_scoped3A_186, %run_scoped3A_187, %dma_start3A_192] : memref<2x8x128xi32, #tpu.memory_space<vmem>> -> memref<1x1x128xi32, #tpu.memory_space<vmem>>
        %dma_start3A_194 = tpu.memref_squeeze %dma_start3A_193 : memref<1x1x128xi32, #tpu.memory_space<vmem>> -> memref<128xi32, #tpu.memory_space<vmem>>
        %dma_start3A_195 = arith.constant 0 : i32
        %dma_start3A_196 = arith.constant 0 : i32
        %dma_start3A_197 = tpu.memref_slice %arg11[%dma_start3A_195, %dma_start3A_196] : memref<100000x16xf32, #tpu.memory_space<vmem_shared>> -> memref<100000x16xf32, #tpu.memory_space<vmem_shared>>
        tpu.enqueue_indirect_dma source(%dma_start3A_191 : memref<128x16xf32, #tpu.memory_space<vmem>>) target(%dma_start3A_197 : memref<100000x16xf32, #tpu.memory_space<vmem_shared>>) offsets(%dma_start3A_194 : memref<128xi32, #tpu.memory_space<vmem>>) semaphore(%run_scoped3A_188 : memref<!tpu.dma_semaphore, #tpu.memory_space<semaphore_mem>>) {add = true}
        %dma_wait3A_198 = arith.constant 384 : i32
        %dma_wait3A_199 = arith.constant 0 : i32
        %dma_wait3A_200 = tpu.memref_slice %arg9[%dma_wait3A_198, %dma_wait3A_199] : memref<1024x16xf32, #tpu.memory_space<vmem>> -> memref<128x16xf32, #tpu.memory_space<vmem>>
        %dma_wait3A_201 = arith.constant 0 : i32
        %dma_wait3A_202 = tpu.memref_slice %arg8[%run_scoped3A_186, %run_scoped3A_187, %dma_wait3A_201] : memref<2x8x128xi32, #tpu.memory_space<vmem>> -> memref<1x1x128xi32, #tpu.memory_space<vmem>>
        %dma_wait3A_203 = tpu.memref_squeeze %dma_wait3A_202 : memref<1x1x128xi32, #tpu.memory_space<vmem>> -> memref<128xi32, #tpu.memory_space<vmem>>
        %dma_wait3A_204 = arith.constant 0 : i32
        %dma_wait3A_205 = arith.constant 0 : i32
        %dma_wait3A_206 = tpu.memref_slice %arg11[%dma_wait3A_204, %dma_wait3A_205] : memref<100000x16xf32, #tpu.memory_space<vmem_shared>> -> memref<100000x16xf32, #tpu.memory_space<vmem_shared>>
        tpu.wait_indirect_dma semaphore(%run_scoped3A_188 : memref<!tpu.dma_semaphore, #tpu.memory_space<semaphore_mem>>) src(%dma_wait3A_200 : memref<128x16xf32, #tpu.memory_space<vmem>>) dst(%dma_wait3A_206 : memref<100000x16xf32, #tpu.memory_space<vmem_shared>>)
        tpu.yield
      }) : () -> ()
    } else {
    }
    %barrier3A_79 = arith.constant 0 : index
    tpu.barrier barrier_id(%barrier3A_79)
    %mul3A_80 = arith.constant 6250 : i32
    %mul3A_81 = arith.muli %arg1, %mul3A_80 : i32
    %mul3A_82 = arith.constant 6250 : i32
    %mul3A_83 = arith.muli %arg1, %mul3A_82 : i32
    "tpu.region"() ({
      %run_scoped3A_84 = tpu.sem_alloc : memref<!tpu.dma_semaphore, #tpu.memory_space<semaphore_mem>>
      %dma_start3A = arith.constant 0 : i32
      %dma_start3A_85 = tpu.memref_slice %arg6[%arg0, %mul3A_83, %dma_start3A] : memref<2x100000x16xf32, #tpu.memory_space<hbm>> -> memref<1x6250x16xf32, #tpu.memory_space<hbm>>
      %dma_start3A_86 = tpu.memref_squeeze %dma_start3A_85 : memref<1x6250x16xf32, #tpu.memory_space<hbm>> -> memref<6250x16xf32, #tpu.memory_space<hbm>>
      %dma_start3A_87 = arith.constant 0 : i32
      %dma_start3A_88 = tpu.memref_slice %arg11[%mul3A_81, %dma_start3A_87] : memref<100000x16xf32, #tpu.memory_space<vmem_shared>> -> memref<6250x16xf32, #tpu.memory_space<vmem_shared>>
      tpu.enqueue_dma source(%dma_start3A_88 : memref<6250x16xf32, #tpu.memory_space<vmem_shared>>) target(%dma_start3A_86 : memref<6250x16xf32, #tpu.memory_space<hbm>>) target_semaphore(%run_scoped3A_84 : memref<!tpu.dma_semaphore, #tpu.memory_space<semaphore_mem>>)
      %dma_wait3A_89 = arith.constant 0 : i32
      %dma_wait3A_90 = tpu.memref_slice %arg6[%arg0, %mul3A_83, %dma_wait3A_89] : memref<2x100000x16xf32, #tpu.memory_space<hbm>> -> memref<1x6250x16xf32, #tpu.memory_space<hbm>>
      %dma_wait3A_91 = tpu.memref_squeeze %dma_wait3A_90 : memref<1x6250x16xf32, #tpu.memory_space<hbm>> -> memref<6250x16xf32, #tpu.memory_space<hbm>>
      %dma_wait3A_92 = arith.constant 0 : i32
      %dma_wait3A_93 = tpu.memref_slice %arg11[%mul3A_81, %dma_wait3A_92] : memref<100000x16xf32, #tpu.memory_space<vmem_shared>> -> memref<6250x16xf32, #tpu.memory_space<vmem_shared>>
      tpu.wait_dma2 semaphore(%run_scoped3A_84 : memref<!tpu.dma_semaphore, #tpu.memory_space<semaphore_mem>>) src(%dma_wait3A_93 : memref<6250x16xf32, #tpu.memory_space<vmem_shared>>) dst(%dma_wait3A_91 : memref<6250x16xf32, #tpu.memory_space<hbm>>)
      tpu.yield
    }) : () -> ()
    return
  }
}

module attributes {stable_mosaic.version = 14 : i64} {
  func.func @_edge_body(%arg0: i32, %arg1: memref<2000x160xf32, #tpu.memory_space<vmem>>, %arg2: memref<160x256xf32, #tpu.memory_space<vmem>>, %arg3: memref<1x256xf32, #tpu.memory_space<vmem>>, %arg4: memref<2x2000x128xf32, #tpu.memory_space<vmem>>) attributes {dimension_semantics = [#tpu.dimension_semantics<arbitrary>], iteration_bounds = array<i64: 100>, scalar_prefetch = 0 : i64, scratch_operands = 0 : i64, tpu.core_type = #tpu.core_type<tc>, window_params = [{transform_indices = @transform_0, window_bounds = array<i64: 2000, 160>}, {pipeline_mode = #tpu.pipeline_mode<synchronous>, transform_indices = @transform_1, window_bounds = array<i64: 160, 256>}, {pipeline_mode = #tpu.pipeline_mode<synchronous>, transform_indices = @transform_2, window_bounds = array<i64: 1, 256>}, {transform_indices = @transform_3, window_bounds = array<i64: 2, 2000, 128>}]} {
    %get3A = arith.constant 0 : index
    %get3A_0 = arith.constant 0 : index
    %get3A_1 = vector.load %arg1[%get3A, %get3A_0] : memref<2000x160xf32, #tpu.memory_space<vmem>>, vector<2000x160xf32>
    %get3A_2 = arith.constant 0 : index
    %get3A_3 = arith.constant 0 : index
    %get3A_4 = vector.load %arg2[%get3A_2, %get3A_3] : memref<160x256xf32, #tpu.memory_space<vmem>>, vector<160x256xf32>
    %dot_general3A = arith.constant dense<0.000000e+00> : vector<2000x256xf32>
    %dot_general3A_5 = tpu.matmul %get3A_1, %get3A_4, %dot_general3A {dimension_numbers = #tpu.dot_dimension_numbers<[1], [0], [0], [1], [0, 0, 1, 1], [], []>, transpose_lhs_hint = false} : vector<2000x160xf32>, vector<160x256xf32>, vector<2000x256xf32> -> vector<2000x256xf32>
    %get3A_6 = arith.constant 0 : index
    %get3A_7 = arith.constant 0 : index
    %get3A_8 = vector.load %arg3[%get3A_6, %get3A_7] : memref<1x256xf32, #tpu.memory_space<vmem>>, vector<1x256xf32>
    %add3A = vector.broadcast %get3A_8 : vector<1x256xf32> to vector<2000x256xf32>
    %add3A_9 = arith.addf %dot_general3A_5, %add3A : vector<2000x256xf32>
    %slice3A = vector.extract_strided_slice %add3A_9 {offsets = [0, 0], sizes = [2000, 128], strides = [1, 1]} : vector<2000x256xf32> to vector<2000x128xf32>
    %swap3A = arith.constant 0 : index
    %swap3A_10 = arith.constant 0 : index
    %swap3A_11 = arith.constant 0 : index
    %swap3A_12 = vector.load %arg4[%swap3A, %swap3A_10, %swap3A_11] : memref<2x2000x128xf32, #tpu.memory_space<vmem>>, vector<1x2000x128xf32>
    %swap3A_13 = vector.shape_cast %swap3A_12 : vector<1x2000x128xf32> to vector<2000x128xf32>
    %swap3A_14 = vector.shape_cast %slice3A : vector<2000x128xf32> to vector<1x2000x128xf32>
    tpu.vector_store %arg4[%swap3A, %swap3A_10, %swap3A_11], %swap3A_14 {strides = array<i32>} : memref<2x2000x128xf32, #tpu.memory_space<vmem>>, vector<1x2000x128xf32>,
    %slice3A_15 = vector.extract_strided_slice %add3A_9 {offsets = [0, 128], sizes = [2000, 128], strides = [1, 1]} : vector<2000x256xf32> to vector<2000x128xf32>
    %swap3A_16 = arith.constant 1 : index
    %swap3A_17 = arith.constant 0 : index
    %swap3A_18 = arith.constant 0 : index
    %swap3A_19 = vector.load %arg4[%swap3A_16, %swap3A_17, %swap3A_18] : memref<2x2000x128xf32, #tpu.memory_space<vmem>>, vector<1x2000x128xf32>
    %swap3A_20 = vector.shape_cast %swap3A_19 : vector<1x2000x128xf32> to vector<2000x128xf32>
    %swap3A_21 = vector.shape_cast %slice3A_15 : vector<2000x128xf32> to vector<1x2000x128xf32>
    tpu.vector_store %arg4[%swap3A_16, %swap3A_17, %swap3A_18], %swap3A_21 {strides = array<i32>} : memref<2x2000x128xf32, #tpu.memory_space<vmem>>, vector<1x2000x128xf32>,
    return
  }
  func.func @transform_0(%arg0: i32) -> (i32, i32) {
    %c0_i32 = arith.constant 0 : i32
    %c0_i32_0 = arith.constant 0 : i32
    return %arg0, %c0_i32 : i32, i32
  }
  func.func @transform_1(%arg0: i32) -> (i32, i32) {
    %c0_i32 = arith.constant 0 : i32
    %c0_i32_0 = arith.constant 0 : i32
    %c0_i32_1 = arith.constant 0 : i32
    return %c0_i32, %c0_i32_0 : i32, i32
  }
  func.func @transform_2(%arg0: i32) -> (i32, i32) {
    %c0_i32 = arith.constant 0 : i32
    %c0_i32_0 = arith.constant 0 : i32
    %c0_i32_1 = arith.constant 0 : i32
    return %c0_i32, %c0_i32_0 : i32, i32
  }
  func.func @transform_3(%arg0: i32) -> (i32, i32, i32) {
    %c0_i32 = arith.constant 0 : i32
    %c0_i32_0 = arith.constant 0 : i32
    %c0_i32_1 = arith.constant 0 : i32
    return %c0_i32, %arg0, %c0_i32_0 : i32, i32, i32
  }
}

module attributes {stable_mosaic.version = 14 : i64} {
  func.func @_node_body(%arg0: i32, %arg1: memref<4000x28xf32, #tpu.memory_space<vmem>>, %arg2: memref<2x4000x16xf32, #tpu.memory_space<vmem>>, %arg3: memref<1x1x4000xi32, #tpu.memory_space<vmem>>, %arg4: memref<28x128xf32, #tpu.memory_space<vmem>>, %arg5: memref<1x128xf32, #tpu.memory_space<vmem>>, %arg6: memref<128x128xf32, #tpu.memory_space<vmem>>, %arg7: memref<1x128xf32, #tpu.memory_space<vmem>>, %arg8: memref<1x128xf32, #tpu.memory_space<vmem>>, %arg9: memref<1x128xf32, #tpu.memory_space<vmem>>, %arg10: memref<128x128xf32, #tpu.memory_space<vmem>>, %arg11: memref<1x128xf32, #tpu.memory_space<vmem>>, %arg12: memref<128x128xf32, #tpu.memory_space<vmem>>, %arg13: memref<1x128xf32, #tpu.memory_space<vmem>>, %arg14: memref<128x128xf32, #tpu.memory_space<vmem>>, %arg15: memref<128x128xf32, #tpu.memory_space<vmem>>, %arg16: memref<128x128xf32, #tpu.memory_space<vmem>>, %arg17: memref<8x128xf32, #tpu.memory_space<vmem>>) attributes {dimension_semantics = [#tpu.dimension_semantics<arbitrary>], iteration_bounds = array<i64: 25>, scalar_prefetch = 0 : i64, scratch_operands = 3 : i64, tpu.core_type = #tpu.core_type<tc>, window_params = [{transform_indices = @transform_0, window_bounds = array<i64: 4000, 28>}, {transform_indices = @transform_1, window_bounds = array<i64: 2, 4000, 16>}, {transform_indices = @transform_2, window_bounds = array<i64: 1, 1, 4000>}, {pipeline_mode = #tpu.pipeline_mode<synchronous>, transform_indices = @transform_3, window_bounds = array<i64: 28, 128>}, {pipeline_mode = #tpu.pipeline_mode<synchronous>, transform_indices = @transform_4, window_bounds = array<i64: 1, 128>}, {pipeline_mode = #tpu.pipeline_mode<synchronous>, transform_indices = @transform_5, window_bounds = array<i64: 128, 128>}, {pipeline_mode = #tpu.pipeline_mode<synchronous>, transform_indices = @transform_6, window_bounds = array<i64: 1, 128>}, {pipeline_mode = #tpu.pipeline_mode<synchronous>, transform_indices = @transform_7, window_bounds = array<i64: 1, 128>}, {pipeline_mode = #tpu.pipeline_mode<synchronous>, transform_indices = @transform_8, window_bounds = array<i64: 1, 128>}, {pipeline_mode = #tpu.pipeline_mode<synchronous>, transform_indices = @transform_9, window_bounds = array<i64: 128, 128>}, {pipeline_mode = #tpu.pipeline_mode<synchronous>, transform_indices = @transform_10, window_bounds = array<i64: 1, 128>}, {pipeline_mode = #tpu.pipeline_mode<synchronous>, transform_indices = @transform_11, window_bounds = array<i64: 128, 128>}, {pipeline_mode = #tpu.pipeline_mode<synchronous>, transform_indices = @transform_12, window_bounds = array<i64: 1, 128>}, {pipeline_mode = #tpu.pipeline_mode<synchronous>, transform_indices = @transform_13, window_bounds = array<i64: 128, 128>}]} {
    %eq3A = arith.constant 0 : i32
    %eq3A_0 = arith.cmpi eq, %arg0, %eq3A : i32
    %convert_element_type3A = arith.extui %eq3A_0 : i1 to i32
    %cond3A = arith.constant 0 : i32
    %cond3A_1 = arith.cmpi ne, %convert_element_type3A, %cond3A : i32
    scf.if %cond3A_1 {
      %broadcast_in_dim3A_94 = arith.constant 0.000000e+00 : f32
      %broadcast_in_dim3A_95 = vector.broadcast %broadcast_in_dim3A_94 : f32 to vector<128x128xf32>
      %swap3A_96 = arith.constant 0 : index
      %swap3A_97 = arith.constant 0 : index
      %swap3A_98 = vector.load %arg15[%swap3A_96, %swap3A_97] : memref<128x128xf32, #tpu.memory_space<vmem>>, vector<128x128xf32>
      tpu.vector_store %arg15[%swap3A_96, %swap3A_97], %broadcast_in_dim3A_95 {strides = array<i32>} : memref<128x128xf32, #tpu.memory_space<vmem>>, vector<128x128xf32>,
      %broadcast_in_dim3A_99 = arith.constant 0.000000e+00 : f32
      %broadcast_in_dim3A_100 = vector.broadcast %broadcast_in_dim3A_99 : f32 to vector<128x128xf32>
      %swap3A_101 = arith.constant 0 : index
      %swap3A_102 = arith.constant 0 : index
      %swap3A_103 = vector.load %arg16[%swap3A_101, %swap3A_102] : memref<128x128xf32, #tpu.memory_space<vmem>>, vector<128x128xf32>
      tpu.vector_store %arg16[%swap3A_101, %swap3A_102], %broadcast_in_dim3A_100 {strides = array<i32>} : memref<128x128xf32, #tpu.memory_space<vmem>>, vector<128x128xf32>,
      %broadcast_in_dim3A_104 = arith.constant 0.000000e+00 : f32
      %broadcast_in_dim3A_105 = vector.broadcast %broadcast_in_dim3A_104 : f32 to vector<8x128xf32>
      %swap3A_106 = arith.constant 0 : index
      %swap3A_107 = arith.constant 0 : index
      %swap3A_108 = vector.load %arg17[%swap3A_106, %swap3A_107] : memref<8x128xf32, #tpu.memory_space<vmem>>, vector<8x128xf32>
      tpu.vector_store %arg17[%swap3A_106, %swap3A_107], %broadcast_in_dim3A_105 {strides = array<i32>} : memref<8x128xf32, #tpu.memory_space<vmem>>, vector<8x128xf32>,
    } else {
    }
    %get3A = arith.constant 0 : index
    %get3A_2 = arith.constant 0 : index
    %get3A_3 = vector.load %arg1[%get3A, %get3A_2] : memref<4000x28xf32, #tpu.memory_space<vmem>>, vector<4000x28xf32>
    %mul3A = arith.constant 2.000000e+00 : f32
    %mul3A_4 = vector.broadcast %mul3A : f32 to vector<4000x28xf32>
    %mul3A_5 = arith.mulf %mul3A_4, %get3A_3 : vector<4000x28xf32>
    %get3A_6 = arith.constant 0 : index
    %get3A_7 = arith.constant 0 : index
    %get3A_8 = arith.constant 0 : index
    %get3A_9 = vector.load %arg2[%get3A_6, %get3A_7, %get3A_8] : memref<2x4000x16xf32, #tpu.memory_space<vmem>>, vector<1x4000x14xf32>
    %get3A_10 = vector.shape_cast %get3A_9 : vector<1x4000x14xf32> to vector<4000x14xf32>
    %get3A_11 = arith.constant 1 : index
    %get3A_12 = arith.constant 0 : index
    %get3A_13 = arith.constant 0 : index
    %get3A_14 = vector.load %arg2[%get3A_11, %get3A_12, %get3A_13] : memref<2x4000x16xf32, #tpu.memory_space<vmem>>, vector<1x4000x14xf32>
    %get3A_15 = vector.shape_cast %get3A_14 : vector<1x4000x14xf32> to vector<4000x14xf32>
    %concatenate3A = tpu.concatenate %get3A_10, %get3A_15 in 1 : vector<4000x14xf32>, vector<4000x14xf32> -> vector<4000x28xf32>
    %add3A = arith.addf %mul3A_5, %concatenate3A : vector<4000x28xf32>
    %get3A_16 = arith.constant 0 : index
    %get3A_17 = arith.constant 0 : index
    %get3A_18 = vector.load %arg4[%get3A_16, %get3A_17] : memref<28x128xf32, #tpu.memory_space<vmem>>, vector<28x128xf32>
    %dot_general3A = arith.constant dense<0.000000e+00> : vector<4000x128xf32>
    %dot_general3A_19 = tpu.matmul %add3A, %get3A_18, %dot_general3A {dimension_numbers = #tpu.dot_dimension_numbers<[1], [0], [0], [1], [0, 0, 1, 1], [], []>, transpose_lhs_hint = false} : vector<4000x28xf32>, vector<28x128xf32>, vector<4000x128xf32> -> vector<4000x128xf32>
    %get3A_20 = arith.constant 0 : index
    %get3A_21 = arith.constant 0 : index
    %get3A_22 = vector.load %arg5[%get3A_20, %get3A_21] : memref<1x128xf32, #tpu.memory_space<vmem>>, vector<1x128xf32>
    %add3A_23 = vector.broadcast %get3A_22 : vector<1x128xf32> to vector<4000x128xf32>
    %add3A_24 = arith.addf %dot_general3A_19, %add3A_23 : vector<4000x128xf32>
    %max3A = arith.constant 0.000000e+00 : f32
    %max3A_25 = vector.broadcast %max3A : f32 to vector<4000x128xf32>
    %max3A_26 = arith.maximumf %add3A_24, %max3A_25 : vector<4000x128xf32>
    %get3A_27 = arith.constant 0 : index
    %get3A_28 = arith.constant 0 : index
    %get3A_29 = vector.load %arg6[%get3A_27, %get3A_28] : memref<128x128xf32, #tpu.memory_space<vmem>>, vector<128x128xf32>
    %dot_general3A_30 = arith.constant dense<0.000000e+00> : vector<4000x128xf32>
    %dot_general3A_31 = tpu.matmul %max3A_26, %get3A_29, %dot_general3A_30 {dimension_numbers = #tpu.dot_dimension_numbers<[1], [0], [0], [1], [0, 0, 1, 1], [], []>, transpose_lhs_hint = false} : vector<4000x128xf32>, vector<128x128xf32>, vector<4000x128xf32> -> vector<4000x128xf32>
    %get3A_32 = arith.constant 0 : index
    %get3A_33 = arith.constant 0 : index
    %get3A_34 = vector.load %arg7[%get3A_32, %get3A_33] : memref<1x128xf32, #tpu.memory_space<vmem>>, vector<1x128xf32>
    %add3A_35 = vector.broadcast %get3A_34 : vector<1x128xf32> to vector<4000x128xf32>
    %add3A_36 = arith.addf %dot_general3A_31, %add3A_35 : vector<4000x128xf32>
    %max3A_37 = arith.constant 0.000000e+00 : f32
    %max3A_38 = vector.broadcast %max3A_37 : f32 to vector<4000x128xf32>
    %max3A_39 = arith.maximumf %add3A_36, %max3A_38 : vector<4000x128xf32>
    %get3A_40 = arith.constant 0 : index
    %get3A_41 = arith.constant 0 : index
    %get3A_42 = arith.constant 0 : index
    %get3A_43 = vector.load %arg3[%get3A_40, %get3A_41, %get3A_42] : memref<1x1x4000xi32, #tpu.memory_space<vmem>>, vector<1x1x4000xi32>
    %get3A_44 = vector.shape_cast %get3A_43 : vector<1x1x4000xi32> to vector<4000xi32>
    %broadcast_in_dim3A = vector.shape_cast %get3A_44 : vector<4000xi32> to vector<4000x1xi32>
    %iota3A = tpu.iota {dimensions = array<i32: 1>} : vector<1x128xi32>
    %eq3A_45 = vector.broadcast %broadcast_in_dim3A : vector<4000x1xi32> to vector<4000x128xi32>
    %eq3A_46 = vector.broadcast %iota3A : vector<1x128xi32> to vector<4000x128xi32>
    %eq3A_47 = arith.cmpi eq, %eq3A_45, %eq3A_46 : vector<4000x128xi32>
    %convert_element_type3A_48 = arith.extui %eq3A_47 : vector<4000x128xi1> to vector<4000x128xi32>
    %convert_element_type3A_49 = arith.sitofp %convert_element_type3A_48 : vector<4000x128xi32> to vector<4000x128xf32>
    %get3A_50 = arith.constant 0 : index
    %get3A_51 = arith.constant 0 : index
    %get3A_52 = vector.load %arg15[%get3A_50, %get3A_51] : memref<128x128xf32, #tpu.memory_space<vmem>>, vector<128x128xf32>
    %dot_general3A_53 = arith.constant dense<0.000000e+00> : vector<128x128xf32>
    %dot_general3A_54 = tpu.matmul %convert_element_type3A_49, %max3A_39, %dot_general3A_53 {dimension_numbers = #tpu.dot_dimension_numbers<[0], [0], [1], [1], [0, 1, 1, 1], [], []>, transpose_lhs_hint = false} : vector<4000x128xf32>, vector<4000x128xf32>, vector<128x128xf32> -> vector<128x128xf32>
    %add3A_55 = arith.addf %get3A_52, %dot_general3A_54 : vector<128x128xf32>
    %swap3A = arith.constant 0 : index
    %swap3A_56 = arith.constant 0 : index
    %swap3A_57 = vector.load %arg15[%swap3A, %swap3A_56] : memref<128x128xf32, #tpu.memory_space<vmem>>, vector<128x128xf32>
    tpu.vector_store %arg15[%swap3A, %swap3A_56], %add3A_55 {strides = array<i32>} : memref<128x128xf32, #tpu.memory_space<vmem>>, vector<128x128xf32>,
    %get3A_58 = arith.constant 0 : index
    %get3A_59 = arith.constant 0 : index
    %get3A_60 = vector.load %arg16[%get3A_58, %get3A_59] : memref<128x128xf32, #tpu.memory_space<vmem>>, vector<128x128xf32>
    %broadcast_in_dim3A_61 = arith.constant 1.000000e+00 : f32
    %broadcast_in_dim3A_62 = vector.broadcast %broadcast_in_dim3A_61 : f32 to vector<4000x128xf32>
    %dot_general3A_63 = arith.constant dense<0.000000e+00> : vector<128x128xf32>
    %dot_general3A_64 = tpu.matmul %convert_element_type3A_49, %broadcast_in_dim3A_62, %dot_general3A_63 {dimension_numbers = #tpu.dot_dimension_numbers<[0], [0], [1], [1], [0, 1, 1, 1], [], []>, transpose_lhs_hint = false} : vector<4000x128xf32>, vector<4000x128xf32>, vector<128x128xf32> -> vector<128x128xf32>
    %add3A_65 = arith.addf %get3A_60, %dot_general3A_64 : vector<128x128xf32>
    %swap3A_66 = arith.constant 0 : index
    %swap3A_67 = arith.constant 0 : index
    %swap3A_68 = vector.load %arg16[%swap3A_66, %swap3A_67] : memref<128x128xf32, #tpu.memory_space<vmem>>, vector<128x128xf32>
    tpu.vector_store %arg16[%swap3A_66, %swap3A_67], %add3A_65 {strides = array<i32>} : memref<128x128xf32, #tpu.memory_space<vmem>>, vector<128x128xf32>,
    %get3A_69 = arith.constant 0 : index
    %get3A_70 = arith.constant 0 : index
    %get3A_71 = vector.load %arg17[%get3A_69, %get3A_70] : memref<8x128xf32, #tpu.memory_space<vmem>>, vector<1x128xf32>
    %reduce_sum3A = arith.constant dense<0.000000e+00> : vector<128xf32>
    %reduce_sum3A_72 = vector.multi_reduction <add>, %max3A_39, %reduce_sum3A [0] : vector<4000x128xf32> to vector<128xf32>
    %broadcast_in_dim3A_73 = vector.shape_cast %reduce_sum3A_72 : vector<128xf32> to vector<1x128xf32>
    %add3A_74 = arith.addf %get3A_71, %broadcast_in_dim3A_73 : vector<1x128xf32>
    %swap3A_75 = arith.constant 0 : index
    %swap3A_76 = arith.constant 0 : index
    %swap3A_77 = vector.load %arg17[%swap3A_75, %swap3A_76] : memref<8x128xf32, #tpu.memory_space<vmem>>, vector<1x128xf32>
    tpu.vector_store %arg17[%swap3A_75, %swap3A_76], %add3A_74 {strides = array<i32>} : memref<8x128xf32, #tpu.memory_space<vmem>>, vector<1x128xf32>,
    %get3A_78 = arith.constant 1 : index
    %get3A_79 = arith.constant 0 : index
    %get3A_80 = vector.load %arg17[%get3A_78, %get3A_79] : memref<8x128xf32, #tpu.memory_space<vmem>>, vector<1x128xf32>
    %mul3A_81 = arith.mulf %max3A_39, %max3A_39 : vector<4000x128xf32>
    %reduce_sum3A_82 = arith.constant dense<0.000000e+00> : vector<128xf32>
    %reduce_sum3A_83 = vector.multi_reduction <add>, %mul3A_81, %reduce_sum3A_82 [0] : vector<4000x128xf32> to vector<128xf32>
    %broadcast_in_dim3A_84 = vector.shape_cast %reduce_sum3A_83 : vector<128xf32> to vector<1x128xf32>
    %add3A_85 = arith.addf %get3A_80, %broadcast_in_dim3A_84 : vector<1x128xf32>
    %swap3A_86 = arith.constant 1 : index
    %swap3A_87 = arith.constant 0 : index
    %swap3A_88 = vector.load %arg17[%swap3A_86, %swap3A_87] : memref<8x128xf32, #tpu.memory_space<vmem>>, vector<1x128xf32>
    tpu.vector_store %arg17[%swap3A_86, %swap3A_87], %add3A_85 {strides = array<i32>} : memref<8x128xf32, #tpu.memory_space<vmem>>, vector<1x128xf32>,
    %eq3A_89 = arith.constant 24 : i32
    %eq3A_90 = arith.cmpi eq, %arg0, %eq3A_89 : i32
    %convert_element_type3A_91 = arith.extui %eq3A_90 : i1 to i32
    %cond3A_92 = arith.constant 0 : i32
    %cond3A_93 = arith.cmpi ne, %convert_element_type3A_91, %cond3A_92 : i32
    scf.if %cond3A_93 {
      %get3A_94 = arith.constant 0 : index
      %get3A_95 = arith.constant 0 : index
      %get3A_96 = vector.load %arg17[%get3A_94, %get3A_95] : memref<8x128xf32, #tpu.memory_space<vmem>>, vector<1x128xf32>
      %div3A = arith.constant 1.000000e+05 : f32
      %div3A_97 = vector.broadcast %div3A : f32 to vector<1x128xf32>
      %div3A_98 = arith.divf %get3A_96, %div3A_97 : vector<1x128xf32>
      %get3A_99 = arith.constant 1 : index
      %get3A_100 = arith.constant 0 : index
      %get3A_101 = vector.load %arg17[%get3A_99, %get3A_100] : memref<8x128xf32, #tpu.memory_space<vmem>>, vector<1x128xf32>
      %div3A_102 = arith.constant 1.000000e+05 : f32
      %div3A_103 = vector.broadcast %div3A_102 : f32 to vector<1x128xf32>
      %div3A_104 = arith.divf %get3A_101, %div3A_103 : vector<1x128xf32>
      %mul3A_105 = arith.mulf %div3A_98, %div3A_98 : vector<1x128xf32>
      %sub3A = arith.subf %div3A_104, %mul3A_105 : vector<1x128xf32>
      %get3A_106 = arith.constant 0 : index
      %get3A_107 = arith.constant 0 : index
      %get3A_108 = vector.load %arg8[%get3A_106, %get3A_107] : memref<1x128xf32, #tpu.memory_space<vmem>>, vector<1x128xf32>
      %add3A_109 = arith.constant 9.99999974E-6 : f32
      %add3A_110 = vector.broadcast %add3A_109 : f32 to vector<1x128xf32>
      %add3A_111 = arith.addf %sub3A, %add3A_110 : vector<1x128xf32>
      %rsqrt3A = math.rsqrt %add3A_111 : vector<1x128xf32>
      %mul3A_112 = arith.mulf %get3A_108, %rsqrt3A : vector<1x128xf32>
      %get3A_113 = arith.constant 0 : index
      %get3A_114 = arith.constant 0 : index
      %get3A_115 = vector.load %arg9[%get3A_113, %get3A_114] : memref<1x128xf32, #tpu.memory_space<vmem>>, vector<1x128xf32>
      %mul3A_116 = arith.mulf %div3A_98, %mul3A_112 : vector<1x128xf32>
      %sub3A_117 = arith.subf %get3A_115, %mul3A_116 : vector<1x128xf32>
      %get3A_118 = arith.constant 0 : index
      %get3A_119 = arith.constant 0 : index
      %get3A_120 = vector.load %arg15[%get3A_118, %get3A_119] : memref<128x128xf32, #tpu.memory_space<vmem>>, vector<128x128xf32>
      %mul3A_121 = vector.broadcast %mul3A_112 : vector<1x128xf32> to vector<128x128xf32>
      %mul3A_122 = arith.mulf %get3A_120, %mul3A_121 : vector<128x128xf32>
      %get3A_123 = arith.constant 0 : index
      %get3A_124 = arith.constant 0 : index
      %get3A_125 = vector.load %arg16[%get3A_123, %get3A_124] : memref<128x128xf32, #tpu.memory_space<vmem>>, vector<128x128xf32>
      %mul3A_126 = vector.broadcast %sub3A_117 : vector<1x128xf32> to vector<128x128xf32>
      %mul3A_127 = arith.mulf %get3A_125, %mul3A_126 : vector<128x128xf32>
      %add3A_128 = arith.addf %mul3A_122, %mul3A_127 : vector<128x128xf32>
      %get3A_129 = arith.constant 0 : index
      %get3A_130 = arith.constant 0 : index
      %get3A_131 = vector.load %arg10[%get3A_129, %get3A_130] : memref<128x128xf32, #tpu.memory_space<vmem>>, vector<128x128xf32>
      %dot_general3A_132 = arith.constant dense<0.000000e+00> : vector<128x128xf32>
      %dot_general3A_133 = tpu.matmul %add3A_128, %get3A_131, %dot_general3A_132 {dimension_numbers = #tpu.dot_dimension_numbers<[1], [0], [0], [1], [0, 0, 1, 1], [], []>, transpose_lhs_hint = false} : vector<128x128xf32>, vector<128x128xf32>, vector<128x128xf32> -> vector<128x128xf32>
      %get3A_134 = arith.constant 0 : index
      %get3A_135 = arith.constant 0 : index
      %get3A_136 = vector.load %arg11[%get3A_134, %get3A_135] : memref<1x128xf32, #tpu.memory_space<vmem>>, vector<1x128xf32>
      %add3A_137 = vector.broadcast %get3A_136 : vector<1x128xf32> to vector<128x128xf32>
      %add3A_138 = arith.addf %dot_general3A_133, %add3A_137 : vector<128x128xf32>
      %gt3A = arith.constant 0.000000e+00 : f32
      %gt3A_139 = vector.broadcast %gt3A : f32 to vector<128x128xf32>
      %gt3A_140 = arith.cmpf ogt, %add3A_138, %gt3A_139 : vector<128x128xf32>
      %mul3A_141 = arith.constant 0.00999999977 : f32
      %mul3A_142 = vector.broadcast %mul3A_141 : f32 to vector<128x128xf32>
      %mul3A_143 = arith.mulf %mul3A_142, %add3A_138 : vector<128x128xf32>
      %select_n3A = arith.select %gt3A_140, %add3A_138, %mul3A_143 : vector<128x128xi1>, vector<128x128xf32>
      %get3A_144 = arith.constant 0 : index
      %get3A_145 = arith.constant 0 : index
      %get3A_146 = vector.load %arg12[%get3A_144, %get3A_145] : memref<128x128xf32, #tpu.memory_space<vmem>>, vector<128x128xf32>
      %dot_general3A_147 = arith.constant dense<0.000000e+00> : vector<128x128xf32>
      %dot_general3A_148 = tpu.matmul %select_n3A, %get3A_146, %dot_general3A_147 {dimension_numbers = #tpu.dot_dimension_numbers<[1], [0], [0], [1], [0, 0, 1, 1], [], []>, transpose_lhs_hint = false} : vector<128x128xf32>, vector<128x128xf32>, vector<128x128xf32> -> vector<128x128xf32>
      %get3A_149 = arith.constant 0 : index
      %get3A_150 = arith.constant 0 : index
      %get3A_151 = vector.load %arg13[%get3A_149, %get3A_150] : memref<1x128xf32, #tpu.memory_space<vmem>>, vector<1x128xf32>
      %add3A_152 = vector.broadcast %get3A_151 : vector<1x128xf32> to vector<128x128xf32>
      %add3A_153 = arith.addf %dot_general3A_148, %add3A_152 : vector<128x128xf32>
      %neg3A = arith.constant 0.000000e+00 : f32
      %neg3A_154 = vector.broadcast %neg3A : f32 to vector<128x128xf32>
      %neg3A_155 = arith.subf %neg3A_154, %add3A_153 : vector<128x128xf32>
      %exp3A = math.exp %neg3A_155 : vector<128x128xf32>
      %add3A_156 = arith.constant 1.000000e+00 : f32
      %add3A_157 = vector.broadcast %add3A_156 : f32 to vector<128x128xf32>
      %add3A_158 = arith.addf %add3A_157, %exp3A : vector<128x128xf32>
      %div3A_159 = arith.constant 1.000000e+00 : f32
      %div3A_160 = vector.broadcast %div3A_159 : f32 to vector<128x128xf32>
      %div3A_161 = arith.divf %div3A_160, %add3A_158 : vector<128x128xf32>
      %swap3A_162 = arith.constant 0 : index
      %swap3A_163 = arith.constant 0 : index
      %swap3A_164 = vector.load %arg14[%swap3A_162, %swap3A_163] : memref<128x128xf32, #tpu.memory_space<vmem>>, vector<128x128xf32>
      tpu.vector_store %arg14[%swap3A_162, %swap3A_163], %div3A_161 {strides = array<i32>} : memref<128x128xf32, #tpu.memory_space<vmem>>, vector<128x128xf32>,
    } else {
    }
    return
  }
  func.func @transform_0(%arg0: i32) -> (i32, i32) {
    %c0_i32 = arith.constant 0 : i32
    %c0_i32_0 = arith.constant 0 : i32
    return %arg0, %c0_i32 : i32, i32
  }
  func.func @transform_1(%arg0: i32) -> (i32, i32, i32) {
    %c0_i32 = arith.constant 0 : i32
    %c0_i32_0 = arith.constant 0 : i32
    %c0_i32_1 = arith.constant 0 : i32
    return %c0_i32, %arg0, %c0_i32_0 : i32, i32, i32
  }
  func.func @transform_2(%arg0: i32) -> (i32, i32, i32) {
    %c0_i32 = arith.constant 0 : i32
    %c0_i32_0 = arith.constant 0 : i32
    %c0_i32_1 = arith.constant 0 : i32
    return %arg0, %c0_i32, %c0_i32_0 : i32, i32, i32
  }
  func.func @transform_3(%arg0: i32) -> (i32, i32) {
    %c0_i32 = arith.constant 0 : i32
    %c0_i32_0 = arith.constant 0 : i32
    %c0_i32_1 = arith.constant 0 : i32
    return %c0_i32, %c0_i32_0 : i32, i32
  }
  func.func @transform_4(%arg0: i32) -> (i32, i32) {
    %c0_i32 = arith.constant 0 : i32
    %c0_i32_0 = arith.constant 0 : i32
    %c0_i32_1 = arith.constant 0 : i32
    return %c0_i32, %c0_i32_0 : i32, i32
  }
  func.func @transform_5(%arg0: i32) -> (i32, i32) {
    %c0_i32 = arith.constant 0 : i32
    %c0_i32_0 = arith.constant 0 : i32
    %c0_i32_1 = arith.constant 0 : i32
    return %c0_i32, %c0_i32_0 : i32, i32
  }
  func.func @transform_6(%arg0: i32) -> (i32, i32) {
    %c0_i32 = arith.constant 0 : i32
    %c0_i32_0 = arith.constant 0 : i32
    %c0_i32_1 = arith.constant 0 : i32
    return %c0_i32, %c0_i32_0 : i32, i32
  }
  func.func @transform_7(%arg0: i32) -> (i32, i32) {
    %c0_i32 = arith.constant 0 : i32
    %c0_i32_0 = arith.constant 0 : i32
    %c0_i32_1 = arith.constant 0 : i32
    return %c0_i32, %c0_i32_0 : i32, i32
  }
  func.func @transform_8(%arg0: i32) -> (i32, i32) {
    %c0_i32 = arith.constant 0 : i32
    %c0_i32_0 = arith.constant 0 : i32
    %c0_i32_1 = arith.constant 0 : i32
    return %c0_i32, %c0_i32_0 : i32, i32
  }
  func.func @transform_9(%arg0: i32) -> (i32, i32) {
    %c0_i32 = arith.constant 0 : i32
    %c0_i32_0 = arith.constant 0 : i32
    %c0_i32_1 = arith.constant 0 : i32
    return %c0_i32, %c0_i32_0 : i32, i32
  }
  func.func @transform_10(%arg0: i32) -> (i32, i32) {
    %c0_i32 = arith.constant 0 : i32
    %c0_i32_0 = arith.constant 0 : i32
    %c0_i32_1 = arith.constant 0 : i32
    return %c0_i32, %c0_i32_0 : i32, i32
  }
  func.func @transform_11(%arg0: i32) -> (i32, i32) {
    %c0_i32 = arith.constant 0 : i32
    %c0_i32_0 = arith.constant 0 : i32
    %c0_i32_1 = arith.constant 0 : i32
    return %c0_i32, %c0_i32_0 : i32, i32
  }
  func.func @transform_12(%arg0: i32) -> (i32, i32) {
    %c0_i32 = arith.constant 0 : i32
    %c0_i32_0 = arith.constant 0 : i32
    %c0_i32_1 = arith.constant 0 : i32
    return %c0_i32, %c0_i32_0 : i32, i32
  }
  func.func @transform_13(%arg0: i32) -> (i32, i32) {
    %c0_i32 = arith.constant 0 : i32
    %c0_i32_0 = arith.constant 0 : i32
    %c0_i32_1 = arith.constant 0 : i32
    return %c0_i32, %c0_i32_0 : i32, i32
  }
}

</mosaic_0001>

<sc_bundles>
// kernel: kernel.5.cloned.1.call-start
scs
__scs_entry_jumppad:
0x0: {  	(pc) =	sbr.rel $0x88, $3  }
0x1: {  	(tag) =	ssettag $0x0;
	lr =	simm.s32 $0x1  }
0x2: {  	[smem:$0x3F91] =	sst lr;
	_ =	strace $0xD0000000  }
0x3: {  	_ = 	snop  }
0x4: {  	_ = 	snop  }
0x5: {  	_ = 	snop  }
0x6: {  	_ = 	snop  }
0x7: {  	_ = 	snop  }
__scs_overlays_trampoline_lowered:
0x8: {  	[smem:$0x3FA0] =	sst s0  }
0x9: {  	[smem:$0x3FA1] =	sst s1  }
0xa: {  	[smem:$0x3FA2] =	sst s2  }
0xb: {  	[smem:$0x3FA3] =	sst s3  }
0xc: {  	[smem:$0x3FA4] =	sst s4  }
0xd: {  	[smem:$0x3FA5] =	sst s5  }
0xe: {  	[smem:$0x3FA6] =	sst s6  }
0xf: {  	[smem:$0x3FA7] =	sst s7  }
0x10: {  	[smem:$0x3FA8] =	sst s8  }
0x11: {  	[smem:$0x3FA9] =	sst s9;
	s0 =	simm.s32 @!p0 $0x0  }
0x12: {  	s1 =	sld [smem:$0x3F8F];
	s0 =	simm.s32 @p0 $0x1  }
0x13: {  	[smem:$0x3FAA] =	sst s0;
	s0 =	simm.s32 @!p1 $0x0  }
0x14: {  	s2 =	sld [smem:$0x3F8E];
	s0 =	simm.s32 @p1 $0x1  }
0x15: {  	[smem:$0x3FAB] =	sst s0;
	s0 =	simm.s32 @!p2 $0x0  }
0x16: {  	s3 =	sld [smem:$0x3FDB];
	s0 =	simm.s32 @p2 $0x1  }
0x17: {  	s4 =	simm.s32 $0x1BF5;
	[smem:$0x3FAD] =	sst s0  }
0x18: {  	s0 =	sld [smem:$0x3F90];
	_ =	swait.ge [sflag:s4], $0x0  }
0x19: {  	s7 =	sld [smem:$0x3F91]  }
0x1a: {  	s8 =	sadd.s32 $0xFFFFE003, lr  }
0x1b: {  	s9 =	sadd.s32 $0xFFFFFEF7, lr;
	s5 =	simm.s32 $0xFFFFFFFF;
	p2 =	slt.u32 s8, $0xFFFFF086  }
0x1c: {  	p1 =	slt.u32 s9, $0xF7A;
	s5 =	simm.s32 @!p2 $0x0  }
0x1d: {  	s5 =	simm.s32 @p1 $0x1;
	p0 =	seq.s32 s7, s2  }
0x1e: {  	s7 =	smul.u32 @!p0 $0xF7A, s2;
	p2 =	seq.s32 @!p0 s5, $0x0  }
0x1f: {  	s9 =	smul.u32 $0xF7A, s1;
	s8 =	simm.s32 @!p0 $0x1BF5;
	p2 =	por !p2, p0  }
0x20: {  	[sflag:s8] =	ssyncset.s32 @!p0 $0xFFFFF086;
	s6 =	sadd.s32 @!p0 s3, s7;
	s7 =	simm.s32 @!p0 $0x108  }
0x21: {  	s3 =	sadd.s32 s3, s9;
	s6 =	sadd.s32 @!p0 $0x88, s6;
	s7 =	simm.s32 @p2 $0x1082  }
0x22: {  	[simem:s7], [sflag:s8] =	dma.local @!p0 [hbm:s6], $0xF7A  }
0x23: {  	s9 =	sor.u32 $0xD0000000, s2;
	s6 =	simm.s32 $0x108;
	_ =	swait.ge @!p0 [sflag:s8], $0x0  }
0x24: {  	s3 =	sadd.s32 $0x88, s3;
	s6 =	simm.s32 @!p1 $0x1082;
	[sflag:s4] =	ssyncset.s32 $0xFFFFF086  }
0x25: {  	[simem:s6], [sflag:s4] =	dma.local [hbm:s3], $0xF7A  }
0x26: {  	[smem:$0x3F91] =	sst s1;
	(tag) =	ssettag s2;
	_ =	strace s9  }
0x27: {  	s1 =	sld [smem:$0x3FA1]  }
0x28: {  	s2 =	sld [smem:$0x3FA2]  }
0x29: {  	s4 =	sld [smem:$0x3FA4]  }
0x2a: {  	p0 =	seq.s32 s5, $0x0;
	s5 =	sld [smem:$0x3FA5]  }
0x2b: {  	s6 =	sld [smem:$0x3FA6]  }
0x2c: {  	s7 =	sld [smem:$0x3FA7]  }
0x2d: {  	s3 =	simm.s32 $0x108;
	s8 =	sld [smem:$0x3FA8]  }
0x2e: {  	s3 =	simm.s32 @!p0 $0x1082;
	s9 =	sld [smem:$0x3FA9]  }
0x2f: {  	lr =	sadd.s32 s0, s3;
	s0 =	sld [smem:$0x3FA0]  }
0x30: {  	s3 =	sld [smem:$0x3FA3]  }
0x31: {  	[smem:$0x3FAC] =	sst s10  }
0x32: {  	s10 =	sld [smem:$0x3FAA];
	_ =	sdelay $0x3  }
0x33: {  	p0 =	seq.s32 s10, $0x1;
	s10 =	sld [smem:$0x3FAC];
	_ =	sdelay $0x3  }
0x34: {  	[smem:$0x3FAC] =	sst s10  }
0x35: {  	s10 =	sld [smem:$0x3FAB];
	_ =	sdelay $0x3  }
0x36: {  	p1 =	seq.s32 s10, $0x1;
	s10 =	sld [smem:$0x3FAC];
	_ =	sdelay $0x3  }
0x37: {  	[smem:$0x3FAC] =	sst s10  }
0x38: {  	s10 =	sld [smem:$0x3FAD]  }
0x39: {  	_ = 	snop;
	(pc) =	sbr.ind lr, $3  }
0x3a: {  	_ = 	snop  }
0x3b: {  	_ = 	snop  }
0x3c: {  	p2 =	seq.s32 s10, $0x1;
	s10 =	sld [smem:$0x3FAC]  }
0x3d: {  	_ =	shalt  }
0x3e: {  	_ =	shalt  }
0x3f: {  	_ =	shalt  }
0x40: {  	_ =	shalt  }
0x41: {  	_ =	shalt  }
0x42: {  	_ =	shalt  }
0x43: {  	_ =	shalt  }
0x44: {  	_ =	shalt  }
0x45: {  	_ =	shalt  }
0x46: {  	_ =	shalt  }
0x47: {  	_ =	shalt  }
0x48: {  	_ =	shalt  }
0x49: {  	_ =	shalt  }
0x4a: {  	_ =	shalt  }
0x4b: {  	_ =	shalt  }
0x4c: {  	_ =	shalt  }
0x4d: {  	_ =	shalt  }
0x4e: {  	_ =	shalt  }
0x4f: {  	_ =	shalt  }
0x50: {  	_ =	shalt  }
0x51: {  	_ =	shalt  }
0x52: {  	_ =	shalt  }
0x53: {  	_ =	shalt  }
0x54: {  	_ =	shalt  }
0x55: {  	_ =	shalt  }
0x56: {  	_ =	shalt  }
0x57: {  	_ =	shalt  }
0x58: {  	_ =	shalt  }
0x59: {  	_ =	shalt  }
0x5a: {  	_ =	shalt  }
0x5b: {  	_ =	shalt  }
0x5c: {  	_ =	shalt  }
0x5d: {  	_ =	shalt  }
0x5e: {  	_ =	shalt  }
0x5f: {  	_ =	shalt  }
0x60: {  	_ =	shalt  }
0x61: {  	_ =	shalt  }
0x62: {  	_ =	shalt  }
0x63: {  	_ =	shalt  }
0x64: {  	_ =	shalt  }
0x65: {  	_ =	shalt  }
0x66: {  	_ =	shalt  }
0x67: {  	_ =	shalt  }
0x68: {  	_ =	shalt  }
0x69: {  	_ =	shalt  }
0x6a: {  	_ =	shalt  }
0x6b: {  	_ =	shalt  }
0x6c: {  	_ =	shalt  }
0x6d: {  	_ =	shalt  }
0x6e: {  	_ =	shalt  }
0x6f: {  	_ =	shalt  }
0x70: {  	_ =	shalt  }
0x71: {  	_ =	shalt  }
0x72: {  	_ =	shalt  }
0x73: {  	_ =	shalt  }
0x74: {  	_ =	shalt  }
0x75: {  	_ =	shalt  }
0x76: {  	_ =	shalt  }
0x77: {  	_ =	shalt  }
0x78: {  	_ =	shalt  }
0x79: {  	_ =	shalt  }
0x7a: {  	_ =	shalt  }
0x7b: {  	_ =	shalt  }
0x7c: {  	_ =	shalt  }
0x7d: {  	_ =	shalt  }
0x7e: {  	_ =	shalt  }
0x7f: {  	_ =	shalt  }
0x80: {  	_ =	shalt  }
0x81: {  	_ =	shalt  }
0x82: {  	_ =	shalt  }
0x83: {  	_ =	shalt  }
0x84: {  	_ =	shalt  }
0x85: {  	_ =	shalt  }
0x86: {  	_ =	shalt  }
0x87: {  	_ =	shalt  }
.Lfunc_end0:
.L_simem_size_0:
called_computation_lowered:
.L_overlay_start_0:
0x88: {  	s2 =	sld [smem:$0x3FD9]  }
0x89: {  	s3 =	sld [smem:$0x3FFE];
	_ =	sdelay $0x1  }
0x8a: {  	s1 =	srdreg.scid  }
0x8b: {  	s0 =	sand.u32 $0x1, s1  }
0x8c: {  	s16 =	sshll.u32 s0, $0xA;
	s2 =	sadd.s32 s3, s2  }
0x8d: {  	s2 =	sadd.s32 s2, s16  }
0x8e: {  	[smem:$0x3FB8] =	sst s2  }
0x8f: {  	_ = 	snop  }
0x90: {  	(tm) =	ssettm $0x1  }
0x91: {  	s17 =	sld [smem:$0x3FFB];
	_ =	sdelay $0x3  }
0x92: {  	_ =	strace s17  }
0x93: {  	s2 =	sld [smem:$0x3FFC];
	_ =	sdelay $0x3  }
0x94: {  	_ =	strace s2  }
0x95: {  	s2 =	sld [smem:$0x3FFD];
	_ =	sdelay $0x3  }
0x96: {  	_ =	strace s2  }
0x97: {  	_ =	strace $0x8FFFFFFF  }
0x98: {  	s18 =	sld [smem:$0x3FDB];
	_ =	sdelay $0x1  }
0x99: {  	s19 =	simm.s32 $_scs_section_size  }
0x9a: {  	s4 =	simm.s32 $_size__tile_overlayer_lowered;
	s5 =	simm.s32 $_tile_overlayer_lowered  }
0x9b: {  	s22 =	simm.s32 $0x1BFF;
	s21 =	sshll.u32 s5, $0x1;
	s2 =	sadd.s32 s19, s18  }
0x9c: {  	s6 =	simm.s32 $0x0;
	s20 =	sshll.u32 s4, $0x1;
	s4 =	sadd.s32 s21, s2  }
0x9d: {  	[timem:s6], [sflag:s22] =	dma.local [hbm:s4], s20  }
0x9e: {  	_ =	swait.ge [sflag:s22], s20  }
0x9f: {  	s3 =	ssub.s32 $0x0, s20;
	[sflag:s22] =	ssyncset.done $0x0  }
0xa0: {  	[sflag:s22] =	ssyncadd.s32 s3;
	_ =	sdelay $0x1  }
0xa1: {  	s23 =	simm.s32 $0x1B8B  }
0xa2: {  	_ =	swait.ge [sflag:s23], $0x1  }
0xa3: {  	[sflag:s23] =	ssyncset.done $0x0  }
0xa4: {  	s25 =	simm.s32 $0x1B8E;
	s24 =	sld [smem:$0x3FFE];
	[sflag:s23] =	ssyncadd.s32 $0xFFFFFFFF  }
0xa5: {  	s26 =	simm.s32 $execute0_lowered;
	[smem:$0x3FD2] =	sst s25  }
0xa6: {  	s4 =	sshll.u32 s26, $0x1;
	_ =	strace $0x80000046;
	[dreg:$0x1] =	wrdreg $0xFFFFFFFF  }
0xa7: {  	s28 =	simm.s32 $_size_execute0_lowered;
	s2 =	sadd.s32 s2, s4;
	[dreg:$0x0] =	wrdreg $0x0  }
0xa8: {  	s4 =	sshll.u32 s28, $0x1;
	[dreg:$0x2] =	wrdreg s2  }
0xa9: {  	[dreg:$0x3] =	wrdreg s4  }
0xaa: {  	[dreg:$0x4] =	wrdreg $0xC0  }
0xab: {  	_ =	task [dreg:s6], $0x5FFFF  }
0xac: {  	[dreg:$0x1] =	wrdreg $0xFFFFFFFF  }
0xad: {  	[dreg:$0x0] =	wrdreg $0x60  }
0xae: {  	[dreg:$0x2] =	wrdreg s24  }
0xaf: {  	[dreg:$0x3] =	wrdreg $0x70000  }
0xb0: {  	[dreg:$0x4] =	wrdreg $0x9  }
0xb1: {  	_ =	task.clear_ibuf [dreg:s6], $0x5FFFF;
	_ =	strace $0x90000046  }
0xb2: {  	s29 =	simm.s32 $0x9;
	_ =	strace $0x80000048  }
0xb3: {  	_ =	swait.ge [sflag:s29], $0x1  }
0xb4: {  	[sflag:s29] =	ssyncadd.s32 $0xFFFFFFFF  }
0xb5: {  	_ =	strace $0x90000048  }
0xb6: {  	_ =	sfence  }
0xb7: {  	s30 =	sld [smem:$0x0];
	_ =	sdelay $0x2  }
0xb8: {  	s31 =	sshll.u32 s1, $0xD;
	s1 =	sshrl.u32 s1, $0x2  }
0xb9: {  	s3 =	sand.u32 $0x4000, s31;
	s1 =	sadd.s32 s1, s30  }
0xba: {  	s0 =	sor.u32 s3, s0;
	s1 =	sshll.u32 s1, $0x11  }
0xbb: {  	s0 =	sor.u32 s1, s0  }
0xbc: {  	s0 =	sadd.s32 $0x8F2B, s0  }
0xbd: {  	[sflag:s0] =	ssyncadd.remote.s32 $0x1  }
0xbe: {  	_ =	sfence.sel $0xFFFF  }
0xbf: {  	[dreg:$0x0] =	wrdreg $0xFFFFFFFF;
	(pc) =	sbr.abs _section_cstart, $3  }
0xc0: {  	[dreg:$0x1] =	wrdreg $0xFFFFFFFF  }
0xc1: {  	_ =	task.clear_ibuf [dreg:s6], $0x2FFFF;
	_ =	strace $0x9FFFFFFF  }
0xc2: {  	(tm) =	ssettm $0x7FFFFFFF  }
0xc3: {  	_ =	shalt  }
tec
execute0_lowered:
.L_overlay_start_1:
0x0: {  	(tag) =	ssettag $0x1  }
0x1: {  	s0 =	rddreg [dreg:$0x0]  }
0x2: {  	s2 =	rddreg [dreg:$0x1]  }
0x3: {  	s15 =	simm.s32 $0x0;
	s1 =	srdreg.scid;
	s10 =	stileid.u32  }
0x4: {  	s28 =	simm.s32 $0x4;
	s30 =	simm.s32 $0x80;
	s31 =	simm.s32 $0x1800  }
0x5: {  	[smem:$0x7FF] =	sst s15;
	s1 =	sand.u32 $0x1, s1;
	s3 =	smul.u32 $0x186A0, s10  }
0x6: {  	s5 =	sadd.s32 $0x3E5A00, s0;
	s12 =	sadd.s32 $0x63E00, s0;
	s4 =	smul.u32 $0x61A80, s10  }
0x7: {  	s13 =	sadd.s32 $0x33000, s0;
	s8 =	sadd.s32 $0x449A00, s0;
	s14 =	sshll.u32 s10, $0xA  }
0x8: {  	s18 =	sshll.u32 s10, $0x7;
	p0 =	sne.s32 s10, $0xF;
	_ =	strace $0x80000047  }
0x9: {  	s11 =	smul.u32 $0x186A00, s1;
	s7 =	ssub.s32 $0x2, s1;
	[dreg:$0x5] =	wrdreg s13  }
0xa: {  	s19 =	smul.u32 $0x186A000, s1;
	s21 =	sadd.s32 s13, s18;
	[dreg:$0xe] =	wrdreg s12  }
0xb: {  	s13 =	simm.s32 $0x1;
	s18 =	simm.s32 $0x0;
	s4 =	sshrl.u32 s4, $0x2  }
0xc: {  	s9 =	sshrl.u32 s7, $0x1;
	s16 =	sadd.s32 s3, s2;
	[dreg:$0x11] =	wrdreg s21  }
0xd: {  	s21 =	simm.s32 $0x2800;
	s6 =	sadd.s32 s3, s11;
	s4 =	sadd.s32 s4, s2  }
0xe: {  	s7 =	ssub.s32 s7, s9;
	s9 =	ssub.s32 $0x629, s10;
	[dreg:$0x4] =	wrdreg s11  }
0xf: {  	s17 =	sadd.s32 s14, s11;
	s22 =	sshrl.u32 s11, $0x3;
	[dreg:$0xf] =	wrdreg s19  }
0x10: {  	s10 =	simm.s32 $0x4000;
	[dreg:$0x6] =	wrdreg s16;
	s23 =	sadd.s32 $0x4000, s4  }
0x11: {  	s11 =	simm.s32 $0x4800;
	s24 =	sadd.s32 $0x8000, s4;
	[dreg:$0x7] =	wrdreg s23  }
0x12: {  	s14 =	simm.s32 $0x2;
	s25 =	sadd.s32 $0xC000, s4;
	[dreg:$0x8] =	wrdreg s24  }
0x13: {  	s6 =	sshrl.u32 s6, $0x3;
	s26 =	sadd.s32 $0x10000, s4;
	[dreg:$0x9] =	wrdreg s25  }
0x14: {  	s29 =	sadd.s32 $0x14000, s4;
	s4 =	sadd.s32 $0x18000, s4;
	[dreg:$0xa] =	wrdreg s26  }
0x15: {  	s3 =	sshrl.u32 s9, $0x4;
	s1 =	sadd.s32 s12, s22;
	[dreg:$0xb] =	wrdreg s29  }
0x16: {  	s22 =	simm.s32 $0x3000;
	s6 =	sadd.s32 s6, s0;
	[dreg:$0xc] =	wrdreg s4  }
0x17: {  	[dreg:$0xd] =	wrdreg s3;
	s3 =	sshrl.u32 s17, $0x3;
	s23 =	sadd.s32 $0x2000, s19  }
0x18: {  	s24 =	sshrl.u32 s19, $0x3;
	s1 =	sadd.s32 $0x30D00, s1;
	[dreg:$0x12] =	wrdreg s23  }
0x19: {  	s0 =	sadd.s32 $0x63D00, s0;
	s29 =	smax.u32 s7, $0x1;
	[dreg:$0x13] =	wrdreg s1  }
.Ltmp0:
0x1a: {  	s20 =	sadd.s32 s12, s3;
	[dreg:$0x14] =	wrdreg s0;
	(pc) =	sbr.rel .LBB2_1-.Ltmp0, $4  }
0x1b: {  	s25 =	sadd.s32 s8, s24;
	s26 =	sadd.s32 $0xC5A00, s6;
	[dreg:$0x17] =	wrdreg s29  }
0x1c: {  	s6 =	simm.s32 $0x800;
	s23 =	simm.s32 $0x3800;
	[dreg:$0x10] =	wrdreg s20  }
0x1d: {  	s12 =	simm.s32 $0x5000;
	s0 =	sadd.s32 $0x30D000, s25;
	[dreg:$0x16] =	wrdreg s26  }
0x1e: {  	v0 =	vimm.f32 $0.0e+00;
	s26 =	simm.s32 $0x1000;
	[dreg:$0x15] =	wrdreg s0;
	s0 =	simm.s32 $0x2000  }
.LBB2_13:
0x1f: {  	s1 =	stileid.u32  }
0x20: {  	[bflag:$0x0] =	sbarrier.arrive $0xFFFF;
	s1 =	sshll.u32 s1, $0x6  }
0x21: {  	s3 =	sshrl.u32 s16, $0x3;
	s4 =	rddreg [dreg:$0x16];
	s1 =	sor.u32 $0x1C04, s1  }
0x22: {  	[hbm:s4], [sflag:s1] =	dma.local [spmem:s3], $0x30D4  }
0x23: {  	_ =	swait.ge [sflag:s28], $0x30D4  }
0x24: {  	s15 =	sadd.s32 $0x1, s15;
	s29 =	rddreg [dreg:$0x17]  }
0x25: {  	p1 =	sne.s32 s15, s29  }
.Ltmp1:
0x26: {  	_ = 	snop;
	(pc) =	sbr.rel @!p1 .LBB2_14-.Ltmp1, $3  }
0x27: {  	_ =	sdelay $0x1  }
0x28: {  	[sflag:s28] =	ssyncset.done $0x0  }
0x29: {  	[sflag:s28] =	ssyncadd.s32 $0xFFFFCF2C  }
.LBB2_1:
0x2a: {  	[dreg:$0x3] =	wrdreg s15;
	s1 =	simm.s32 $0x40;
	s3 =	simm.s32 $0x0  }
.LBB2_2:
0x2b: {  	p1 =	sne.s32 s1, $0xFFC0;
	[tilespmem:s3+$0x1000] =	vst v0;
	s3 =	smov.u32 s1;
	s1 =	sadd.s32 $0x40, s1  }
.Ltmp2:
0x2c: {  	(pc) =	sbr.rel @p1 .LBB2_2-.Ltmp2, $2  }
0x2d: {  	_ =	sdelay $0x2  }
0x2e: {  	s3 =	sshra.s32 s3, $0x2  }
0x2f: {  	[tilespmem:s3+$0x1000] =	vst v0  }
0x30: {  	[spmem:s16] =	stream.linear.scatter [tilespmem:s26], [sflag:$0x4], $0x4000, $0x38;
	[tilespmem:$0x1F6A0] =	vst v63  }
0x31: {  	_ =	swait.ge [sflag:s28], $0x4000  }
0x32: {  	[sflag:s28] =	ssyncset.done $0x0  }
0x33: {  	s1 =	rddreg [dreg:$0x7];
	[sflag:s28] =	ssyncadd.s32 $0xFFFFC000  }
0x34: {  	[spmem:s1] =	stream.linear.scatter [tilespmem:s26], [sflag:$0x4], $0x4000, $0x38;
	[tilespmem:$0x1F6A0] =	vst v63  }
0x35: {  	_ =	swait.ge [sflag:s28], $0x4000  }
0x36: {  	[sflag:s28] =	ssyncset.done $0x0  }
0x37: {  	s16 =	rddreg [dreg:$0x8];
	[sflag:s28] =	ssyncadd.s32 $0xFFFFC000  }
0x38: {  	[spmem:s16] =	stream.linear.scatter [tilespmem:s26], [sflag:$0x4], $0x4000, $0x38;
	[tilespmem:$0x1F6A0] =	vst v63  }
0x39: {  	_ =	swait.ge [sflag:s28], $0x4000  }
0x3a: {  	[sflag:s28] =	ssyncset.done $0x0  }
0x3b: {  	s17 =	rddreg [dreg:$0x9];
	[sflag:s28] =	ssyncadd.s32 $0xFFFFC000  }
0x3c: {  	[spmem:s17] =	stream.linear.scatter [tilespmem:s26], [sflag:$0x4], $0x4000, $0x38;
	[tilespmem:$0x1F6A0] =	vst v63  }
0x3d: {  	_ =	swait.ge [sflag:s28], $0x4000  }
0x3e: {  	[sflag:s28] =	ssyncset.done $0x0  }
0x3f: {  	s19 =	rddreg [dreg:$0xa];
	[sflag:s28] =	ssyncadd.s32 $0xFFFFC000  }
0x40: {  	[spmem:s19] =	stream.linear.scatter [tilespmem:s26], [sflag:$0x4], $0x4000, $0x38;
	[tilespmem:$0x1F6A0] =	vst v63  }
0x41: {  	_ =	swait.ge [sflag:s28], $0x4000  }
0x42: {  	[sflag:s28] =	ssyncset.done $0x0  }
0x43: {  	s20 =	rddreg [dreg:$0xb];
	[sflag:s28] =	ssyncadd.s32 $0xFFFFC000  }
0x44: {  	[spmem:s20] =	stream.linear.scatter [tilespmem:s26], [sflag:$0x4], $0x4000, $0x38;
	[tilespmem:$0x1F6A0] =	vst v63  }
0x45: {  	_ =	swait.ge [sflag:s28], $0x4000  }
0x46: {  	[sflag:s28] =	ssyncset.done $0x0  }
0x47: {  	s24 =	rddreg [dreg:$0xc];
	[sflag:s28] =	ssyncadd.s32 $0xFFFFC000  }
0x48: {  	[spmem:s24] =	stream.linear.scatter [tilespmem:s26], [sflag:$0x4], $0x6A0, $0x38;
	[tilespmem:$0x1F6A0] =	vst v63  }
0x49: {  	_ =	swait.ge [sflag:s28], $0x6A0  }
0x4a: {  	[sflag:s28] =	ssyncset.done $0x0  }
0x4b: {  	[sflag:s28] =	ssyncadd.s32 $0xFFFFF960  }
0x4c: {  	[bflag:$0x0] =	sbarrier.arrive $0xFFFF  }
0x4d: {  	s25 =	rddreg [dreg:$0x10]  }
0x4e: {  	[tilespmem:s18], [sflag:$0x4] =	stream.linear.gather [hbm4b:s25+s18], $0x400, $0x38;
	[tilespmem:$0x1F6A0] =	vst v63  }
0x4f: {  	_ =	swait.ge [sflag:s28], $0x400  }
0x50: {  	[sflag:s28] =	ssyncset.done $0x0  }
0x51: {  	s29 =	rddreg [dreg:$0x11];
	[sflag:s28] =	ssyncadd.s32 $0xFFFFFC00  }
0x52: {  	[tilespmem:s6], [sflag:$0x4] =	stream.linear.gather [hbm4b:s29+s18], $0x400, $0x38;
	[tilespmem:$0x1F6A0] =	vst v63  }
0x53: {  	_ =	swait.ge [sflag:s28], $0x400  }
0x54: {  	[sflag:s28] =	ssyncset.done $0x0  }
0x55: {  	s19 =	simm.s32 $0x0;
	[sflag:s28] =	ssyncadd.s32 $0xFFFFFC00  }
.LBB2_4:
0x56: {  	p1 =	seq.s32 s19, $0x0  }
0x57: {  	s1 =	simm.s32 @!p1 $0x3  }
0x58: {  	s3 =	sshll.u32 s19, $0xA;
	_ =	swait.ge @!p1 [sflag:s1], $0x4000  }
0x59: {  	s6 =	sshll.u32 s19, $0x4;
	s7 =	stileid.u32;
	[sflag:s1] =	ssyncset.done @!p1 $0x0  }
0x5a: {  	s9 =	sand.u32 $0x400, s3;
	s6 =	sor.u32 s7, s6;
	[sflag:s1] =	ssyncadd.s32 @!p1 $0xFFFFC000  }
0x5b: {  	[tilespmem:s26], [sflag:$0x1] =	stream.indirect.gather [hbm4b:s5+s30], $0x10, s9, s30, $0xb8;
	[tilespmem:$0x1F6A0] =	vst v63  }
0x5c: {  	s3 =	sor.u32 $0x80, s9;
	s7 =	sshll.u32 s6, $0x3  }
0x5d: {  	[tilespmem:s31], [sflag:$0x1] =	stream.indirect.gather [hbm4b:s5+s30], $0x10, s3, s30, $0xb8;
	[tilespmem:$0x1F6A0] =	vst v63  }
0x5e: {  	s1 =	sor.u32 $0x100, s9;
	p1 =	slt.s32 s7, $0x304C  }
0x5f: {  	[tilespmem:s0], [sflag:$0x1] =	stream.indirect.gather [hbm4b:s5+s30], $0x10, s1, s30, $0xb8;
	[tilespmem:$0x1F6A0] =	vst v63  }
0x60: {  	s4 =	sor.u32 $0x180, s9;
	s7 =	simm.s32 @!p1 $0x304C  }
0x61: {  	[tilespmem:s21], [sflag:$0x1] =	stream.indirect.gather [hbm4b:s5+s30], $0x10, s4, s30, $0xb8;
	[tilespmem:$0x1F6A0] =	vst v63  }
0x62: {  	s29 =	sor.u32 $0x200, s9;
	s24 =	sor.u32 $0x280, s9;
	s7 =	sshll.u32 s7, $0x7  }
0x63: {  	[tilespmem:s22], [sflag:$0x1] =	stream.indirect.gather [hbm4b:s5+s30], $0x10, s29, s30, $0xb8;
	[tilespmem:$0x1F6A0] =	vst v63  }
0x64: {  	s25 =	sor.u32 $0x300, s9;
	s16 =	rddreg [dreg:$0x4];
	s7 =	sadd.s32 $0x4000, s7  }
0x65: {  	[tilespmem:s23], [sflag:$0x1] =	stream.indirect.gather [hbm4b:s5+s30], $0x10, s24, s30, $0xb8;
	[tilespmem:$0x1F6A0] =	vst v63  }
0x66: {  	s15 =	sor.u32 $0x380, s9;
	s17 =	sxor.u32 $0x400, s9;
	s16 =	sadd.s32 s16, s7  }
0x67: {  	[tilespmem:s10], [sflag:$0x1] =	stream.indirect.gather [hbm4b:s5+s30], $0x10, s25, s30, $0xb8;
	[tilespmem:$0x1F6A0] =	vst v63  }
0x68: {  	s6 =	sshll.u32 s6, $0xE;
	s20 =	rddreg [dreg:$0xe];
	s16 =	sshrl.u32 s16, $0x3  }
0x69: {  	[tilespmem:s11], [sflag:$0x1] =	stream.indirect.gather [hbm4b:s5+s30], $0x10, s15, s30, $0xb8;
	[tilespmem:$0x1F6A0] =	vst v63  }
0x6a: {  	s7 =	sshrl.u32 s7, $0x3;
	s16 =	sadd.s32 s20, s16;
	s20 =	rddreg [dreg:$0x5]  }
0x6b: {  	[tilespmem:s17], [sflag:$0x2] =	stream.linear.gather [hbm4b:s16+s18], $0x400, $0x38;
	[tilespmem:$0x1F6A0] =	vst v63  }
0x6c: {  	s7 =	sadd.s32 s20, s7;
	s20 =	rddreg [dreg:$0xf];
	s16 =	sxor.u32 $0xC00, s9  }
0x6d: {  	[tilespmem:s16], [sflag:$0x2] =	stream.linear.gather [hbm4b:s7+s18], $0x400, $0x38;
	[tilespmem:$0x1F6A0] =	vst v63  }
0x6e: {  	s7 =	sadd.s32 s20, s6  }
0x6f: {  	s7 =	sshrl.u32 s7, $0x3  }
0x70: {  	s7 =	sadd.s32 s8, s7  }
0x71: {  	[tilespmem:s12], [sflag:$0x4] =	stream.linear.gather [hbm4b:s7+s18], $0x2000, $0x38;
	[tilespmem:$0x1F6A0] =	vst v63  }
0x72: {  	_ =	swait.ge [sflag:s28], $0x2000  }
0x73: {  	[sflag:s28] =	ssyncset.done $0x0  }
0x74: {  	[sflag:s28] =	ssyncadd.s32 $0xFFFFE000  }
0x75: {  	_ =	swait.ge [sflag:s13], $0x800  }
0x76: {  	[sflag:s13] =	ssyncset.done $0x0  }
0x77: {  	[sflag:s13] =	ssyncadd.s32 $0xFFFFF800  }
0x78: {  	_ =	swait.ge [sflag:s13], $0x800  }
0x79: {  	[sflag:s13] =	ssyncset.done $0x0  }
0x7a: {  	[sflag:s13] =	ssyncadd.s32 $0xFFFFF800  }
0x7b: {  	_ =	swait.ge [sflag:s13], $0x800  }
0x7c: {  	[sflag:s13] =	ssyncset.done $0x0  }
0x7d: {  	[sflag:s13] =	ssyncadd.s32 $0xFFFFF800  }
0x7e: {  	_ =	swait.ge [sflag:s13], $0x800  }
0x7f: {  	[sflag:s13] =	ssyncset.done $0x0  }
0x80: {  	s7 =	simm.s32 $0x0;
	[sflag:s13] =	ssyncadd.s32 $0xFFFFF800  }
0x81: {  	v7 =	vld [tilespmem:s7+$0x5000]  }
0x82: {  	v12 =	vld [tilespmem:s7+$0x5010]  }
0x83: {  	v6 =	vld [tilespmem:s7+$0x5020]  }
0x84: {  	v5 =	vld [tilespmem:s7+$0x5030]  }
0x85: {  	v4 =	vld [tilespmem:s7+$0x5040]  }
0x86: {  	v3 =	vld [tilespmem:s7+$0x5050]  }
0x87: {  	v2 =	vld [tilespmem:s7+$0x5060]  }
0x88: {  	v1 =	vld [tilespmem:s7+$0x5070]  }
0x89: {  	v13 =	vld [tilespmem:s7+$0x1000]  }
0x8a: {  	v14 =	vld [tilespmem:s7+$0x1010]  }
0x8b: {  	v11 =	vld [tilespmem:s7+$0x1020]  }
0x8c: {  	v10 =	vld [tilespmem:s7+$0x1030]  }
0x8d: {  	v9 =	vld [tilespmem:s7+$0x1040]  }
0x8e: {  	v8 =	vld [tilespmem:s7+$0x1050];
	v13 =	vadd.f32 v7, v13  }
0x8f: {  	s16 =	simm.s32 $0x200;
	v12 =	vadd.f32 v12, v14;
	v7 =	vld [tilespmem:s7+$0x1060]  }
.LBB2_5:
0x90: {  	s17 =	sshra.s32 s16, $0x2;
	p1 =	sne.s32 s16, $0x7E00;
	v13 =	vmax.f32 v13, $0.0e+00;
	v6 =	vadd.f32 v6, v11;
	v11 =	vld [tilespmem:s7+$0x1070]  }
0x91: {  	v14 =	vld [tilespmem:s17+$0x5000];
	[tilespmem:s7+$0x1000] =	vst v13;
	v12 =	vmax.f32 v12, $0.0e+00;
	v5 =	vadd.f32 v5, v10  }
0x92: {  	v15 =	vld [tilespmem:s17+$0x5010];
	[tilespmem:s7+$0x1010] =	vst v12;
	v10 =	vmax.f32 v6, $0.0e+00;
	v4 =	vadd.f32 v4, v9  }
0x93: {  	v6 =	vld [tilespmem:s17+$0x5020];
	[tilespmem:s7+$0x1020] =	vst v10;
	v9 =	vmax.f32 v5, $0.0e+00;
	v3 =	vadd.f32 v3, v8  }
0x94: {  	v5 =	vld [tilespmem:s17+$0x5030];
	[tilespmem:s7+$0x1030] =	vst v9;
	v8 =	vmax.f32 v4, $0.0e+00;
	v2 =	vadd.f32 v2, v7  }
0x95: {  	v4 =	vld [tilespmem:s17+$0x5040];
	[tilespmem:s7+$0x1040] =	vst v8;
	v7 =	vmax.f32 v3, $0.0e+00;
	v1 =	vadd.f32 v1, v11  }
0x96: {  	v3 =	vld [tilespmem:s17+$0x5050];
	[tilespmem:s7+$0x1050] =	vst v7;
	v7 =	vmax.f32 v2, $0.0e+00  }
0x97: {  	v2 =	vld [tilespmem:s17+$0x5060];
	[tilespmem:s7+$0x1060] =	vst v7;
	v7 =	vmax.f32 v1, $0.0e+00  }
0x98: {  	v1 =	vld [tilespmem:s17+$0x5070];
	[tilespmem:s7+$0x1070] =	vst v7;
	s7 =	smov.u32 s17  }
0x99: {  	v7 =	vld [tilespmem:s7+$0x1000]  }
0x9a: {  	v12 =	vld [tilespmem:s7+$0x1010]  }
.Ltmp3:
0x9b: {  	v11 =	vld [tilespmem:s7+$0x1020];
	(pc) =	sbr.rel @p1 .LBB2_5-.Ltmp3, $4  }
0x9c: {  	v10 =	vld [tilespmem:s7+$0x1030]  }
0x9d: {  	v9 =	vld [tilespmem:s7+$0x1040]  }
0x9e: {  	v13 =	vadd.f32 v14, v7;
	v8 =	vld [tilespmem:s7+$0x1050]  }
0x9f: {  	s16 =	sadd.s32 $0x200, s16;
	v12 =	vadd.f32 v15, v12;
	v7 =	vld [tilespmem:s7+$0x1060]  }
0xa0: {  	v13 =	vmax.f32 v13, $0.0e+00;
	v6 =	vadd.f32 v6, v11;
	v11 =	vld [tilespmem:s7+$0x1070]  }
0xa1: {  	[tilespmem:s7+$0x1000] =	vst v13;
	v12 =	vmax.f32 v12, $0.0e+00;
	v5 =	vadd.f32 v5, v10  }
0xa2: {  	[tilespmem:s7+$0x1010] =	vst v12;
	v6 =	vmax.f32 v6, $0.0e+00;
	v4 =	vadd.f32 v4, v9  }
0xa3: {  	[tilespmem:s7+$0x1020] =	vst v6;
	v5 =	vmax.f32 v5, $0.0e+00;
	v3 =	vadd.f32 v3, v8  }
0xa4: {  	[tilespmem:s7+$0x1030] =	vst v5;
	v4 =	vmax.f32 v4, $0.0e+00;
	v2 =	vadd.f32 v2, v7  }
0xa5: {  	[tilespmem:s7+$0x1040] =	vst v4;
	v3 =	vmax.f32 v3, $0.0e+00;
	v1 =	vadd.f32 v1, v11  }
0xa6: {  	[tilespmem:s7+$0x1050] =	vst v3;
	v2 =	vmax.f32 v2, $0.0e+00  }
0xa7: {  	[tilespmem:s7+$0x1060] =	vst v2;
	v1 =	vmax.f32 v1, $0.0e+00  }
0xa8: {  	s9 =	sor.u32 $0x800, s9;
	[tilespmem:s7+$0x1070] =	vst v1  }
0xa9: {  	[spmem:s2] =	stream.indirect.scatter.add.f32 [tilespmem:s26], [sflag:$0x3], $0x10, s9, s30, $0xb8;
	[tilespmem:$0x1F6A0] =	vst v63  }
0xaa: {  	s3 =	sor.u32 $0x800, s3  }
0xab: {  	[spmem:s2] =	stream.indirect.scatter.add.f32 [tilespmem:s31], [sflag:$0x3], $0x10, s3, s30, $0xb8;
	[tilespmem:$0x1F6A0] =	vst v63  }
0xac: {  	s1 =	sor.u32 $0x800, s1;
	s17 =	rddreg [dreg:$0x12]  }
0xad: {  	[spmem:s2] =	stream.indirect.scatter.add.f32 [tilespmem:s0], [sflag:$0x3], $0x10, s1, s30, $0xb8;
	[tilespmem:$0x1F6A0] =	vst v63  }
0xae: {  	s1 =	sadd.s32 s6, s17  }
0xaf: {  	s16 =	sor.u32 $0x800, s4;
	s1 =	sshrl.u32 s1, $0x3  }
0xb0: {  	[spmem:s2] =	stream.indirect.scatter.add.f32 [tilespmem:s21], [sflag:$0x3], $0x10, s16, s30, $0xb8;
	[tilespmem:$0x1F6A0] =	vst v63  }
0xb1: {  	s20 =	simm.s32 $0x0;
	s1 =	sadd.s32 s8, s1  }
0xb2: {  	[tilespmem:s12], [sflag:$0x4] =	stream.linear.gather [hbm4b:s1+s20], $0x2000, $0x38;
	[tilespmem:$0x1F6A0] =	vst v63  }
0xb3: {  	_ =	swait.ge [sflag:s28], $0x2000  }
0xb4: {  	[sflag:s28] =	ssyncset.done $0x0  }
0xb5: {  	[sflag:s28] =	ssyncadd.s32 $0xFFFFE000  }
0xb6: {  	_ =	swait.ge [sflag:s13], $0x800  }
0xb7: {  	[sflag:s13] =	ssyncset.done $0x0  }
0xb8: {  	[sflag:s13] =	ssyncadd.s32 $0xFFFFF800  }
0xb9: {  	_ =	swait.ge [sflag:s13], $0x800  }
0xba: {  	[sflag:s13] =	ssyncset.done $0x0  }
0xbb: {  	[sflag:s13] =	ssyncadd.s32 $0xFFFFF800  }
0xbc: {  	_ =	swait.ge [sflag:s13], $0x800  }
0xbd: {  	[sflag:s13] =	ssyncset.done $0x0  }
0xbe: {  	[sflag:s13] =	ssyncadd.s32 $0xFFFFF800  }
0xbf: {  	_ =	swait.ge [sflag:s13], $0x800  }
0xc0: {  	[sflag:s13] =	ssyncset.done $0x0  }
0xc1: {  	s1 =	simm.s32 $0x0;
	[sflag:s13] =	ssyncadd.s32 $0xFFFFF800  }
0xc2: {  	v7 =	vld [tilespmem:s1+$0x5000]  }
0xc3: {  	v12 =	vld [tilespmem:s1+$0x5010]  }
0xc4: {  	v6 =	vld [tilespmem:s1+$0x5020]  }
0xc5: {  	v5 =	vld [tilespmem:s1+$0x5030]  }
0xc6: {  	v4 =	vld [tilespmem:s1+$0x5040]  }
0xc7: {  	v3 =	vld [tilespmem:s1+$0x5050]  }
0xc8: {  	v2 =	vld [tilespmem:s1+$0x5060]  }
0xc9: {  	v1 =	vld [tilespmem:s1+$0x5070]  }
0xca: {  	v13 =	vld [tilespmem:s1+$0x3000]  }
0xcb: {  	v14 =	vld [tilespmem:s1+$0x3010]  }
0xcc: {  	v11 =	vld [tilespmem:s1+$0x3020]  }
0xcd: {  	v10 =	vld [tilespmem:s1+$0x3030]  }
0xce: {  	v9 =	vld [tilespmem:s1+$0x3040]  }
0xcf: {  	v8 =	vld [tilespmem:s1+$0x3050];
	v13 =	vadd.f32 v7, v13  }
0xd0: {  	s3 =	simm.s32 $0x200;
	v12 =	vadd.f32 v12, v14;
	v7 =	vld [tilespmem:s1+$0x3060]  }
.LBB2_7:
0xd1: {  	s4 =	sshra.s32 s3, $0x2;
	p1 =	sne.s32 s3, $0x7E00;
	v13 =	vmax.f32 v13, $0.0e+00;
	v6 =	vadd.f32 v6, v11;
	v11 =	vld [tilespmem:s1+$0x3070]  }
0xd2: {  	v14 =	vld [tilespmem:s4+$0x5000];
	[tilespmem:s1+$0x3000] =	vst v13;
	v12 =	vmax.f32 v12, $0.0e+00;
	v5 =	vadd.f32 v5, v10  }
0xd3: {  	v15 =	vld [tilespmem:s4+$0x5010];
	[tilespmem:s1+$0x3010] =	vst v12;
	v10 =	vmax.f32 v6, $0.0e+00;
	v4 =	vadd.f32 v4, v9  }
0xd4: {  	v6 =	vld [tilespmem:s4+$0x5020];
	[tilespmem:s1+$0x3020] =	vst v10;
	v9 =	vmax.f32 v5, $0.0e+00;
	v3 =	vadd.f32 v3, v8  }
0xd5: {  	v5 =	vld [tilespmem:s4+$0x5030];
	[tilespmem:s1+$0x3030] =	vst v9;
	v8 =	vmax.f32 v4, $0.0e+00;
	v2 =	vadd.f32 v2, v7  }
0xd6: {  	v4 =	vld [tilespmem:s4+$0x5040];
	[tilespmem:s1+$0x3040] =	vst v8;
	v7 =	vmax.f32 v3, $0.0e+00;
	v1 =	vadd.f32 v1, v11  }
0xd7: {  	v3 =	vld [tilespmem:s4+$0x5050];
	[tilespmem:s1+$0x3050] =	vst v7;
	v7 =	vmax.f32 v2, $0.0e+00  }
0xd8: {  	v2 =	vld [tilespmem:s4+$0x5060];
	[tilespmem:s1+$0x3060] =	vst v7;
	v7 =	vmax.f32 v1, $0.0e+00  }
0xd9: {  	v1 =	vld [tilespmem:s4+$0x5070];
	[tilespmem:s1+$0x3070] =	vst v7;
	s1 =	smov.u32 s4  }
0xda: {  	v7 =	vld [tilespmem:s1+$0x3000]  }
0xdb: {  	v12 =	vld [tilespmem:s1+$0x3010]  }
.Ltmp4:
0xdc: {  	v11 =	vld [tilespmem:s1+$0x3020];
	(pc) =	sbr.rel @p1 .LBB2_7-.Ltmp4, $4  }
0xdd: {  	v10 =	vld [tilespmem:s1+$0x3030]  }
0xde: {  	v9 =	vld [tilespmem:s1+$0x3040]  }
0xdf: {  	v13 =	vadd.f32 v14, v7;
	v8 =	vld [tilespmem:s1+$0x3050]  }
0xe0: {  	s3 =	sadd.s32 $0x200, s3;
	v12 =	vadd.f32 v15, v12;
	v7 =	vld [tilespmem:s1+$0x3060]  }
0xe1: {  	v13 =	vmax.f32 v13, $0.0e+00;
	v6 =	vadd.f32 v6, v11;
	v63 =	vld [tilespmem:s1+$0x3070]  }
0xe2: {  	[tilespmem:s1+$0x3000] =	vst v13;
	v12 =	vmax.f32 v12, $0.0e+00;
	v5 =	vadd.f32 v5, v10  }
0xe3: {  	[tilespmem:s1+$0x3010] =	vst v12;
	v6 =	vmax.f32 v6, $0.0e+00;
	v4 =	vadd.f32 v4, v9  }
0xe4: {  	[tilespmem:s1+$0x3020] =	vst v6;
	v5 =	vmax.f32 v5, $0.0e+00;
	v3 =	vadd.f32 v3, v8  }
0xe5: {  	[tilespmem:s1+$0x3030] =	vst v5;
	v4 =	vmax.f32 v4, $0.0e+00;
	v2 =	vadd.f32 v2, v7  }
0xe6: {  	[tilespmem:s1+$0x3040] =	vst v4;
	v3 =	vmax.f32 v3, $0.0e+00;
	v1 =	vadd.f32 v1, v63  }
0xe7: {  	[tilespmem:s1+$0x3050] =	vst v3;
	v2 =	vmax.f32 v2, $0.0e+00  }
0xe8: {  	[tilespmem:s1+$0x3060] =	vst v2;
	v1 =	vmax.f32 v1, $0.0e+00  }
0xe9: {  	s17 =	sor.u32 $0x800, s29;
	[tilespmem:s1+$0x3070] =	vst v1  }
0xea: {  	[spmem:s2] =	stream.indirect.scatter.add.f32 [tilespmem:s22], [sflag:$0x3], $0x10, s17, s30, $0xb8;
	[tilespmem:$0x1F6A0] =	vst v63  }
0xeb: {  	s20 =	sor.u32 $0x800, s24  }
0xec: {  	[spmem:s2] =	stream.indirect.scatter.add.f32 [tilespmem:s23], [sflag:$0x3], $0x10, s20, s30, $0xb8;
	[tilespmem:$0x1F6A0] =	vst v63  }
0xed: {  	s24 =	sor.u32 $0x800, s25  }
0xee: {  	[spmem:s2] =	stream.indirect.scatter.add.f32 [tilespmem:s10], [sflag:$0x3], $0x10, s24, s30, $0xb8;
	[tilespmem:$0x1F6A0] =	vst v63  }
0xef: {  	s25 =	sor.u32 $0x800, s15  }
0xf0: {  	[spmem:s2] =	stream.indirect.scatter.add.f32 [tilespmem:s11], [sflag:$0x3], $0x10, s25, s30, $0xb8;
	[tilespmem:$0x1F6A0] =	vst v63  }
0xf1: {  	_ =	swait.ge [sflag:s14], $0x400  }
0xf2: {  	[sflag:s14] =	ssyncset.done $0x0  }
0xf3: {  	[sflag:s14] =	ssyncadd.s32 $0xFFFFFC00  }
0xf4: {  	_ =	swait.ge [sflag:s14], $0x400  }
0xf5: {  	s19 =	sadd.s32 $0x1, s19;
	s29 =	rddreg [dreg:$0xd]  }
0xf6: {  	p1 =	sne.s32 s19, s29  }
.Ltmp5:
0xf7: {  	_ = 	snop;
	(pc) =	sbr.rel @p1 .LBB2_4-.Ltmp5, $3  }
0xf8: {  	_ =	sdelay $0x1  }
0xf9: {  	[sflag:s14] =	ssyncset.done $0x0  }
0xfa: {  	[sflag:s14] =	ssyncadd.s32 $0xFFFFFC00  }
.Ltmp6:
0xfb: {  	(pc) =	sbr.rel @p0 .LBB2_13-.Ltmp6, $4  }
0xfc: {  	s1 =	simm.s32 $0x3  }
0xfd: {  	_ =	swait.ge [sflag:s1], $0x4000  }
0xfe: {  	[sflag:s1] =	ssyncset.done $0x0;
	s15 =	rddreg [dreg:$0x3]  }
0xff: {  	s6 =	simm.s32 $0x800;
	s16 =	rddreg [dreg:$0x6];
	[sflag:s1] =	ssyncadd.s32 $0xFFFFC000  }
0x100: {  	s1 =	simm.s32 $0x0;
	s3 =	rddreg [dreg:$0x13]  }
0x101: {  	[tilespmem:s1], [sflag:$0x4] =	stream.linear.gather [hbm4b:s3+s1], $0x200, $0x38;
	[tilespmem:$0x1F6A0] =	vst v63  }
0x102: {  	_ =	swait.ge [sflag:s28], $0x200  }
0x103: {  	[sflag:s28] =	ssyncset.done $0x0  }
0x104: {  	s20 =	rddreg [dreg:$0x14];
	[sflag:s28] =	ssyncadd.s32 $0xFFFFFE00  }
0x105: {  	[tilespmem:s6], [sflag:$0x4] =	stream.linear.gather [hbm4b:s20+s1], $0x200, $0x38;
	[tilespmem:$0x1F6A0] =	vst v63  }
0x106: {  	_ =	swait.ge [sflag:s28], $0x200  }
0x107: {  	[sflag:s28] =	ssyncset.done $0x0  }
0x108: {  	[sflag:s28] =	ssyncadd.s32 $0xFFFFFE00  }
0x109: {  	[tilespmem:s26], [sflag:$0x1] =	stream.indirect.gather [hbm4b:s5+s30], $0x10, s1, s30, $0xb8;
	[tilespmem:$0x1F6A0] =	vst v63  }
0x10a: {  	_ = 	snop  }
0x10b: {  	[tilespmem:s31], [sflag:$0x1] =	stream.indirect.gather [hbm4b:s5+s30], $0x10, s30, s30, $0xb8;
	[tilespmem:$0x1F6A0] =	vst v63  }
0x10c: {  	s24 =	simm.s32 $0x100  }
0x10d: {  	[tilespmem:s0], [sflag:$0x1] =	stream.indirect.gather [hbm4b:s5+s30], $0x10, s24, s30, $0xb8;
	[tilespmem:$0x1F6A0] =	vst v63  }
0x10e: {  	s25 =	simm.s32 $0x180  }
0x10f: {  	[tilespmem:s21], [sflag:$0x1] =	stream.indirect.gather [hbm4b:s5+s30], $0x10, s25, s30, $0xb8;
	[tilespmem:$0x1F6A0] =	vst v63  }
0x110: {  	s29 =	rddreg [dreg:$0x15]  }
0x111: {  	[tilespmem:s12], [sflag:$0x4] =	stream.linear.gather [hbm4b:s29+s1], $0x2000, $0x38;
	[tilespmem:$0x1F6A0] =	vst v63  }
0x112: {  	_ =	swait.ge [sflag:s28], $0x2000  }
0x113: {  	[sflag:s28] =	ssyncset.done $0x0  }
0x114: {  	[sflag:s28] =	ssyncadd.s32 $0xFFFFE000  }
0x115: {  	_ =	swait.ge [sflag:s13], $0x800  }
0x116: {  	[sflag:s13] =	ssyncset.done $0x0  }
0x117: {  	[sflag:s13] =	ssyncadd.s32 $0xFFFFF800  }
0x118: {  	_ =	swait.ge [sflag:s13], $0x800  }
0x119: {  	[sflag:s13] =	ssyncset.done $0x0  }
0x11a: {  	[sflag:s13] =	ssyncadd.s32 $0xFFFFF800  }
0x11b: {  	_ =	swait.ge [sflag:s13], $0x800  }
0x11c: {  	[sflag:s13] =	ssyncset.done $0x0  }
0x11d: {  	[sflag:s13] =	ssyncadd.s32 $0xFFFFF800  }
0x11e: {  	_ =	swait.ge [sflag:s13], $0x800  }
0x11f: {  	[sflag:s13] =	ssyncset.done $0x0  }
0x120: {  	s1 =	simm.s32 $0x0;
	[sflag:s13] =	ssyncadd.s32 $0xFFFFF800  }
0x121: {  	v7 =	vld [tilespmem:s1+$0x5000]  }
0x122: {  	v12 =	vld [tilespmem:s1+$0x5010]  }
0x123: {  	v6 =	vld [tilespmem:s1+$0x5020]  }
0x124: {  	v5 =	vld [tilespmem:s1+$0x5030]  }
0x125: {  	v4 =	vld [tilespmem:s1+$0x5040]  }
0x126: {  	v3 =	vld [tilespmem:s1+$0x5050]  }
0x127: {  	v2 =	vld [tilespmem:s1+$0x5060]  }
0x128: {  	v1 =	vld [tilespmem:s1+$0x5070]  }
0x129: {  	v13 =	vld [tilespmem:s1+$0x1000]  }
0x12a: {  	v14 =	vld [tilespmem:s1+$0x1010]  }
0x12b: {  	v11 =	vld [tilespmem:s1+$0x1020]  }
0x12c: {  	v10 =	vld [tilespmem:s1+$0x1030]  }
0x12d: {  	v9 =	vld [tilespmem:s1+$0x1040]  }
0x12e: {  	v8 =	vld [tilespmem:s1+$0x1050];
	v13 =	vadd.f32 v7, v13  }
0x12f: {  	s3 =	simm.s32 $0x200;
	v12 =	vadd.f32 v12, v14;
	v7 =	vld [tilespmem:s1+$0x1060]  }
.LBB2_11:
0x130: {  	s4 =	sshra.s32 s3, $0x2;
	p1 =	sne.s32 s3, $0x7E00;
	v13 =	vmax.f32 v13, $0.0e+00;
	v6 =	vadd.f32 v6, v11;
	v11 =	vld [tilespmem:s1+$0x1070]  }
0x131: {  	v14 =	vld [tilespmem:s4+$0x5000];
	[tilespmem:s1+$0x1000] =	vst v13;
	v12 =	vmax.f32 v12, $0.0e+00;
	v5 =	vadd.f32 v5, v10  }
0x132: {  	v15 =	vld [tilespmem:s4+$0x5010];
	[tilespmem:s1+$0x1010] =	vst v12;
	v10 =	vmax.f32 v6, $0.0e+00;
	v4 =	vadd.f32 v4, v9  }
0x133: {  	v6 =	vld [tilespmem:s4+$0x5020];
	[tilespmem:s1+$0x1020] =	vst v10;
	v9 =	vmax.f32 v5, $0.0e+00;
	v3 =	vadd.f32 v3, v8  }
0x134: {  	v5 =	vld [tilespmem:s4+$0x5030];
	[tilespmem:s1+$0x1030] =	vst v9;
	v8 =	vmax.f32 v4, $0.0e+00;
	v2 =	vadd.f32 v2, v7  }
0x135: {  	v4 =	vld [tilespmem:s4+$0x5040];
	[tilespmem:s1+$0x1040] =	vst v8;
	v7 =	vmax.f32 v3, $0.0e+00;
	v1 =	vadd.f32 v1, v11  }
0x136: {  	v3 =	vld [tilespmem:s4+$0x5050];
	[tilespmem:s1+$0x1050] =	vst v7;
	v7 =	vmax.f32 v2, $0.0e+00  }
0x137: {  	v2 =	vld [tilespmem:s4+$0x5060];
	[tilespmem:s1+$0x1060] =	vst v7;
	v7 =	vmax.f32 v1, $0.0e+00  }
0x138: {  	v1 =	vld [tilespmem:s4+$0x5070];
	[tilespmem:s1+$0x1070] =	vst v7;
	s1 =	smov.u32 s4  }
0x139: {  	v7 =	vld [tilespmem:s1+$0x1000]  }
0x13a: {  	v12 =	vld [tilespmem:s1+$0x1010]  }
.Ltmp7:
0x13b: {  	v11 =	vld [tilespmem:s1+$0x1020];
	(pc) =	sbr.rel @p1 .LBB2_11-.Ltmp7, $4  }
0x13c: {  	v10 =	vld [tilespmem:s1+$0x1030]  }
0x13d: {  	v9 =	vld [tilespmem:s1+$0x1040]  }
0x13e: {  	v13 =	vadd.f32 v14, v7;
	v8 =	vld [tilespmem:s1+$0x1050]  }
0x13f: {  	s3 =	sadd.s32 $0x200, s3;
	v12 =	vadd.f32 v15, v12;
	v7 =	vld [tilespmem:s1+$0x1060]  }
0x140: {  	v13 =	vmax.f32 v13, $0.0e+00;
	v6 =	vadd.f32 v6, v11;
	v63 =	vld [tilespmem:s1+$0x1070]  }
0x141: {  	[tilespmem:s1+$0x1000] =	vst v13;
	v12 =	vmax.f32 v12, $0.0e+00;
	v5 =	vadd.f32 v5, v10  }
0x142: {  	[tilespmem:s1+$0x1010] =	vst v12;
	v6 =	vmax.f32 v6, $0.0e+00;
	v4 =	vadd.f32 v4, v9  }
0x143: {  	[tilespmem:s1+$0x1020] =	vst v6;
	v5 =	vmax.f32 v5, $0.0e+00;
	v3 =	vadd.f32 v3, v8  }
0x144: {  	[tilespmem:s1+$0x1030] =	vst v5;
	v4 =	vmax.f32 v4, $0.0e+00;
	v2 =	vadd.f32 v2, v7  }
0x145: {  	[tilespmem:s1+$0x1040] =	vst v4;
	v3 =	vmax.f32 v3, $0.0e+00;
	v1 =	vadd.f32 v1, v63  }
0x146: {  	[tilespmem:s1+$0x1050] =	vst v3;
	v2 =	vmax.f32 v2, $0.0e+00  }
0x147: {  	[tilespmem:s1+$0x1060] =	vst v2;
	v1 =	vmax.f32 v1, $0.0e+00  }
0x148: {  	[tilespmem:s1+$0x1070] =	vst v1  }
0x149: {  	[spmem:s2] =	stream.indirect.scatter.add.f32 [tilespmem:s26], [sflag:$0x4], $0x10, s6, s30, $0xb8;
	[tilespmem:$0x1F6A0] =	vst v63  }
0x14a: {  	_ =	swait.ge [sflag:s28], $0x800  }
0x14b: {  	[sflag:s28] =	ssyncset.done $0x0  }
0x14c: {  	s24 =	simm.s32 $0x880;
	[sflag:s28] =	ssyncadd.s32 $0xFFFFF800  }
0x14d: {  	[spmem:s2] =	stream.indirect.scatter.add.f32 [tilespmem:s31], [sflag:$0x4], $0x10, s24, s30, $0xb8;
	[tilespmem:$0x1F6A0] =	vst v63  }
0x14e: {  	_ =	swait.ge [sflag:s28], $0x800  }
0x14f: {  	[sflag:s28] =	ssyncset.done $0x0  }
0x150: {  	s25 =	simm.s32 $0x900;
	[sflag:s28] =	ssyncadd.s32 $0xFFFFF800  }
0x151: {  	[spmem:s2] =	stream.indirect.scatter.add.f32 [tilespmem:s0], [sflag:$0x4], $0x10, s25, s30, $0xb8;
	[tilespmem:$0x1F6A0] =	vst v63  }
0x152: {  	_ =	swait.ge [sflag:s28], $0x800  }
0x153: {  	[sflag:s28] =	ssyncset.done $0x0  }
.Ltmp8:
0x154: {  	s29 =	simm.s32 $0x980;
	[sflag:s28] =	ssyncadd.s32 $0xFFFFF800;
	(pc) =	sbr.rel .LBB2_13-.Ltmp8, $4  }
0x155: {  	[spmem:s2] =	stream.indirect.scatter.add.f32 [tilespmem:s21], [sflag:$0x4], $0x10, s29, s30, $0xb8;
	[tilespmem:$0x1F6A0] =	vst v63  }
0x156: {  	_ =	swait.ge [sflag:s28], $0x800  }
0x157: {  	[sflag:s28] =	ssyncset.done $0x0  }
0x158: {  	[sflag:s28] =	ssyncadd.s32 $0xFFFFF800  }
.LBB2_14:
0x159: {  	_ =	sfence.sel $0x180000  }
0x15a: {  	[bflag:$0x0] =	sbarrier.arrive $0xFFFF  }
0x15b: {  	_ =	strace $0x90000047  }
0x15c: {  	s0 =	stileid.u32;
	[bflag:$0x2] =	sbarrier.arrive $0xFFFF  }
0x15d: {  	p0 =	sne.s32 s0, $0x0;
	s0 =	rddreg [dreg:$0x2]  }
0x15e: {  	s0 =	sadd.s32 @!p0 $0x100000, s0  }
0x15f: {  	[sflag:s0] =	ssyncadd.tile.s32 @!p0 $0x1;
	_ =	shalt  }
.Lfunc_end2:
_tile_overlayer_lowered:
.L_overlay_start_2:
0x160: {  	(tag) =	ssettag $0x2  }
0x161: {  	s0 =	rddreg [dreg:$0x0];
	s2 =	stileid.u32  }
0x162: {  	s1 =	rddreg [dreg:$0x1];
	p0 =	sne.s32 s2, $0x0  }
0x163: {  	s3 =	rddreg [dreg:$0x2];
	[bflag:$0x3] =	sbarrier.arrive $0xFFFF;
	s2 =	simm.s32 @!p0 $0x1C04  }
0x164: {  	[timem:s3], [sflag:s2] =	dma.local @!p0 [hbm:s0], s1  }
0x165: {  	s0 =	simm.s32 @!p0 $0x4  }
0x166: {  	_ =	swait.ge @!p0 [sflag:s0], s1  }
0x167: {  	s1 =	ssub.s32 @!p0 $0x0, s1;
	[sflag:s0] =	ssyncset.done @!p0 $0x0  }
0x168: {  	[sflag:s0] =	ssyncadd.s32 @!p0 s1  }
0x169: {  	[bflag:$0x3] =	sbarrier.arrive $0xFFFF  }
0x16a: {  	_ =	shalt  }

</sc_bundles>
